<compile_context>
chip_gen: v7x
topology: tpu7x:2x2x1
jax: 0.10.2.dev20260603
libtpu: 0.0.44.dev20260713+nightly
codegen_flags: <defaults>
</compile_context>

<pallas_src>
import jax
import jax.numpy as jnp
from jax import lax
from jax.experimental import pallas as pl
from jax.experimental.pallas import tpu as pltpu
from jax.experimental.pallas import tpu_sc as plsc

CUT_NUM = 16
N_NODES = 10000
N_FACES = 20000
D_FEAT = 128
M = N_NODES * CUT_NUM

NW = 32
ROWS_PER_W = M // NW
IC = 100
NIC = ROWS_PER_W // IC
MC = 100
NMC = ROWS_PER_W // MC
CEN_ROWS = 8
LANES = 16
NG = D_FEAT // LANES
GROUPS = (0, 16, 32, 48, 64, 80, IC - LANES)


def _full(v):
    return jnp.zeros((LANES,), jnp.int32) + v


def _sc_body(x_hbm, xbf_hbm, xg_hbm, f_hbm, i_hbm, b_hbm, out_hbm,
             gall, fidx,
             fiA0, fiA1, fiA2, fiB0, fiB1, fiB2,
             giA0, giA1, giA2, giB0, giB1, giB2,
             vtA0, vtA1, vtA2, vtB0, vtB1, vtB2,
             wtA0, wtA1, wtA2, wtB0, wtB1, wtB2,
             v0a, v1a, v2a, w0a, w1a, w2a,
             rA0, rA1, rA2, rB0, rB1, rB2, cenA, cenB, obA, obB,
             semI, semFA, semFB, semGA, semGB, semOA, semOB):
    nc = 2
    wid = lax.axis_index("s") * nc + lax.axis_index("c")
    wbase = wid * ROWS_PER_W

    pltpu.sync_copy(xg_hbm.at[pl.ds(wid * NIC, NIC)], gall)

    IWIN = 8

    def fire_i(c, carry):
        pltpu.async_copy(i_hbm.at[gall.at[c]], fidx.at[c], semI)
        return carry

    def slide_i(c, carry):
        pltpu.make_async_copy(i_hbm.at[gall.at[0]], fidx.at[0], semI).wait()

        @pl.when(c < NIC - IWIN)
        def _():
            fire_i(c + IWIN, 0)
        return carry

    lax.fori_loop(0, IWIN, fire_i, 0)
    lax.fori_loop(0, NIC, slide_i, 0)

    def build_idx(c, fi3, gi3):
        for r0 in GROUPS:
            loc = r0 + lax.iota(jnp.int32, LANES)
            f0 = plsc.load_gather(fidx, [_full(c), loc])
            g0 = plsc.load_gather(gall, [_full(c), loc])
            for j in range(3):
                plsc.store_scatter(fi3[j], [loc], f0 + j * N_FACES)
                plsc.store_scatter(gi3[j], [loc], g0 + j * M)

    def issue_fb(fi3, gi3, vt, wt, sem):
        for j in range(3):
            pltpu.async_copy(f_hbm.at[fi3[j]], vt[j], sem)
            pltpu.async_copy(b_hbm.at[gi3[j]], wt[j], sem)

    def wait_fb(fi3, gi3, vt, wt, sem):
        for j in range(3):
            pltpu.make_async_copy(f_hbm.at[fi3[j]], vt[j], sem).wait()
            pltpu.make_async_copy(b_hbm.at[gi3[j]], wt[j], sem).wait()

    def redist(c, vt, wt):
        for r0 in GROUPS:
            loc = r0 + lax.iota(jnp.int32, LANES)
            gr = c * IC + loc
            mcv = gr // MC
            offv = gr % MC
            for j, vd, wd in ((0, v0a, w0a), (1, v1a, w1a), (2, v2a, w2a)):
                v = plsc.load_gather(vt[j], [loc])
                plsc.store_scatter(vd, [mcv, offv], v)
                w = plsc.load_gather(wt[j], [loc])
                plsc.store_scatter(wd, [mcv, offv], w)

    fiA = (fiA0, fiA1, fiA2)
    fiB = (fiB0, fiB1, fiB2)
    giA = (giA0, giA1, giA2)
    giB = (giB0, giB1, giB2)
    vtA = (vtA0, vtA1, vtA2)
    vtB = (vtB0, vtB1, vtB2)
    wtA = (wtA0, wtA1, wtA2)
    wtB = (wtB0, wtB1, wtB2)

    build_idx(0, fiA, giA)
    issue_fb(fiA, giA, vtA, wtA, semFA)

    def fb_body(t, carry):
        build_idx(2 * t + 1, fiB, giB)
        issue_fb(fiB, giB, vtB, wtB, semFB)
        wait_fb(fiA, giA, vtA, wtA, semFA)
        redist(2 * t, vtA, wtA)
        build_idx(jnp.minimum(2 * t + 2, NIC - 1), fiA, giA)
        issue_fb(fiA, giA, vtA, wtA, semFA)
        wait_fb(fiB, giB, vtB, wtB, semFB)
        redist(2 * t + 1, vtB, wtB)
        return carry

    lax.fori_loop(0, NIC // 2, fb_body, 0)
    wait_fb(fiA, giA, vtA, wtA, semFA)

    def issueg(mc, b0, b1, b2, cb_, sem):
        pltpu.async_copy(xbf_hbm.at[v0a.at[mc]], b0, sem)
        pltpu.async_copy(xbf_hbm.at[v1a.at[mc]], b1, sem)
        pltpu.async_copy(xbf_hbm.at[v2a.at[mc]], b2, sem)
        n0 = jnp.minimum((wbase + mc * MC) // CUT_NUM, N_NODES - CEN_ROWS)
        pltpu.async_copy(xbf_hbm.at[pl.ds(n0, CEN_ROWS)], cb_, sem)

    def waitg(b0, b1, b2, cb_, sem):
        pltpu.make_async_copy(xbf_hbm.at[v0a.at[0]], b0, sem).wait()
        pltpu.make_async_copy(xbf_hbm.at[v1a.at[0]], b1, sem).wait()
        pltpu.make_async_copy(xbf_hbm.at[v2a.at[0]], b2, sem).wait()
        pltpu.make_async_copy(xbf_hbm.at[pl.ds(0, CEN_ROWS)], cb_, sem).wait()

    def wait_out(ob, sem):
        pltpu.make_async_copy(ob, out_hbm.at[pl.ds(0, MC)], sem).wait()

    def compute(mc, b0, b1, b2, cb_, ob):
        base = wbase + mc * MC
        n0 = jnp.minimum(base // CUT_NUM, N_NODES - CEN_ROWS)

        evens = 2 * lax.iota(jnp.int32, LANES)

        def widen(v32):
            w = plsc.bitcast(v32, jnp.int32)
            lo = plsc.bitcast(w << 16, jnp.float32)
            hi = plsc.bitcast((w >> 16) << 16, jnp.float32)
            return lo, hi

        @plsc.parallel_loop(0, MC, 1, unroll=5)
        def row_body(r):
            a0 = plsc.load_gather(w0a, [_full(mc), _full(r)])
            a1 = plsc.load_gather(w1a, [_full(mc), _full(r)])
            a2 = plsc.load_gather(w2a, [_full(mc), _full(r)])
            nrel = (base + r) // CUT_NUM - n0
            for j in range(NG // 2):
                sl = pl.ds(j * 2 * LANES, 2 * LANES)
                e0, o0 = widen(b0[r, sl])
                e1, o1 = widen(b1[r, sl])
                e2, o2 = widen(b2[r, sl])
                ec, oc = widen(cb_[nrel, sl])
                acc_e = a0 * e0 + a1 * e1 + a2 * e2 - ec
                acc_o = a0 * o0 + a1 * o1 + a2 * o2 - oc
                col = j * 2 * LANES + evens
                plsc.store_scatter(ob, [_full(r), col], acc_e)
                plsc.store_scatter(ob, [_full(r), col + 1], acc_o)

    issueg(0, rA0, rA1, rA2, cenA, semGA)

    def main_body(t, carry):
        mcA = 2 * t
        mcB = 2 * t + 1
        mcA2 = jnp.minimum(2 * t + 2, NMC - 1)

        issueg(mcB, rB0, rB1, rB2, cenB, semGB)
        waitg(rA0, rA1, rA2, cenA, semGA)

        @pl.when(t > 0)
        def _():
            wait_out(obA, semOA)

        compute(mcA, rA0, rA1, rA2, cenA, obA)
        pltpu.async_copy(obA, out_hbm.at[pl.ds(wbase + mcA * MC, MC)], semOA)
        issueg(mcA2, rA0, rA1, rA2, cenA, semGA)

        waitg(rB0, rB1, rB2, cenB, semGB)

        @pl.when(t > 0)
        def _():
            wait_out(obB, semOB)

        compute(mcB, rB0, rB1, rB2, cenB, obB)
        pltpu.async_copy(obB, out_hbm.at[pl.ds(wbase + mcB * MC, MC)], semOB)
        return carry

    lax.fori_loop(0, NMC // 2, main_body, 0)

    waitg(rA0, rA1, rA2, cenA, semGA)
    wait_out(obA, semOA)
    wait_out(obB, semOB)


@jax.jit
def kernel(x_features, x_graph, F, I, B):
    X = x_features.reshape(N_NODES, D_FEAT)
    Xbf = X.astype(jnp.bfloat16)
    xg = x_graph.reshape(M // IC, IC)
    Fs = jnp.swapaxes(F, 1, 2).reshape(3 * N_FACES)
    Iv = I.reshape(M)
    Bs = jnp.swapaxes(B, 1, 2).reshape(3 * M)

    mesh = plsc.VectorSubcoreMesh(core_axis_name="c", subcore_axis_name="s",
                                  num_cores=2, num_subcores=16)
    scratch = [
        pltpu.VMEM((NIC, IC), jnp.int32),
        pltpu.VMEM((NIC, IC), jnp.int32),
    ] + [pltpu.VMEM((IC,), jnp.int32)] * 18 + [
        pltpu.VMEM((IC,), jnp.float32),
        pltpu.VMEM((IC,), jnp.float32),
        pltpu.VMEM((IC,), jnp.float32),
        pltpu.VMEM((IC,), jnp.float32),
        pltpu.VMEM((IC,), jnp.float32),
        pltpu.VMEM((IC,), jnp.float32),
        pltpu.VMEM((NMC, MC), jnp.int32),
        pltpu.VMEM((NMC, MC), jnp.int32),
        pltpu.VMEM((NMC, MC), jnp.int32),
        pltpu.VMEM((NMC, MC), jnp.float32),
        pltpu.VMEM((NMC, MC), jnp.float32),
        pltpu.VMEM((NMC, MC), jnp.float32),
        pltpu.VMEM((MC, D_FEAT), jnp.bfloat16),
        pltpu.VMEM((MC, D_FEAT), jnp.bfloat16),
        pltpu.VMEM((MC, D_FEAT), jnp.bfloat16),
        pltpu.VMEM((MC, D_FEAT), jnp.bfloat16),
        pltpu.VMEM((MC, D_FEAT), jnp.bfloat16),
        pltpu.VMEM((MC, D_FEAT), jnp.bfloat16),
        pltpu.VMEM((CEN_ROWS, D_FEAT), jnp.bfloat16),
        pltpu.VMEM((CEN_ROWS, D_FEAT), jnp.bfloat16),
        pltpu.VMEM((MC, D_FEAT), jnp.float32),
        pltpu.VMEM((MC, D_FEAT), jnp.float32),
        pltpu.SemaphoreType.DMA,
        pltpu.SemaphoreType.DMA,
        pltpu.SemaphoreType.DMA,
        pltpu.SemaphoreType.DMA,
        pltpu.SemaphoreType.DMA,
        pltpu.SemaphoreType.DMA,
        pltpu.SemaphoreType.DMA,
    ]
    run = pl.kernel(
        _sc_body,
        out_type=jax.ShapeDtypeStruct((M, D_FEAT), jnp.float32),
        mesh=mesh,
        scratch_types=scratch,
        compiler_params=pltpu.CompilerParams(use_tc_tiling_on_sc=False,
                                             needs_layout_passes=False),
    )
    out = run(X, Xbf, xg, Fs, Iv, Bs)
    return out.reshape(1, N_NODES, CUT_NUM, D_FEAT)

# --- scband reference (transcript-rebuilt; emitter-appended) ---
"""Pipeline reference for scband-normalized-resample-graph-expand-37709812859475 (READ-ONLY COPY).

The authoritative reference and input builder live on the scoring server;
editing this copy changes nothing except your own understanding.
"""

import jax, jax.numpy as jnp
import numpy as np

CUT_NUM = 16
N_NODES = 10000
N_FACES = 20000
D_FEAT = 128
M = N_NODES * CUT_NUM


def setup_inputs(seed: int = 0) -> dict:
    key = jax.random.key(seed)
    k1, k2, k3, k4, k5 = jax.random.split(key, 5)
    x_features = jax.random.normal(k1, (1, N_NODES, D_FEAT), dtype=jnp.float32)
    x_graph = jax.random.randint(k2, (1, N_NODES, CUT_NUM), 0, M, dtype=jnp.int32)
    F = jax.random.randint(k3, (1, N_FACES, 3), 0, N_NODES, dtype=jnp.int32)
    I = jax.random.randint(k4, (1, M), 0, N_FACES, dtype=jnp.int32)
    B = jax.random.uniform(k5, (1, M, 3), dtype=jnp.float32)
    return {"x_features": x_features, "x_graph": x_graph, "F": F, "I": I, "B": B}


def reference(x_features, x_graph, F, I, B):
    # Faithful translation of Normalized_resampleGraph_expand.call (angular_axis=False)
    x_graph_s = jnp.squeeze(x_graph)            # [N, cut_num]
    F_s = jnp.squeeze(F)                        # [n_faces, 3]
    I_s = jnp.squeeze(I)                        # [M]
    Bc = jnp.expand_dims(B, axis=-1)            # [1, M, 3, 1]
    # face id -> 3 vertex ids per resample point
    mapping_face_Xid = jnp.squeeze(jnp.take(F_s, I_s, axis=0))          # [M, 3]
    # gather vertex features for each face corner
    mapping_face_Xfeature = jnp.take(x_features, mapping_face_Xid, axis=1)  # [1, M, 3, C]
    feature_channels = x_features.shape[-1]
    rep_B = jnp.tile(Bc, [1, 1, 1, feature_channels])                   # [1, M, 3, C]
    rep_x_feature = jnp.tile(jnp.expand_dims(x_features, axis=-2), [1, 1, CUT_NUM, 1])  # [1, N, cut_num, C]
    # barycentric interpolation: sum over the 3 face vertices
    N_x_features = jnp.sum(mapping_face_Xfeature * rep_B, axis=2)       # [1, M, C]
    # gather resampled features per node disk and subtract center feature
    x_disk_features = jnp.take(N_x_features, x_graph_s, axis=1) - rep_x_feature  # [1, N, cut_num, C]
    return x_disk_features

if __name__ == "__main__":
    import jax
    _d = setup_inputs()
    print(jax.jit(kernel)(*tuple(_d.values())))

</pallas_src>

<mosaic_0001>
#map = affine_map<(d0, d1) -> (0, 0)>
#map1 = affine_map<(d0, d1) -> (0)>
module attributes {stable_mosaic.version = 14 : i64} {
  func.func @_sc_body(%arg0: i32, %arg1: i32, %arg2: memref<10000x128xf32, #tpu.memory_space<hbm>>, %arg3: memref<10000x128xbf16, #tpu.memory_space<hbm>>, %arg4: memref<1600x100xi32, #tpu.memory_space<hbm>>, %arg5: memref<60000xi32, #tpu.memory_space<hbm>>, %arg6: memref<160000xi32, #tpu.memory_space<hbm>>, %arg7: memref<480000xf32, #tpu.memory_space<hbm>>, %arg8: memref<160000x128xf32, #tpu.memory_space<hbm>>, %arg9: memref<50x100xi32, #tpu.memory_space<vmem>>, %arg10: memref<50x100xi32, #tpu.memory_space<vmem>>, %arg11: memref<100xi32, #tpu.memory_space<vmem>>, %arg12: memref<100xi32, #tpu.memory_space<vmem>>, %arg13: memref<100xi32, #tpu.memory_space<vmem>>, %arg14: memref<100xi32, #tpu.memory_space<vmem>>, %arg15: memref<100xi32, #tpu.memory_space<vmem>>, %arg16: memref<100xi32, #tpu.memory_space<vmem>>, %arg17: memref<100xi32, #tpu.memory_space<vmem>>, %arg18: memref<100xi32, #tpu.memory_space<vmem>>, %arg19: memref<100xi32, #tpu.memory_space<vmem>>, %arg20: memref<100xi32, #tpu.memory_space<vmem>>, %arg21: memref<100xi32, #tpu.memory_space<vmem>>, %arg22: memref<100xi32, #tpu.memory_space<vmem>>, %arg23: memref<100xi32, #tpu.memory_space<vmem>>, %arg24: memref<100xi32, #tpu.memory_space<vmem>>, %arg25: memref<100xi32, #tpu.memory_space<vmem>>, %arg26: memref<100xi32, #tpu.memory_space<vmem>>, %arg27: memref<100xi32, #tpu.memory_space<vmem>>, %arg28: memref<100xi32, #tpu.memory_space<vmem>>, %arg29: memref<100xf32, #tpu.memory_space<vmem>>, %arg30: memref<100xf32, #tpu.memory_space<vmem>>, %arg31: memref<100xf32, #tpu.memory_space<vmem>>, %arg32: memref<100xf32, #tpu.memory_space<vmem>>, %arg33: memref<100xf32, #tpu.memory_space<vmem>>, %arg34: memref<100xf32, #tpu.memory_space<vmem>>, %arg35: memref<50x100xi32, #tpu.memory_space<vmem>>, %arg36: memref<50x100xi32, #tpu.memory_space<vmem>>, %arg37: memref<50x100xi32, #tpu.memory_space<vmem>>, %arg38: memref<50x100xf32, #tpu.memory_space<vmem>>, %arg39: memref<50x100xf32, #tpu.memory_space<vmem>>, %arg40: memref<50x100xf32, #tpu.memory_space<vmem>>, %arg41: memref<100x128xbf16, #tpu.memory_space<vmem>>, %arg42: memref<100x128xbf16, #tpu.memory_space<vmem>>, %arg43: memref<100x128xbf16, #tpu.memory_space<vmem>>, %arg44: memref<100x128xbf16, #tpu.memory_space<vmem>>, %arg45: memref<100x128xbf16, #tpu.memory_space<vmem>>, %arg46: memref<100x128xbf16, #tpu.memory_space<vmem>>, %arg47: memref<8x128xbf16, #tpu.memory_space<vmem>>, %arg48: memref<8x128xbf16, #tpu.memory_space<vmem>>, %arg49: memref<100x128xf32, #tpu.memory_space<vmem>>, %arg50: memref<100x128xf32, #tpu.memory_space<vmem>>, %arg51: memref<!tpu.dma_semaphore, #tpu.memory_space<semaphore_mem>>, %arg52: memref<!tpu.dma_semaphore, #tpu.memory_space<semaphore_mem>>, %arg53: memref<!tpu.dma_semaphore, #tpu.memory_space<semaphore_mem>>, %arg54: memref<!tpu.dma_semaphore, #tpu.memory_space<semaphore_mem>>, %arg55: memref<!tpu.dma_semaphore, #tpu.memory_space<semaphore_mem>>, %arg56: memref<!tpu.dma_semaphore, #tpu.memory_space<semaphore_mem>>, %arg57: memref<!tpu.dma_semaphore, #tpu.memory_space<semaphore_mem>>) attributes {dimension_semantics = [#tpu.dimension_semantics<core_parallel>, #tpu.dimension_semantics<subcore_parallel>], iteration_bounds = array<i64: 2, 16>, scalar_prefetch = 0 : i64, scratch_operands = 49 : i64, tpu.core_type = #tpu.core_type<sc_vector_subcore>, window_params = [{transform_indices = #map}, {transform_indices = #map}, {transform_indices = #map}, {transform_indices = #map1}, {transform_indices = #map1}, {transform_indices = #map1}, {transform_indices = #map}]} {
    %mul3A = arith.constant 2 : i32
    %mul3A_0 = arith.muli %arg1, %mul3A : i32
    %add3A = arith.addi %mul3A_0, %arg0 : i32
    %mul3A_1 = arith.constant 5000 : i32
    %mul3A_2 = arith.muli %add3A, %mul3A_1 : i32
    %mul3A_3 = arith.constant 50 : i32
    %mul3A_4 = arith.muli %add3A, %mul3A_3 : i32
    "tpu.region"() ({
      %run_scoped3A = tpu.sem_alloc : memref<!tpu.dma_semaphore, #tpu.memory_space<semaphore_mem>>
      %dma_start3A_368 = arith.constant 0 : i32
      %dma_start3A_369 = tpu.memref_slice %arg4[%mul3A_4, %dma_start3A_368] : memref<1600x100xi32, #tpu.memory_space<hbm>> -> memref<50x100xi32, #tpu.memory_space<hbm>>
      %dma_start3A_370 = arith.constant 0 : i32
      %dma_start3A_371 = tpu.memref_slice %arg4[%mul3A_4, %dma_start3A_370] : memref<1600x100xi32, #tpu.memory_space<hbm>> -> memref<50x100xi32, #tpu.memory_space<hbm>>
      tpu.enqueue_dma source(%dma_start3A_371 : memref<50x100xi32, #tpu.memory_space<hbm>>) target(%arg9 : memref<50x100xi32, #tpu.memory_space<vmem>>) target_semaphore(%run_scoped3A : memref<!tpu.dma_semaphore, #tpu.memory_space<semaphore_mem>>)
      %dma_wait3A_372 = arith.constant 0 : i32
      %dma_wait3A_373 = tpu.memref_slice %arg4[%mul3A_4, %dma_wait3A_372] : memref<1600x100xi32, #tpu.memory_space<hbm>> -> memref<50x100xi32, #tpu.memory_space<hbm>>
      %dma_wait3A_374 = arith.constant 0 : i32
      %dma_wait3A_375 = tpu.memref_slice %arg4[%mul3A_4, %dma_wait3A_374] : memref<1600x100xi32, #tpu.memory_space<hbm>> -> memref<50x100xi32, #tpu.memory_space<hbm>>
      tpu.wait_dma2 semaphore(%run_scoped3A : memref<!tpu.dma_semaphore, #tpu.memory_space<semaphore_mem>>) src(%dma_wait3A_375 : memref<50x100xi32, #tpu.memory_space<hbm>>) dst(%arg9 : memref<50x100xi32, #tpu.memory_space<vmem>>)
      tpu.yield
    }) : () -> ()
    %scan3A = arith.constant 0 : i32
    %scan3A_5 = arith.constant 0 : i32
    %scan3A_6 = arith.constant 8 : i32
    %scan3A_7 = arith.addi %scan3A_5, %scan3A_6 : i32
    %scan3A_8 = arith.constant 1 : i32
    scf.for %scan3A_368 = %scan3A_5 to %scan3A_7 step %scan3A_8  : i32 {
      %dma_start3A_369 = arith.constant 0 : i32
      %dma_start3A_370 = tpu.memref_slice %arg10[%scan3A_368, %dma_start3A_369] : memref<50x100xi32, #tpu.memory_space<vmem>> -> memref<1x100xi32, #tpu.memory_space<vmem>>
      %dma_start3A_371 = tpu.memref_squeeze %dma_start3A_370 : memref<1x100xi32, #tpu.memory_space<vmem>> -> memref<100xi32, #tpu.memory_space<vmem>>
      %dma_start3A_372 = arith.constant 0 : i32
      %dma_start3A_373 = tpu.memref_slice %arg9[%scan3A_368, %dma_start3A_372] : memref<50x100xi32, #tpu.memory_space<vmem>> -> memref<1x100xi32, #tpu.memory_space<vmem>>
      %dma_start3A_374 = tpu.memref_squeeze %dma_start3A_373 : memref<1x100xi32, #tpu.memory_space<vmem>> -> memref<100xi32, #tpu.memory_space<vmem>>
      %dma_start3A_375 = arith.constant 0 : i32
      %dma_start3A_376 = tpu.memref_slice %arg6[%dma_start3A_375] : memref<160000xi32, #tpu.memory_space<hbm>> -> memref<160000xi32, #tpu.memory_space<hbm>>
      tpu.enqueue_indirect_dma source(%dma_start3A_376 : memref<160000xi32, #tpu.memory_space<hbm>>) target(%dma_start3A_371 : memref<100xi32, #tpu.memory_space<vmem>>) offsets(%dma_start3A_374 : memref<100xi32, #tpu.memory_space<vmem>>) semaphore(%arg51 : memref<!tpu.dma_semaphore, #tpu.memory_space<semaphore_mem>>)
    }
    %scan3A_9 = arith.constant 8 : i32
    %scan3A_10 = arith.constant 0 : i32
    %scan3A_11 = arith.constant 0 : i32
    %scan3A_12 = arith.constant 50 : i32
    %scan3A_13 = arith.addi %scan3A_11, %scan3A_12 : i32
    %scan3A_14 = arith.constant 1 : i32
    scf.for %scan3A_368 = %scan3A_11 to %scan3A_13 step %scan3A_14  : i32 {
      %dma_wait3A_369 = arith.constant 0 : i32
      %dma_wait3A_370 = arith.constant 0 : i32
      %dma_wait3A_371 = arith.constant 0 : i32
      %dma_wait3A_372 = tpu.memref_slice %arg10[%dma_wait3A_370, %dma_wait3A_371] : memref<50x100xi32, #tpu.memory_space<vmem>> -> memref<1x100xi32, #tpu.memory_space<vmem>>
      %dma_wait3A_373 = tpu.memref_squeeze %dma_wait3A_372 : memref<1x100xi32, #tpu.memory_space<vmem>> -> memref<100xi32, #tpu.memory_space<vmem>>
      %dma_wait3A_374 = arith.constant 0 : i32
      %dma_wait3A_375 = tpu.memref_slice %arg9[%dma_wait3A_369, %dma_wait3A_374] : memref<50x100xi32, #tpu.memory_space<vmem>> -> memref<1x100xi32, #tpu.memory_space<vmem>>
      %dma_wait3A_376 = tpu.memref_squeeze %dma_wait3A_375 : memref<1x100xi32, #tpu.memory_space<vmem>> -> memref<100xi32, #tpu.memory_space<vmem>>
      %dma_wait3A_377 = arith.constant 0 : i32
      %dma_wait3A_378 = tpu.memref_slice %arg6[%dma_wait3A_377] : memref<160000xi32, #tpu.memory_space<hbm>> -> memref<160000xi32, #tpu.memory_space<hbm>>
      tpu.wait_indirect_dma semaphore(%arg51 : memref<!tpu.dma_semaphore, #tpu.memory_space<semaphore_mem>>) src(%dma_wait3A_378 : memref<160000xi32, #tpu.memory_space<hbm>>) dst(%dma_wait3A_373 : memref<100xi32, #tpu.memory_space<vmem>>)
      %lt3A = arith.constant 42 : i32
      %lt3A_379 = arith.cmpi slt, %scan3A_368, %lt3A : i32
      %convert_element_type3A = arith.extui %lt3A_379 : i1 to i32
      %cond3A = arith.constant 0 : i32
      %cond3A_380 = arith.cmpi ne, %convert_element_type3A, %cond3A : i32
      scf.if %cond3A_380 {
        %add3A_381 = arith.constant 8 : i32
        %add3A_382 = arith.addi %scan3A_368, %add3A_381 : i32
        %dma_start3A_383 = arith.constant 0 : i32
        %dma_start3A_384 = tpu.memref_slice %arg10[%add3A_382, %dma_start3A_383] : memref<50x100xi32, #tpu.memory_space<vmem>> -> memref<1x100xi32, #tpu.memory_space<vmem>>
        %dma_start3A_385 = tpu.memref_squeeze %dma_start3A_384 : memref<1x100xi32, #tpu.memory_space<vmem>> -> memref<100xi32, #tpu.memory_space<vmem>>
        %dma_start3A_386 = arith.constant 0 : i32
        %dma_start3A_387 = tpu.memref_slice %arg9[%add3A_382, %dma_start3A_386] : memref<50x100xi32, #tpu.memory_space<vmem>> -> memref<1x100xi32, #tpu.memory_space<vmem>>
        %dma_start3A_388 = tpu.memref_squeeze %dma_start3A_387 : memref<1x100xi32, #tpu.memory_space<vmem>> -> memref<100xi32, #tpu.memory_space<vmem>>
        %dma_start3A_389 = arith.constant 0 : i32
        %dma_start3A_390 = tpu.memref_slice %arg6[%dma_start3A_389] : memref<160000xi32, #tpu.memory_space<hbm>> -> memref<160000xi32, #tpu.memory_space<hbm>>
        tpu.enqueue_indirect_dma source(%dma_start3A_390 : memref<160000xi32, #tpu.memory_space<hbm>>) target(%dma_start3A_385 : memref<100xi32, #tpu.memory_space<vmem>>) offsets(%dma_start3A_388 : memref<100xi32, #tpu.memory_space<vmem>>) semaphore(%arg51 : memref<!tpu.dma_semaphore, #tpu.memory_space<semaphore_mem>>)
      } else {
      }
    }
    %scan3A_15 = arith.constant 50 : i32
    %iota3A = tpu.iota {dimensions = array<i32: 0>} : vector<16xi32>
    %add3A_16 = arith.constant 0 : i32
    %add3A_17 = vector.broadcast %add3A_16 : i32 to vector<16xi32>
    %add3A_18 = arith.addi %add3A_17, %iota3A : vector<16xi32>
    %broadcast_in_dim3A = arith.constant 0 : i32
    %broadcast_in_dim3A_19 = vector.broadcast %broadcast_in_dim3A : i32 to vector<16xi32>
    %add3A_20 = arith.constant 0 : i32
    %add3A_21 = vector.broadcast %add3A_20 : i32 to vector<16xi32>
    %add3A_22 = arith.addi %broadcast_in_dim3A_19, %add3A_21 : vector<16xi32>
    %gather3A = tpu.vector_load_idx %arg10[%add3A_22, %add3A_18] : memref<50x100xi32, #tpu.memory_space<vmem>>[vector<16xi32>, vector<16xi32>], vector<16xi32>,
    %broadcast_in_dim3A_23 = arith.constant 0 : i32
    %broadcast_in_dim3A_24 = vector.broadcast %broadcast_in_dim3A_23 : i32 to vector<16xi32>
    %add3A_25 = arith.constant 0 : i32
    %add3A_26 = vector.broadcast %add3A_25 : i32 to vector<16xi32>
    %add3A_27 = arith.addi %broadcast_in_dim3A_24, %add3A_26 : vector<16xi32>
    %gather3A_28 = tpu.vector_load_idx %arg9[%add3A_27, %add3A_18] : memref<50x100xi32, #tpu.memory_space<vmem>>[vector<16xi32>, vector<16xi32>], vector<16xi32>,
    %add3A_29 = arith.constant 0 : i32
    %add3A_30 = vector.broadcast %add3A_29 : i32 to vector<16xi32>
    %add3A_31 = arith.addi %gather3A, %add3A_30 : vector<16xi32>
    tpu.vector_store_idx %arg11[%add3A_18], %add3A_31 : memref<100xi32, #tpu.memory_space<vmem>>[vector<16xi32>], vector<16xi32>,
    %add3A_32 = arith.constant 0 : i32
    %add3A_33 = vector.broadcast %add3A_32 : i32 to vector<16xi32>
    %add3A_34 = arith.addi %gather3A_28, %add3A_33 : vector<16xi32>
    tpu.vector_store_idx %arg17[%add3A_18], %add3A_34 : memref<100xi32, #tpu.memory_space<vmem>>[vector<16xi32>], vector<16xi32>,
    %add3A_35 = arith.constant 20000 : i32
    %add3A_36 = vector.broadcast %add3A_35 : i32 to vector<16xi32>
    %add3A_37 = arith.addi %gather3A, %add3A_36 : vector<16xi32>
    tpu.vector_store_idx %arg12[%add3A_18], %add3A_37 : memref<100xi32, #tpu.memory_space<vmem>>[vector<16xi32>], vector<16xi32>,
    %add3A_38 = arith.constant 160000 : i32
    %add3A_39 = vector.broadcast %add3A_38 : i32 to vector<16xi32>
    %add3A_40 = arith.addi %gather3A_28, %add3A_39 : vector<16xi32>
    tpu.vector_store_idx %arg18[%add3A_18], %add3A_40 : memref<100xi32, #tpu.memory_space<vmem>>[vector<16xi32>], vector<16xi32>,
    %add3A_41 = arith.constant 40000 : i32
    %add3A_42 = vector.broadcast %add3A_41 : i32 to vector<16xi32>
    %add3A_43 = arith.addi %gather3A, %add3A_42 : vector<16xi32>
    tpu.vector_store_idx %arg13[%add3A_18], %add3A_43 : memref<100xi32, #tpu.memory_space<vmem>>[vector<16xi32>], vector<16xi32>,
    %add3A_44 = arith.constant 320000 : i32
    %add3A_45 = vector.broadcast %add3A_44 : i32 to vector<16xi32>
    %add3A_46 = arith.addi %gather3A_28, %add3A_45 : vector<16xi32>
    tpu.vector_store_idx %arg19[%add3A_18], %add3A_46 : memref<100xi32, #tpu.memory_space<vmem>>[vector<16xi32>], vector<16xi32>,
    %iota3A_47 = tpu.iota {dimensions = array<i32: 0>} : vector<16xi32>
    %add3A_48 = arith.constant 16 : i32
    %add3A_49 = vector.broadcast %add3A_48 : i32 to vector<16xi32>
    %add3A_50 = arith.addi %add3A_49, %iota3A_47 : vector<16xi32>
    %broadcast_in_dim3A_51 = arith.constant 0 : i32
    %broadcast_in_dim3A_52 = vector.broadcast %broadcast_in_dim3A_51 : i32 to vector<16xi32>
    %add3A_53 = arith.constant 0 : i32
    %add3A_54 = vector.broadcast %add3A_53 : i32 to vector<16xi32>
    %add3A_55 = arith.addi %broadcast_in_dim3A_52, %add3A_54 : vector<16xi32>
    %gather3A_56 = tpu.vector_load_idx %arg10[%add3A_55, %add3A_50] : memref<50x100xi32, #tpu.memory_space<vmem>>[vector<16xi32>, vector<16xi32>], vector<16xi32>,
    %broadcast_in_dim3A_57 = arith.constant 0 : i32
    %broadcast_in_dim3A_58 = vector.broadcast %broadcast_in_dim3A_57 : i32 to vector<16xi32>
    %add3A_59 = arith.constant 0 : i32
    %add3A_60 = vector.broadcast %add3A_59 : i32 to vector<16xi32>
    %add3A_61 = arith.addi %broadcast_in_dim3A_58, %add3A_60 : vector<16xi32>
    %gather3A_62 = tpu.vector_load_idx %arg9[%add3A_61, %add3A_50] : memref<50x100xi32, #tpu.memory_space<vmem>>[vector<16xi32>, vector<16xi32>], vector<16xi32>,
    %add3A_63 = arith.constant 0 : i32
    %add3A_64 = vector.broadcast %add3A_63 : i32 to vector<16xi32>
    %add3A_65 = arith.addi %gather3A_56, %add3A_64 : vector<16xi32>
    tpu.vector_store_idx %arg11[%add3A_50], %add3A_65 : memref<100xi32, #tpu.memory_space<vmem>>[vector<16xi32>], vector<16xi32>,
    %add3A_66 = arith.constant 0 : i32
    %add3A_67 = vector.broadcast %add3A_66 : i32 to vector<16xi32>
    %add3A_68 = arith.addi %gather3A_62, %add3A_67 : vector<16xi32>
    tpu.vector_store_idx %arg17[%add3A_50], %add3A_68 : memref<100xi32, #tpu.memory_space<vmem>>[vector<16xi32>], vector<16xi32>,
    %add3A_69 = arith.constant 20000 : i32
    %add3A_70 = vector.broadcast %add3A_69 : i32 to vector<16xi32>
    %add3A_71 = arith.addi %gather3A_56, %add3A_70 : vector<16xi32>
    tpu.vector_store_idx %arg12[%add3A_50], %add3A_71 : memref<100xi32, #tpu.memory_space<vmem>>[vector<16xi32>], vector<16xi32>,
    %add3A_72 = arith.constant 160000 : i32
    %add3A_73 = vector.broadcast %add3A_72 : i32 to vector<16xi32>
    %add3A_74 = arith.addi %gather3A_62, %add3A_73 : vector<16xi32>
    tpu.vector_store_idx %arg18[%add3A_50], %add3A_74 : memref<100xi32, #tpu.memory_space<vmem>>[vector<16xi32>], vector<16xi32>,
    %add3A_75 = arith.constant 40000 : i32
    %add3A_76 = vector.broadcast %add3A_75 : i32 to vector<16xi32>
    %add3A_77 = arith.addi %gather3A_56, %add3A_76 : vector<16xi32>
    tpu.vector_store_idx %arg13[%add3A_50], %add3A_77 : memref<100xi32, #tpu.memory_space<vmem>>[vector<16xi32>], vector<16xi32>,
    %add3A_78 = arith.constant 320000 : i32
    %add3A_79 = vector.broadcast %add3A_78 : i32 to vector<16xi32>
    %add3A_80 = arith.addi %gather3A_62, %add3A_79 : vector<16xi32>
    tpu.vector_store_idx %arg19[%add3A_50], %add3A_80 : memref<100xi32, #tpu.memory_space<vmem>>[vector<16xi32>], vector<16xi32>,
    %iota3A_81 = tpu.iota {dimensions = array<i32: 0>} : vector<16xi32>
    %add3A_82 = arith.constant 32 : i32
    %add3A_83 = vector.broadcast %add3A_82 : i32 to vector<16xi32>
    %add3A_84 = arith.addi %add3A_83, %iota3A_81 : vector<16xi32>
    %broadcast_in_dim3A_85 = arith.constant 0 : i32
    %broadcast_in_dim3A_86 = vector.broadcast %broadcast_in_dim3A_85 : i32 to vector<16xi32>
    %add3A_87 = arith.constant 0 : i32
    %add3A_88 = vector.broadcast %add3A_87 : i32 to vector<16xi32>
    %add3A_89 = arith.addi %broadcast_in_dim3A_86, %add3A_88 : vector<16xi32>
    %gather3A_90 = tpu.vector_load_idx %arg10[%add3A_89, %add3A_84] : memref<50x100xi32, #tpu.memory_space<vmem>>[vector<16xi32>, vector<16xi32>], vector<16xi32>,
    %broadcast_in_dim3A_91 = arith.constant 0 : i32
    %broadcast_in_dim3A_92 = vector.broadcast %broadcast_in_dim3A_91 : i32 to vector<16xi32>
    %add3A_93 = arith.constant 0 : i32
    %add3A_94 = vector.broadcast %add3A_93 : i32 to vector<16xi32>
    %add3A_95 = arith.addi %broadcast_in_dim3A_92, %add3A_94 : vector<16xi32>
    %gather3A_96 = tpu.vector_load_idx %arg9[%add3A_95, %add3A_84] : memref<50x100xi32, #tpu.memory_space<vmem>>[vector<16xi32>, vector<16xi32>], vector<16xi32>,
    %add3A_97 = arith.constant 0 : i32
    %add3A_98 = vector.broadcast %add3A_97 : i32 to vector<16xi32>
    %add3A_99 = arith.addi %gather3A_90, %add3A_98 : vector<16xi32>
    tpu.vector_store_idx %arg11[%add3A_84], %add3A_99 : memref<100xi32, #tpu.memory_space<vmem>>[vector<16xi32>], vector<16xi32>,
    %add3A_100 = arith.constant 0 : i32
    %add3A_101 = vector.broadcast %add3A_100 : i32 to vector<16xi32>
    %add3A_102 = arith.addi %gather3A_96, %add3A_101 : vector<16xi32>
    tpu.vector_store_idx %arg17[%add3A_84], %add3A_102 : memref<100xi32, #tpu.memory_space<vmem>>[vector<16xi32>], vector<16xi32>,
    %add3A_103 = arith.constant 20000 : i32
    %add3A_104 = vector.broadcast %add3A_103 : i32 to vector<16xi32>
    %add3A_105 = arith.addi %gather3A_90, %add3A_104 : vector<16xi32>
    tpu.vector_store_idx %arg12[%add3A_84], %add3A_105 : memref<100xi32, #tpu.memory_space<vmem>>[vector<16xi32>], vector<16xi32>,
    %add3A_106 = arith.constant 160000 : i32
    %add3A_107 = vector.broadcast %add3A_106 : i32 to vector<16xi32>
    %add3A_108 = arith.addi %gather3A_96, %add3A_107 : vector<16xi32>
    tpu.vector_store_idx %arg18[%add3A_84], %add3A_108 : memref<100xi32, #tpu.memory_space<vmem>>[vector<16xi32>], vector<16xi32>,
    %add3A_109 = arith.constant 40000 : i32
    %add3A_110 = vector.broadcast %add3A_109 : i32 to vector<16xi32>
    %add3A_111 = arith.addi %gather3A_90, %add3A_110 : vector<16xi32>
    tpu.vector_store_idx %arg13[%add3A_84], %add3A_111 : memref<100xi32, #tpu.memory_space<vmem>>[vector<16xi32>], vector<16xi32>,
    %add3A_112 = arith.constant 320000 : i32
    %add3A_113 = vector.broadcast %add3A_112 : i32 to vector<16xi32>
    %add3A_114 = arith.addi %gather3A_96, %add3A_113 : vector<16xi32>
    tpu.vector_store_idx %arg19[%add3A_84], %add3A_114 : memref<100xi32, #tpu.memory_space<vmem>>[vector<16xi32>], vector<16xi32>,
    %iota3A_115 = tpu.iota {dimensions = array<i32: 0>} : vector<16xi32>
    %add3A_116 = arith.constant 48 : i32
    %add3A_117 = vector.broadcast %add3A_116 : i32 to vector<16xi32>
    %add3A_118 = arith.addi %add3A_117, %iota3A_115 : vector<16xi32>
    %broadcast_in_dim3A_119 = arith.constant 0 : i32
    %broadcast_in_dim3A_120 = vector.broadcast %broadcast_in_dim3A_119 : i32 to vector<16xi32>
    %add3A_121 = arith.constant 0 : i32
    %add3A_122 = vector.broadcast %add3A_121 : i32 to vector<16xi32>
    %add3A_123 = arith.addi %broadcast_in_dim3A_120, %add3A_122 : vector<16xi32>
    %gather3A_124 = tpu.vector_load_idx %arg10[%add3A_123, %add3A_118] : memref<50x100xi32, #tpu.memory_space<vmem>>[vector<16xi32>, vector<16xi32>], vector<16xi32>,
    %broadcast_in_dim3A_125 = arith.constant 0 : i32
    %broadcast_in_dim3A_126 = vector.broadcast %broadcast_in_dim3A_125 : i32 to vector<16xi32>
    %add3A_127 = arith.constant 0 : i32
    %add3A_128 = vector.broadcast %add3A_127 : i32 to vector<16xi32>
    %add3A_129 = arith.addi %broadcast_in_dim3A_126, %add3A_128 : vector<16xi32>
    %gather3A_130 = tpu.vector_load_idx %arg9[%add3A_129, %add3A_118] : memref<50x100xi32, #tpu.memory_space<vmem>>[vector<16xi32>, vector<16xi32>], vector<16xi32>,
    %add3A_131 = arith.constant 0 : i32
    %add3A_132 = vector.broadcast %add3A_131 : i32 to vector<16xi32>
    %add3A_133 = arith.addi %gather3A_124, %add3A_132 : vector<16xi32>
    tpu.vector_store_idx %arg11[%add3A_118], %add3A_133 : memref<100xi32, #tpu.memory_space<vmem>>[vector<16xi32>], vector<16xi32>,
    %add3A_134 = arith.constant 0 : i32
    %add3A_135 = vector.broadcast %add3A_134 : i32 to vector<16xi32>
    %add3A_136 = arith.addi %gather3A_130, %add3A_135 : vector<16xi32>
    tpu.vector_store_idx %arg17[%add3A_118], %add3A_136 : memref<100xi32, #tpu.memory_space<vmem>>[vector<16xi32>], vector<16xi32>,
    %add3A_137 = arith.constant 20000 : i32
    %add3A_138 = vector.broadcast %add3A_137 : i32 to vector<16xi32>
    %add3A_139 = arith.addi %gather3A_124, %add3A_138 : vector<16xi32>
    tpu.vector_store_idx %arg12[%add3A_118], %add3A_139 : memref<100xi32, #tpu.memory_space<vmem>>[vector<16xi32>], vector<16xi32>,
    %add3A_140 = arith.constant 160000 : i32
    %add3A_141 = vector.broadcast %add3A_140 : i32 to vector<16xi32>
    %add3A_142 = arith.addi %gather3A_130, %add3A_141 : vector<16xi32>
    tpu.vector_store_idx %arg18[%add3A_118], %add3A_142 : memref<100xi32, #tpu.memory_space<vmem>>[vector<16xi32>], vector<16xi32>,
    %add3A_143 = arith.constant 40000 : i32
    %add3A_144 = vector.broadcast %add3A_143 : i32 to vector<16xi32>
    %add3A_145 = arith.addi %gather3A_124, %add3A_144 : vector<16xi32>
    tpu.vector_store_idx %arg13[%add3A_118], %add3A_145 : memref<100xi32, #tpu.memory_space<vmem>>[vector<16xi32>], vector<16xi32>,
    %add3A_146 = arith.constant 320000 : i32
    %add3A_147 = vector.broadcast %add3A_146 : i32 to vector<16xi32>
    %add3A_148 = arith.addi %gather3A_130, %add3A_147 : vector<16xi32>
    tpu.vector_store_idx %arg19[%add3A_118], %add3A_148 : memref<100xi32, #tpu.memory_space<vmem>>[vector<16xi32>], vector<16xi32>,
    %iota3A_149 = tpu.iota {dimensions = array<i32: 0>} : vector<16xi32>
    %add3A_150 = arith.constant 64 : i32
    %add3A_151 = vector.broadcast %add3A_150 : i32 to vector<16xi32>
    %add3A_152 = arith.addi %add3A_151, %iota3A_149 : vector<16xi32>
    %broadcast_in_dim3A_153 = arith.constant 0 : i32
    %broadcast_in_dim3A_154 = vector.broadcast %broadcast_in_dim3A_153 : i32 to vector<16xi32>
    %add3A_155 = arith.constant 0 : i32
    %add3A_156 = vector.broadcast %add3A_155 : i32 to vector<16xi32>
    %add3A_157 = arith.addi %broadcast_in_dim3A_154, %add3A_156 : vector<16xi32>
    %gather3A_158 = tpu.vector_load_idx %arg10[%add3A_157, %add3A_152] : memref<50x100xi32, #tpu.memory_space<vmem>>[vector<16xi32>, vector<16xi32>], vector<16xi32>,
    %broadcast_in_dim3A_159 = arith.constant 0 : i32
    %broadcast_in_dim3A_160 = vector.broadcast %broadcast_in_dim3A_159 : i32 to vector<16xi32>
    %add3A_161 = arith.constant 0 : i32
    %add3A_162 = vector.broadcast %add3A_161 : i32 to vector<16xi32>
    %add3A_163 = arith.addi %broadcast_in_dim3A_160, %add3A_162 : vector<16xi32>
    %gather3A_164 = tpu.vector_load_idx %arg9[%add3A_163, %add3A_152] : memref<50x100xi32, #tpu.memory_space<vmem>>[vector<16xi32>, vector<16xi32>], vector<16xi32>,
    %add3A_165 = arith.constant 0 : i32
    %add3A_166 = vector.broadcast %add3A_165 : i32 to vector<16xi32>
    %add3A_167 = arith.addi %gather3A_158, %add3A_166 : vector<16xi32>
    tpu.vector_store_idx %arg11[%add3A_152], %add3A_167 : memref<100xi32, #tpu.memory_space<vmem>>[vector<16xi32>], vector<16xi32>,
    %add3A_168 = arith.constant 0 : i32
    %add3A_169 = vector.broadcast %add3A_168 : i32 to vector<16xi32>
    %add3A_170 = arith.addi %gather3A_164, %add3A_169 : vector<16xi32>
    tpu.vector_store_idx %arg17[%add3A_152], %add3A_170 : memref<100xi32, #tpu.memory_space<vmem>>[vector<16xi32>], vector<16xi32>,
    %add3A_171 = arith.constant 20000 : i32
    %add3A_172 = vector.broadcast %add3A_171 : i32 to vector<16xi32>
    %add3A_173 = arith.addi %gather3A_158, %add3A_172 : vector<16xi32>
    tpu.vector_store_idx %arg12[%add3A_152], %add3A_173 : memref<100xi32, #tpu.memory_space<vmem>>[vector<16xi32>], vector<16xi32>,
    %add3A_174 = arith.constant 160000 : i32
    %add3A_175 = vector.broadcast %add3A_174 : i32 to vector<16xi32>
    %add3A_176 = arith.addi %gather3A_164, %add3A_175 : vector<16xi32>
    tpu.vector_store_idx %arg18[%add3A_152], %add3A_176 : memref<100xi32, #tpu.memory_space<vmem>>[vector<16xi32>], vector<16xi32>,
    %add3A_177 = arith.constant 40000 : i32
    %add3A_178 = vector.broadcast %add3A_177 : i32 to vector<16xi32>
    %add3A_179 = arith.addi %gather3A_158, %add3A_178 : vector<16xi32>
    tpu.vector_store_idx %arg13[%add3A_152], %add3A_179 : memref<100xi32, #tpu.memory_space<vmem>>[vector<16xi32>], vector<16xi32>,
    %add3A_180 = arith.constant 320000 : i32
    %add3A_181 = vector.broadcast %add3A_180 : i32 to vector<16xi32>
    %add3A_182 = arith.addi %gather3A_164, %add3A_181 : vector<16xi32>
    tpu.vector_store_idx %arg19[%add3A_152], %add3A_182 : memref<100xi32, #tpu.memory_space<vmem>>[vector<16xi32>], vector<16xi32>,
    %iota3A_183 = tpu.iota {dimensions = array<i32: 0>} : vector<16xi32>
    %add3A_184 = arith.constant 80 : i32
    %add3A_185 = vector.broadcast %add3A_184 : i32 to vector<16xi32>
    %add3A_186 = arith.addi %add3A_185, %iota3A_183 : vector<16xi32>
    %broadcast_in_dim3A_187 = arith.constant 0 : i32
    %broadcast_in_dim3A_188 = vector.broadcast %broadcast_in_dim3A_187 : i32 to vector<16xi32>
    %add3A_189 = arith.constant 0 : i32
    %add3A_190 = vector.broadcast %add3A_189 : i32 to vector<16xi32>
    %add3A_191 = arith.addi %broadcast_in_dim3A_188, %add3A_190 : vector<16xi32>
    %gather3A_192 = tpu.vector_load_idx %arg10[%add3A_191, %add3A_186] : memref<50x100xi32, #tpu.memory_space<vmem>>[vector<16xi32>, vector<16xi32>], vector<16xi32>,
    %broadcast_in_dim3A_193 = arith.constant 0 : i32
    %broadcast_in_dim3A_194 = vector.broadcast %broadcast_in_dim3A_193 : i32 to vector<16xi32>
    %add3A_195 = arith.constant 0 : i32
    %add3A_196 = vector.broadcast %add3A_195 : i32 to vector<16xi32>
    %add3A_197 = arith.addi %broadcast_in_dim3A_194, %add3A_196 : vector<16xi32>
    %gather3A_198 = tpu.vector_load_idx %arg9[%add3A_197, %add3A_186] : memref<50x100xi32, #tpu.memory_space<vmem>>[vector<16xi32>, vector<16xi32>], vector<16xi32>,
    %add3A_199 = arith.constant 0 : i32
    %add3A_200 = vector.broadcast %add3A_199 : i32 to vector<16xi32>
    %add3A_201 = arith.addi %gather3A_192, %add3A_200 : vector<16xi32>
    tpu.vector_store_idx %arg11[%add3A_186], %add3A_201 : memref<100xi32, #tpu.memory_space<vmem>>[vector<16xi32>], vector<16xi32>,
    %add3A_202 = arith.constant 0 : i32
    %add3A_203 = vector.broadcast %add3A_202 : i32 to vector<16xi32>
    %add3A_204 = arith.addi %gather3A_198, %add3A_203 : vector<16xi32>
    tpu.vector_store_idx %arg17[%add3A_186], %add3A_204 : memref<100xi32, #tpu.memory_space<vmem>>[vector<16xi32>], vector<16xi32>,
    %add3A_205 = arith.constant 20000 : i32
    %add3A_206 = vector.broadcast %add3A_205 : i32 to vector<16xi32>
    %add3A_207 = arith.addi %gather3A_192, %add3A_206 : vector<16xi32>
    tpu.vector_store_idx %arg12[%add3A_186], %add3A_207 : memref<100xi32, #tpu.memory_space<vmem>>[vector<16xi32>], vector<16xi32>,
    %add3A_208 = arith.constant 160000 : i32
    %add3A_209 = vector.broadcast %add3A_208 : i32 to vector<16xi32>
    %add3A_210 = arith.addi %gather3A_198, %add3A_209 : vector<16xi32>
    tpu.vector_store_idx %arg18[%add3A_186], %add3A_210 : memref<100xi32, #tpu.memory_space<vmem>>[vector<16xi32>], vector<16xi32>,
    %add3A_211 = arith.constant 40000 : i32
    %add3A_212 = vector.broadcast %add3A_211 : i32 to vector<16xi32>
    %add3A_213 = arith.addi %gather3A_192, %add3A_212 : vector<16xi32>
    tpu.vector_store_idx %arg13[%add3A_186], %add3A_213 : memref<100xi32, #tpu.memory_space<vmem>>[vector<16xi32>], vector<16xi32>,
    %add3A_214 = arith.constant 320000 : i32
    %add3A_215 = vector.broadcast %add3A_214 : i32 to vector<16xi32>
    %add3A_216 = arith.addi %gather3A_198, %add3A_215 : vector<16xi32>
    tpu.vector_store_idx %arg19[%add3A_186], %add3A_216 : memref<100xi32, #tpu.memory_space<vmem>>[vector<16xi32>], vector<16xi32>,
    %iota3A_217 = tpu.iota {dimensions = array<i32: 0>} : vector<16xi32>
    %add3A_218 = arith.constant 84 : i32
    %add3A_219 = vector.broadcast %add3A_218 : i32 to vector<16xi32>
    %add3A_220 = arith.addi %add3A_219, %iota3A_217 : vector<16xi32>
    %broadcast_in_dim3A_221 = arith.constant 0 : i32
    %broadcast_in_dim3A_222 = vector.broadcast %broadcast_in_dim3A_221 : i32 to vector<16xi32>
    %add3A_223 = arith.constant 0 : i32
    %add3A_224 = vector.broadcast %add3A_223 : i32 to vector<16xi32>
    %add3A_225 = arith.addi %broadcast_in_dim3A_222, %add3A_224 : vector<16xi32>
    %gather3A_226 = tpu.vector_load_idx %arg10[%add3A_225, %add3A_220] : memref<50x100xi32, #tpu.memory_space<vmem>>[vector<16xi32>, vector<16xi32>], vector<16xi32>,
    %broadcast_in_dim3A_227 = arith.constant 0 : i32
    %broadcast_in_dim3A_228 = vector.broadcast %broadcast_in_dim3A_227 : i32 to vector<16xi32>
    %add3A_229 = arith.constant 0 : i32
    %add3A_230 = vector.broadcast %add3A_229 : i32 to vector<16xi32>
    %add3A_231 = arith.addi %broadcast_in_dim3A_228, %add3A_230 : vector<16xi32>
    %gather3A_232 = tpu.vector_load_idx %arg9[%add3A_231, %add3A_220] : memref<50x100xi32, #tpu.memory_space<vmem>>[vector<16xi32>, vector<16xi32>], vector<16xi32>,
    %add3A_233 = arith.constant 0 : i32
    %add3A_234 = vector.broadcast %add3A_233 : i32 to vector<16xi32>
    %add3A_235 = arith.addi %gather3A_226, %add3A_234 : vector<16xi32>
    tpu.vector_store_idx %arg11[%add3A_220], %add3A_235 : memref<100xi32, #tpu.memory_space<vmem>>[vector<16xi32>], vector<16xi32>,
    %add3A_236 = arith.constant 0 : i32
    %add3A_237 = vector.broadcast %add3A_236 : i32 to vector<16xi32>
    %add3A_238 = arith.addi %gather3A_232, %add3A_237 : vector<16xi32>
    tpu.vector_store_idx %arg17[%add3A_220], %add3A_238 : memref<100xi32, #tpu.memory_space<vmem>>[vector<16xi32>], vector<16xi32>,
    %add3A_239 = arith.constant 20000 : i32
    %add3A_240 = vector.broadcast %add3A_239 : i32 to vector<16xi32>
    %add3A_241 = arith.addi %gather3A_226, %add3A_240 : vector<16xi32>
    tpu.vector_store_idx %arg12[%add3A_220], %add3A_241 : memref<100xi32, #tpu.memory_space<vmem>>[vector<16xi32>], vector<16xi32>,
    %add3A_242 = arith.constant 160000 : i32
    %add3A_243 = vector.broadcast %add3A_242 : i32 to vector<16xi32>
    %add3A_244 = arith.addi %gather3A_232, %add3A_243 : vector<16xi32>
    tpu.vector_store_idx %arg18[%add3A_220], %add3A_244 : memref<100xi32, #tpu.memory_space<vmem>>[vector<16xi32>], vector<16xi32>,
    %add3A_245 = arith.constant 40000 : i32
    %add3A_246 = vector.broadcast %add3A_245 : i32 to vector<16xi32>
    %add3A_247 = arith.addi %gather3A_226, %add3A_246 : vector<16xi32>
    tpu.vector_store_idx %arg13[%add3A_220], %add3A_247 : memref<100xi32, #tpu.memory_space<vmem>>[vector<16xi32>], vector<16xi32>,
    %add3A_248 = arith.constant 320000 : i32
    %add3A_249 = vector.broadcast %add3A_248 : i32 to vector<16xi32>
    %add3A_250 = arith.addi %gather3A_232, %add3A_249 : vector<16xi32>
    tpu.vector_store_idx %arg19[%add3A_220], %add3A_250 : memref<100xi32, #tpu.memory_space<vmem>>[vector<16xi32>], vector<16xi32>,
    %dma_start3A = arith.constant 0 : i32
    %dma_start3A_251 = tpu.memref_slice %arg5[%dma_start3A] : memref<60000xi32, #tpu.memory_space<hbm>> -> memref<60000xi32, #tpu.memory_space<hbm>>
    tpu.enqueue_indirect_dma source(%dma_start3A_251 : memref<60000xi32, #tpu.memory_space<hbm>>) target(%arg23 : memref<100xi32, #tpu.memory_space<vmem>>) offsets(%arg11 : memref<100xi32, #tpu.memory_space<vmem>>) semaphore(%arg52 : memref<!tpu.dma_semaphore, #tpu.memory_space<semaphore_mem>>)
    %dma_start3A_252 = arith.constant 0 : i32
    %dma_start3A_253 = tpu.memref_slice %arg7[%dma_start3A_252] : memref<480000xf32, #tpu.memory_space<hbm>> -> memref<480000xf32, #tpu.memory_space<hbm>>
    tpu.enqueue_indirect_dma source(%dma_start3A_253 : memref<480000xf32, #tpu.memory_space<hbm>>) target(%arg29 : memref<100xf32, #tpu.memory_space<vmem>>) offsets(%arg17 : memref<100xi32, #tpu.memory_space<vmem>>) semaphore(%arg52 : memref<!tpu.dma_semaphore, #tpu.memory_space<semaphore_mem>>)
    %dma_start3A_254 = arith.constant 0 : i32
    %dma_start3A_255 = tpu.memref_slice %arg5[%dma_start3A_254] : memref<60000xi32, #tpu.memory_space<hbm>> -> memref<60000xi32, #tpu.memory_space<hbm>>
    tpu.enqueue_indirect_dma source(%dma_start3A_255 : memref<60000xi32, #tpu.memory_space<hbm>>) target(%arg24 : memref<100xi32, #tpu.memory_space<vmem>>) offsets(%arg12 : memref<100xi32, #tpu.memory_space<vmem>>) semaphore(%arg52 : memref<!tpu.dma_semaphore, #tpu.memory_space<semaphore_mem>>)
    %dma_start3A_256 = arith.constant 0 : i32
    %dma_start3A_257 = tpu.memref_slice %arg7[%dma_start3A_256] : memref<480000xf32, #tpu.memory_space<hbm>> -> memref<480000xf32, #tpu.memory_space<hbm>>
    tpu.enqueue_indirect_dma source(%dma_start3A_257 : memref<480000xf32, #tpu.memory_space<hbm>>) target(%arg30 : memref<100xf32, #tpu.memory_space<vmem>>) offsets(%arg18 : memref<100xi32, #tpu.memory_space<vmem>>) semaphore(%arg52 : memref<!tpu.dma_semaphore, #tpu.memory_space<semaphore_mem>>)
    %dma_start3A_258 = arith.constant 0 : i32
    %dma_start3A_259 = tpu.memref_slice %arg5[%dma_start3A_258] : memref<60000xi32, #tpu.memory_space<hbm>> -> memref<60000xi32, #tpu.memory_space<hbm>>
    tpu.enqueue_indirect_dma source(%dma_start3A_259 : memref<60000xi32, #tpu.memory_space<hbm>>) target(%arg25 : memref<100xi32, #tpu.memory_space<vmem>>) offsets(%arg13 : memref<100xi32, #tpu.memory_space<vmem>>) semaphore(%arg52 : memref<!tpu.dma_semaphore, #tpu.memory_space<semaphore_mem>>)
    %dma_start3A_260 = arith.constant 0 : i32
    %dma_start3A_261 = tpu.memref_slice %arg7[%dma_start3A_260] : memref<480000xf32, #tpu.memory_space<hbm>> -> memref<480000xf32, #tpu.memory_space<hbm>>
    tpu.enqueue_indirect_dma source(%dma_start3A_261 : memref<480000xf32, #tpu.memory_space<hbm>>) target(%arg31 : memref<100xf32, #tpu.memory_space<vmem>>) offsets(%arg19 : memref<100xi32, #tpu.memory_space<vmem>>) semaphore(%arg52 : memref<!tpu.dma_semaphore, #tpu.memory_space<semaphore_mem>>)
    %scan3A_262 = arith.constant 0 : i32
    %scan3A_263 = arith.constant 0 : i32
    %scan3A_264 = arith.constant 25 : i32
    %scan3A_265 = arith.addi %scan3A_263, %scan3A_264 : i32
    %scan3A_266 = arith.constant 1 : i32
    scf.for %scan3A_368 = %scan3A_263 to %scan3A_265 step %scan3A_266  : i32 {
      %mul3A_369 = arith.constant 2 : i32
      %mul3A_370 = arith.muli %mul3A_369, %scan3A_368 : i32
      %add3A_371 = arith.constant 1 : i32
      %add3A_372 = arith.addi %mul3A_370, %add3A_371 : i32
      %iota3A_373 = tpu.iota {dimensions = array<i32: 0>} : vector<16xi32>
      %add3A_374 = arith.constant 0 : i32
      %add3A_375 = vector.broadcast %add3A_374 : i32 to vector<16xi32>
      %add3A_376 = arith.addi %add3A_375, %iota3A_373 : vector<16xi32>
      %broadcast_in_dim3A_377 = arith.constant 0 : i32
      %broadcast_in_dim3A_378 = vector.broadcast %broadcast_in_dim3A_377 : i32 to vector<16xi32>
      %add3A_379 = vector.broadcast %add3A_372 : i32 to vector<16xi32>
      %add3A_380 = arith.addi %broadcast_in_dim3A_378, %add3A_379 : vector<16xi32>
      %gather3A_381 = tpu.vector_load_idx %arg10[%add3A_380, %add3A_376] : memref<50x100xi32, #tpu.memory_space<vmem>>[vector<16xi32>, vector<16xi32>], vector<16xi32>,
      %broadcast_in_dim3A_382 = arith.constant 0 : i32
      %broadcast_in_dim3A_383 = vector.broadcast %broadcast_in_dim3A_382 : i32 to vector<16xi32>
      %add3A_384 = vector.broadcast %add3A_372 : i32 to vector<16xi32>
      %add3A_385 = arith.addi %broadcast_in_dim3A_383, %add3A_384 : vector<16xi32>
      %gather3A_386 = tpu.vector_load_idx %arg9[%add3A_385, %add3A_376] : memref<50x100xi32, #tpu.memory_space<vmem>>[vector<16xi32>, vector<16xi32>], vector<16xi32>,
      %add3A_387 = arith.constant 0 : i32
      %add3A_388 = vector.broadcast %add3A_387 : i32 to vector<16xi32>
      %add3A_389 = arith.addi %gather3A_381, %add3A_388 : vector<16xi32>
      tpu.vector_store_idx %arg14[%add3A_376], %add3A_389 : memref<100xi32, #tpu.memory_space<vmem>>[vector<16xi32>], vector<16xi32>,
      %add3A_390 = arith.constant 0 : i32
      %add3A_391 = vector.broadcast %add3A_390 : i32 to vector<16xi32>
      %add3A_392 = arith.addi %gather3A_386, %add3A_391 : vector<16xi32>
      tpu.vector_store_idx %arg20[%add3A_376], %add3A_392 : memref<100xi32, #tpu.memory_space<vmem>>[vector<16xi32>], vector<16xi32>,
      %add3A_393 = arith.constant 20000 : i32
      %add3A_394 = vector.broadcast %add3A_393 : i32 to vector<16xi32>
      %add3A_395 = arith.addi %gather3A_381, %add3A_394 : vector<16xi32>
      tpu.vector_store_idx %arg15[%add3A_376], %add3A_395 : memref<100xi32, #tpu.memory_space<vmem>>[vector<16xi32>], vector<16xi32>,
      %add3A_396 = arith.constant 160000 : i32
      %add3A_397 = vector.broadcast %add3A_396 : i32 to vector<16xi32>
      %add3A_398 = arith.addi %gather3A_386, %add3A_397 : vector<16xi32>
      tpu.vector_store_idx %arg21[%add3A_376], %add3A_398 : memref<100xi32, #tpu.memory_space<vmem>>[vector<16xi32>], vector<16xi32>,
      %add3A_399 = arith.constant 40000 : i32
      %add3A_400 = vector.broadcast %add3A_399 : i32 to vector<16xi32>
      %add3A_401 = arith.addi %gather3A_381, %add3A_400 : vector<16xi32>
      tpu.vector_store_idx %arg16[%add3A_376], %add3A_401 : memref<100xi32, #tpu.memory_space<vmem>>[vector<16xi32>], vector<16xi32>,
      %add3A_402 = arith.constant 320000 : i32
      %add3A_403 = vector.broadcast %add3A_402 : i32 to vector<16xi32>
      %add3A_404 = arith.addi %gather3A_386, %add3A_403 : vector<16xi32>
      tpu.vector_store_idx %arg22[%add3A_376], %add3A_404 : memref<100xi32, #tpu.memory_space<vmem>>[vector<16xi32>], vector<16xi32>,
      %iota3A_405 = tpu.iota {dimensions = array<i32: 0>} : vector<16xi32>
      %add3A_406 = arith.constant 16 : i32
      %add3A_407 = vector.broadcast %add3A_406 : i32 to vector<16xi32>
      %add3A_408 = arith.addi %add3A_407, %iota3A_405 : vector<16xi32>
      %broadcast_in_dim3A_409 = arith.constant 0 : i32
      %broadcast_in_dim3A_410 = vector.broadcast %broadcast_in_dim3A_409 : i32 to vector<16xi32>
      %add3A_411 = vector.broadcast %add3A_372 : i32 to vector<16xi32>
      %add3A_412 = arith.addi %broadcast_in_dim3A_410, %add3A_411 : vector<16xi32>
      %gather3A_413 = tpu.vector_load_idx %arg10[%add3A_412, %add3A_408] : memref<50x100xi32, #tpu.memory_space<vmem>>[vector<16xi32>, vector<16xi32>], vector<16xi32>,
      %broadcast_in_dim3A_414 = arith.constant 0 : i32
      %broadcast_in_dim3A_415 = vector.broadcast %broadcast_in_dim3A_414 : i32 to vector<16xi32>
      %add3A_416 = vector.broadcast %add3A_372 : i32 to vector<16xi32>
      %add3A_417 = arith.addi %broadcast_in_dim3A_415, %add3A_416 : vector<16xi32>
      %gather3A_418 = tpu.vector_load_idx %arg9[%add3A_417, %add3A_408] : memref<50x100xi32, #tpu.memory_space<vmem>>[vector<16xi32>, vector<16xi32>], vector<16xi32>,
      %add3A_419 = arith.constant 0 : i32
      %add3A_420 = vector.broadcast %add3A_419 : i32 to vector<16xi32>
      %add3A_421 = arith.addi %gather3A_413, %add3A_420 : vector<16xi32>
      tpu.vector_store_idx %arg14[%add3A_408], %add3A_421 : memref<100xi32, #tpu.memory_space<vmem>>[vector<16xi32>], vector<16xi32>,
      %add3A_422 = arith.constant 0 : i32
      %add3A_423 = vector.broadcast %add3A_422 : i32 to vector<16xi32>
      %add3A_424 = arith.addi %gather3A_418, %add3A_423 : vector<16xi32>
      tpu.vector_store_idx %arg20[%add3A_408], %add3A_424 : memref<100xi32, #tpu.memory_space<vmem>>[vector<16xi32>], vector<16xi32>,
      %add3A_425 = arith.constant 20000 : i32
      %add3A_426 = vector.broadcast %add3A_425 : i32 to vector<16xi32>
      %add3A_427 = arith.addi %gather3A_413, %add3A_426 : vector<16xi32>
      tpu.vector_store_idx %arg15[%add3A_408], %add3A_427 : memref<100xi32, #tpu.memory_space<vmem>>[vector<16xi32>], vector<16xi32>,
      %add3A_428 = arith.constant 160000 : i32
      %add3A_429 = vector.broadcast %add3A_428 : i32 to vector<16xi32>
      %add3A_430 = arith.addi %gather3A_418, %add3A_429 : vector<16xi32>
      tpu.vector_store_idx %arg21[%add3A_408], %add3A_430 : memref<100xi32, #tpu.memory_space<vmem>>[vector<16xi32>], vector<16xi32>,
      %add3A_431 = arith.constant 40000 : i32
      %add3A_432 = vector.broadcast %add3A_431 : i32 to vector<16xi32>
      %add3A_433 = arith.addi %gather3A_413, %add3A_432 : vector<16xi32>
      tpu.vector_store_idx %arg16[%add3A_408], %add3A_433 : memref<100xi32, #tpu.memory_space<vmem>>[vector<16xi32>], vector<16xi32>,
      %add3A_434 = arith.constant 320000 : i32
      %add3A_435 = vector.broadcast %add3A_434 : i32 to vector<16xi32>
      %add3A_436 = arith.addi %gather3A_418, %add3A_435 : vector<16xi32>
      tpu.vector_store_idx %arg22[%add3A_408], %add3A_436 : memref<100xi32, #tpu.memory_space<vmem>>[vector<16xi32>], vector<16xi32>,
      %iota3A_437 = tpu.iota {dimensions = array<i32: 0>} : vector<16xi32>
      %add3A_438 = arith.constant 32 : i32
      %add3A_439 = vector.broadcast %add3A_438 : i32 to vector<16xi32>
      %add3A_440 = arith.addi %add3A_439, %iota3A_437 : vector<16xi32>
      %broadcast_in_dim3A_441 = arith.constant 0 : i32
      %broadcast_in_dim3A_442 = vector.broadcast %broadcast_in_dim3A_441 : i32 to vector<16xi32>
      %add3A_443 = vector.broadcast %add3A_372 : i32 to vector<16xi32>
      %add3A_444 = arith.addi %broadcast_in_dim3A_442, %add3A_443 : vector<16xi32>
      %gather3A_445 = tpu.vector_load_idx %arg10[%add3A_444, %add3A_440] : memref<50x100xi32, #tpu.memory_space<vmem>>[vector<16xi32>, vector<16xi32>], vector<16xi32>,
      %broadcast_in_dim3A_446 = arith.constant 0 : i32
      %broadcast_in_dim3A_447 = vector.broadcast %broadcast_in_dim3A_446 : i32 to vector<16xi32>
      %add3A_448 = vector.broadcast %add3A_372 : i32 to vector<16xi32>
      %add3A_449 = arith.addi %broadcast_in_dim3A_447, %add3A_448 : vector<16xi32>
      %gather3A_450 = tpu.vector_load_idx %arg9[%add3A_449, %add3A_440] : memref<50x100xi32, #tpu.memory_space<vmem>>[vector<16xi32>, vector<16xi32>], vector<16xi32>,
      %add3A_451 = arith.constant 0 : i32
      %add3A_452 = vector.broadcast %add3A_451 : i32 to vector<16xi32>
      %add3A_453 = arith.addi %gather3A_445, %add3A_452 : vector<16xi32>
      tpu.vector_store_idx %arg14[%add3A_440], %add3A_453 : memref<100xi32, #tpu.memory_space<vmem>>[vector<16xi32>], vector<16xi32>,
      %add3A_454 = arith.constant 0 : i32
      %add3A_455 = vector.broadcast %add3A_454 : i32 to vector<16xi32>
      %add3A_456 = arith.addi %gather3A_450, %add3A_455 : vector<16xi32>
      tpu.vector_store_idx %arg20[%add3A_440], %add3A_456 : memref<100xi32, #tpu.memory_space<vmem>>[vector<16xi32>], vector<16xi32>,
      %add3A_457 = arith.constant 20000 : i32
      %add3A_458 = vector.broadcast %add3A_457 : i32 to vector<16xi32>
      %add3A_459 = arith.addi %gather3A_445, %add3A_458 : vector<16xi32>
      tpu.vector_store_idx %arg15[%add3A_440], %add3A_459 : memref<100xi32, #tpu.memory_space<vmem>>[vector<16xi32>], vector<16xi32>,
      %add3A_460 = arith.constant 160000 : i32
      %add3A_461 = vector.broadcast %add3A_460 : i32 to vector<16xi32>
      %add3A_462 = arith.addi %gather3A_450, %add3A_461 : vector<16xi32>
      tpu.vector_store_idx %arg21[%add3A_440], %add3A_462 : memref<100xi32, #tpu.memory_space<vmem>>[vector<16xi32>], vector<16xi32>,
      %add3A_463 = arith.constant 40000 : i32
      %add3A_464 = vector.broadcast %add3A_463 : i32 to vector<16xi32>
      %add3A_465 = arith.addi %gather3A_445, %add3A_464 : vector<16xi32>
      tpu.vector_store_idx %arg16[%add3A_440], %add3A_465 : memref<100xi32, #tpu.memory_space<vmem>>[vector<16xi32>], vector<16xi32>,
      %add3A_466 = arith.constant 320000 : i32
      %add3A_467 = vector.broadcast %add3A_466 : i32 to vector<16xi32>
      %add3A_468 = arith.addi %gather3A_450, %add3A_467 : vector<16xi32>
      tpu.vector_store_idx %arg22[%add3A_440], %add3A_468 : memref<100xi32, #tpu.memory_space<vmem>>[vector<16xi32>], vector<16xi32>,
      %iota3A_469 = tpu.iota {dimensions = array<i32: 0>} : vector<16xi32>
      %add3A_470 = arith.constant 48 : i32
      %add3A_471 = vector.broadcast %add3A_470 : i32 to vector<16xi32>
      %add3A_472 = arith.addi %add3A_471, %iota3A_469 : vector<16xi32>
      %broadcast_in_dim3A_473 = arith.constant 0 : i32
      %broadcast_in_dim3A_474 = vector.broadcast %broadcast_in_dim3A_473 : i32 to vector<16xi32>
      %add3A_475 = vector.broadcast %add3A_372 : i32 to vector<16xi32>
      %add3A_476 = arith.addi %broadcast_in_dim3A_474, %add3A_475 : vector<16xi32>
      %gather3A_477 = tpu.vector_load_idx %arg10[%add3A_476, %add3A_472] : memref<50x100xi32, #tpu.memory_space<vmem>>[vector<16xi32>, vector<16xi32>], vector<16xi32>,
      %broadcast_in_dim3A_478 = arith.constant 0 : i32
      %broadcast_in_dim3A_479 = vector.broadcast %broadcast_in_dim3A_478 : i32 to vector<16xi32>
      %add3A_480 = vector.broadcast %add3A_372 : i32 to vector<16xi32>
      %add3A_481 = arith.addi %broadcast_in_dim3A_479, %add3A_480 : vector<16xi32>
      %gather3A_482 = tpu.vector_load_idx %arg9[%add3A_481, %add3A_472] : memref<50x100xi32, #tpu.memory_space<vmem>>[vector<16xi32>, vector<16xi32>], vector<16xi32>,
      %add3A_483 = arith.constant 0 : i32
      %add3A_484 = vector.broadcast %add3A_483 : i32 to vector<16xi32>
      %add3A_485 = arith.addi %gather3A_477, %add3A_484 : vector<16xi32>
      tpu.vector_store_idx %arg14[%add3A_472], %add3A_485 : memref<100xi32, #tpu.memory_space<vmem>>[vector<16xi32>], vector<16xi32>,
      %add3A_486 = arith.constant 0 : i32
      %add3A_487 = vector.broadcast %add3A_486 : i32 to vector<16xi32>
      %add3A_488 = arith.addi %gather3A_482, %add3A_487 : vector<16xi32>
      tpu.vector_store_idx %arg20[%add3A_472], %add3A_488 : memref<100xi32, #tpu.memory_space<vmem>>[vector<16xi32>], vector<16xi32>,
      %add3A_489 = arith.constant 20000 : i32
      %add3A_490 = vector.broadcast %add3A_489 : i32 to vector<16xi32>
      %add3A_491 = arith.addi %gather3A_477, %add3A_490 : vector<16xi32>
      tpu.vector_store_idx %arg15[%add3A_472], %add3A_491 : memref<100xi32, #tpu.memory_space<vmem>>[vector<16xi32>], vector<16xi32>,
      %add3A_492 = arith.constant 160000 : i32
      %add3A_493 = vector.broadcast %add3A_492 : i32 to vector<16xi32>
      %add3A_494 = arith.addi %gather3A_482, %add3A_493 : vector<16xi32>
      tpu.vector_store_idx %arg21[%add3A_472], %add3A_494 : memref<100xi32, #tpu.memory_space<vmem>>[vector<16xi32>], vector<16xi32>,
      %add3A_495 = arith.constant 40000 : i32
      %add3A_496 = vector.broadcast %add3A_495 : i32 to vector<16xi32>
      %add3A_497 = arith.addi %gather3A_477, %add3A_496 : vector<16xi32>
      tpu.vector_store_idx %arg16[%add3A_472], %add3A_497 : memref<100xi32, #tpu.memory_space<vmem>>[vector<16xi32>], vector<16xi32>,
      %add3A_498 = arith.constant 320000 : i32
      %add3A_499 = vector.broadcast %add3A_498 : i32 to vector<16xi32>
      %add3A_500 = arith.addi %gather3A_482, %add3A_499 : vector<16xi32>
      tpu.vector_store_idx %arg22[%add3A_472], %add3A_500 : memref<100xi32, #tpu.memory_space<vmem>>[vector<16xi32>], vector<16xi32>,
      %iota3A_501 = tpu.iota {dimensions = array<i32: 0>} : vector<16xi32>
      %add3A_502 = arith.constant 64 : i32
      %add3A_503 = vector.broadcast %add3A_502 : i32 to vector<16xi32>
      %add3A_504 = arith.addi %add3A_503, %iota3A_501 : vector<16xi32>
      %broadcast_in_dim3A_505 = arith.constant 0 : i32
      %broadcast_in_dim3A_506 = vector.broadcast %broadcast_in_dim3A_505 : i32 to vector<16xi32>
      %add3A_507 = vector.broadcast %add3A_372 : i32 to vector<16xi32>
      %add3A_508 = arith.addi %broadcast_in_dim3A_506, %add3A_507 : vector<16xi32>
      %gather3A_509 = tpu.vector_load_idx %arg10[%add3A_508, %add3A_504] : memref<50x100xi32, #tpu.memory_space<vmem>>[vector<16xi32>, vector<16xi32>], vector<16xi32>,
      %broadcast_in_dim3A_510 = arith.constant 0 : i32
      %broadcast_in_dim3A_511 = vector.broadcast %broadcast_in_dim3A_510 : i32 to vector<16xi32>
      %add3A_512 = vector.broadcast %add3A_372 : i32 to vector<16xi32>
      %add3A_513 = arith.addi %broadcast_in_dim3A_511, %add3A_512 : vector<16xi32>
      %gather3A_514 = tpu.vector_load_idx %arg9[%add3A_513, %add3A_504] : memref<50x100xi32, #tpu.memory_space<vmem>>[vector<16xi32>, vector<16xi32>], vector<16xi32>,
      %add3A_515 = arith.constant 0 : i32
      %add3A_516 = vector.broadcast %add3A_515 : i32 to vector<16xi32>
      %add3A_517 = arith.addi %gather3A_509, %add3A_516 : vector<16xi32>
      tpu.vector_store_idx %arg14[%add3A_504], %add3A_517 : memref<100xi32, #tpu.memory_space<vmem>>[vector<16xi32>], vector<16xi32>,
      %add3A_518 = arith.constant 0 : i32
      %add3A_519 = vector.broadcast %add3A_518 : i32 to vector<16xi32>
      %add3A_520 = arith.addi %gather3A_514, %add3A_519 : vector<16xi32>
      tpu.vector_store_idx %arg20[%add3A_504], %add3A_520 : memref<100xi32, #tpu.memory_space<vmem>>[vector<16xi32>], vector<16xi32>,
      %add3A_521 = arith.constant 20000 : i32
      %add3A_522 = vector.broadcast %add3A_521 : i32 to vector<16xi32>
      %add3A_523 = arith.addi %gather3A_509, %add3A_522 : vector<16xi32>
      tpu.vector_store_idx %arg15[%add3A_504], %add3A_523 : memref<100xi32, #tpu.memory_space<vmem>>[vector<16xi32>], vector<16xi32>,
      %add3A_524 = arith.constant 160000 : i32
      %add3A_525 = vector.broadcast %add3A_524 : i32 to vector<16xi32>
      %add3A_526 = arith.addi %gather3A_514, %add3A_525 : vector<16xi32>
      tpu.vector_store_idx %arg21[%add3A_504], %add3A_526 : memref<100xi32, #tpu.memory_space<vmem>>[vector<16xi32>], vector<16xi32>,
      %add3A_527 = arith.constant 40000 : i32
      %add3A_528 = vector.broadcast %add3A_527 : i32 to vector<16xi32>
      %add3A_529 = arith.addi %gather3A_509, %add3A_528 : vector<16xi32>
      tpu.vector_store_idx %arg16[%add3A_504], %add3A_529 : memref<100xi32, #tpu.memory_space<vmem>>[vector<16xi32>], vector<16xi32>,
      %add3A_530 = arith.constant 320000 : i32
      %add3A_531 = vector.broadcast %add3A_530 : i32 to vector<16xi32>
      %add3A_532 = arith.addi %gather3A_514, %add3A_531 : vector<16xi32>
      tpu.vector_store_idx %arg22[%add3A_504], %add3A_532 : memref<100xi32, #tpu.memory_space<vmem>>[vector<16xi32>], vector<16xi32>,
      %iota3A_533 = tpu.iota {dimensions = array<i32: 0>} : vector<16xi32>
      %add3A_534 = arith.constant 80 : i32
      %add3A_535 = vector.broadcast %add3A_534 : i32 to vector<16xi32>
      %add3A_536 = arith.addi %add3A_535, %iota3A_533 : vector<16xi32>
      %broadcast_in_dim3A_537 = arith.constant 0 : i32
      %broadcast_in_dim3A_538 = vector.broadcast %broadcast_in_dim3A_537 : i32 to vector<16xi32>
      %add3A_539 = vector.broadcast %add3A_372 : i32 to vector<16xi32>
      %add3A_540 = arith.addi %broadcast_in_dim3A_538, %add3A_539 : vector<16xi32>
      %gather3A_541 = tpu.vector_load_idx %arg10[%add3A_540, %add3A_536] : memref<50x100xi32, #tpu.memory_space<vmem>>[vector<16xi32>, vector<16xi32>], vector<16xi32>,
      %broadcast_in_dim3A_542 = arith.constant 0 : i32
      %broadcast_in_dim3A_543 = vector.broadcast %broadcast_in_dim3A_542 : i32 to vector<16xi32>
      %add3A_544 = vector.broadcast %add3A_372 : i32 to vector<16xi32>
      %add3A_545 = arith.addi %broadcast_in_dim3A_543, %add3A_544 : vector<16xi32>
      %gather3A_546 = tpu.vector_load_idx %arg9[%add3A_545, %add3A_536] : memref<50x100xi32, #tpu.memory_space<vmem>>[vector<16xi32>, vector<16xi32>], vector<16xi32>,
      %add3A_547 = arith.constant 0 : i32
      %add3A_548 = vector.broadcast %add3A_547 : i32 to vector<16xi32>
      %add3A_549 = arith.addi %gather3A_541, %add3A_548 : vector<16xi32>
      tpu.vector_store_idx %arg14[%add3A_536], %add3A_549 : memref<100xi32, #tpu.memory_space<vmem>>[vector<16xi32>], vector<16xi32>,
      %add3A_550 = arith.constant 0 : i32
      %add3A_551 = vector.broadcast %add3A_550 : i32 to vector<16xi32>
      %add3A_552 = arith.addi %gather3A_546, %add3A_551 : vector<16xi32>
      tpu.vector_store_idx %arg20[%add3A_536], %add3A_552 : memref<100xi32, #tpu.memory_space<vmem>>[vector<16xi32>], vector<16xi32>,
      %add3A_553 = arith.constant 20000 : i32
      %add3A_554 = vector.broadcast %add3A_553 : i32 to vector<16xi32>
      %add3A_555 = arith.addi %gather3A_541, %add3A_554 : vector<16xi32>
      tpu.vector_store_idx %arg15[%add3A_536], %add3A_555 : memref<100xi32, #tpu.memory_space<vmem>>[vector<16xi32>], vector<16xi32>,
      %add3A_556 = arith.constant 160000 : i32
      %add3A_557 = vector.broadcast %add3A_556 : i32 to vector<16xi32>
      %add3A_558 = arith.addi %gather3A_546, %add3A_557 : vector<16xi32>
      tpu.vector_store_idx %arg21[%add3A_536], %add3A_558 : memref<100xi32, #tpu.memory_space<vmem>>[vector<16xi32>], vector<16xi32>,
      %add3A_559 = arith.constant 40000 : i32
      %add3A_560 = vector.broadcast %add3A_559 : i32 to vector<16xi32>
      %add3A_561 = arith.addi %gather3A_541, %add3A_560 : vector<16xi32>
      tpu.vector_store_idx %arg16[%add3A_536], %add3A_561 : memref<100xi32, #tpu.memory_space<vmem>>[vector<16xi32>], vector<16xi32>,
      %add3A_562 = arith.constant 320000 : i32
      %add3A_563 = vector.broadcast %add3A_562 : i32 to vector<16xi32>
      %add3A_564 = arith.addi %gather3A_546, %add3A_563 : vector<16xi32>
      tpu.vector_store_idx %arg22[%add3A_536], %add3A_564 : memref<100xi32, #tpu.memory_space<vmem>>[vector<16xi32>], vector<16xi32>,
      %iota3A_565 = tpu.iota {dimensions = array<i32: 0>} : vector<16xi32>
      %add3A_566 = arith.constant 84 : i32
      %add3A_567 = vector.broadcast %add3A_566 : i32 to vector<16xi32>
      %add3A_568 = arith.addi %add3A_567, %iota3A_565 : vector<16xi32>
      %broadcast_in_dim3A_569 = arith.constant 0 : i32
      %broadcast_in_dim3A_570 = vector.broadcast %broadcast_in_dim3A_569 : i32 to vector<16xi32>
      %add3A_571 = vector.broadcast %add3A_372 : i32 to vector<16xi32>
      %add3A_572 = arith.addi %broadcast_in_dim3A_570, %add3A_571 : vector<16xi32>
      %gather3A_573 = tpu.vector_load_idx %arg10[%add3A_572, %add3A_568] : memref<50x100xi32, #tpu.memory_space<vmem>>[vector<16xi32>, vector<16xi32>], vector<16xi32>,
      %broadcast_in_dim3A_574 = arith.constant 0 : i32
      %broadcast_in_dim3A_575 = vector.broadcast %broadcast_in_dim3A_574 : i32 to vector<16xi32>
      %add3A_576 = vector.broadcast %add3A_372 : i32 to vector<16xi32>
      %add3A_577 = arith.addi %broadcast_in_dim3A_575, %add3A_576 : vector<16xi32>
      %gather3A_578 = tpu.vector_load_idx %arg9[%add3A_577, %add3A_568] : memref<50x100xi32, #tpu.memory_space<vmem>>[vector<16xi32>, vector<16xi32>], vector<16xi32>,
      %add3A_579 = arith.constant 0 : i32
      %add3A_580 = vector.broadcast %add3A_579 : i32 to vector<16xi32>
      %add3A_581 = arith.addi %gather3A_573, %add3A_580 : vector<16xi32>
      tpu.vector_store_idx %arg14[%add3A_568], %add3A_581 : memref<100xi32, #tpu.memory_space<vmem>>[vector<16xi32>], vector<16xi32>,
      %add3A_582 = arith.constant 0 : i32
      %add3A_583 = vector.broadcast %add3A_582 : i32 to vector<16xi32>
      %add3A_584 = arith.addi %gather3A_578, %add3A_583 : vector<16xi32>
      tpu.vector_store_idx %arg20[%add3A_568], %add3A_584 : memref<100xi32, #tpu.memory_space<vmem>>[vector<16xi32>], vector<16xi32>,
      %add3A_585 = arith.constant 20000 : i32
      %add3A_586 = vector.broadcast %add3A_585 : i32 to vector<16xi32>
      %add3A_587 = arith.addi %gather3A_573, %add3A_586 : vector<16xi32>
      tpu.vector_store_idx %arg15[%add3A_568], %add3A_587 : memref<100xi32, #tpu.memory_space<vmem>>[vector<16xi32>], vector<16xi32>,
      %add3A_588 = arith.constant 160000 : i32
      %add3A_589 = vector.broadcast %add3A_588 : i32 to vector<16xi32>
      %add3A_590 = arith.addi %gather3A_578, %add3A_589 : vector<16xi32>
      tpu.vector_store_idx %arg21[%add3A_568], %add3A_590 : memref<100xi32, #tpu.memory_space<vmem>>[vector<16xi32>], vector<16xi32>,
      %add3A_591 = arith.constant 40000 : i32
      %add3A_592 = vector.broadcast %add3A_591 : i32 to vector<16xi32>
      %add3A_593 = arith.addi %gather3A_573, %add3A_592 : vector<16xi32>
      tpu.vector_store_idx %arg16[%add3A_568], %add3A_593 : memref<100xi32, #tpu.memory_space<vmem>>[vector<16xi32>], vector<16xi32>,
      %add3A_594 = arith.constant 320000 : i32
      %add3A_595 = vector.broadcast %add3A_594 : i32 to vector<16xi32>
      %add3A_596 = arith.addi %gather3A_578, %add3A_595 : vector<16xi32>
      tpu.vector_store_idx %arg22[%add3A_568], %add3A_596 : memref<100xi32, #tpu.memory_space<vmem>>[vector<16xi32>], vector<16xi32>,
      %dma_start3A_597 = arith.constant 0 : i32
      %dma_start3A_598 = tpu.memref_slice %arg5[%dma_start3A_597] : memref<60000xi32, #tpu.memory_space<hbm>> -> memref<60000xi32, #tpu.memory_space<hbm>>
      tpu.enqueue_indirect_dma source(%dma_start3A_598 : memref<60000xi32, #tpu.memory_space<hbm>>) target(%arg26 : memref<100xi32, #tpu.memory_space<vmem>>) offsets(%arg14 : memref<100xi32, #tpu.memory_space<vmem>>) semaphore(%arg53 : memref<!tpu.dma_semaphore, #tpu.memory_space<semaphore_mem>>)
      %dma_start3A_599 = arith.constant 0 : i32
      %dma_start3A_600 = tpu.memref_slice %arg7[%dma_start3A_599] : memref<480000xf32, #tpu.memory_space<hbm>> -> memref<480000xf32, #tpu.memory_space<hbm>>
      tpu.enqueue_indirect_dma source(%dma_start3A_600 : memref<480000xf32, #tpu.memory_space<hbm>>) target(%arg32 : memref<100xf32, #tpu.memory_space<vmem>>) offsets(%arg20 : memref<100xi32, #tpu.memory_space<vmem>>) semaphore(%arg53 : memref<!tpu.dma_semaphore, #tpu.memory_space<semaphore_mem>>)
      %dma_start3A_601 = arith.constant 0 : i32
      %dma_start3A_602 = tpu.memref_slice %arg5[%dma_start3A_601] : memref<60000xi32, #tpu.memory_space<hbm>> -> memref<60000xi32, #tpu.memory_space<hbm>>
      tpu.enqueue_indirect_dma source(%dma_start3A_602 : memref<60000xi32, #tpu.memory_space<hbm>>) target(%arg27 : memref<100xi32, #tpu.memory_space<vmem>>) offsets(%arg15 : memref<100xi32, #tpu.memory_space<vmem>>) semaphore(%arg53 : memref<!tpu.dma_semaphore, #tpu.memory_space<semaphore_mem>>)
      %dma_start3A_603 = arith.constant 0 : i32
      %dma_start3A_604 = tpu.memref_slice %arg7[%dma_start3A_603] : memref<480000xf32, #tpu.memory_space<hbm>> -> memref<480000xf32, #tpu.memory_space<hbm>>
      tpu.enqueue_indirect_dma source(%dma_start3A_604 : memref<480000xf32, #tpu.memory_space<hbm>>) target(%arg33 : memref<100xf32, #tpu.memory_space<vmem>>) offsets(%arg21 : memref<100xi32, #tpu.memory_space<vmem>>) semaphore(%arg53 : memref<!tpu.dma_semaphore, #tpu.memory_space<semaphore_mem>>)
      %dma_start3A_605 = arith.constant 0 : i32
      %dma_start3A_606 = tpu.memref_slice %arg5[%dma_start3A_605] : memref<60000xi32, #tpu.memory_space<hbm>> -> memref<60000xi32, #tpu.memory_space<hbm>>
      tpu.enqueue_indirect_dma source(%dma_start3A_606 : memref<60000xi32, #tpu.memory_space<hbm>>) target(%arg28 : memref<100xi32, #tpu.memory_space<vmem>>) offsets(%arg16 : memref<100xi32, #tpu.memory_space<vmem>>) semaphore(%arg53 : memref<!tpu.dma_semaphore, #tpu.memory_space<semaphore_mem>>)
      %dma_start3A_607 = arith.constant 0 : i32
      %dma_start3A_608 = tpu.memref_slice %arg7[%dma_start3A_607] : memref<480000xf32, #tpu.memory_space<hbm>> -> memref<480000xf32, #tpu.memory_space<hbm>>
      tpu.enqueue_indirect_dma source(%dma_start3A_608 : memref<480000xf32, #tpu.memory_space<hbm>>) target(%arg34 : memref<100xf32, #tpu.memory_space<vmem>>) offsets(%arg22 : memref<100xi32, #tpu.memory_space<vmem>>) semaphore(%arg53 : memref<!tpu.dma_semaphore, #tpu.memory_space<semaphore_mem>>)
      %dma_wait3A_609 = arith.constant 0 : i32
      %dma_wait3A_610 = tpu.memref_slice %arg5[%dma_wait3A_609] : memref<60000xi32, #tpu.memory_space<hbm>> -> memref<60000xi32, #tpu.memory_space<hbm>>
      tpu.wait_indirect_dma semaphore(%arg52 : memref<!tpu.dma_semaphore, #tpu.memory_space<semaphore_mem>>) src(%dma_wait3A_610 : memref<60000xi32, #tpu.memory_space<hbm>>) dst(%arg23 : memref<100xi32, #tpu.memory_space<vmem>>)
      %dma_wait3A_611 = arith.constant 0 : i32
      %dma_wait3A_612 = tpu.memref_slice %arg7[%dma_wait3A_611] : memref<480000xf32, #tpu.memory_space<hbm>> -> memref<480000xf32, #tpu.memory_space<hbm>>
      tpu.wait_indirect_dma semaphore(%arg52 : memref<!tpu.dma_semaphore, #tpu.memory_space<semaphore_mem>>) src(%dma_wait3A_612 : memref<480000xf32, #tpu.memory_space<hbm>>) dst(%arg29 : memref<100xf32, #tpu.memory_space<vmem>>)
      %dma_wait3A_613 = arith.constant 0 : i32
      %dma_wait3A_614 = tpu.memref_slice %arg5[%dma_wait3A_613] : memref<60000xi32, #tpu.memory_space<hbm>> -> memref<60000xi32, #tpu.memory_space<hbm>>
      tpu.wait_indirect_dma semaphore(%arg52 : memref<!tpu.dma_semaphore, #tpu.memory_space<semaphore_mem>>) src(%dma_wait3A_614 : memref<60000xi32, #tpu.memory_space<hbm>>) dst(%arg24 : memref<100xi32, #tpu.memory_space<vmem>>)
      %dma_wait3A_615 = arith.constant 0 : i32
      %dma_wait3A_616 = tpu.memref_slice %arg7[%dma_wait3A_615] : memref<480000xf32, #tpu.memory_space<hbm>> -> memref<480000xf32, #tpu.memory_space<hbm>>
      tpu.wait_indirect_dma semaphore(%arg52 : memref<!tpu.dma_semaphore, #tpu.memory_space<semaphore_mem>>) src(%dma_wait3A_616 : memref<480000xf32, #tpu.memory_space<hbm>>) dst(%arg30 : memref<100xf32, #tpu.memory_space<vmem>>)
      %dma_wait3A_617 = arith.constant 0 : i32
      %dma_wait3A_618 = tpu.memref_slice %arg5[%dma_wait3A_617] : memref<60000xi32, #tpu.memory_space<hbm>> -> memref<60000xi32, #tpu.memory_space<hbm>>
      tpu.wait_indirect_dma semaphore(%arg52 : memref<!tpu.dma_semaphore, #tpu.memory_space<semaphore_mem>>) src(%dma_wait3A_618 : memref<60000xi32, #tpu.memory_space<hbm>>) dst(%arg25 : memref<100xi32, #tpu.memory_space<vmem>>)
      %dma_wait3A_619 = arith.constant 0 : i32
      %dma_wait3A_620 = tpu.memref_slice %arg7[%dma_wait3A_619] : memref<480000xf32, #tpu.memory_space<hbm>> -> memref<480000xf32, #tpu.memory_space<hbm>>
      tpu.wait_indirect_dma semaphore(%arg52 : memref<!tpu.dma_semaphore, #tpu.memory_space<semaphore_mem>>) src(%dma_wait3A_620 : memref<480000xf32, #tpu.memory_space<hbm>>) dst(%arg31 : memref<100xf32, #tpu.memory_space<vmem>>)
      %mul3A_621 = arith.constant 2 : i32
      %mul3A_622 = arith.muli %mul3A_621, %scan3A_368 : i32
      %iota3A_623 = tpu.iota {dimensions = array<i32: 0>} : vector<16xi32>
      %add3A_624 = arith.constant 0 : i32
      %add3A_625 = vector.broadcast %add3A_624 : i32 to vector<16xi32>
      %add3A_626 = arith.addi %add3A_625, %iota3A_623 : vector<16xi32>
      %mul3A_627 = arith.constant 100 : i32
      %mul3A_628 = arith.muli %mul3A_622, %mul3A_627 : i32
      %add3A_629 = vector.broadcast %mul3A_628 : i32 to vector<16xi32>
      %add3A_630 = arith.addi %add3A_629, %add3A_626 : vector<16xi32>
      %jit3A_631 = arith.constant 100 : i32
      %div3A_632 = vector.broadcast %jit3A_631 : i32 to vector<16xi32>
      %div3A_633 = arith.divsi %add3A_630, %div3A_632 : vector<16xi32>
      %sign3A_634 = arith.constant 0 : i32
      %sign3A_635 = vector.broadcast %sign3A_634 : i32 to vector<16xi32>
      %sign3A_636 = arith.cmpi sgt, %add3A_630, %sign3A_635 : vector<16xi32>
      %sign3A_637 = arith.extui %sign3A_636 : vector<16xi1> to vector<16xi32>
      %sign3A_638 = arith.constant 0 : i32
      %sign3A_639 = vector.broadcast %sign3A_638 : i32 to vector<16xi32>
      %sign3A_640 = arith.cmpi slt, %add3A_630, %sign3A_639 : vector<16xi32>
      %sign3A_641 = arith.extui %sign3A_640 : vector<16xi1> to vector<16xi32>
      %sign3A_642 = arith.subi %sign3A_637, %sign3A_641 : vector<16xi32>
      %sign3A_643 = arith.constant 0 : i32
      %sign3A_644 = arith.cmpi sgt, %jit3A_631, %sign3A_643 : i32
      %sign3A_645 = arith.extui %sign3A_644 : i1 to i32
      %sign3A_646 = arith.constant 0 : i32
      %sign3A_647 = arith.cmpi slt, %jit3A_631, %sign3A_646 : i32
      %sign3A_648 = arith.extui %sign3A_647 : i1 to i32
      %sign3A_649 = arith.subi %sign3A_645, %sign3A_648 : i32
      %ne3A_650 = vector.broadcast %sign3A_649 : i32 to vector<16xi32>
      %ne3A_651 = arith.cmpi ne, %sign3A_642, %ne3A_650 : vector<16xi32>
      %rem3A_652 = vector.broadcast %jit3A_631 : i32 to vector<16xi32>
      %rem3A_653 = arith.remsi %add3A_630, %rem3A_652 : vector<16xi32>
      %ne3A_654 = arith.constant 0 : i32
      %ne3A_655 = vector.broadcast %ne3A_654 : i32 to vector<16xi32>
      %ne3A_656 = arith.cmpi ne, %rem3A_653, %ne3A_655 : vector<16xi32>
      %and3A_657 = arith.andi %ne3A_651, %ne3A_656 : vector<16xi1>
      %sub3A_658 = arith.constant 1 : i32
      %sub3A_659 = vector.broadcast %sub3A_658 : i32 to vector<16xi32>
      %sub3A_660 = arith.subi %div3A_633, %sub3A_659 : vector<16xi32>
      %select_n3A_661 = arith.select %and3A_657, %sub3A_660, %div3A_633 : vector<16xi1>, vector<16xi32>
      %jit3A_662 = arith.constant 100 : i32
      %eq3A = arith.constant 0 : i32
      %eq3A_663 = arith.cmpi eq, %jit3A_662, %eq3A : i32
      %jit3A_664 = arith.constant 1 : i32
      %select_n3A_665 = arith.select %eq3A_663, %jit3A_664, %jit3A_662 : i32
      %rem3A_666 = vector.broadcast %select_n3A_665 : i32 to vector<16xi32>
      %rem3A_667 = arith.remsi %add3A_630, %rem3A_666 : vector<16xi32>
      %ne3A_668 = arith.constant 0 : i32
      %ne3A_669 = vector.broadcast %ne3A_668 : i32 to vector<16xi32>
      %ne3A_670 = arith.cmpi ne, %rem3A_667, %ne3A_669 : vector<16xi32>
      %lt3A = arith.constant 0 : i32
      %lt3A_671 = vector.broadcast %lt3A : i32 to vector<16xi32>
      %lt3A_672 = arith.cmpi slt, %rem3A_667, %lt3A_671 : vector<16xi32>
      %lt3A_673 = arith.constant 0 : i32
      %lt3A_674 = arith.cmpi slt, %select_n3A_665, %lt3A_673 : i32
      %ne3A_675 = vector.broadcast %lt3A_674 : i1 to vector<16xi1>
      %ne3A_676 = vector.broadcast %ne3A_675 : vector<16xi1> to vector<16xi1>
      %ne3A_677 = arith.xori %lt3A_672, %ne3A_676 : vector<16xi1>
      %and3A_678 = arith.andi %ne3A_677, %ne3A_670 : vector<16xi1>
      %add3A_679 = vector.broadcast %select_n3A_665 : i32 to vector<16xi32>
      %add3A_680 = arith.addi %rem3A_667, %add3A_679 : vector<16xi32>
      %select_n3A_681 = arith.select %and3A_678, %add3A_680, %rem3A_667 : vector<16xi1>, vector<16xi32>
      %gather3A_682 = tpu.vector_load_idx %arg23[%add3A_626] : memref<100xi32, #tpu.memory_space<vmem>>[vector<16xi32>], vector<16xi32>,
      tpu.vector_store_idx %arg35[%select_n3A_661, %select_n3A_681], %gather3A_682 : memref<50x100xi32, #tpu.memory_space<vmem>>[vector<16xi32>, vector<16xi32>], vector<16xi32>,
      %gather3A_683 = tpu.vector_load_idx %arg29[%add3A_626] : memref<100xf32, #tpu.memory_space<vmem>>[vector<16xi32>], vector<16xf32>,
      tpu.vector_store_idx %arg38[%select_n3A_661, %select_n3A_681], %gather3A_683 : memref<50x100xf32, #tpu.memory_space<vmem>>[vector<16xi32>, vector<16xi32>], vector<16xf32>,
      %gather3A_684 = tpu.vector_load_idx %arg24[%add3A_626] : memref<100xi32, #tpu.memory_space<vmem>>[vector<16xi32>], vector<16xi32>,
      tpu.vector_store_idx %arg36[%select_n3A_661, %select_n3A_681], %gather3A_684 : memref<50x100xi32, #tpu.memory_space<vmem>>[vector<16xi32>, vector<16xi32>], vector<16xi32>,
      %gather3A_685 = tpu.vector_load_idx %arg30[%add3A_626] : memref<100xf32, #tpu.memory_space<vmem>>[vector<16xi32>], vector<16xf32>,
      tpu.vector_store_idx %arg39[%select_n3A_661, %select_n3A_681], %gather3A_685 : memref<50x100xf32, #tpu.memory_space<vmem>>[vector<16xi32>, vector<16xi32>], vector<16xf32>,
      %gather3A_686 = tpu.vector_load_idx %arg25[%add3A_626] : memref<100xi32, #tpu.memory_space<vmem>>[vector<16xi32>], vector<16xi32>,
      tpu.vector_store_idx %arg37[%select_n3A_661, %select_n3A_681], %gather3A_686 : memref<50x100xi32, #tpu.memory_space<vmem>>[vector<16xi32>, vector<16xi32>], vector<16xi32>,
      %gather3A_687 = tpu.vector_load_idx %arg31[%add3A_626] : memref<100xf32, #tpu.memory_space<vmem>>[vector<16xi32>], vector<16xf32>,
      tpu.vector_store_idx %arg40[%select_n3A_661, %select_n3A_681], %gather3A_687 : memref<50x100xf32, #tpu.memory_space<vmem>>[vector<16xi32>, vector<16xi32>], vector<16xf32>,
      %iota3A_688 = tpu.iota {dimensions = array<i32: 0>} : vector<16xi32>
      %add3A_689 = arith.constant 16 : i32
      %add3A_690 = vector.broadcast %add3A_689 : i32 to vector<16xi32>
      %add3A_691 = arith.addi %add3A_690, %iota3A_688 : vector<16xi32>
      %mul3A_692 = arith.constant 100 : i32
      %mul3A_693 = arith.muli %mul3A_622, %mul3A_692 : i32
      %add3A_694 = vector.broadcast %mul3A_693 : i32 to vector<16xi32>
      %add3A_695 = arith.addi %add3A_694, %add3A_691 : vector<16xi32>
      %jit3A_696 = arith.constant 100 : i32
      %div3A_697 = vector.broadcast %jit3A_696 : i32 to vector<16xi32>
      %div3A_698 = arith.divsi %add3A_695, %div3A_697 : vector<16xi32>
      %sign3A_699 = arith.constant 0 : i32
      %sign3A_700 = vector.broadcast %sign3A_699 : i32 to vector<16xi32>
      %sign3A_701 = arith.cmpi sgt, %add3A_695, %sign3A_700 : vector<16xi32>
      %sign3A_702 = arith.extui %sign3A_701 : vector<16xi1> to vector<16xi32>
      %sign3A_703 = arith.constant 0 : i32
      %sign3A_704 = vector.broadcast %sign3A_703 : i32 to vector<16xi32>
      %sign3A_705 = arith.cmpi slt, %add3A_695, %sign3A_704 : vector<16xi32>
      %sign3A_706 = arith.extui %sign3A_705 : vector<16xi1> to vector<16xi32>
      %sign3A_707 = arith.subi %sign3A_702, %sign3A_706 : vector<16xi32>
      %sign3A_708 = arith.constant 0 : i32
      %sign3A_709 = arith.cmpi sgt, %jit3A_696, %sign3A_708 : i32
      %sign3A_710 = arith.extui %sign3A_709 : i1 to i32
      %sign3A_711 = arith.constant 0 : i32
      %sign3A_712 = arith.cmpi slt, %jit3A_696, %sign3A_711 : i32
      %sign3A_713 = arith.extui %sign3A_712 : i1 to i32
      %sign3A_714 = arith.subi %sign3A_710, %sign3A_713 : i32
      %ne3A_715 = vector.broadcast %sign3A_714 : i32 to vector<16xi32>
      %ne3A_716 = arith.cmpi ne, %sign3A_707, %ne3A_715 : vector<16xi32>
      %rem3A_717 = vector.broadcast %jit3A_696 : i32 to vector<16xi32>
      %rem3A_718 = arith.remsi %add3A_695, %rem3A_717 : vector<16xi32>
      %ne3A_719 = arith.constant 0 : i32
      %ne3A_720 = vector.broadcast %ne3A_719 : i32 to vector<16xi32>
      %ne3A_721 = arith.cmpi ne, %rem3A_718, %ne3A_720 : vector<16xi32>
      %and3A_722 = arith.andi %ne3A_716, %ne3A_721 : vector<16xi1>
      %sub3A_723 = arith.constant 1 : i32
      %sub3A_724 = vector.broadcast %sub3A_723 : i32 to vector<16xi32>
      %sub3A_725 = arith.subi %div3A_698, %sub3A_724 : vector<16xi32>
      %select_n3A_726 = arith.select %and3A_722, %sub3A_725, %div3A_698 : vector<16xi1>, vector<16xi32>
      %jit3A_727 = arith.constant 100 : i32
      %eq3A_728 = arith.constant 0 : i32
      %eq3A_729 = arith.cmpi eq, %jit3A_727, %eq3A_728 : i32
      %jit3A_730 = arith.constant 1 : i32
      %select_n3A_731 = arith.select %eq3A_729, %jit3A_730, %jit3A_727 : i32
      %rem3A_732 = vector.broadcast %select_n3A_731 : i32 to vector<16xi32>
      %rem3A_733 = arith.remsi %add3A_695, %rem3A_732 : vector<16xi32>
      %ne3A_734 = arith.constant 0 : i32
      %ne3A_735 = vector.broadcast %ne3A_734 : i32 to vector<16xi32>
      %ne3A_736 = arith.cmpi ne, %rem3A_733, %ne3A_735 : vector<16xi32>
      %lt3A_737 = arith.constant 0 : i32
      %lt3A_738 = vector.broadcast %lt3A_737 : i32 to vector<16xi32>
      %lt3A_739 = arith.cmpi slt, %rem3A_733, %lt3A_738 : vector<16xi32>
      %lt3A_740 = arith.constant 0 : i32
      %lt3A_741 = arith.cmpi slt, %select_n3A_731, %lt3A_740 : i32
      %ne3A_742 = vector.broadcast %lt3A_741 : i1 to vector<16xi1>
      %ne3A_743 = vector.broadcast %ne3A_742 : vector<16xi1> to vector<16xi1>
      %ne3A_744 = arith.xori %lt3A_739, %ne3A_743 : vector<16xi1>
      %and3A_745 = arith.andi %ne3A_744, %ne3A_736 : vector<16xi1>
      %add3A_746 = vector.broadcast %select_n3A_731 : i32 to vector<16xi32>
      %add3A_747 = arith.addi %rem3A_733, %add3A_746 : vector<16xi32>
      %select_n3A_748 = arith.select %and3A_745, %add3A_747, %rem3A_733 : vector<16xi1>, vector<16xi32>
      %gather3A_749 = tpu.vector_load_idx %arg23[%add3A_691] : memref<100xi32, #tpu.memory_space<vmem>>[vector<16xi32>], vector<16xi32>,
      tpu.vector_store_idx %arg35[%select_n3A_726, %select_n3A_748], %gather3A_749 : memref<50x100xi32, #tpu.memory_space<vmem>>[vector<16xi32>, vector<16xi32>], vector<16xi32>,
      %gather3A_750 = tpu.vector_load_idx %arg29[%add3A_691] : memref<100xf32, #tpu.memory_space<vmem>>[vector<16xi32>], vector<16xf32>,
      tpu.vector_store_idx %arg38[%select_n3A_726, %select_n3A_748], %gather3A_750 : memref<50x100xf32, #tpu.memory_space<vmem>>[vector<16xi32>, vector<16xi32>], vector<16xf32>,
      %gather3A_751 = tpu.vector_load_idx %arg24[%add3A_691] : memref<100xi32, #tpu.memory_space<vmem>>[vector<16xi32>], vector<16xi32>,
      tpu.vector_store_idx %arg36[%select_n3A_726, %select_n3A_748], %gather3A_751 : memref<50x100xi32, #tpu.memory_space<vmem>>[vector<16xi32>, vector<16xi32>], vector<16xi32>,
      %gather3A_752 = tpu.vector_load_idx %arg30[%add3A_691] : memref<100xf32, #tpu.memory_space<vmem>>[vector<16xi32>], vector<16xf32>,
      tpu.vector_store_idx %arg39[%select_n3A_726, %select_n3A_748], %gather3A_752 : memref<50x100xf32, #tpu.memory_space<vmem>>[vector<16xi32>, vector<16xi32>], vector<16xf32>,
      %gather3A_753 = tpu.vector_load_idx %arg25[%add3A_691] : memref<100xi32, #tpu.memory_space<vmem>>[vector<16xi32>], vector<16xi32>,
      tpu.vector_store_idx %arg37[%select_n3A_726, %select_n3A_748], %gather3A_753 : memref<50x100xi32, #tpu.memory_space<vmem>>[vector<16xi32>, vector<16xi32>], vector<16xi32>,
      %gather3A_754 = tpu.vector_load_idx %arg31[%add3A_691] : memref<100xf32, #tpu.memory_space<vmem>>[vector<16xi32>], vector<16xf32>,
      tpu.vector_store_idx %arg40[%select_n3A_726, %select_n3A_748], %gather3A_754 : memref<50x100xf32, #tpu.memory_space<vmem>>[vector<16xi32>, vector<16xi32>], vector<16xf32>,
      %iota3A_755 = tpu.iota {dimensions = array<i32: 0>} : vector<16xi32>
      %add3A_756 = arith.constant 32 : i32
      %add3A_757 = vector.broadcast %add3A_756 : i32 to vector<16xi32>
      %add3A_758 = arith.addi %add3A_757, %iota3A_755 : vector<16xi32>
      %mul3A_759 = arith.constant 100 : i32
      %mul3A_760 = arith.muli %mul3A_622, %mul3A_759 : i32
      %add3A_761 = vector.broadcast %mul3A_760 : i32 to vector<16xi32>
      %add3A_762 = arith.addi %add3A_761, %add3A_758 : vector<16xi32>
      %jit3A_763 = arith.constant 100 : i32
      %div3A_764 = vector.broadcast %jit3A_763 : i32 to vector<16xi32>
      %div3A_765 = arith.divsi %add3A_762, %div3A_764 : vector<16xi32>
      %sign3A_766 = arith.constant 0 : i32
      %sign3A_767 = vector.broadcast %sign3A_766 : i32 to vector<16xi32>
      %sign3A_768 = arith.cmpi sgt, %add3A_762, %sign3A_767 : vector<16xi32>
      %sign3A_769 = arith.extui %sign3A_768 : vector<16xi1> to vector<16xi32>
      %sign3A_770 = arith.constant 0 : i32
      %sign3A_771 = vector.broadcast %sign3A_770 : i32 to vector<16xi32>
      %sign3A_772 = arith.cmpi slt, %add3A_762, %sign3A_771 : vector<16xi32>
      %sign3A_773 = arith.extui %sign3A_772 : vector<16xi1> to vector<16xi32>
      %sign3A_774 = arith.subi %sign3A_769, %sign3A_773 : vector<16xi32>
      %sign3A_775 = arith.constant 0 : i32
      %sign3A_776 = arith.cmpi sgt, %jit3A_763, %sign3A_775 : i32
      %sign3A_777 = arith.extui %sign3A_776 : i1 to i32
      %sign3A_778 = arith.constant 0 : i32
      %sign3A_779 = arith.cmpi slt, %jit3A_763, %sign3A_778 : i32
      %sign3A_780 = arith.extui %sign3A_779 : i1 to i32
      %sign3A_781 = arith.subi %sign3A_777, %sign3A_780 : i32
      %ne3A_782 = vector.broadcast %sign3A_781 : i32 to vector<16xi32>
      %ne3A_783 = arith.cmpi ne, %sign3A_774, %ne3A_782 : vector<16xi32>
      %rem3A_784 = vector.broadcast %jit3A_763 : i32 to vector<16xi32>
      %rem3A_785 = arith.remsi %add3A_762, %rem3A_784 : vector<16xi32>
      %ne3A_786 = arith.constant 0 : i32
      %ne3A_787 = vector.broadcast %ne3A_786 : i32 to vector<16xi32>
      %ne3A_788 = arith.cmpi ne, %rem3A_785, %ne3A_787 : vector<16xi32>
      %and3A_789 = arith.andi %ne3A_783, %ne3A_788 : vector<16xi1>
      %sub3A_790 = arith.constant 1 : i32
      %sub3A_791 = vector.broadcast %sub3A_790 : i32 to vector<16xi32>
      %sub3A_792 = arith.subi %div3A_765, %sub3A_791 : vector<16xi32>
      %select_n3A_793 = arith.select %and3A_789, %sub3A_792, %div3A_765 : vector<16xi1>, vector<16xi32>
      %jit3A_794 = arith.constant 100 : i32
      %eq3A_795 = arith.constant 0 : i32
      %eq3A_796 = arith.cmpi eq, %jit3A_794, %eq3A_795 : i32
      %jit3A_797 = arith.constant 1 : i32
      %select_n3A_798 = arith.select %eq3A_796, %jit3A_797, %jit3A_794 : i32
      %rem3A_799 = vector.broadcast %select_n3A_798 : i32 to vector<16xi32>
      %rem3A_800 = arith.remsi %add3A_762, %rem3A_799 : vector<16xi32>
      %ne3A_801 = arith.constant 0 : i32
      %ne3A_802 = vector.broadcast %ne3A_801 : i32 to vector<16xi32>
      %ne3A_803 = arith.cmpi ne, %rem3A_800, %ne3A_802 : vector<16xi32>
      %lt3A_804 = arith.constant 0 : i32
      %lt3A_805 = vector.broadcast %lt3A_804 : i32 to vector<16xi32>
      %lt3A_806 = arith.cmpi slt, %rem3A_800, %lt3A_805 : vector<16xi32>
      %lt3A_807 = arith.constant 0 : i32
      %lt3A_808 = arith.cmpi slt, %select_n3A_798, %lt3A_807 : i32
      %ne3A_809 = vector.broadcast %lt3A_808 : i1 to vector<16xi1>
      %ne3A_810 = vector.broadcast %ne3A_809 : vector<16xi1> to vector<16xi1>
      %ne3A_811 = arith.xori %lt3A_806, %ne3A_810 : vector<16xi1>
      %and3A_812 = arith.andi %ne3A_811, %ne3A_803 : vector<16xi1>
      %add3A_813 = vector.broadcast %select_n3A_798 : i32 to vector<16xi32>
      %add3A_814 = arith.addi %rem3A_800, %add3A_813 : vector<16xi32>
      %select_n3A_815 = arith.select %and3A_812, %add3A_814, %rem3A_800 : vector<16xi1>, vector<16xi32>
      %gather3A_816 = tpu.vector_load_idx %arg23[%add3A_758] : memref<100xi32, #tpu.memory_space<vmem>>[vector<16xi32>], vector<16xi32>,
      tpu.vector_store_idx %arg35[%select_n3A_793, %select_n3A_815], %gather3A_816 : memref<50x100xi32, #tpu.memory_space<vmem>>[vector<16xi32>, vector<16xi32>], vector<16xi32>,
      %gather3A_817 = tpu.vector_load_idx %arg29[%add3A_758] : memref<100xf32, #tpu.memory_space<vmem>>[vector<16xi32>], vector<16xf32>,
      tpu.vector_store_idx %arg38[%select_n3A_793, %select_n3A_815], %gather3A_817 : memref<50x100xf32, #tpu.memory_space<vmem>>[vector<16xi32>, vector<16xi32>], vector<16xf32>,
      %gather3A_818 = tpu.vector_load_idx %arg24[%add3A_758] : memref<100xi32, #tpu.memory_space<vmem>>[vector<16xi32>], vector<16xi32>,
      tpu.vector_store_idx %arg36[%select_n3A_793, %select_n3A_815], %gather3A_818 : memref<50x100xi32, #tpu.memory_space<vmem>>[vector<16xi32>, vector<16xi32>], vector<16xi32>,
      %gather3A_819 = tpu.vector_load_idx %arg30[%add3A_758] : memref<100xf32, #tpu.memory_space<vmem>>[vector<16xi32>], vector<16xf32>,
      tpu.vector_store_idx %arg39[%select_n3A_793, %select_n3A_815], %gather3A_819 : memref<50x100xf32, #tpu.memory_space<vmem>>[vector<16xi32>, vector<16xi32>], vector<16xf32>,
      %gather3A_820 = tpu.vector_load_idx %arg25[%add3A_758] : memref<100xi32, #tpu.memory_space<vmem>>[vector<16xi32>], vector<16xi32>,
      tpu.vector_store_idx %arg37[%select_n3A_793, %select_n3A_815], %gather3A_820 : memref<50x100xi32, #tpu.memory_space<vmem>>[vector<16xi32>, vector<16xi32>], vector<16xi32>,
      %gather3A_821 = tpu.vector_load_idx %arg31[%add3A_758] : memref<100xf32, #tpu.memory_space<vmem>>[vector<16xi32>], vector<16xf32>,
      tpu.vector_store_idx %arg40[%select_n3A_793, %select_n3A_815], %gather3A_821 : memref<50x100xf32, #tpu.memory_space<vmem>>[vector<16xi32>, vector<16xi32>], vector<16xf32>,
      %iota3A_822 = tpu.iota {dimensions = array<i32: 0>} : vector<16xi32>
      %add3A_823 = arith.constant 48 : i32
      %add3A_824 = vector.broadcast %add3A_823 : i32 to vector<16xi32>
      %add3A_825 = arith.addi %add3A_824, %iota3A_822 : vector<16xi32>
      %mul3A_826 = arith.constant 100 : i32
      %mul3A_827 = arith.muli %mul3A_622, %mul3A_826 : i32
      %add3A_828 = vector.broadcast %mul3A_827 : i32 to vector<16xi32>
      %add3A_829 = arith.addi %add3A_828, %add3A_825 : vector<16xi32>
      %jit3A_830 = arith.constant 100 : i32
      %div3A_831 = vector.broadcast %jit3A_830 : i32 to vector<16xi32>
      %div3A_832 = arith.divsi %add3A_829, %div3A_831 : vector<16xi32>
      %sign3A_833 = arith.constant 0 : i32
      %sign3A_834 = vector.broadcast %sign3A_833 : i32 to vector<16xi32>
      %sign3A_835 = arith.cmpi sgt, %add3A_829, %sign3A_834 : vector<16xi32>
      %sign3A_836 = arith.extui %sign3A_835 : vector<16xi1> to vector<16xi32>
      %sign3A_837 = arith.constant 0 : i32
      %sign3A_838 = vector.broadcast %sign3A_837 : i32 to vector<16xi32>
      %sign3A_839 = arith.cmpi slt, %add3A_829, %sign3A_838 : vector<16xi32>
      %sign3A_840 = arith.extui %sign3A_839 : vector<16xi1> to vector<16xi32>
      %sign3A_841 = arith.subi %sign3A_836, %sign3A_840 : vector<16xi32>
      %sign3A_842 = arith.constant 0 : i32
      %sign3A_843 = arith.cmpi sgt, %jit3A_830, %sign3A_842 : i32
      %sign3A_844 = arith.extui %sign3A_843 : i1 to i32
      %sign3A_845 = arith.constant 0 : i32
      %sign3A_846 = arith.cmpi slt, %jit3A_830, %sign3A_845 : i32
      %sign3A_847 = arith.extui %sign3A_846 : i1 to i32
      %sign3A_848 = arith.subi %sign3A_844, %sign3A_847 : i32
      %ne3A_849 = vector.broadcast %sign3A_848 : i32 to vector<16xi32>
      %ne3A_850 = arith.cmpi ne, %sign3A_841, %ne3A_849 : vector<16xi32>
      %rem3A_851 = vector.broadcast %jit3A_830 : i32 to vector<16xi32>
      %rem3A_852 = arith.remsi %add3A_829, %rem3A_851 : vector<16xi32>
      %ne3A_853 = arith.constant 0 : i32
      %ne3A_854 = vector.broadcast %ne3A_853 : i32 to vector<16xi32>
      %ne3A_855 = arith.cmpi ne, %rem3A_852, %ne3A_854 : vector<16xi32>
      %and3A_856 = arith.andi %ne3A_850, %ne3A_855 : vector<16xi1>
      %sub3A_857 = arith.constant 1 : i32
      %sub3A_858 = vector.broadcast %sub3A_857 : i32 to vector<16xi32>
      %sub3A_859 = arith.subi %div3A_832, %sub3A_858 : vector<16xi32>
      %select_n3A_860 = arith.select %and3A_856, %sub3A_859, %div3A_832 : vector<16xi1>, vector<16xi32>
      %jit3A_861 = arith.constant 100 : i32
      %eq3A_862 = arith.constant 0 : i32
      %eq3A_863 = arith.cmpi eq, %jit3A_861, %eq3A_862 : i32
      %jit3A_864 = arith.constant 1 : i32
      %select_n3A_865 = arith.select %eq3A_863, %jit3A_864, %jit3A_861 : i32
      %rem3A_866 = vector.broadcast %select_n3A_865 : i32 to vector<16xi32>
      %rem3A_867 = arith.remsi %add3A_829, %rem3A_866 : vector<16xi32>
      %ne3A_868 = arith.constant 0 : i32
      %ne3A_869 = vector.broadcast %ne3A_868 : i32 to vector<16xi32>
      %ne3A_870 = arith.cmpi ne, %rem3A_867, %ne3A_869 : vector<16xi32>
      %lt3A_871 = arith.constant 0 : i32
      %lt3A_872 = vector.broadcast %lt3A_871 : i32 to vector<16xi32>
      %lt3A_873 = arith.cmpi slt, %rem3A_867, %lt3A_872 : vector<16xi32>
      %lt3A_874 = arith.constant 0 : i32
      %lt3A_875 = arith.cmpi slt, %select_n3A_865, %lt3A_874 : i32
      %ne3A_876 = vector.broadcast %lt3A_875 : i1 to vector<16xi1>
      %ne3A_877 = vector.broadcast %ne3A_876 : vector<16xi1> to vector<16xi1>
      %ne3A_878 = arith.xori %lt3A_873, %ne3A_877 : vector<16xi1>
      %and3A_879 = arith.andi %ne3A_878, %ne3A_870 : vector<16xi1>
      %add3A_880 = vector.broadcast %select_n3A_865 : i32 to vector<16xi32>
      %add3A_881 = arith.addi %rem3A_867, %add3A_880 : vector<16xi32>
      %select_n3A_882 = arith.select %and3A_879, %add3A_881, %rem3A_867 : vector<16xi1>, vector<16xi32>
      %gather3A_883 = tpu.vector_load_idx %arg23[%add3A_825] : memref<100xi32, #tpu.memory_space<vmem>>[vector<16xi32>], vector<16xi32>,
      tpu.vector_store_idx %arg35[%select_n3A_860, %select_n3A_882], %gather3A_883 : memref<50x100xi32, #tpu.memory_space<vmem>>[vector<16xi32>, vector<16xi32>], vector<16xi32>,
      %gather3A_884 = tpu.vector_load_idx %arg29[%add3A_825] : memref<100xf32, #tpu.memory_space<vmem>>[vector<16xi32>], vector<16xf32>,
      tpu.vector_store_idx %arg38[%select_n3A_860, %select_n3A_882], %gather3A_884 : memref<50x100xf32, #tpu.memory_space<vmem>>[vector<16xi32>, vector<16xi32>], vector<16xf32>,
      %gather3A_885 = tpu.vector_load_idx %arg24[%add3A_825] : memref<100xi32, #tpu.memory_space<vmem>>[vector<16xi32>], vector<16xi32>,
      tpu.vector_store_idx %arg36[%select_n3A_860, %select_n3A_882], %gather3A_885 : memref<50x100xi32, #tpu.memory_space<vmem>>[vector<16xi32>, vector<16xi32>], vector<16xi32>,
      %gather3A_886 = tpu.vector_load_idx %arg30[%add3A_825] : memref<100xf32, #tpu.memory_space<vmem>>[vector<16xi32>], vector<16xf32>,
      tpu.vector_store_idx %arg39[%select_n3A_860, %select_n3A_882], %gather3A_886 : memref<50x100xf32, #tpu.memory_space<vmem>>[vector<16xi32>, vector<16xi32>], vector<16xf32>,
      %gather3A_887 = tpu.vector_load_idx %arg25[%add3A_825] : memref<100xi32, #tpu.memory_space<vmem>>[vector<16xi32>], vector<16xi32>,
      tpu.vector_store_idx %arg37[%select_n3A_860, %select_n3A_882], %gather3A_887 : memref<50x100xi32, #tpu.memory_space<vmem>>[vector<16xi32>, vector<16xi32>], vector<16xi32>,
      %gather3A_888 = tpu.vector_load_idx %arg31[%add3A_825] : memref<100xf32, #tpu.memory_space<vmem>>[vector<16xi32>], vector<16xf32>,
      tpu.vector_store_idx %arg40[%select_n3A_860, %select_n3A_882], %gather3A_888 : memref<50x100xf32, #tpu.memory_space<vmem>>[vector<16xi32>, vector<16xi32>], vector<16xf32>,
      %iota3A_889 = tpu.iota {dimensions = array<i32: 0>} : vector<16xi32>
      %add3A_890 = arith.constant 64 : i32
      %add3A_891 = vector.broadcast %add3A_890 : i32 to vector<16xi32>
      %add3A_892 = arith.addi %add3A_891, %iota3A_889 : vector<16xi32>
      %mul3A_893 = arith.constant 100 : i32
      %mul3A_894 = arith.muli %mul3A_622, %mul3A_893 : i32
      %add3A_895 = vector.broadcast %mul3A_894 : i32 to vector<16xi32>
      %add3A_896 = arith.addi %add3A_895, %add3A_892 : vector<16xi32>
      %jit3A_897 = arith.constant 100 : i32
      %div3A_898 = vector.broadcast %jit3A_897 : i32 to vector<16xi32>
      %div3A_899 = arith.divsi %add3A_896, %div3A_898 : vector<16xi32>
      %sign3A_900 = arith.constant 0 : i32
      %sign3A_901 = vector.broadcast %sign3A_900 : i32 to vector<16xi32>
      %sign3A_902 = arith.cmpi sgt, %add3A_896, %sign3A_901 : vector<16xi32>
      %sign3A_903 = arith.extui %sign3A_902 : vector<16xi1> to vector<16xi32>
      %sign3A_904 = arith.constant 0 : i32
      %sign3A_905 = vector.broadcast %sign3A_904 : i32 to vector<16xi32>
      %sign3A_906 = arith.cmpi slt, %add3A_896, %sign3A_905 : vector<16xi32>
      %sign3A_907 = arith.extui %sign3A_906 : vector<16xi1> to vector<16xi32>
      %sign3A_908 = arith.subi %sign3A_903, %sign3A_907 : vector<16xi32>
      %sign3A_909 = arith.constant 0 : i32
      %sign3A_910 = arith.cmpi sgt, %jit3A_897, %sign3A_909 : i32
      %sign3A_911 = arith.extui %sign3A_910 : i1 to i32
      %sign3A_912 = arith.constant 0 : i32
      %sign3A_913 = arith.cmpi slt, %jit3A_897, %sign3A_912 : i32
      %sign3A_914 = arith.extui %sign3A_913 : i1 to i32
      %sign3A_915 = arith.subi %sign3A_911, %sign3A_914 : i32
      %ne3A_916 = vector.broadcast %sign3A_915 : i32 to vector<16xi32>
      %ne3A_917 = arith.cmpi ne, %sign3A_908, %ne3A_916 : vector<16xi32>
      %rem3A_918 = vector.broadcast %jit3A_897 : i32 to vector<16xi32>
      %rem3A_919 = arith.remsi %add3A_896, %rem3A_918 : vector<16xi32>
      %ne3A_920 = arith.constant 0 : i32
      %ne3A_921 = vector.broadcast %ne3A_920 : i32 to vector<16xi32>
      %ne3A_922 = arith.cmpi ne, %rem3A_919, %ne3A_921 : vector<16xi32>
      %and3A_923 = arith.andi %ne3A_917, %ne3A_922 : vector<16xi1>
      %sub3A_924 = arith.constant 1 : i32
      %sub3A_925 = vector.broadcast %sub3A_924 : i32 to vector<16xi32>
      %sub3A_926 = arith.subi %div3A_899, %sub3A_925 : vector<16xi32>
      %select_n3A_927 = arith.select %and3A_923, %sub3A_926, %div3A_899 : vector<16xi1>, vector<16xi32>
      %jit3A_928 = arith.constant 100 : i32
      %eq3A_929 = arith.constant 0 : i32
      %eq3A_930 = arith.cmpi eq, %jit3A_928, %eq3A_929 : i32
      %jit3A_931 = arith.constant 1 : i32
      %select_n3A_932 = arith.select %eq3A_930, %jit3A_931, %jit3A_928 : i32
      %rem3A_933 = vector.broadcast %select_n3A_932 : i32 to vector<16xi32>
      %rem3A_934 = arith.remsi %add3A_896, %rem3A_933 : vector<16xi32>
      %ne3A_935 = arith.constant 0 : i32
      %ne3A_936 = vector.broadcast %ne3A_935 : i32 to vector<16xi32>
      %ne3A_937 = arith.cmpi ne, %rem3A_934, %ne3A_936 : vector<16xi32>
      %lt3A_938 = arith.constant 0 : i32
      %lt3A_939 = vector.broadcast %lt3A_938 : i32 to vector<16xi32>
      %lt3A_940 = arith.cmpi slt, %rem3A_934, %lt3A_939 : vector<16xi32>
      %lt3A_941 = arith.constant 0 : i32
      %lt3A_942 = arith.cmpi slt, %select_n3A_932, %lt3A_941 : i32
      %ne3A_943 = vector.broadcast %lt3A_942 : i1 to vector<16xi1>
      %ne3A_944 = vector.broadcast %ne3A_943 : vector<16xi1> to vector<16xi1>
      %ne3A_945 = arith.xori %lt3A_940, %ne3A_944 : vector<16xi1>
      %and3A_946 = arith.andi %ne3A_945, %ne3A_937 : vector<16xi1>
      %add3A_947 = vector.broadcast %select_n3A_932 : i32 to vector<16xi32>
      %add3A_948 = arith.addi %rem3A_934, %add3A_947 : vector<16xi32>
      %select_n3A_949 = arith.select %and3A_946, %add3A_948, %rem3A_934 : vector<16xi1>, vector<16xi32>
      %gather3A_950 = tpu.vector_load_idx %arg23[%add3A_892] : memref<100xi32, #tpu.memory_space<vmem>>[vector<16xi32>], vector<16xi32>,
      tpu.vector_store_idx %arg35[%select_n3A_927, %select_n3A_949], %gather3A_950 : memref<50x100xi32, #tpu.memory_space<vmem>>[vector<16xi32>, vector<16xi32>], vector<16xi32>,
      %gather3A_951 = tpu.vector_load_idx %arg29[%add3A_892] : memref<100xf32, #tpu.memory_space<vmem>>[vector<16xi32>], vector<16xf32>,
      tpu.vector_store_idx %arg38[%select_n3A_927, %select_n3A_949], %gather3A_951 : memref<50x100xf32, #tpu.memory_space<vmem>>[vector<16xi32>, vector<16xi32>], vector<16xf32>,
      %gather3A_952 = tpu.vector_load_idx %arg24[%add3A_892] : memref<100xi32, #tpu.memory_space<vmem>>[vector<16xi32>], vector<16xi32>,
      tpu.vector_store_idx %arg36[%select_n3A_927, %select_n3A_949], %gather3A_952 : memref<50x100xi32, #tpu.memory_space<vmem>>[vector<16xi32>, vector<16xi32>], vector<16xi32>,
      %gather3A_953 = tpu.vector_load_idx %arg30[%add3A_892] : memref<100xf32, #tpu.memory_space<vmem>>[vector<16xi32>], vector<16xf32>,
      tpu.vector_store_idx %arg39[%select_n3A_927, %select_n3A_949], %gather3A_953 : memref<50x100xf32, #tpu.memory_space<vmem>>[vector<16xi32>, vector<16xi32>], vector<16xf32>,
      %gather3A_954 = tpu.vector_load_idx %arg25[%add3A_892] : memref<100xi32, #tpu.memory_space<vmem>>[vector<16xi32>], vector<16xi32>,
      tpu.vector_store_idx %arg37[%select_n3A_927, %select_n3A_949], %gather3A_954 : memref<50x100xi32, #tpu.memory_space<vmem>>[vector<16xi32>, vector<16xi32>], vector<16xi32>,
      %gather3A_955 = tpu.vector_load_idx %arg31[%add3A_892] : memref<100xf32, #tpu.memory_space<vmem>>[vector<16xi32>], vector<16xf32>,
      tpu.vector_store_idx %arg40[%select_n3A_927, %select_n3A_949], %gather3A_955 : memref<50x100xf32, #tpu.memory_space<vmem>>[vector<16xi32>, vector<16xi32>], vector<16xf32>,
      %iota3A_956 = tpu.iota {dimensions = array<i32: 0>} : vector<16xi32>
      %add3A_957 = arith.constant 80 : i32
      %add3A_958 = vector.broadcast %add3A_957 : i32 to vector<16xi32>
      %add3A_959 = arith.addi %add3A_958, %iota3A_956 : vector<16xi32>
      %mul3A_960 = arith.constant 100 : i32
      %mul3A_961 = arith.muli %mul3A_622, %mul3A_960 : i32
      %add3A_962 = vector.broadcast %mul3A_961 : i32 to vector<16xi32>
      %add3A_963 = arith.addi %add3A_962, %add3A_959 : vector<16xi32>
      %jit3A_964 = arith.constant 100 : i32
      %div3A_965 = vector.broadcast %jit3A_964 : i32 to vector<16xi32>
      %div3A_966 = arith.divsi %add3A_963, %div3A_965 : vector<16xi32>
      %sign3A_967 = arith.constant 0 : i32
      %sign3A_968 = vector.broadcast %sign3A_967 : i32 to vector<16xi32>
      %sign3A_969 = arith.cmpi sgt, %add3A_963, %sign3A_968 : vector<16xi32>
      %sign3A_970 = arith.extui %sign3A_969 : vector<16xi1> to vector<16xi32>
      %sign3A_971 = arith.constant 0 : i32
      %sign3A_972 = vector.broadcast %sign3A_971 : i32 to vector<16xi32>
      %sign3A_973 = arith.cmpi slt, %add3A_963, %sign3A_972 : vector<16xi32>
      %sign3A_974 = arith.extui %sign3A_973 : vector<16xi1> to vector<16xi32>
      %sign3A_975 = arith.subi %sign3A_970, %sign3A_974 : vector<16xi32>
      %sign3A_976 = arith.constant 0 : i32
      %sign3A_977 = arith.cmpi sgt, %jit3A_964, %sign3A_976 : i32
      %sign3A_978 = arith.extui %sign3A_977 : i1 to i32
      %sign3A_979 = arith.constant 0 : i32
      %sign3A_980 = arith.cmpi slt, %jit3A_964, %sign3A_979 : i32
      %sign3A_981 = arith.extui %sign3A_980 : i1 to i32
      %sign3A_982 = arith.subi %sign3A_978, %sign3A_981 : i32
      %ne3A_983 = vector.broadcast %sign3A_982 : i32 to vector<16xi32>
      %ne3A_984 = arith.cmpi ne, %sign3A_975, %ne3A_983 : vector<16xi32>
      %rem3A_985 = vector.broadcast %jit3A_964 : i32 to vector<16xi32>
      %rem3A_986 = arith.remsi %add3A_963, %rem3A_985 : vector<16xi32>
      %ne3A_987 = arith.constant 0 : i32
      %ne3A_988 = vector.broadcast %ne3A_987 : i32 to vector<16xi32>
      %ne3A_989 = arith.cmpi ne, %rem3A_986, %ne3A_988 : vector<16xi32>
      %and3A_990 = arith.andi %ne3A_984, %ne3A_989 : vector<16xi1>
      %sub3A_991 = arith.constant 1 : i32
      %sub3A_992 = vector.broadcast %sub3A_991 : i32 to vector<16xi32>
      %sub3A_993 = arith.subi %div3A_966, %sub3A_992 : vector<16xi32>
      %select_n3A_994 = arith.select %and3A_990, %sub3A_993, %div3A_966 : vector<16xi1>, vector<16xi32>
      %jit3A_995 = arith.constant 100 : i32
      %eq3A_996 = arith.constant 0 : i32
      %eq3A_997 = arith.cmpi eq, %jit3A_995, %eq3A_996 : i32
      %jit3A_998 = arith.constant 1 : i32
      %select_n3A_999 = arith.select %eq3A_997, %jit3A_998, %jit3A_995 : i32
      %rem3A_1000 = vector.broadcast %select_n3A_999 : i32 to vector<16xi32>
      %rem3A_1001 = arith.remsi %add3A_963, %rem3A_1000 : vector<16xi32>
      %ne3A_1002 = arith.constant 0 : i32
      %ne3A_1003 = vector.broadcast %ne3A_1002 : i32 to vector<16xi32>
      %ne3A_1004 = arith.cmpi ne, %rem3A_1001, %ne3A_1003 : vector<16xi32>
      %lt3A_1005 = arith.constant 0 : i32
      %lt3A_1006 = vector.broadcast %lt3A_1005 : i32 to vector<16xi32>
      %lt3A_1007 = arith.cmpi slt, %rem3A_1001, %lt3A_1006 : vector<16xi32>
      %lt3A_1008 = arith.constant 0 : i32
      %lt3A_1009 = arith.cmpi slt, %select_n3A_999, %lt3A_1008 : i32
      %ne3A_1010 = vector.broadcast %lt3A_1009 : i1 to vector<16xi1>
      %ne3A_1011 = vector.broadcast %ne3A_1010 : vector<16xi1> to vector<16xi1>
      %ne3A_1012 = arith.xori %lt3A_1007, %ne3A_1011 : vector<16xi1>
      %and3A_1013 = arith.andi %ne3A_1012, %ne3A_1004 : vector<16xi1>
      %add3A_1014 = vector.broadcast %select_n3A_999 : i32 to vector<16xi32>
      %add3A_1015 = arith.addi %rem3A_1001, %add3A_1014 : vector<16xi32>
      %select_n3A_1016 = arith.select %and3A_1013, %add3A_1015, %rem3A_1001 : vector<16xi1>, vector<16xi32>
      %gather3A_1017 = tpu.vector_load_idx %arg23[%add3A_959] : memref<100xi32, #tpu.memory_space<vmem>>[vector<16xi32>], vector<16xi32>,
      tpu.vector_store_idx %arg35[%select_n3A_994, %select_n3A_1016], %gather3A_1017 : memref<50x100xi32, #tpu.memory_space<vmem>>[vector<16xi32>, vector<16xi32>], vector<16xi32>,
      %gather3A_1018 = tpu.vector_load_idx %arg29[%add3A_959] : memref<100xf32, #tpu.memory_space<vmem>>[vector<16xi32>], vector<16xf32>,
      tpu.vector_store_idx %arg38[%select_n3A_994, %select_n3A_1016], %gather3A_1018 : memref<50x100xf32, #tpu.memory_space<vmem>>[vector<16xi32>, vector<16xi32>], vector<16xf32>,
      %gather3A_1019 = tpu.vector_load_idx %arg24[%add3A_959] : memref<100xi32, #tpu.memory_space<vmem>>[vector<16xi32>], vector<16xi32>,
      tpu.vector_store_idx %arg36[%select_n3A_994, %select_n3A_1016], %gather3A_1019 : memref<50x100xi32, #tpu.memory_space<vmem>>[vector<16xi32>, vector<16xi32>], vector<16xi32>,
      %gather3A_1020 = tpu.vector_load_idx %arg30[%add3A_959] : memref<100xf32, #tpu.memory_space<vmem>>[vector<16xi32>], vector<16xf32>,
      tpu.vector_store_idx %arg39[%select_n3A_994, %select_n3A_1016], %gather3A_1020 : memref<50x100xf32, #tpu.memory_space<vmem>>[vector<16xi32>, vector<16xi32>], vector<16xf32>,
      %gather3A_1021 = tpu.vector_load_idx %arg25[%add3A_959] : memref<100xi32, #tpu.memory_space<vmem>>[vector<16xi32>], vector<16xi32>,
      tpu.vector_store_idx %arg37[%select_n3A_994, %select_n3A_1016], %gather3A_1021 : memref<50x100xi32, #tpu.memory_space<vmem>>[vector<16xi32>, vector<16xi32>], vector<16xi32>,
      %gather3A_1022 = tpu.vector_load_idx %arg31[%add3A_959] : memref<100xf32, #tpu.memory_space<vmem>>[vector<16xi32>], vector<16xf32>,
      tpu.vector_store_idx %arg40[%select_n3A_994, %select_n3A_1016], %gather3A_1022 : memref<50x100xf32, #tpu.memory_space<vmem>>[vector<16xi32>, vector<16xi32>], vector<16xf32>,
      %iota3A_1023 = tpu.iota {dimensions = array<i32: 0>} : vector<16xi32>
      %add3A_1024 = arith.constant 84 : i32
      %add3A_1025 = vector.broadcast %add3A_1024 : i32 to vector<16xi32>
      %add3A_1026 = arith.addi %add3A_1025, %iota3A_1023 : vector<16xi32>
      %mul3A_1027 = arith.constant 100 : i32
      %mul3A_1028 = arith.muli %mul3A_622, %mul3A_1027 : i32
      %add3A_1029 = vector.broadcast %mul3A_1028 : i32 to vector<16xi32>
      %add3A_1030 = arith.addi %add3A_1029, %add3A_1026 : vector<16xi32>
      %jit3A_1031 = arith.constant 100 : i32
      %div3A_1032 = vector.broadcast %jit3A_1031 : i32 to vector<16xi32>
      %div3A_1033 = arith.divsi %add3A_1030, %div3A_1032 : vector<16xi32>
      %sign3A_1034 = arith.constant 0 : i32
      %sign3A_1035 = vector.broadcast %sign3A_1034 : i32 to vector<16xi32>
      %sign3A_1036 = arith.cmpi sgt, %add3A_1030, %sign3A_1035 : vector<16xi32>
      %sign3A_1037 = arith.extui %sign3A_1036 : vector<16xi1> to vector<16xi32>
      %sign3A_1038 = arith.constant 0 : i32
      %sign3A_1039 = vector.broadcast %sign3A_1038 : i32 to vector<16xi32>
      %sign3A_1040 = arith.cmpi slt, %add3A_1030, %sign3A_1039 : vector<16xi32>
      %sign3A_1041 = arith.extui %sign3A_1040 : vector<16xi1> to vector<16xi32>
      %sign3A_1042 = arith.subi %sign3A_1037, %sign3A_1041 : vector<16xi32>
      %sign3A_1043 = arith.constant 0 : i32
      %sign3A_1044 = arith.cmpi sgt, %jit3A_1031, %sign3A_1043 : i32
      %sign3A_1045 = arith.extui %sign3A_1044 : i1 to i32
      %sign3A_1046 = arith.constant 0 : i32
      %sign3A_1047 = arith.cmpi slt, %jit3A_1031, %sign3A_1046 : i32
      %sign3A_1048 = arith.extui %sign3A_1047 : i1 to i32
      %sign3A_1049 = arith.subi %sign3A_1045, %sign3A_1048 : i32
      %ne3A_1050 = vector.broadcast %sign3A_1049 : i32 to vector<16xi32>
      %ne3A_1051 = arith.cmpi ne, %sign3A_1042, %ne3A_1050 : vector<16xi32>
      %rem3A_1052 = vector.broadcast %jit3A_1031 : i32 to vector<16xi32>
      %rem3A_1053 = arith.remsi %add3A_1030, %rem3A_1052 : vector<16xi32>
      %ne3A_1054 = arith.constant 0 : i32
      %ne3A_1055 = vector.broadcast %ne3A_1054 : i32 to vector<16xi32>
      %ne3A_1056 = arith.cmpi ne, %rem3A_1053, %ne3A_1055 : vector<16xi32>
      %and3A_1057 = arith.andi %ne3A_1051, %ne3A_1056 : vector<16xi1>
      %sub3A_1058 = arith.constant 1 : i32
      %sub3A_1059 = vector.broadcast %sub3A_1058 : i32 to vector<16xi32>
      %sub3A_1060 = arith.subi %div3A_1033, %sub3A_1059 : vector<16xi32>
      %select_n3A_1061 = arith.select %and3A_1057, %sub3A_1060, %div3A_1033 : vector<16xi1>, vector<16xi32>
      %jit3A_1062 = arith.constant 100 : i32
      %eq3A_1063 = arith.constant 0 : i32
      %eq3A_1064 = arith.cmpi eq, %jit3A_1062, %eq3A_1063 : i32
      %jit3A_1065 = arith.constant 1 : i32
      %select_n3A_1066 = arith.select %eq3A_1064, %jit3A_1065, %jit3A_1062 : i32
      %rem3A_1067 = vector.broadcast %select_n3A_1066 : i32 to vector<16xi32>
      %rem3A_1068 = arith.remsi %add3A_1030, %rem3A_1067 : vector<16xi32>
      %ne3A_1069 = arith.constant 0 : i32
      %ne3A_1070 = vector.broadcast %ne3A_1069 : i32 to vector<16xi32>
      %ne3A_1071 = arith.cmpi ne, %rem3A_1068, %ne3A_1070 : vector<16xi32>
      %lt3A_1072 = arith.constant 0 : i32
      %lt3A_1073 = vector.broadcast %lt3A_1072 : i32 to vector<16xi32>
      %lt3A_1074 = arith.cmpi slt, %rem3A_1068, %lt3A_1073 : vector<16xi32>
      %lt3A_1075 = arith.constant 0 : i32
      %lt3A_1076 = arith.cmpi slt, %select_n3A_1066, %lt3A_1075 : i32
      %ne3A_1077 = vector.broadcast %lt3A_1076 : i1 to vector<16xi1>
      %ne3A_1078 = vector.broadcast %ne3A_1077 : vector<16xi1> to vector<16xi1>
      %ne3A_1079 = arith.xori %lt3A_1074, %ne3A_1078 : vector<16xi1>
      %and3A_1080 = arith.andi %ne3A_1079, %ne3A_1071 : vector<16xi1>
      %add3A_1081 = vector.broadcast %select_n3A_1066 : i32 to vector<16xi32>
      %add3A_1082 = arith.addi %rem3A_1068, %add3A_1081 : vector<16xi32>
      %select_n3A_1083 = arith.select %and3A_1080, %add3A_1082, %rem3A_1068 : vector<16xi1>, vector<16xi32>
      %gather3A_1084 = tpu.vector_load_idx %arg23[%add3A_1026] : memref<100xi32, #tpu.memory_space<vmem>>[vector<16xi32>], vector<16xi32>,
      tpu.vector_store_idx %arg35[%select_n3A_1061, %select_n3A_1083], %gather3A_1084 : memref<50x100xi32, #tpu.memory_space<vmem>>[vector<16xi32>, vector<16xi32>], vector<16xi32>,
      %gather3A_1085 = tpu.vector_load_idx %arg29[%add3A_1026] : memref<100xf32, #tpu.memory_space<vmem>>[vector<16xi32>], vector<16xf32>,
      tpu.vector_store_idx %arg38[%select_n3A_1061, %select_n3A_1083], %gather3A_1085 : memref<50x100xf32, #tpu.memory_space<vmem>>[vector<16xi32>, vector<16xi32>], vector<16xf32>,
      %gather3A_1086 = tpu.vector_load_idx %arg24[%add3A_1026] : memref<100xi32, #tpu.memory_space<vmem>>[vector<16xi32>], vector<16xi32>,
      tpu.vector_store_idx %arg36[%select_n3A_1061, %select_n3A_1083], %gather3A_1086 : memref<50x100xi32, #tpu.memory_space<vmem>>[vector<16xi32>, vector<16xi32>], vector<16xi32>,
      %gather3A_1087 = tpu.vector_load_idx %arg30[%add3A_1026] : memref<100xf32, #tpu.memory_space<vmem>>[vector<16xi32>], vector<16xf32>,
      tpu.vector_store_idx %arg39[%select_n3A_1061, %select_n3A_1083], %gather3A_1087 : memref<50x100xf32, #tpu.memory_space<vmem>>[vector<16xi32>, vector<16xi32>], vector<16xf32>,
      %gather3A_1088 = tpu.vector_load_idx %arg25[%add3A_1026] : memref<100xi32, #tpu.memory_space<vmem>>[vector<16xi32>], vector<16xi32>,
      tpu.vector_store_idx %arg37[%select_n3A_1061, %select_n3A_1083], %gather3A_1088 : memref<50x100xi32, #tpu.memory_space<vmem>>[vector<16xi32>, vector<16xi32>], vector<16xi32>,
      %gather3A_1089 = tpu.vector_load_idx %arg31[%add3A_1026] : memref<100xf32, #tpu.memory_space<vmem>>[vector<16xi32>], vector<16xf32>,
      tpu.vector_store_idx %arg40[%select_n3A_1061, %select_n3A_1083], %gather3A_1089 : memref<50x100xf32, #tpu.memory_space<vmem>>[vector<16xi32>, vector<16xi32>], vector<16xf32>,
      %mul3A_1090 = arith.constant 2 : i32
      %mul3A_1091 = arith.muli %mul3A_1090, %scan3A_368 : i32
      %add3A_1092 = arith.constant 2 : i32
      %add3A_1093 = arith.addi %mul3A_1091, %add3A_1092 : i32
      %min3A_1094 = arith.constant 49 : i32
      %min3A_1095 = arith.minsi %add3A_1093, %min3A_1094 : i32
      %iota3A_1096 = tpu.iota {dimensions = array<i32: 0>} : vector<16xi32>
      %add3A_1097 = arith.constant 0 : i32
      %add3A_1098 = vector.broadcast %add3A_1097 : i32 to vector<16xi32>
      %add3A_1099 = arith.addi %add3A_1098, %iota3A_1096 : vector<16xi32>
      %broadcast_in_dim3A_1100 = arith.constant 0 : i32
      %broadcast_in_dim3A_1101 = vector.broadcast %broadcast_in_dim3A_1100 : i32 to vector<16xi32>
      %add3A_1102 = vector.broadcast %min3A_1095 : i32 to vector<16xi32>
      %add3A_1103 = arith.addi %broadcast_in_dim3A_1101, %add3A_1102 : vector<16xi32>
      %gather3A_1104 = tpu.vector_load_idx %arg10[%add3A_1103, %add3A_1099] : memref<50x100xi32, #tpu.memory_space<vmem>>[vector<16xi32>, vector<16xi32>], vector<16xi32>,
      %broadcast_in_dim3A_1105 = arith.constant 0 : i32
      %broadcast_in_dim3A_1106 = vector.broadcast %broadcast_in_dim3A_1105 : i32 to vector<16xi32>
      %add3A_1107 = vector.broadcast %min3A_1095 : i32 to vector<16xi32>
      %add3A_1108 = arith.addi %broadcast_in_dim3A_1106, %add3A_1107 : vector<16xi32>
      %gather3A_1109 = tpu.vector_load_idx %arg9[%add3A_1108, %add3A_1099] : memref<50x100xi32, #tpu.memory_space<vmem>>[vector<16xi32>, vector<16xi32>], vector<16xi32>,
      %add3A_1110 = arith.constant 0 : i32
      %add3A_1111 = vector.broadcast %add3A_1110 : i32 to vector<16xi32>
      %add3A_1112 = arith.addi %gather3A_1104, %add3A_1111 : vector<16xi32>
      tpu.vector_store_idx %arg11[%add3A_1099], %add3A_1112 : memref<100xi32, #tpu.memory_space<vmem>>[vector<16xi32>], vector<16xi32>,
      %add3A_1113 = arith.constant 0 : i32
      %add3A_1114 = vector.broadcast %add3A_1113 : i32 to vector<16xi32>
      %add3A_1115 = arith.addi %gather3A_1109, %add3A_1114 : vector<16xi32>
      tpu.vector_store_idx %arg17[%add3A_1099], %add3A_1115 : memref<100xi32, #tpu.memory_space<vmem>>[vector<16xi32>], vector<16xi32>,
      %add3A_1116 = arith.constant 20000 : i32
      %add3A_1117 = vector.broadcast %add3A_1116 : i32 to vector<16xi32>
      %add3A_1118 = arith.addi %gather3A_1104, %add3A_1117 : vector<16xi32>
      tpu.vector_store_idx %arg12[%add3A_1099], %add3A_1118 : memref<100xi32, #tpu.memory_space<vmem>>[vector<16xi32>], vector<16xi32>,
      %add3A_1119 = arith.constant 160000 : i32
      %add3A_1120 = vector.broadcast %add3A_1119 : i32 to vector<16xi32>
      %add3A_1121 = arith.addi %gather3A_1109, %add3A_1120 : vector<16xi32>
      tpu.vector_store_idx %arg18[%add3A_1099], %add3A_1121 : memref<100xi32, #tpu.memory_space<vmem>>[vector<16xi32>], vector<16xi32>,
      %add3A_1122 = arith.constant 40000 : i32
      %add3A_1123 = vector.broadcast %add3A_1122 : i32 to vector<16xi32>
      %add3A_1124 = arith.addi %gather3A_1104, %add3A_1123 : vector<16xi32>
      tpu.vector_store_idx %arg13[%add3A_1099], %add3A_1124 : memref<100xi32, #tpu.memory_space<vmem>>[vector<16xi32>], vector<16xi32>,
      %add3A_1125 = arith.constant 320000 : i32
      %add3A_1126 = vector.broadcast %add3A_1125 : i32 to vector<16xi32>
      %add3A_1127 = arith.addi %gather3A_1109, %add3A_1126 : vector<16xi32>
      tpu.vector_store_idx %arg19[%add3A_1099], %add3A_1127 : memref<100xi32, #tpu.memory_space<vmem>>[vector<16xi32>], vector<16xi32>,
      %iota3A_1128 = tpu.iota {dimensions = array<i32: 0>} : vector<16xi32>
      %add3A_1129 = arith.constant 16 : i32
      %add3A_1130 = vector.broadcast %add3A_1129 : i32 to vector<16xi32>
      %add3A_1131 = arith.addi %add3A_1130, %iota3A_1128 : vector<16xi32>
      %broadcast_in_dim3A_1132 = arith.constant 0 : i32
      %broadcast_in_dim3A_1133 = vector.broadcast %broadcast_in_dim3A_1132 : i32 to vector<16xi32>
      %add3A_1134 = vector.broadcast %min3A_1095 : i32 to vector<16xi32>
      %add3A_1135 = arith.addi %broadcast_in_dim3A_1133, %add3A_1134 : vector<16xi32>
      %gather3A_1136 = tpu.vector_load_idx %arg10[%add3A_1135, %add3A_1131] : memref<50x100xi32, #tpu.memory_space<vmem>>[vector<16xi32>, vector<16xi32>], vector<16xi32>,
      %broadcast_in_dim3A_1137 = arith.constant 0 : i32
      %broadcast_in_dim3A_1138 = vector.broadcast %broadcast_in_dim3A_1137 : i32 to vector<16xi32>
      %add3A_1139 = vector.broadcast %min3A_1095 : i32 to vector<16xi32>
      %add3A_1140 = arith.addi %broadcast_in_dim3A_1138, %add3A_1139 : vector<16xi32>
      %gather3A_1141 = tpu.vector_load_idx %arg9[%add3A_1140, %add3A_1131] : memref<50x100xi32, #tpu.memory_space<vmem>>[vector<16xi32>, vector<16xi32>], vector<16xi32>,
      %add3A_1142 = arith.constant 0 : i32
      %add3A_1143 = vector.broadcast %add3A_1142 : i32 to vector<16xi32>
      %add3A_1144 = arith.addi %gather3A_1136, %add3A_1143 : vector<16xi32>
      tpu.vector_store_idx %arg11[%add3A_1131], %add3A_1144 : memref<100xi32, #tpu.memory_space<vmem>>[vector<16xi32>], vector<16xi32>,
      %add3A_1145 = arith.constant 0 : i32
      %add3A_1146 = vector.broadcast %add3A_1145 : i32 to vector<16xi32>
      %add3A_1147 = arith.addi %gather3A_1141, %add3A_1146 : vector<16xi32>
      tpu.vector_store_idx %arg17[%add3A_1131], %add3A_1147 : memref<100xi32, #tpu.memory_space<vmem>>[vector<16xi32>], vector<16xi32>,
      %add3A_1148 = arith.constant 20000 : i32
      %add3A_1149 = vector.broadcast %add3A_1148 : i32 to vector<16xi32>
      %add3A_1150 = arith.addi %gather3A_1136, %add3A_1149 : vector<16xi32>
      tpu.vector_store_idx %arg12[%add3A_1131], %add3A_1150 : memref<100xi32, #tpu.memory_space<vmem>>[vector<16xi32>], vector<16xi32>,
      %add3A_1151 = arith.constant 160000 : i32
      %add3A_1152 = vector.broadcast %add3A_1151 : i32 to vector<16xi32>
      %add3A_1153 = arith.addi %gather3A_1141, %add3A_1152 : vector<16xi32>
      tpu.vector_store_idx %arg18[%add3A_1131], %add3A_1153 : memref<100xi32, #tpu.memory_space<vmem>>[vector<16xi32>], vector<16xi32>,
      %add3A_1154 = arith.constant 40000 : i32
      %add3A_1155 = vector.broadcast %add3A_1154 : i32 to vector<16xi32>
      %add3A_1156 = arith.addi %gather3A_1136, %add3A_1155 : vector<16xi32>
      tpu.vector_store_idx %arg13[%add3A_1131], %add3A_1156 : memref<100xi32, #tpu.memory_space<vmem>>[vector<16xi32>], vector<16xi32>,
      %add3A_1157 = arith.constant 320000 : i32
      %add3A_1158 = vector.broadcast %add3A_1157 : i32 to vector<16xi32>
      %add3A_1159 = arith.addi %gather3A_1141, %add3A_1158 : vector<16xi32>
      tpu.vector_store_idx %arg19[%add3A_1131], %add3A_1159 : memref<100xi32, #tpu.memory_space<vmem>>[vector<16xi32>], vector<16xi32>,
      %iota3A_1160 = tpu.iota {dimensions = array<i32: 0>} : vector<16xi32>
      %add3A_1161 = arith.constant 32 : i32
      %add3A_1162 = vector.broadcast %add3A_1161 : i32 to vector<16xi32>
      %add3A_1163 = arith.addi %add3A_1162, %iota3A_1160 : vector<16xi32>
      %broadcast_in_dim3A_1164 = arith.constant 0 : i32
      %broadcast_in_dim3A_1165 = vector.broadcast %broadcast_in_dim3A_1164 : i32 to vector<16xi32>
      %add3A_1166 = vector.broadcast %min3A_1095 : i32 to vector<16xi32>
      %add3A_1167 = arith.addi %broadcast_in_dim3A_1165, %add3A_1166 : vector<16xi32>
      %gather3A_1168 = tpu.vector_load_idx %arg10[%add3A_1167, %add3A_1163] : memref<50x100xi32, #tpu.memory_space<vmem>>[vector<16xi32>, vector<16xi32>], vector<16xi32>,
      %broadcast_in_dim3A_1169 = arith.constant 0 : i32
      %broadcast_in_dim3A_1170 = vector.broadcast %broadcast_in_dim3A_1169 : i32 to vector<16xi32>
      %add3A_1171 = vector.broadcast %min3A_1095 : i32 to vector<16xi32>
      %add3A_1172 = arith.addi %broadcast_in_dim3A_1170, %add3A_1171 : vector<16xi32>
      %gather3A_1173 = tpu.vector_load_idx %arg9[%add3A_1172, %add3A_1163] : memref<50x100xi32, #tpu.memory_space<vmem>>[vector<16xi32>, vector<16xi32>], vector<16xi32>,
      %add3A_1174 = arith.constant 0 : i32
      %add3A_1175 = vector.broadcast %add3A_1174 : i32 to vector<16xi32>
      %add3A_1176 = arith.addi %gather3A_1168, %add3A_1175 : vector<16xi32>
      tpu.vector_store_idx %arg11[%add3A_1163], %add3A_1176 : memref<100xi32, #tpu.memory_space<vmem>>[vector<16xi32>], vector<16xi32>,
      %add3A_1177 = arith.constant 0 : i32
      %add3A_1178 = vector.broadcast %add3A_1177 : i32 to vector<16xi32>
      %add3A_1179 = arith.addi %gather3A_1173, %add3A_1178 : vector<16xi32>
      tpu.vector_store_idx %arg17[%add3A_1163], %add3A_1179 : memref<100xi32, #tpu.memory_space<vmem>>[vector<16xi32>], vector<16xi32>,
      %add3A_1180 = arith.constant 20000 : i32
      %add3A_1181 = vector.broadcast %add3A_1180 : i32 to vector<16xi32>
      %add3A_1182 = arith.addi %gather3A_1168, %add3A_1181 : vector<16xi32>
      tpu.vector_store_idx %arg12[%add3A_1163], %add3A_1182 : memref<100xi32, #tpu.memory_space<vmem>>[vector<16xi32>], vector<16xi32>,
      %add3A_1183 = arith.constant 160000 : i32
      %add3A_1184 = vector.broadcast %add3A_1183 : i32 to vector<16xi32>
      %add3A_1185 = arith.addi %gather3A_1173, %add3A_1184 : vector<16xi32>
      tpu.vector_store_idx %arg18[%add3A_1163], %add3A_1185 : memref<100xi32, #tpu.memory_space<vmem>>[vector<16xi32>], vector<16xi32>,
      %add3A_1186 = arith.constant 40000 : i32
      %add3A_1187 = vector.broadcast %add3A_1186 : i32 to vector<16xi32>
      %add3A_1188 = arith.addi %gather3A_1168, %add3A_1187 : vector<16xi32>
      tpu.vector_store_idx %arg13[%add3A_1163], %add3A_1188 : memref<100xi32, #tpu.memory_space<vmem>>[vector<16xi32>], vector<16xi32>,
      %add3A_1189 = arith.constant 320000 : i32
      %add3A_1190 = vector.broadcast %add3A_1189 : i32 to vector<16xi32>
      %add3A_1191 = arith.addi %gather3A_1173, %add3A_1190 : vector<16xi32>
      tpu.vector_store_idx %arg19[%add3A_1163], %add3A_1191 : memref<100xi32, #tpu.memory_space<vmem>>[vector<16xi32>], vector<16xi32>,
      %iota3A_1192 = tpu.iota {dimensions = array<i32: 0>} : vector<16xi32>
      %add3A_1193 = arith.constant 48 : i32
      %add3A_1194 = vector.broadcast %add3A_1193 : i32 to vector<16xi32>
      %add3A_1195 = arith.addi %add3A_1194, %iota3A_1192 : vector<16xi32>
      %broadcast_in_dim3A_1196 = arith.constant 0 : i32
      %broadcast_in_dim3A_1197 = vector.broadcast %broadcast_in_dim3A_1196 : i32 to vector<16xi32>
      %add3A_1198 = vector.broadcast %min3A_1095 : i32 to vector<16xi32>
      %add3A_1199 = arith.addi %broadcast_in_dim3A_1197, %add3A_1198 : vector<16xi32>
      %gather3A_1200 = tpu.vector_load_idx %arg10[%add3A_1199, %add3A_1195] : memref<50x100xi32, #tpu.memory_space<vmem>>[vector<16xi32>, vector<16xi32>], vector<16xi32>,
      %broadcast_in_dim3A_1201 = arith.constant 0 : i32
      %broadcast_in_dim3A_1202 = vector.broadcast %broadcast_in_dim3A_1201 : i32 to vector<16xi32>
      %add3A_1203 = vector.broadcast %min3A_1095 : i32 to vector<16xi32>
      %add3A_1204 = arith.addi %broadcast_in_dim3A_1202, %add3A_1203 : vector<16xi32>
      %gather3A_1205 = tpu.vector_load_idx %arg9[%add3A_1204, %add3A_1195] : memref<50x100xi32, #tpu.memory_space<vmem>>[vector<16xi32>, vector<16xi32>], vector<16xi32>,
      %add3A_1206 = arith.constant 0 : i32
      %add3A_1207 = vector.broadcast %add3A_1206 : i32 to vector<16xi32>
      %add3A_1208 = arith.addi %gather3A_1200, %add3A_1207 : vector<16xi32>
      tpu.vector_store_idx %arg11[%add3A_1195], %add3A_1208 : memref<100xi32, #tpu.memory_space<vmem>>[vector<16xi32>], vector<16xi32>,
      %add3A_1209 = arith.constant 0 : i32
      %add3A_1210 = vector.broadcast %add3A_1209 : i32 to vector<16xi32>
      %add3A_1211 = arith.addi %gather3A_1205, %add3A_1210 : vector<16xi32>
      tpu.vector_store_idx %arg17[%add3A_1195], %add3A_1211 : memref<100xi32, #tpu.memory_space<vmem>>[vector<16xi32>], vector<16xi32>,
      %add3A_1212 = arith.constant 20000 : i32
      %add3A_1213 = vector.broadcast %add3A_1212 : i32 to vector<16xi32>
      %add3A_1214 = arith.addi %gather3A_1200, %add3A_1213 : vector<16xi32>
      tpu.vector_store_idx %arg12[%add3A_1195], %add3A_1214 : memref<100xi32, #tpu.memory_space<vmem>>[vector<16xi32>], vector<16xi32>,
      %add3A_1215 = arith.constant 160000 : i32
      %add3A_1216 = vector.broadcast %add3A_1215 : i32 to vector<16xi32>
      %add3A_1217 = arith.addi %gather3A_1205, %add3A_1216 : vector<16xi32>
      tpu.vector_store_idx %arg18[%add3A_1195], %add3A_1217 : memref<100xi32, #tpu.memory_space<vmem>>[vector<16xi32>], vector<16xi32>,
      %add3A_1218 = arith.constant 40000 : i32
      %add3A_1219 = vector.broadcast %add3A_1218 : i32 to vector<16xi32>
      %add3A_1220 = arith.addi %gather3A_1200, %add3A_1219 : vector<16xi32>
      tpu.vector_store_idx %arg13[%add3A_1195], %add3A_1220 : memref<100xi32, #tpu.memory_space<vmem>>[vector<16xi32>], vector<16xi32>,
      %add3A_1221 = arith.constant 320000 : i32
      %add3A_1222 = vector.broadcast %add3A_1221 : i32 to vector<16xi32>
      %add3A_1223 = arith.addi %gather3A_1205, %add3A_1222 : vector<16xi32>
      tpu.vector_store_idx %arg19[%add3A_1195], %add3A_1223 : memref<100xi32, #tpu.memory_space<vmem>>[vector<16xi32>], vector<16xi32>,
      %iota3A_1224 = tpu.iota {dimensions = array<i32: 0>} : vector<16xi32>
      %add3A_1225 = arith.constant 64 : i32
      %add3A_1226 = vector.broadcast %add3A_1225 : i32 to vector<16xi32>
      %add3A_1227 = arith.addi %add3A_1226, %iota3A_1224 : vector<16xi32>
      %broadcast_in_dim3A_1228 = arith.constant 0 : i32
      %broadcast_in_dim3A_1229 = vector.broadcast %broadcast_in_dim3A_1228 : i32 to vector<16xi32>
      %add3A_1230 = vector.broadcast %min3A_1095 : i32 to vector<16xi32>
      %add3A_1231 = arith.addi %broadcast_in_dim3A_1229, %add3A_1230 : vector<16xi32>
      %gather3A_1232 = tpu.vector_load_idx %arg10[%add3A_1231, %add3A_1227] : memref<50x100xi32, #tpu.memory_space<vmem>>[vector<16xi32>, vector<16xi32>], vector<16xi32>,
      %broadcast_in_dim3A_1233 = arith.constant 0 : i32
      %broadcast_in_dim3A_1234 = vector.broadcast %broadcast_in_dim3A_1233 : i32 to vector<16xi32>
      %add3A_1235 = vector.broadcast %min3A_1095 : i32 to vector<16xi32>
      %add3A_1236 = arith.addi %broadcast_in_dim3A_1234, %add3A_1235 : vector<16xi32>
      %gather3A_1237 = tpu.vector_load_idx %arg9[%add3A_1236, %add3A_1227] : memref<50x100xi32, #tpu.memory_space<vmem>>[vector<16xi32>, vector<16xi32>], vector<16xi32>,
      %add3A_1238 = arith.constant 0 : i32
      %add3A_1239 = vector.broadcast %add3A_1238 : i32 to vector<16xi32>
      %add3A_1240 = arith.addi %gather3A_1232, %add3A_1239 : vector<16xi32>
      tpu.vector_store_idx %arg11[%add3A_1227], %add3A_1240 : memref<100xi32, #tpu.memory_space<vmem>>[vector<16xi32>], vector<16xi32>,
      %add3A_1241 = arith.constant 0 : i32
      %add3A_1242 = vector.broadcast %add3A_1241 : i32 to vector<16xi32>
      %add3A_1243 = arith.addi %gather3A_1237, %add3A_1242 : vector<16xi32>
      tpu.vector_store_idx %arg17[%add3A_1227], %add3A_1243 : memref<100xi32, #tpu.memory_space<vmem>>[vector<16xi32>], vector<16xi32>,
      %add3A_1244 = arith.constant 20000 : i32
      %add3A_1245 = vector.broadcast %add3A_1244 : i32 to vector<16xi32>
      %add3A_1246 = arith.addi %gather3A_1232, %add3A_1245 : vector<16xi32>
      tpu.vector_store_idx %arg12[%add3A_1227], %add3A_1246 : memref<100xi32, #tpu.memory_space<vmem>>[vector<16xi32>], vector<16xi32>,
      %add3A_1247 = arith.constant 160000 : i32
      %add3A_1248 = vector.broadcast %add3A_1247 : i32 to vector<16xi32>
      %add3A_1249 = arith.addi %gather3A_1237, %add3A_1248 : vector<16xi32>
      tpu.vector_store_idx %arg18[%add3A_1227], %add3A_1249 : memref<100xi32, #tpu.memory_space<vmem>>[vector<16xi32>], vector<16xi32>,
      %add3A_1250 = arith.constant 40000 : i32
      %add3A_1251 = vector.broadcast %add3A_1250 : i32 to vector<16xi32>
      %add3A_1252 = arith.addi %gather3A_1232, %add3A_1251 : vector<16xi32>
      tpu.vector_store_idx %arg13[%add3A_1227], %add3A_1252 : memref<100xi32, #tpu.memory_space<vmem>>[vector<16xi32>], vector<16xi32>,
      %add3A_1253 = arith.constant 320000 : i32
      %add3A_1254 = vector.broadcast %add3A_1253 : i32 to vector<16xi32>
      %add3A_1255 = arith.addi %gather3A_1237, %add3A_1254 : vector<16xi32>
      tpu.vector_store_idx %arg19[%add3A_1227], %add3A_1255 : memref<100xi32, #tpu.memory_space<vmem>>[vector<16xi32>], vector<16xi32>,
      %iota3A_1256 = tpu.iota {dimensions = array<i32: 0>} : vector<16xi32>
      %add3A_1257 = arith.constant 80 : i32
      %add3A_1258 = vector.broadcast %add3A_1257 : i32 to vector<16xi32>
      %add3A_1259 = arith.addi %add3A_1258, %iota3A_1256 : vector<16xi32>
      %broadcast_in_dim3A_1260 = arith.constant 0 : i32
      %broadcast_in_dim3A_1261 = vector.broadcast %broadcast_in_dim3A_1260 : i32 to vector<16xi32>
      %add3A_1262 = vector.broadcast %min3A_1095 : i32 to vector<16xi32>
      %add3A_1263 = arith.addi %broadcast_in_dim3A_1261, %add3A_1262 : vector<16xi32>
      %gather3A_1264 = tpu.vector_load_idx %arg10[%add3A_1263, %add3A_1259] : memref<50x100xi32, #tpu.memory_space<vmem>>[vector<16xi32>, vector<16xi32>], vector<16xi32>,
      %broadcast_in_dim3A_1265 = arith.constant 0 : i32
      %broadcast_in_dim3A_1266 = vector.broadcast %broadcast_in_dim3A_1265 : i32 to vector<16xi32>
      %add3A_1267 = vector.broadcast %min3A_1095 : i32 to vector<16xi32>
      %add3A_1268 = arith.addi %broadcast_in_dim3A_1266, %add3A_1267 : vector<16xi32>
      %gather3A_1269 = tpu.vector_load_idx %arg9[%add3A_1268, %add3A_1259] : memref<50x100xi32, #tpu.memory_space<vmem>>[vector<16xi32>, vector<16xi32>], vector<16xi32>,
      %add3A_1270 = arith.constant 0 : i32
      %add3A_1271 = vector.broadcast %add3A_1270 : i32 to vector<16xi32>
      %add3A_1272 = arith.addi %gather3A_1264, %add3A_1271 : vector<16xi32>
      tpu.vector_store_idx %arg11[%add3A_1259], %add3A_1272 : memref<100xi32, #tpu.memory_space<vmem>>[vector<16xi32>], vector<16xi32>,
      %add3A_1273 = arith.constant 0 : i32
      %add3A_1274 = vector.broadcast %add3A_1273 : i32 to vector<16xi32>
      %add3A_1275 = arith.addi %gather3A_1269, %add3A_1274 : vector<16xi32>
      tpu.vector_store_idx %arg17[%add3A_1259], %add3A_1275 : memref<100xi32, #tpu.memory_space<vmem>>[vector<16xi32>], vector<16xi32>,
      %add3A_1276 = arith.constant 20000 : i32
      %add3A_1277 = vector.broadcast %add3A_1276 : i32 to vector<16xi32>
      %add3A_1278 = arith.addi %gather3A_1264, %add3A_1277 : vector<16xi32>
      tpu.vector_store_idx %arg12[%add3A_1259], %add3A_1278 : memref<100xi32, #tpu.memory_space<vmem>>[vector<16xi32>], vector<16xi32>,
      %add3A_1279 = arith.constant 160000 : i32
      %add3A_1280 = vector.broadcast %add3A_1279 : i32 to vector<16xi32>
      %add3A_1281 = arith.addi %gather3A_1269, %add3A_1280 : vector<16xi32>
      tpu.vector_store_idx %arg18[%add3A_1259], %add3A_1281 : memref<100xi32, #tpu.memory_space<vmem>>[vector<16xi32>], vector<16xi32>,
      %add3A_1282 = arith.constant 40000 : i32
      %add3A_1283 = vector.broadcast %add3A_1282 : i32 to vector<16xi32>
      %add3A_1284 = arith.addi %gather3A_1264, %add3A_1283 : vector<16xi32>
      tpu.vector_store_idx %arg13[%add3A_1259], %add3A_1284 : memref<100xi32, #tpu.memory_space<vmem>>[vector<16xi32>], vector<16xi32>,
      %add3A_1285 = arith.constant 320000 : i32
      %add3A_1286 = vector.broadcast %add3A_1285 : i32 to vector<16xi32>
      %add3A_1287 = arith.addi %gather3A_1269, %add3A_1286 : vector<16xi32>
      tpu.vector_store_idx %arg19[%add3A_1259], %add3A_1287 : memref<100xi32, #tpu.memory_space<vmem>>[vector<16xi32>], vector<16xi32>,
      %iota3A_1288 = tpu.iota {dimensions = array<i32: 0>} : vector<16xi32>
      %add3A_1289 = arith.constant 84 : i32
      %add3A_1290 = vector.broadcast %add3A_1289 : i32 to vector<16xi32>
      %add3A_1291 = arith.addi %add3A_1290, %iota3A_1288 : vector<16xi32>
      %broadcast_in_dim3A_1292 = arith.constant 0 : i32
      %broadcast_in_dim3A_1293 = vector.broadcast %broadcast_in_dim3A_1292 : i32 to vector<16xi32>
      %add3A_1294 = vector.broadcast %min3A_1095 : i32 to vector<16xi32>
      %add3A_1295 = arith.addi %broadcast_in_dim3A_1293, %add3A_1294 : vector<16xi32>
      %gather3A_1296 = tpu.vector_load_idx %arg10[%add3A_1295, %add3A_1291] : memref<50x100xi32, #tpu.memory_space<vmem>>[vector<16xi32>, vector<16xi32>], vector<16xi32>,
      %broadcast_in_dim3A_1297 = arith.constant 0 : i32
      %broadcast_in_dim3A_1298 = vector.broadcast %broadcast_in_dim3A_1297 : i32 to vector<16xi32>
      %add3A_1299 = vector.broadcast %min3A_1095 : i32 to vector<16xi32>
      %add3A_1300 = arith.addi %broadcast_in_dim3A_1298, %add3A_1299 : vector<16xi32>
      %gather3A_1301 = tpu.vector_load_idx %arg9[%add3A_1300, %add3A_1291] : memref<50x100xi32, #tpu.memory_space<vmem>>[vector<16xi32>, vector<16xi32>], vector<16xi32>,
      %add3A_1302 = arith.constant 0 : i32
      %add3A_1303 = vector.broadcast %add3A_1302 : i32 to vector<16xi32>
      %add3A_1304 = arith.addi %gather3A_1296, %add3A_1303 : vector<16xi32>
      tpu.vector_store_idx %arg11[%add3A_1291], %add3A_1304 : memref<100xi32, #tpu.memory_space<vmem>>[vector<16xi32>], vector<16xi32>,
      %add3A_1305 = arith.constant 0 : i32
      %add3A_1306 = vector.broadcast %add3A_1305 : i32 to vector<16xi32>
      %add3A_1307 = arith.addi %gather3A_1301, %add3A_1306 : vector<16xi32>
      tpu.vector_store_idx %arg17[%add3A_1291], %add3A_1307 : memref<100xi32, #tpu.memory_space<vmem>>[vector<16xi32>], vector<16xi32>,
      %add3A_1308 = arith.constant 20000 : i32
      %add3A_1309 = vector.broadcast %add3A_1308 : i32 to vector<16xi32>
      %add3A_1310 = arith.addi %gather3A_1296, %add3A_1309 : vector<16xi32>
      tpu.vector_store_idx %arg12[%add3A_1291], %add3A_1310 : memref<100xi32, #tpu.memory_space<vmem>>[vector<16xi32>], vector<16xi32>,
      %add3A_1311 = arith.constant 160000 : i32
      %add3A_1312 = vector.broadcast %add3A_1311 : i32 to vector<16xi32>
      %add3A_1313 = arith.addi %gather3A_1301, %add3A_1312 : vector<16xi32>
      tpu.vector_store_idx %arg18[%add3A_1291], %add3A_1313 : memref<100xi32, #tpu.memory_space<vmem>>[vector<16xi32>], vector<16xi32>,
      %add3A_1314 = arith.constant 40000 : i32
      %add3A_1315 = vector.broadcast %add3A_1314 : i32 to vector<16xi32>
      %add3A_1316 = arith.addi %gather3A_1296, %add3A_1315 : vector<16xi32>
      tpu.vector_store_idx %arg13[%add3A_1291], %add3A_1316 : memref<100xi32, #tpu.memory_space<vmem>>[vector<16xi32>], vector<16xi32>,
      %add3A_1317 = arith.constant 320000 : i32
      %add3A_1318 = vector.broadcast %add3A_1317 : i32 to vector<16xi32>
      %add3A_1319 = arith.addi %gather3A_1301, %add3A_1318 : vector<16xi32>
      tpu.vector_store_idx %arg19[%add3A_1291], %add3A_1319 : memref<100xi32, #tpu.memory_space<vmem>>[vector<16xi32>], vector<16xi32>,
      %dma_start3A_1320 = arith.constant 0 : i32
      %dma_start3A_1321 = tpu.memref_slice %arg5[%dma_start3A_1320] : memref<60000xi32, #tpu.memory_space<hbm>> -> memref<60000xi32, #tpu.memory_space<hbm>>
      tpu.enqueue_indirect_dma source(%dma_start3A_1321 : memref<60000xi32, #tpu.memory_space<hbm>>) target(%arg23 : memref<100xi32, #tpu.memory_space<vmem>>) offsets(%arg11 : memref<100xi32, #tpu.memory_space<vmem>>) semaphore(%arg52 : memref<!tpu.dma_semaphore, #tpu.memory_space<semaphore_mem>>)
      %dma_start3A_1322 = arith.constant 0 : i32
      %dma_start3A_1323 = tpu.memref_slice %arg7[%dma_start3A_1322] : memref<480000xf32, #tpu.memory_space<hbm>> -> memref<480000xf32, #tpu.memory_space<hbm>>
      tpu.enqueue_indirect_dma source(%dma_start3A_1323 : memref<480000xf32, #tpu.memory_space<hbm>>) target(%arg29 : memref<100xf32, #tpu.memory_space<vmem>>) offsets(%arg17 : memref<100xi32, #tpu.memory_space<vmem>>) semaphore(%arg52 : memref<!tpu.dma_semaphore, #tpu.memory_space<semaphore_mem>>)
      %dma_start3A_1324 = arith.constant 0 : i32
      %dma_start3A_1325 = tpu.memref_slice %arg5[%dma_start3A_1324] : memref<60000xi32, #tpu.memory_space<hbm>> -> memref<60000xi32, #tpu.memory_space<hbm>>
      tpu.enqueue_indirect_dma source(%dma_start3A_1325 : memref<60000xi32, #tpu.memory_space<hbm>>) target(%arg24 : memref<100xi32, #tpu.memory_space<vmem>>) offsets(%arg12 : memref<100xi32, #tpu.memory_space<vmem>>) semaphore(%arg52 : memref<!tpu.dma_semaphore, #tpu.memory_space<semaphore_mem>>)
      %dma_start3A_1326 = arith.constant 0 : i32
      %dma_start3A_1327 = tpu.memref_slice %arg7[%dma_start3A_1326] : memref<480000xf32, #tpu.memory_space<hbm>> -> memref<480000xf32, #tpu.memory_space<hbm>>
      tpu.enqueue_indirect_dma source(%dma_start3A_1327 : memref<480000xf32, #tpu.memory_space<hbm>>) target(%arg30 : memref<100xf32, #tpu.memory_space<vmem>>) offsets(%arg18 : memref<100xi32, #tpu.memory_space<vmem>>) semaphore(%arg52 : memref<!tpu.dma_semaphore, #tpu.memory_space<semaphore_mem>>)
      %dma_start3A_1328 = arith.constant 0 : i32
      %dma_start3A_1329 = tpu.memref_slice %arg5[%dma_start3A_1328] : memref<60000xi32, #tpu.memory_space<hbm>> -> memref<60000xi32, #tpu.memory_space<hbm>>
      tpu.enqueue_indirect_dma source(%dma_start3A_1329 : memref<60000xi32, #tpu.memory_space<hbm>>) target(%arg25 : memref<100xi32, #tpu.memory_space<vmem>>) offsets(%arg13 : memref<100xi32, #tpu.memory_space<vmem>>) semaphore(%arg52 : memref<!tpu.dma_semaphore, #tpu.memory_space<semaphore_mem>>)
      %dma_start3A_1330 = arith.constant 0 : i32
      %dma_start3A_1331 = tpu.memref_slice %arg7[%dma_start3A_1330] : memref<480000xf32, #tpu.memory_space<hbm>> -> memref<480000xf32, #tpu.memory_space<hbm>>
      tpu.enqueue_indirect_dma source(%dma_start3A_1331 : memref<480000xf32, #tpu.memory_space<hbm>>) target(%arg31 : memref<100xf32, #tpu.memory_space<vmem>>) offsets(%arg19 : memref<100xi32, #tpu.memory_space<vmem>>) semaphore(%arg52 : memref<!tpu.dma_semaphore, #tpu.memory_space<semaphore_mem>>)
      %dma_wait3A_1332 = arith.constant 0 : i32
      %dma_wait3A_1333 = tpu.memref_slice %arg5[%dma_wait3A_1332] : memref<60000xi32, #tpu.memory_space<hbm>> -> memref<60000xi32, #tpu.memory_space<hbm>>
      tpu.wait_indirect_dma semaphore(%arg53 : memref<!tpu.dma_semaphore, #tpu.memory_space<semaphore_mem>>) src(%dma_wait3A_1333 : memref<60000xi32, #tpu.memory_space<hbm>>) dst(%arg26 : memref<100xi32, #tpu.memory_space<vmem>>)
      %dma_wait3A_1334 = arith.constant 0 : i32
      %dma_wait3A_1335 = tpu.memref_slice %arg7[%dma_wait3A_1334] : memref<480000xf32, #tpu.memory_space<hbm>> -> memref<480000xf32, #tpu.memory_space<hbm>>
      tpu.wait_indirect_dma semaphore(%arg53 : memref<!tpu.dma_semaphore, #tpu.memory_space<semaphore_mem>>) src(%dma_wait3A_1335 : memref<480000xf32, #tpu.memory_space<hbm>>) dst(%arg32 : memref<100xf32, #tpu.memory_space<vmem>>)
      %dma_wait3A_1336 = arith.constant 0 : i32
      %dma_wait3A_1337 = tpu.memref_slice %arg5[%dma_wait3A_1336] : memref<60000xi32, #tpu.memory_space<hbm>> -> memref<60000xi32, #tpu.memory_space<hbm>>
      tpu.wait_indirect_dma semaphore(%arg53 : memref<!tpu.dma_semaphore, #tpu.memory_space<semaphore_mem>>) src(%dma_wait3A_1337 : memref<60000xi32, #tpu.memory_space<hbm>>) dst(%arg27 : memref<100xi32, #tpu.memory_space<vmem>>)
      %dma_wait3A_1338 = arith.constant 0 : i32
      %dma_wait3A_1339 = tpu.memref_slice %arg7[%dma_wait3A_1338] : memref<480000xf32, #tpu.memory_space<hbm>> -> memref<480000xf32, #tpu.memory_space<hbm>>
      tpu.wait_indirect_dma semaphore(%arg53 : memref<!tpu.dma_semaphore, #tpu.memory_space<semaphore_mem>>) src(%dma_wait3A_1339 : memref<480000xf32, #tpu.memory_space<hbm>>) dst(%arg33 : memref<100xf32, #tpu.memory_space<vmem>>)
      %dma_wait3A_1340 = arith.constant 0 : i32
      %dma_wait3A_1341 = tpu.memref_slice %arg5[%dma_wait3A_1340] : memref<60000xi32, #tpu.memory_space<hbm>> -> memref<60000xi32, #tpu.memory_space<hbm>>
      tpu.wait_indirect_dma semaphore(%arg53 : memref<!tpu.dma_semaphore, #tpu.memory_space<semaphore_mem>>) src(%dma_wait3A_1341 : memref<60000xi32, #tpu.memory_space<hbm>>) dst(%arg28 : memref<100xi32, #tpu.memory_space<vmem>>)
      %dma_wait3A_1342 = arith.constant 0 : i32
      %dma_wait3A_1343 = tpu.memref_slice %arg7[%dma_wait3A_1342] : memref<480000xf32, #tpu.memory_space<hbm>> -> memref<480000xf32, #tpu.memory_space<hbm>>
      tpu.wait_indirect_dma semaphore(%arg53 : memref<!tpu.dma_semaphore, #tpu.memory_space<semaphore_mem>>) src(%dma_wait3A_1343 : memref<480000xf32, #tpu.memory_space<hbm>>) dst(%arg34 : memref<100xf32, #tpu.memory_space<vmem>>)
      %mul3A_1344 = arith.constant 2 : i32
      %mul3A_1345 = arith.muli %mul3A_1344, %scan3A_368 : i32
      %add3A_1346 = arith.constant 1 : i32
      %add3A_1347 = arith.addi %mul3A_1345, %add3A_1346 : i32
      %iota3A_1348 = tpu.iota {dimensions = array<i32: 0>} : vector<16xi32>
      %add3A_1349 = arith.constant 0 : i32
      %add3A_1350 = vector.broadcast %add3A_1349 : i32 to vector<16xi32>
      %add3A_1351 = arith.addi %add3A_1350, %iota3A_1348 : vector<16xi32>
      %mul3A_1352 = arith.constant 100 : i32
      %mul3A_1353 = arith.muli %add3A_1347, %mul3A_1352 : i32
      %add3A_1354 = vector.broadcast %mul3A_1353 : i32 to vector<16xi32>
      %add3A_1355 = arith.addi %add3A_1354, %add3A_1351 : vector<16xi32>
      %jit3A_1356 = arith.constant 100 : i32
      %div3A_1357 = vector.broadcast %jit3A_1356 : i32 to vector<16xi32>
      %div3A_1358 = arith.divsi %add3A_1355, %div3A_1357 : vector<16xi32>
      %sign3A_1359 = arith.constant 0 : i32
      %sign3A_1360 = vector.broadcast %sign3A_1359 : i32 to vector<16xi32>
      %sign3A_1361 = arith.cmpi sgt, %add3A_1355, %sign3A_1360 : vector<16xi32>
      %sign3A_1362 = arith.extui %sign3A_1361 : vector<16xi1> to vector<16xi32>
      %sign3A_1363 = arith.constant 0 : i32
      %sign3A_1364 = vector.broadcast %sign3A_1363 : i32 to vector<16xi32>
      %sign3A_1365 = arith.cmpi slt, %add3A_1355, %sign3A_1364 : vector<16xi32>
      %sign3A_1366 = arith.extui %sign3A_1365 : vector<16xi1> to vector<16xi32>
      %sign3A_1367 = arith.subi %sign3A_1362, %sign3A_1366 : vector<16xi32>
      %sign3A_1368 = arith.constant 0 : i32
      %sign3A_1369 = arith.cmpi sgt, %jit3A_1356, %sign3A_1368 : i32
      %sign3A_1370 = arith.extui %sign3A_1369 : i1 to i32
      %sign3A_1371 = arith.constant 0 : i32
      %sign3A_1372 = arith.cmpi slt, %jit3A_1356, %sign3A_1371 : i32
      %sign3A_1373 = arith.extui %sign3A_1372 : i1 to i32
      %sign3A_1374 = arith.subi %sign3A_1370, %sign3A_1373 : i32
      %ne3A_1375 = vector.broadcast %sign3A_1374 : i32 to vector<16xi32>
      %ne3A_1376 = arith.cmpi ne, %sign3A_1367, %ne3A_1375 : vector<16xi32>
      %rem3A_1377 = vector.broadcast %jit3A_1356 : i32 to vector<16xi32>
      %rem3A_1378 = arith.remsi %add3A_1355, %rem3A_1377 : vector<16xi32>
      %ne3A_1379 = arith.constant 0 : i32
      %ne3A_1380 = vector.broadcast %ne3A_1379 : i32 to vector<16xi32>
      %ne3A_1381 = arith.cmpi ne, %rem3A_1378, %ne3A_1380 : vector<16xi32>
      %and3A_1382 = arith.andi %ne3A_1376, %ne3A_1381 : vector<16xi1>
      %sub3A_1383 = arith.constant 1 : i32
      %sub3A_1384 = vector.broadcast %sub3A_1383 : i32 to vector<16xi32>
      %sub3A_1385 = arith.subi %div3A_1358, %sub3A_1384 : vector<16xi32>
      %select_n3A_1386 = arith.select %and3A_1382, %sub3A_1385, %div3A_1358 : vector<16xi1>, vector<16xi32>
      %jit3A_1387 = arith.constant 100 : i32
      %eq3A_1388 = arith.constant 0 : i32
      %eq3A_1389 = arith.cmpi eq, %jit3A_1387, %eq3A_1388 : i32
      %jit3A_1390 = arith.constant 1 : i32
      %select_n3A_1391 = arith.select %eq3A_1389, %jit3A_1390, %jit3A_1387 : i32
      %rem3A_1392 = vector.broadcast %select_n3A_1391 : i32 to vector<16xi32>
      %rem3A_1393 = arith.remsi %add3A_1355, %rem3A_1392 : vector<16xi32>
      %ne3A_1394 = arith.constant 0 : i32
      %ne3A_1395 = vector.broadcast %ne3A_1394 : i32 to vector<16xi32>
      %ne3A_1396 = arith.cmpi ne, %rem3A_1393, %ne3A_1395 : vector<16xi32>
      %lt3A_1397 = arith.constant 0 : i32
      %lt3A_1398 = vector.broadcast %lt3A_1397 : i32 to vector<16xi32>
      %lt3A_1399 = arith.cmpi slt, %rem3A_1393, %lt3A_1398 : vector<16xi32>
      %lt3A_1400 = arith.constant 0 : i32
      %lt3A_1401 = arith.cmpi slt, %select_n3A_1391, %lt3A_1400 : i32
      %ne3A_1402 = vector.broadcast %lt3A_1401 : i1 to vector<16xi1>
      %ne3A_1403 = vector.broadcast %ne3A_1402 : vector<16xi1> to vector<16xi1>
      %ne3A_1404 = arith.xori %lt3A_1399, %ne3A_1403 : vector<16xi1>
      %and3A_1405 = arith.andi %ne3A_1404, %ne3A_1396 : vector<16xi1>
      %add3A_1406 = vector.broadcast %select_n3A_1391 : i32 to vector<16xi32>
      %add3A_1407 = arith.addi %rem3A_1393, %add3A_1406 : vector<16xi32>
      %select_n3A_1408 = arith.select %and3A_1405, %add3A_1407, %rem3A_1393 : vector<16xi1>, vector<16xi32>
      %gather3A_1409 = tpu.vector_load_idx %arg26[%add3A_1351] : memref<100xi32, #tpu.memory_space<vmem>>[vector<16xi32>], vector<16xi32>,
      tpu.vector_store_idx %arg35[%select_n3A_1386, %select_n3A_1408], %gather3A_1409 : memref<50x100xi32, #tpu.memory_space<vmem>>[vector<16xi32>, vector<16xi32>], vector<16xi32>,
      %gather3A_1410 = tpu.vector_load_idx %arg32[%add3A_1351] : memref<100xf32, #tpu.memory_space<vmem>>[vector<16xi32>], vector<16xf32>,
      tpu.vector_store_idx %arg38[%select_n3A_1386, %select_n3A_1408], %gather3A_1410 : memref<50x100xf32, #tpu.memory_space<vmem>>[vector<16xi32>, vector<16xi32>], vector<16xf32>,
      %gather3A_1411 = tpu.vector_load_idx %arg27[%add3A_1351] : memref<100xi32, #tpu.memory_space<vmem>>[vector<16xi32>], vector<16xi32>,
      tpu.vector_store_idx %arg36[%select_n3A_1386, %select_n3A_1408], %gather3A_1411 : memref<50x100xi32, #tpu.memory_space<vmem>>[vector<16xi32>, vector<16xi32>], vector<16xi32>,
      %gather3A_1412 = tpu.vector_load_idx %arg33[%add3A_1351] : memref<100xf32, #tpu.memory_space<vmem>>[vector<16xi32>], vector<16xf32>,
      tpu.vector_store_idx %arg39[%select_n3A_1386, %select_n3A_1408], %gather3A_1412 : memref<50x100xf32, #tpu.memory_space<vmem>>[vector<16xi32>, vector<16xi32>], vector<16xf32>,
      %gather3A_1413 = tpu.vector_load_idx %arg28[%add3A_1351] : memref<100xi32, #tpu.memory_space<vmem>>[vector<16xi32>], vector<16xi32>,
      tpu.vector_store_idx %arg37[%select_n3A_1386, %select_n3A_1408], %gather3A_1413 : memref<50x100xi32, #tpu.memory_space<vmem>>[vector<16xi32>, vector<16xi32>], vector<16xi32>,
      %gather3A_1414 = tpu.vector_load_idx %arg34[%add3A_1351] : memref<100xf32, #tpu.memory_space<vmem>>[vector<16xi32>], vector<16xf32>,
      tpu.vector_store_idx %arg40[%select_n3A_1386, %select_n3A_1408], %gather3A_1414 : memref<50x100xf32, #tpu.memory_space<vmem>>[vector<16xi32>, vector<16xi32>], vector<16xf32>,
      %iota3A_1415 = tpu.iota {dimensions = array<i32: 0>} : vector<16xi32>
      %add3A_1416 = arith.constant 16 : i32
      %add3A_1417 = vector.broadcast %add3A_1416 : i32 to vector<16xi32>
      %add3A_1418 = arith.addi %add3A_1417, %iota3A_1415 : vector<16xi32>
      %mul3A_1419 = arith.constant 100 : i32
      %mul3A_1420 = arith.muli %add3A_1347, %mul3A_1419 : i32
      %add3A_1421 = vector.broadcast %mul3A_1420 : i32 to vector<16xi32>
      %add3A_1422 = arith.addi %add3A_1421, %add3A_1418 : vector<16xi32>
      %jit3A_1423 = arith.constant 100 : i32
      %div3A_1424 = vector.broadcast %jit3A_1423 : i32 to vector<16xi32>
      %div3A_1425 = arith.divsi %add3A_1422, %div3A_1424 : vector<16xi32>
      %sign3A_1426 = arith.constant 0 : i32
      %sign3A_1427 = vector.broadcast %sign3A_1426 : i32 to vector<16xi32>
      %sign3A_1428 = arith.cmpi sgt, %add3A_1422, %sign3A_1427 : vector<16xi32>
      %sign3A_1429 = arith.extui %sign3A_1428 : vector<16xi1> to vector<16xi32>
      %sign3A_1430 = arith.constant 0 : i32
      %sign3A_1431 = vector.broadcast %sign3A_1430 : i32 to vector<16xi32>
      %sign3A_1432 = arith.cmpi slt, %add3A_1422, %sign3A_1431 : vector<16xi32>
      %sign3A_1433 = arith.extui %sign3A_1432 : vector<16xi1> to vector<16xi32>
      %sign3A_1434 = arith.subi %sign3A_1429, %sign3A_1433 : vector<16xi32>
      %sign3A_1435 = arith.constant 0 : i32
      %sign3A_1436 = arith.cmpi sgt, %jit3A_1423, %sign3A_1435 : i32
      %sign3A_1437 = arith.extui %sign3A_1436 : i1 to i32
      %sign3A_1438 = arith.constant 0 : i32
      %sign3A_1439 = arith.cmpi slt, %jit3A_1423, %sign3A_1438 : i32
      %sign3A_1440 = arith.extui %sign3A_1439 : i1 to i32
      %sign3A_1441 = arith.subi %sign3A_1437, %sign3A_1440 : i32
      %ne3A_1442 = vector.broadcast %sign3A_1441 : i32 to vector<16xi32>
      %ne3A_1443 = arith.cmpi ne, %sign3A_1434, %ne3A_1442 : vector<16xi32>
      %rem3A_1444 = vector.broadcast %jit3A_1423 : i32 to vector<16xi32>
      %rem3A_1445 = arith.remsi %add3A_1422, %rem3A_1444 : vector<16xi32>
      %ne3A_1446 = arith.constant 0 : i32
      %ne3A_1447 = vector.broadcast %ne3A_1446 : i32 to vector<16xi32>
      %ne3A_1448 = arith.cmpi ne, %rem3A_1445, %ne3A_1447 : vector<16xi32>
      %and3A_1449 = arith.andi %ne3A_1443, %ne3A_1448 : vector<16xi1>
      %sub3A_1450 = arith.constant 1 : i32
      %sub3A_1451 = vector.broadcast %sub3A_1450 : i32 to vector<16xi32>
      %sub3A_1452 = arith.subi %div3A_1425, %sub3A_1451 : vector<16xi32>
      %select_n3A_1453 = arith.select %and3A_1449, %sub3A_1452, %div3A_1425 : vector<16xi1>, vector<16xi32>
      %jit3A_1454 = arith.constant 100 : i32
      %eq3A_1455 = arith.constant 0 : i32
      %eq3A_1456 = arith.cmpi eq, %jit3A_1454, %eq3A_1455 : i32
      %jit3A_1457 = arith.constant 1 : i32
      %select_n3A_1458 = arith.select %eq3A_1456, %jit3A_1457, %jit3A_1454 : i32
      %rem3A_1459 = vector.broadcast %select_n3A_1458 : i32 to vector<16xi32>
      %rem3A_1460 = arith.remsi %add3A_1422, %rem3A_1459 : vector<16xi32>
      %ne3A_1461 = arith.constant 0 : i32
      %ne3A_1462 = vector.broadcast %ne3A_1461 : i32 to vector<16xi32>
      %ne3A_1463 = arith.cmpi ne, %rem3A_1460, %ne3A_1462 : vector<16xi32>
      %lt3A_1464 = arith.constant 0 : i32
      %lt3A_1465 = vector.broadcast %lt3A_1464 : i32 to vector<16xi32>
      %lt3A_1466 = arith.cmpi slt, %rem3A_1460, %lt3A_1465 : vector<16xi32>
      %lt3A_1467 = arith.constant 0 : i32
      %lt3A_1468 = arith.cmpi slt, %select_n3A_1458, %lt3A_1467 : i32
      %ne3A_1469 = vector.broadcast %lt3A_1468 : i1 to vector<16xi1>
      %ne3A_1470 = vector.broadcast %ne3A_1469 : vector<16xi1> to vector<16xi1>
      %ne3A_1471 = arith.xori %lt3A_1466, %ne3A_1470 : vector<16xi1>
      %and3A_1472 = arith.andi %ne3A_1471, %ne3A_1463 : vector<16xi1>
      %add3A_1473 = vector.broadcast %select_n3A_1458 : i32 to vector<16xi32>
      %add3A_1474 = arith.addi %rem3A_1460, %add3A_1473 : vector<16xi32>
      %select_n3A_1475 = arith.select %and3A_1472, %add3A_1474, %rem3A_1460 : vector<16xi1>, vector<16xi32>
      %gather3A_1476 = tpu.vector_load_idx %arg26[%add3A_1418] : memref<100xi32, #tpu.memory_space<vmem>>[vector<16xi32>], vector<16xi32>,
      tpu.vector_store_idx %arg35[%select_n3A_1453, %select_n3A_1475], %gather3A_1476 : memref<50x100xi32, #tpu.memory_space<vmem>>[vector<16xi32>, vector<16xi32>], vector<16xi32>,
      %gather3A_1477 = tpu.vector_load_idx %arg32[%add3A_1418] : memref<100xf32, #tpu.memory_space<vmem>>[vector<16xi32>], vector<16xf32>,
      tpu.vector_store_idx %arg38[%select_n3A_1453, %select_n3A_1475], %gather3A_1477 : memref<50x100xf32, #tpu.memory_space<vmem>>[vector<16xi32>, vector<16xi32>], vector<16xf32>,
      %gather3A_1478 = tpu.vector_load_idx %arg27[%add3A_1418] : memref<100xi32, #tpu.memory_space<vmem>>[vector<16xi32>], vector<16xi32>,
      tpu.vector_store_idx %arg36[%select_n3A_1453, %select_n3A_1475], %gather3A_1478 : memref<50x100xi32, #tpu.memory_space<vmem>>[vector<16xi32>, vector<16xi32>], vector<16xi32>,
      %gather3A_1479 = tpu.vector_load_idx %arg33[%add3A_1418] : memref<100xf32, #tpu.memory_space<vmem>>[vector<16xi32>], vector<16xf32>,
      tpu.vector_store_idx %arg39[%select_n3A_1453, %select_n3A_1475], %gather3A_1479 : memref<50x100xf32, #tpu.memory_space<vmem>>[vector<16xi32>, vector<16xi32>], vector<16xf32>,
      %gather3A_1480 = tpu.vector_load_idx %arg28[%add3A_1418] : memref<100xi32, #tpu.memory_space<vmem>>[vector<16xi32>], vector<16xi32>,
      tpu.vector_store_idx %arg37[%select_n3A_1453, %select_n3A_1475], %gather3A_1480 : memref<50x100xi32, #tpu.memory_space<vmem>>[vector<16xi32>, vector<16xi32>], vector<16xi32>,
      %gather3A_1481 = tpu.vector_load_idx %arg34[%add3A_1418] : memref<100xf32, #tpu.memory_space<vmem>>[vector<16xi32>], vector<16xf32>,
      tpu.vector_store_idx %arg40[%select_n3A_1453, %select_n3A_1475], %gather3A_1481 : memref<50x100xf32, #tpu.memory_space<vmem>>[vector<16xi32>, vector<16xi32>], vector<16xf32>,
      %iota3A_1482 = tpu.iota {dimensions = array<i32: 0>} : vector<16xi32>
      %add3A_1483 = arith.constant 32 : i32
      %add3A_1484 = vector.broadcast %add3A_1483 : i32 to vector<16xi32>
      %add3A_1485 = arith.addi %add3A_1484, %iota3A_1482 : vector<16xi32>
      %mul3A_1486 = arith.constant 100 : i32
      %mul3A_1487 = arith.muli %add3A_1347, %mul3A_1486 : i32
      %add3A_1488 = vector.broadcast %mul3A_1487 : i32 to vector<16xi32>
      %add3A_1489 = arith.addi %add3A_1488, %add3A_1485 : vector<16xi32>
      %jit3A_1490 = arith.constant 100 : i32
      %div3A_1491 = vector.broadcast %jit3A_1490 : i32 to vector<16xi32>
      %div3A_1492 = arith.divsi %add3A_1489, %div3A_1491 : vector<16xi32>
      %sign3A_1493 = arith.constant 0 : i32
      %sign3A_1494 = vector.broadcast %sign3A_1493 : i32 to vector<16xi32>
      %sign3A_1495 = arith.cmpi sgt, %add3A_1489, %sign3A_1494 : vector<16xi32>
      %sign3A_1496 = arith.extui %sign3A_1495 : vector<16xi1> to vector<16xi32>
      %sign3A_1497 = arith.constant 0 : i32
      %sign3A_1498 = vector.broadcast %sign3A_1497 : i32 to vector<16xi32>
      %sign3A_1499 = arith.cmpi slt, %add3A_1489, %sign3A_1498 : vector<16xi32>
      %sign3A_1500 = arith.extui %sign3A_1499 : vector<16xi1> to vector<16xi32>
      %sign3A_1501 = arith.subi %sign3A_1496, %sign3A_1500 : vector<16xi32>
      %sign3A_1502 = arith.constant 0 : i32
      %sign3A_1503 = arith.cmpi sgt, %jit3A_1490, %sign3A_1502 : i32
      %sign3A_1504 = arith.extui %sign3A_1503 : i1 to i32
      %sign3A_1505 = arith.constant 0 : i32
      %sign3A_1506 = arith.cmpi slt, %jit3A_1490, %sign3A_1505 : i32
      %sign3A_1507 = arith.extui %sign3A_1506 : i1 to i32
      %sign3A_1508 = arith.subi %sign3A_1504, %sign3A_1507 : i32
      %ne3A_1509 = vector.broadcast %sign3A_1508 : i32 to vector<16xi32>
      %ne3A_1510 = arith.cmpi ne, %sign3A_1501, %ne3A_1509 : vector<16xi32>
      %rem3A_1511 = vector.broadcast %jit3A_1490 : i32 to vector<16xi32>
      %rem3A_1512 = arith.remsi %add3A_1489, %rem3A_1511 : vector<16xi32>
      %ne3A_1513 = arith.constant 0 : i32
      %ne3A_1514 = vector.broadcast %ne3A_1513 : i32 to vector<16xi32>
      %ne3A_1515 = arith.cmpi ne, %rem3A_1512, %ne3A_1514 : vector<16xi32>
      %and3A_1516 = arith.andi %ne3A_1510, %ne3A_1515 : vector<16xi1>
      %sub3A_1517 = arith.constant 1 : i32
      %sub3A_1518 = vector.broadcast %sub3A_1517 : i32 to vector<16xi32>
      %sub3A_1519 = arith.subi %div3A_1492, %sub3A_1518 : vector<16xi32>
      %select_n3A_1520 = arith.select %and3A_1516, %sub3A_1519, %div3A_1492 : vector<16xi1>, vector<16xi32>
      %jit3A_1521 = arith.constant 100 : i32
      %eq3A_1522 = arith.constant 0 : i32
      %eq3A_1523 = arith.cmpi eq, %jit3A_1521, %eq3A_1522 : i32
      %jit3A_1524 = arith.constant 1 : i32
      %select_n3A_1525 = arith.select %eq3A_1523, %jit3A_1524, %jit3A_1521 : i32
      %rem3A_1526 = vector.broadcast %select_n3A_1525 : i32 to vector<16xi32>
      %rem3A_1527 = arith.remsi %add3A_1489, %rem3A_1526 : vector<16xi32>
      %ne3A_1528 = arith.constant 0 : i32
      %ne3A_1529 = vector.broadcast %ne3A_1528 : i32 to vector<16xi32>
      %ne3A_1530 = arith.cmpi ne, %rem3A_1527, %ne3A_1529 : vector<16xi32>
      %lt3A_1531 = arith.constant 0 : i32
      %lt3A_1532 = vector.broadcast %lt3A_1531 : i32 to vector<16xi32>
      %lt3A_1533 = arith.cmpi slt, %rem3A_1527, %lt3A_1532 : vector<16xi32>
      %lt3A_1534 = arith.constant 0 : i32
      %lt3A_1535 = arith.cmpi slt, %select_n3A_1525, %lt3A_1534 : i32
      %ne3A_1536 = vector.broadcast %lt3A_1535 : i1 to vector<16xi1>
      %ne3A_1537 = vector.broadcast %ne3A_1536 : vector<16xi1> to vector<16xi1>
      %ne3A_1538 = arith.xori %lt3A_1533, %ne3A_1537 : vector<16xi1>
      %and3A_1539 = arith.andi %ne3A_1538, %ne3A_1530 : vector<16xi1>
      %add3A_1540 = vector.broadcast %select_n3A_1525 : i32 to vector<16xi32>
      %add3A_1541 = arith.addi %rem3A_1527, %add3A_1540 : vector<16xi32>
      %select_n3A_1542 = arith.select %and3A_1539, %add3A_1541, %rem3A_1527 : vector<16xi1>, vector<16xi32>
      %gather3A_1543 = tpu.vector_load_idx %arg26[%add3A_1485] : memref<100xi32, #tpu.memory_space<vmem>>[vector<16xi32>], vector<16xi32>,
      tpu.vector_store_idx %arg35[%select_n3A_1520, %select_n3A_1542], %gather3A_1543 : memref<50x100xi32, #tpu.memory_space<vmem>>[vector<16xi32>, vector<16xi32>], vector<16xi32>,
      %gather3A_1544 = tpu.vector_load_idx %arg32[%add3A_1485] : memref<100xf32, #tpu.memory_space<vmem>>[vector<16xi32>], vector<16xf32>,
      tpu.vector_store_idx %arg38[%select_n3A_1520, %select_n3A_1542], %gather3A_1544 : memref<50x100xf32, #tpu.memory_space<vmem>>[vector<16xi32>, vector<16xi32>], vector<16xf32>,
      %gather3A_1545 = tpu.vector_load_idx %arg27[%add3A_1485] : memref<100xi32, #tpu.memory_space<vmem>>[vector<16xi32>], vector<16xi32>,
      tpu.vector_store_idx %arg36[%select_n3A_1520, %select_n3A_1542], %gather3A_1545 : memref<50x100xi32, #tpu.memory_space<vmem>>[vector<16xi32>, vector<16xi32>], vector<16xi32>,
      %gather3A_1546 = tpu.vector_load_idx %arg33[%add3A_1485] : memref<100xf32, #tpu.memory_space<vmem>>[vector<16xi32>], vector<16xf32>,
      tpu.vector_store_idx %arg39[%select_n3A_1520, %select_n3A_1542], %gather3A_1546 : memref<50x100xf32, #tpu.memory_space<vmem>>[vector<16xi32>, vector<16xi32>], vector<16xf32>,
      %gather3A_1547 = tpu.vector_load_idx %arg28[%add3A_1485] : memref<100xi32, #tpu.memory_space<vmem>>[vector<16xi32>], vector<16xi32>,
      tpu.vector_store_idx %arg37[%select_n3A_1520, %select_n3A_1542], %gather3A_1547 : memref<50x100xi32, #tpu.memory_space<vmem>>[vector<16xi32>, vector<16xi32>], vector<16xi32>,
      %gather3A_1548 = tpu.vector_load_idx %arg34[%add3A_1485] : memref<100xf32, #tpu.memory_space<vmem>>[vector<16xi32>], vector<16xf32>,
      tpu.vector_store_idx %arg40[%select_n3A_1520, %select_n3A_1542], %gather3A_1548 : memref<50x100xf32, #tpu.memory_space<vmem>>[vector<16xi32>, vector<16xi32>], vector<16xf32>,
      %iota3A_1549 = tpu.iota {dimensions = array<i32: 0>} : vector<16xi32>
      %add3A_1550 = arith.constant 48 : i32
      %add3A_1551 = vector.broadcast %add3A_1550 : i32 to vector<16xi32>
      %add3A_1552 = arith.addi %add3A_1551, %iota3A_1549 : vector<16xi32>
      %mul3A_1553 = arith.constant 100 : i32
      %mul3A_1554 = arith.muli %add3A_1347, %mul3A_1553 : i32
      %add3A_1555 = vector.broadcast %mul3A_1554 : i32 to vector<16xi32>
      %add3A_1556 = arith.addi %add3A_1555, %add3A_1552 : vector<16xi32>
      %jit3A_1557 = arith.constant 100 : i32
      %div3A_1558 = vector.broadcast %jit3A_1557 : i32 to vector<16xi32>
      %div3A_1559 = arith.divsi %add3A_1556, %div3A_1558 : vector<16xi32>
      %sign3A_1560 = arith.constant 0 : i32
      %sign3A_1561 = vector.broadcast %sign3A_1560 : i32 to vector<16xi32>
      %sign3A_1562 = arith.cmpi sgt, %add3A_1556, %sign3A_1561 : vector<16xi32>
      %sign3A_1563 = arith.extui %sign3A_1562 : vector<16xi1> to vector<16xi32>
      %sign3A_1564 = arith.constant 0 : i32
      %sign3A_1565 = vector.broadcast %sign3A_1564 : i32 to vector<16xi32>
      %sign3A_1566 = arith.cmpi slt, %add3A_1556, %sign3A_1565 : vector<16xi32>
      %sign3A_1567 = arith.extui %sign3A_1566 : vector<16xi1> to vector<16xi32>
      %sign3A_1568 = arith.subi %sign3A_1563, %sign3A_1567 : vector<16xi32>
      %sign3A_1569 = arith.constant 0 : i32
      %sign3A_1570 = arith.cmpi sgt, %jit3A_1557, %sign3A_1569 : i32
      %sign3A_1571 = arith.extui %sign3A_1570 : i1 to i32
      %sign3A_1572 = arith.constant 0 : i32
      %sign3A_1573 = arith.cmpi slt, %jit3A_1557, %sign3A_1572 : i32
      %sign3A_1574 = arith.extui %sign3A_1573 : i1 to i32
      %sign3A_1575 = arith.subi %sign3A_1571, %sign3A_1574 : i32
      %ne3A_1576 = vector.broadcast %sign3A_1575 : i32 to vector<16xi32>
      %ne3A_1577 = arith.cmpi ne, %sign3A_1568, %ne3A_1576 : vector<16xi32>
      %rem3A_1578 = vector.broadcast %jit3A_1557 : i32 to vector<16xi32>
      %rem3A_1579 = arith.remsi %add3A_1556, %rem3A_1578 : vector<16xi32>
      %ne3A_1580 = arith.constant 0 : i32
      %ne3A_1581 = vector.broadcast %ne3A_1580 : i32 to vector<16xi32>
      %ne3A_1582 = arith.cmpi ne, %rem3A_1579, %ne3A_1581 : vector<16xi32>
      %and3A_1583 = arith.andi %ne3A_1577, %ne3A_1582 : vector<16xi1>
      %sub3A_1584 = arith.constant 1 : i32
      %sub3A_1585 = vector.broadcast %sub3A_1584 : i32 to vector<16xi32>
      %sub3A_1586 = arith.subi %div3A_1559, %sub3A_1585 : vector<16xi32>
      %select_n3A_1587 = arith.select %and3A_1583, %sub3A_1586, %div3A_1559 : vector<16xi1>, vector<16xi32>
      %jit3A_1588 = arith.constant 100 : i32
      %eq3A_1589 = arith.constant 0 : i32
      %eq3A_1590 = arith.cmpi eq, %jit3A_1588, %eq3A_1589 : i32
      %jit3A_1591 = arith.constant 1 : i32
      %select_n3A_1592 = arith.select %eq3A_1590, %jit3A_1591, %jit3A_1588 : i32
      %rem3A_1593 = vector.broadcast %select_n3A_1592 : i32 to vector<16xi32>
      %rem3A_1594 = arith.remsi %add3A_1556, %rem3A_1593 : vector<16xi32>
      %ne3A_1595 = arith.constant 0 : i32
      %ne3A_1596 = vector.broadcast %ne3A_1595 : i32 to vector<16xi32>
      %ne3A_1597 = arith.cmpi ne, %rem3A_1594, %ne3A_1596 : vector<16xi32>
      %lt3A_1598 = arith.constant 0 : i32
      %lt3A_1599 = vector.broadcast %lt3A_1598 : i32 to vector<16xi32>
      %lt3A_1600 = arith.cmpi slt, %rem3A_1594, %lt3A_1599 : vector<16xi32>
      %lt3A_1601 = arith.constant 0 : i32
      %lt3A_1602 = arith.cmpi slt, %select_n3A_1592, %lt3A_1601 : i32
      %ne3A_1603 = vector.broadcast %lt3A_1602 : i1 to vector<16xi1>
      %ne3A_1604 = vector.broadcast %ne3A_1603 : vector<16xi1> to vector<16xi1>
      %ne3A_1605 = arith.xori %lt3A_1600, %ne3A_1604 : vector<16xi1>
      %and3A_1606 = arith.andi %ne3A_1605, %ne3A_1597 : vector<16xi1>
      %add3A_1607 = vector.broadcast %select_n3A_1592 : i32 to vector<16xi32>
      %add3A_1608 = arith.addi %rem3A_1594, %add3A_1607 : vector<16xi32>
      %select_n3A_1609 = arith.select %and3A_1606, %add3A_1608, %rem3A_1594 : vector<16xi1>, vector<16xi32>
      %gather3A_1610 = tpu.vector_load_idx %arg26[%add3A_1552] : memref<100xi32, #tpu.memory_space<vmem>>[vector<16xi32>], vector<16xi32>,
      tpu.vector_store_idx %arg35[%select_n3A_1587, %select_n3A_1609], %gather3A_1610 : memref<50x100xi32, #tpu.memory_space<vmem>>[vector<16xi32>, vector<16xi32>], vector<16xi32>,
      %gather3A_1611 = tpu.vector_load_idx %arg32[%add3A_1552] : memref<100xf32, #tpu.memory_space<vmem>>[vector<16xi32>], vector<16xf32>,
      tpu.vector_store_idx %arg38[%select_n3A_1587, %select_n3A_1609], %gather3A_1611 : memref<50x100xf32, #tpu.memory_space<vmem>>[vector<16xi32>, vector<16xi32>], vector<16xf32>,
      %gather3A_1612 = tpu.vector_load_idx %arg27[%add3A_1552] : memref<100xi32, #tpu.memory_space<vmem>>[vector<16xi32>], vector<16xi32>,
      tpu.vector_store_idx %arg36[%select_n3A_1587, %select_n3A_1609], %gather3A_1612 : memref<50x100xi32, #tpu.memory_space<vmem>>[vector<16xi32>, vector<16xi32>], vector<16xi32>,
      %gather3A_1613 = tpu.vector_load_idx %arg33[%add3A_1552] : memref<100xf32, #tpu.memory_space<vmem>>[vector<16xi32>], vector<16xf32>,
      tpu.vector_store_idx %arg39[%select_n3A_1587, %select_n3A_1609], %gather3A_1613 : memref<50x100xf32, #tpu.memory_space<vmem>>[vector<16xi32>, vector<16xi32>], vector<16xf32>,
      %gather3A_1614 = tpu.vector_load_idx %arg28[%add3A_1552] : memref<100xi32, #tpu.memory_space<vmem>>[vector<16xi32>], vector<16xi32>,
      tpu.vector_store_idx %arg37[%select_n3A_1587, %select_n3A_1609], %gather3A_1614 : memref<50x100xi32, #tpu.memory_space<vmem>>[vector<16xi32>, vector<16xi32>], vector<16xi32>,
      %gather3A_1615 = tpu.vector_load_idx %arg34[%add3A_1552] : memref<100xf32, #tpu.memory_space<vmem>>[vector<16xi32>], vector<16xf32>,
      tpu.vector_store_idx %arg40[%select_n3A_1587, %select_n3A_1609], %gather3A_1615 : memref<50x100xf32, #tpu.memory_space<vmem>>[vector<16xi32>, vector<16xi32>], vector<16xf32>,
      %iota3A_1616 = tpu.iota {dimensions = array<i32: 0>} : vector<16xi32>
      %add3A_1617 = arith.constant 64 : i32
      %add3A_1618 = vector.broadcast %add3A_1617 : i32 to vector<16xi32>
      %add3A_1619 = arith.addi %add3A_1618, %iota3A_1616 : vector<16xi32>
      %mul3A_1620 = arith.constant 100 : i32
      %mul3A_1621 = arith.muli %add3A_1347, %mul3A_1620 : i32
      %add3A_1622 = vector.broadcast %mul3A_1621 : i32 to vector<16xi32>
      %add3A_1623 = arith.addi %add3A_1622, %add3A_1619 : vector<16xi32>
      %jit3A_1624 = arith.constant 100 : i32
      %div3A_1625 = vector.broadcast %jit3A_1624 : i32 to vector<16xi32>
      %div3A_1626 = arith.divsi %add3A_1623, %div3A_1625 : vector<16xi32>
      %sign3A_1627 = arith.constant 0 : i32
      %sign3A_1628 = vector.broadcast %sign3A_1627 : i32 to vector<16xi32>
      %sign3A_1629 = arith.cmpi sgt, %add3A_1623, %sign3A_1628 : vector<16xi32>
      %sign3A_1630 = arith.extui %sign3A_1629 : vector<16xi1> to vector<16xi32>
      %sign3A_1631 = arith.constant 0 : i32
      %sign3A_1632 = vector.broadcast %sign3A_1631 : i32 to vector<16xi32>
      %sign3A_1633 = arith.cmpi slt, %add3A_1623, %sign3A_1632 : vector<16xi32>
      %sign3A_1634 = arith.extui %sign3A_1633 : vector<16xi1> to vector<16xi32>
      %sign3A_1635 = arith.subi %sign3A_1630, %sign3A_1634 : vector<16xi32>
      %sign3A_1636 = arith.constant 0 : i32
      %sign3A_1637 = arith.cmpi sgt, %jit3A_1624, %sign3A_1636 : i32
      %sign3A_1638 = arith.extui %sign3A_1637 : i1 to i32
      %sign3A_1639 = arith.constant 0 : i32
      %sign3A_1640 = arith.cmpi slt, %jit3A_1624, %sign3A_1639 : i32
      %sign3A_1641 = arith.extui %sign3A_1640 : i1 to i32
      %sign3A_1642 = arith.subi %sign3A_1638, %sign3A_1641 : i32
      %ne3A_1643 = vector.broadcast %sign3A_1642 : i32 to vector<16xi32>
      %ne3A_1644 = arith.cmpi ne, %sign3A_1635, %ne3A_1643 : vector<16xi32>
      %rem3A_1645 = vector.broadcast %jit3A_1624 : i32 to vector<16xi32>
      %rem3A_1646 = arith.remsi %add3A_1623, %rem3A_1645 : vector<16xi32>
      %ne3A_1647 = arith.constant 0 : i32
      %ne3A_1648 = vector.broadcast %ne3A_1647 : i32 to vector<16xi32>
      %ne3A_1649 = arith.cmpi ne, %rem3A_1646, %ne3A_1648 : vector<16xi32>
      %and3A_1650 = arith.andi %ne3A_1644, %ne3A_1649 : vector<16xi1>
      %sub3A_1651 = arith.constant 1 : i32
      %sub3A_1652 = vector.broadcast %sub3A_1651 : i32 to vector<16xi32>
      %sub3A_1653 = arith.subi %div3A_1626, %sub3A_1652 : vector<16xi32>
      %select_n3A_1654 = arith.select %and3A_1650, %sub3A_1653, %div3A_1626 : vector<16xi1>, vector<16xi32>
      %jit3A_1655 = arith.constant 100 : i32
      %eq3A_1656 = arith.constant 0 : i32
      %eq3A_1657 = arith.cmpi eq, %jit3A_1655, %eq3A_1656 : i32
      %jit3A_1658 = arith.constant 1 : i32
      %select_n3A_1659 = arith.select %eq3A_1657, %jit3A_1658, %jit3A_1655 : i32
      %rem3A_1660 = vector.broadcast %select_n3A_1659 : i32 to vector<16xi32>
      %rem3A_1661 = arith.remsi %add3A_1623, %rem3A_1660 : vector<16xi32>
      %ne3A_1662 = arith.constant 0 : i32
      %ne3A_1663 = vector.broadcast %ne3A_1662 : i32 to vector<16xi32>
      %ne3A_1664 = arith.cmpi ne, %rem3A_1661, %ne3A_1663 : vector<16xi32>
      %lt3A_1665 = arith.constant 0 : i32
      %lt3A_1666 = vector.broadcast %lt3A_1665 : i32 to vector<16xi32>
      %lt3A_1667 = arith.cmpi slt, %rem3A_1661, %lt3A_1666 : vector<16xi32>
      %lt3A_1668 = arith.constant 0 : i32
      %lt3A_1669 = arith.cmpi slt, %select_n3A_1659, %lt3A_1668 : i32
      %ne3A_1670 = vector.broadcast %lt3A_1669 : i1 to vector<16xi1>
      %ne3A_1671 = vector.broadcast %ne3A_1670 : vector<16xi1> to vector<16xi1>
      %ne3A_1672 = arith.xori %lt3A_1667, %ne3A_1671 : vector<16xi1>
      %and3A_1673 = arith.andi %ne3A_1672, %ne3A_1664 : vector<16xi1>
      %add3A_1674 = vector.broadcast %select_n3A_1659 : i32 to vector<16xi32>
      %add3A_1675 = arith.addi %rem3A_1661, %add3A_1674 : vector<16xi32>
      %select_n3A_1676 = arith.select %and3A_1673, %add3A_1675, %rem3A_1661 : vector<16xi1>, vector<16xi32>
      %gather3A_1677 = tpu.vector_load_idx %arg26[%add3A_1619] : memref<100xi32, #tpu.memory_space<vmem>>[vector<16xi32>], vector<16xi32>,
      tpu.vector_store_idx %arg35[%select_n3A_1654, %select_n3A_1676], %gather3A_1677 : memref<50x100xi32, #tpu.memory_space<vmem>>[vector<16xi32>, vector<16xi32>], vector<16xi32>,
      %gather3A_1678 = tpu.vector_load_idx %arg32[%add3A_1619] : memref<100xf32, #tpu.memory_space<vmem>>[vector<16xi32>], vector<16xf32>,
      tpu.vector_store_idx %arg38[%select_n3A_1654, %select_n3A_1676], %gather3A_1678 : memref<50x100xf32, #tpu.memory_space<vmem>>[vector<16xi32>, vector<16xi32>], vector<16xf32>,
      %gather3A_1679 = tpu.vector_load_idx %arg27[%add3A_1619] : memref<100xi32, #tpu.memory_space<vmem>>[vector<16xi32>], vector<16xi32>,
      tpu.vector_store_idx %arg36[%select_n3A_1654, %select_n3A_1676], %gather3A_1679 : memref<50x100xi32, #tpu.memory_space<vmem>>[vector<16xi32>, vector<16xi32>], vector<16xi32>,
      %gather3A_1680 = tpu.vector_load_idx %arg33[%add3A_1619] : memref<100xf32, #tpu.memory_space<vmem>>[vector<16xi32>], vector<16xf32>,
      tpu.vector_store_idx %arg39[%select_n3A_1654, %select_n3A_1676], %gather3A_1680 : memref<50x100xf32, #tpu.memory_space<vmem>>[vector<16xi32>, vector<16xi32>], vector<16xf32>,
      %gather3A_1681 = tpu.vector_load_idx %arg28[%add3A_1619] : memref<100xi32, #tpu.memory_space<vmem>>[vector<16xi32>], vector<16xi32>,
      tpu.vector_store_idx %arg37[%select_n3A_1654, %select_n3A_1676], %gather3A_1681 : memref<50x100xi32, #tpu.memory_space<vmem>>[vector<16xi32>, vector<16xi32>], vector<16xi32>,
      %gather3A_1682 = tpu.vector_load_idx %arg34[%add3A_1619] : memref<100xf32, #tpu.memory_space<vmem>>[vector<16xi32>], vector<16xf32>,
      tpu.vector_store_idx %arg40[%select_n3A_1654, %select_n3A_1676], %gather3A_1682 : memref<50x100xf32, #tpu.memory_space<vmem>>[vector<16xi32>, vector<16xi32>], vector<16xf32>,
      %iota3A_1683 = tpu.iota {dimensions = array<i32: 0>} : vector<16xi32>
      %add3A_1684 = arith.constant 80 : i32
      %add3A_1685 = vector.broadcast %add3A_1684 : i32 to vector<16xi32>
      %add3A_1686 = arith.addi %add3A_1685, %iota3A_1683 : vector<16xi32>
      %mul3A_1687 = arith.constant 100 : i32
      %mul3A_1688 = arith.muli %add3A_1347, %mul3A_1687 : i32
      %add3A_1689 = vector.broadcast %mul3A_1688 : i32 to vector<16xi32>
      %add3A_1690 = arith.addi %add3A_1689, %add3A_1686 : vector<16xi32>
      %jit3A_1691 = arith.constant 100 : i32
      %div3A_1692 = vector.broadcast %jit3A_1691 : i32 to vector<16xi32>
      %div3A_1693 = arith.divsi %add3A_1690, %div3A_1692 : vector<16xi32>
      %sign3A_1694 = arith.constant 0 : i32
      %sign3A_1695 = vector.broadcast %sign3A_1694 : i32 to vector<16xi32>
      %sign3A_1696 = arith.cmpi sgt, %add3A_1690, %sign3A_1695 : vector<16xi32>
      %sign3A_1697 = arith.extui %sign3A_1696 : vector<16xi1> to vector<16xi32>
      %sign3A_1698 = arith.constant 0 : i32
      %sign3A_1699 = vector.broadcast %sign3A_1698 : i32 to vector<16xi32>
      %sign3A_1700 = arith.cmpi slt, %add3A_1690, %sign3A_1699 : vector<16xi32>
      %sign3A_1701 = arith.extui %sign3A_1700 : vector<16xi1> to vector<16xi32>
      %sign3A_1702 = arith.subi %sign3A_1697, %sign3A_1701 : vector<16xi32>
      %sign3A_1703 = arith.constant 0 : i32
      %sign3A_1704 = arith.cmpi sgt, %jit3A_1691, %sign3A_1703 : i32
      %sign3A_1705 = arith.extui %sign3A_1704 : i1 to i32
      %sign3A_1706 = arith.constant 0 : i32
      %sign3A_1707 = arith.cmpi slt, %jit3A_1691, %sign3A_1706 : i32
      %sign3A_1708 = arith.extui %sign3A_1707 : i1 to i32
      %sign3A_1709 = arith.subi %sign3A_1705, %sign3A_1708 : i32
      %ne3A_1710 = vector.broadcast %sign3A_1709 : i32 to vector<16xi32>
      %ne3A_1711 = arith.cmpi ne, %sign3A_1702, %ne3A_1710 : vector<16xi32>
      %rem3A_1712 = vector.broadcast %jit3A_1691 : i32 to vector<16xi32>
      %rem3A_1713 = arith.remsi %add3A_1690, %rem3A_1712 : vector<16xi32>
      %ne3A_1714 = arith.constant 0 : i32
      %ne3A_1715 = vector.broadcast %ne3A_1714 : i32 to vector<16xi32>
      %ne3A_1716 = arith.cmpi ne, %rem3A_1713, %ne3A_1715 : vector<16xi32>
      %and3A_1717 = arith.andi %ne3A_1711, %ne3A_1716 : vector<16xi1>
      %sub3A_1718 = arith.constant 1 : i32
      %sub3A_1719 = vector.broadcast %sub3A_1718 : i32 to vector<16xi32>
      %sub3A_1720 = arith.subi %div3A_1693, %sub3A_1719 : vector<16xi32>
      %select_n3A_1721 = arith.select %and3A_1717, %sub3A_1720, %div3A_1693 : vector<16xi1>, vector<16xi32>
      %jit3A_1722 = arith.constant 100 : i32
      %eq3A_1723 = arith.constant 0 : i32
      %eq3A_1724 = arith.cmpi eq, %jit3A_1722, %eq3A_1723 : i32
      %jit3A_1725 = arith.constant 1 : i32
      %select_n3A_1726 = arith.select %eq3A_1724, %jit3A_1725, %jit3A_1722 : i32
      %rem3A_1727 = vector.broadcast %select_n3A_1726 : i32 to vector<16xi32>
      %rem3A_1728 = arith.remsi %add3A_1690, %rem3A_1727 : vector<16xi32>
      %ne3A_1729 = arith.constant 0 : i32
      %ne3A_1730 = vector.broadcast %ne3A_1729 : i32 to vector<16xi32>
      %ne3A_1731 = arith.cmpi ne, %rem3A_1728, %ne3A_1730 : vector<16xi32>
      %lt3A_1732 = arith.constant 0 : i32
      %lt3A_1733 = vector.broadcast %lt3A_1732 : i32 to vector<16xi32>
      %lt3A_1734 = arith.cmpi slt, %rem3A_1728, %lt3A_1733 : vector<16xi32>
      %lt3A_1735 = arith.constant 0 : i32
      %lt3A_1736 = arith.cmpi slt, %select_n3A_1726, %lt3A_1735 : i32
      %ne3A_1737 = vector.broadcast %lt3A_1736 : i1 to vector<16xi1>
      %ne3A_1738 = vector.broadcast %ne3A_1737 : vector<16xi1> to vector<16xi1>
      %ne3A_1739 = arith.xori %lt3A_1734, %ne3A_1738 : vector<16xi1>
      %and3A_1740 = arith.andi %ne3A_1739, %ne3A_1731 : vector<16xi1>
      %add3A_1741 = vector.broadcast %select_n3A_1726 : i32 to vector<16xi32>
      %add3A_1742 = arith.addi %rem3A_1728, %add3A_1741 : vector<16xi32>
      %select_n3A_1743 = arith.select %and3A_1740, %add3A_1742, %rem3A_1728 : vector<16xi1>, vector<16xi32>
      %gather3A_1744 = tpu.vector_load_idx %arg26[%add3A_1686] : memref<100xi32, #tpu.memory_space<vmem>>[vector<16xi32>], vector<16xi32>,
      tpu.vector_store_idx %arg35[%select_n3A_1721, %select_n3A_1743], %gather3A_1744 : memref<50x100xi32, #tpu.memory_space<vmem>>[vector<16xi32>, vector<16xi32>], vector<16xi32>,
      %gather3A_1745 = tpu.vector_load_idx %arg32[%add3A_1686] : memref<100xf32, #tpu.memory_space<vmem>>[vector<16xi32>], vector<16xf32>,
      tpu.vector_store_idx %arg38[%select_n3A_1721, %select_n3A_1743], %gather3A_1745 : memref<50x100xf32, #tpu.memory_space<vmem>>[vector<16xi32>, vector<16xi32>], vector<16xf32>,
      %gather3A_1746 = tpu.vector_load_idx %arg27[%add3A_1686] : memref<100xi32, #tpu.memory_space<vmem>>[vector<16xi32>], vector<16xi32>,
      tpu.vector_store_idx %arg36[%select_n3A_1721, %select_n3A_1743], %gather3A_1746 : memref<50x100xi32, #tpu.memory_space<vmem>>[vector<16xi32>, vector<16xi32>], vector<16xi32>,
      %gather3A_1747 = tpu.vector_load_idx %arg33[%add3A_1686] : memref<100xf32, #tpu.memory_space<vmem>>[vector<16xi32>], vector<16xf32>,
      tpu.vector_store_idx %arg39[%select_n3A_1721, %select_n3A_1743], %gather3A_1747 : memref<50x100xf32, #tpu.memory_space<vmem>>[vector<16xi32>, vector<16xi32>], vector<16xf32>,
      %gather3A_1748 = tpu.vector_load_idx %arg28[%add3A_1686] : memref<100xi32, #tpu.memory_space<vmem>>[vector<16xi32>], vector<16xi32>,
      tpu.vector_store_idx %arg37[%select_n3A_1721, %select_n3A_1743], %gather3A_1748 : memref<50x100xi32, #tpu.memory_space<vmem>>[vector<16xi32>, vector<16xi32>], vector<16xi32>,
      %gather3A_1749 = tpu.vector_load_idx %arg34[%add3A_1686] : memref<100xf32, #tpu.memory_space<vmem>>[vector<16xi32>], vector<16xf32>,
      tpu.vector_store_idx %arg40[%select_n3A_1721, %select_n3A_1743], %gather3A_1749 : memref<50x100xf32, #tpu.memory_space<vmem>>[vector<16xi32>, vector<16xi32>], vector<16xf32>,
      %iota3A_1750 = tpu.iota {dimensions = array<i32: 0>} : vector<16xi32>
      %add3A_1751 = arith.constant 84 : i32
      %add3A_1752 = vector.broadcast %add3A_1751 : i32 to vector<16xi32>
      %add3A_1753 = arith.addi %add3A_1752, %iota3A_1750 : vector<16xi32>
      %mul3A_1754 = arith.constant 100 : i32
      %mul3A_1755 = arith.muli %add3A_1347, %mul3A_1754 : i32
      %add3A_1756 = vector.broadcast %mul3A_1755 : i32 to vector<16xi32>
      %add3A_1757 = arith.addi %add3A_1756, %add3A_1753 : vector<16xi32>
      %jit3A_1758 = arith.constant 100 : i32
      %div3A_1759 = vector.broadcast %jit3A_1758 : i32 to vector<16xi32>
      %div3A_1760 = arith.divsi %add3A_1757, %div3A_1759 : vector<16xi32>
      %sign3A_1761 = arith.constant 0 : i32
      %sign3A_1762 = vector.broadcast %sign3A_1761 : i32 to vector<16xi32>
      %sign3A_1763 = arith.cmpi sgt, %add3A_1757, %sign3A_1762 : vector<16xi32>
      %sign3A_1764 = arith.extui %sign3A_1763 : vector<16xi1> to vector<16xi32>
      %sign3A_1765 = arith.constant 0 : i32
      %sign3A_1766 = vector.broadcast %sign3A_1765 : i32 to vector<16xi32>
      %sign3A_1767 = arith.cmpi slt, %add3A_1757, %sign3A_1766 : vector<16xi32>
      %sign3A_1768 = arith.extui %sign3A_1767 : vector<16xi1> to vector<16xi32>
      %sign3A_1769 = arith.subi %sign3A_1764, %sign3A_1768 : vector<16xi32>
      %sign3A_1770 = arith.constant 0 : i32
      %sign3A_1771 = arith.cmpi sgt, %jit3A_1758, %sign3A_1770 : i32
      %sign3A_1772 = arith.extui %sign3A_1771 : i1 to i32
      %sign3A_1773 = arith.constant 0 : i32
      %sign3A_1774 = arith.cmpi slt, %jit3A_1758, %sign3A_1773 : i32
      %sign3A_1775 = arith.extui %sign3A_1774 : i1 to i32
      %sign3A_1776 = arith.subi %sign3A_1772, %sign3A_1775 : i32
      %ne3A_1777 = vector.broadcast %sign3A_1776 : i32 to vector<16xi32>
      %ne3A_1778 = arith.cmpi ne, %sign3A_1769, %ne3A_1777 : vector<16xi32>
      %rem3A_1779 = vector.broadcast %jit3A_1758 : i32 to vector<16xi32>
      %rem3A_1780 = arith.remsi %add3A_1757, %rem3A_1779 : vector<16xi32>
      %ne3A_1781 = arith.constant 0 : i32
      %ne3A_1782 = vector.broadcast %ne3A_1781 : i32 to vector<16xi32>
      %ne3A_1783 = arith.cmpi ne, %rem3A_1780, %ne3A_1782 : vector<16xi32>
      %and3A_1784 = arith.andi %ne3A_1778, %ne3A_1783 : vector<16xi1>
      %sub3A_1785 = arith.constant 1 : i32
      %sub3A_1786 = vector.broadcast %sub3A_1785 : i32 to vector<16xi32>
      %sub3A_1787 = arith.subi %div3A_1760, %sub3A_1786 : vector<16xi32>
      %select_n3A_1788 = arith.select %and3A_1784, %sub3A_1787, %div3A_1760 : vector<16xi1>, vector<16xi32>
      %jit3A_1789 = arith.constant 100 : i32
      %eq3A_1790 = arith.constant 0 : i32
      %eq3A_1791 = arith.cmpi eq, %jit3A_1789, %eq3A_1790 : i32
      %jit3A_1792 = arith.constant 1 : i32
      %select_n3A_1793 = arith.select %eq3A_1791, %jit3A_1792, %jit3A_1789 : i32
      %rem3A_1794 = vector.broadcast %select_n3A_1793 : i32 to vector<16xi32>
      %rem3A_1795 = arith.remsi %add3A_1757, %rem3A_1794 : vector<16xi32>
      %ne3A_1796 = arith.constant 0 : i32
      %ne3A_1797 = vector.broadcast %ne3A_1796 : i32 to vector<16xi32>
      %ne3A_1798 = arith.cmpi ne, %rem3A_1795, %ne3A_1797 : vector<16xi32>
      %lt3A_1799 = arith.constant 0 : i32
      %lt3A_1800 = vector.broadcast %lt3A_1799 : i32 to vector<16xi32>
      %lt3A_1801 = arith.cmpi slt, %rem3A_1795, %lt3A_1800 : vector<16xi32>
      %lt3A_1802 = arith.constant 0 : i32
      %lt3A_1803 = arith.cmpi slt, %select_n3A_1793, %lt3A_1802 : i32
      %ne3A_1804 = vector.broadcast %lt3A_1803 : i1 to vector<16xi1>
      %ne3A_1805 = vector.broadcast %ne3A_1804 : vector<16xi1> to vector<16xi1>
      %ne3A_1806 = arith.xori %lt3A_1801, %ne3A_1805 : vector<16xi1>
      %and3A_1807 = arith.andi %ne3A_1806, %ne3A_1798 : vector<16xi1>
      %add3A_1808 = vector.broadcast %select_n3A_1793 : i32 to vector<16xi32>
      %add3A_1809 = arith.addi %rem3A_1795, %add3A_1808 : vector<16xi32>
      %select_n3A_1810 = arith.select %and3A_1807, %add3A_1809, %rem3A_1795 : vector<16xi1>, vector<16xi32>
      %gather3A_1811 = tpu.vector_load_idx %arg26[%add3A_1753] : memref<100xi32, #tpu.memory_space<vmem>>[vector<16xi32>], vector<16xi32>,
      tpu.vector_store_idx %arg35[%select_n3A_1788, %select_n3A_1810], %gather3A_1811 : memref<50x100xi32, #tpu.memory_space<vmem>>[vector<16xi32>, vector<16xi32>], vector<16xi32>,
      %gather3A_1812 = tpu.vector_load_idx %arg32[%add3A_1753] : memref<100xf32, #tpu.memory_space<vmem>>[vector<16xi32>], vector<16xf32>,
      tpu.vector_store_idx %arg38[%select_n3A_1788, %select_n3A_1810], %gather3A_1812 : memref<50x100xf32, #tpu.memory_space<vmem>>[vector<16xi32>, vector<16xi32>], vector<16xf32>,
      %gather3A_1813 = tpu.vector_load_idx %arg27[%add3A_1753] : memref<100xi32, #tpu.memory_space<vmem>>[vector<16xi32>], vector<16xi32>,
      tpu.vector_store_idx %arg36[%select_n3A_1788, %select_n3A_1810], %gather3A_1813 : memref<50x100xi32, #tpu.memory_space<vmem>>[vector<16xi32>, vector<16xi32>], vector<16xi32>,
      %gather3A_1814 = tpu.vector_load_idx %arg33[%add3A_1753] : memref<100xf32, #tpu.memory_space<vmem>>[vector<16xi32>], vector<16xf32>,
      tpu.vector_store_idx %arg39[%select_n3A_1788, %select_n3A_1810], %gather3A_1814 : memref<50x100xf32, #tpu.memory_space<vmem>>[vector<16xi32>, vector<16xi32>], vector<16xf32>,
      %gather3A_1815 = tpu.vector_load_idx %arg28[%add3A_1753] : memref<100xi32, #tpu.memory_space<vmem>>[vector<16xi32>], vector<16xi32>,
      tpu.vector_store_idx %arg37[%select_n3A_1788, %select_n3A_1810], %gather3A_1815 : memref<50x100xi32, #tpu.memory_space<vmem>>[vector<16xi32>, vector<16xi32>], vector<16xi32>,
      %gather3A_1816 = tpu.vector_load_idx %arg34[%add3A_1753] : memref<100xf32, #tpu.memory_space<vmem>>[vector<16xi32>], vector<16xf32>,
      tpu.vector_store_idx %arg40[%select_n3A_1788, %select_n3A_1810], %gather3A_1816 : memref<50x100xf32, #tpu.memory_space<vmem>>[vector<16xi32>, vector<16xi32>], vector<16xf32>,
    }
    %scan3A_267 = arith.constant 25 : i32
    %dma_wait3A = arith.constant 0 : i32
    %dma_wait3A_268 = tpu.memref_slice %arg5[%dma_wait3A] : memref<60000xi32, #tpu.memory_space<hbm>> -> memref<60000xi32, #tpu.memory_space<hbm>>
    tpu.wait_indirect_dma semaphore(%arg52 : memref<!tpu.dma_semaphore, #tpu.memory_space<semaphore_mem>>) src(%dma_wait3A_268 : memref<60000xi32, #tpu.memory_space<hbm>>) dst(%arg23 : memref<100xi32, #tpu.memory_space<vmem>>)
    %dma_wait3A_269 = arith.constant 0 : i32
    %dma_wait3A_270 = tpu.memref_slice %arg7[%dma_wait3A_269] : memref<480000xf32, #tpu.memory_space<hbm>> -> memref<480000xf32, #tpu.memory_space<hbm>>
    tpu.wait_indirect_dma semaphore(%arg52 : memref<!tpu.dma_semaphore, #tpu.memory_space<semaphore_mem>>) src(%dma_wait3A_270 : memref<480000xf32, #tpu.memory_space<hbm>>) dst(%arg29 : memref<100xf32, #tpu.memory_space<vmem>>)
    %dma_wait3A_271 = arith.constant 0 : i32
    %dma_wait3A_272 = tpu.memref_slice %arg5[%dma_wait3A_271] : memref<60000xi32, #tpu.memory_space<hbm>> -> memref<60000xi32, #tpu.memory_space<hbm>>
    tpu.wait_indirect_dma semaphore(%arg52 : memref<!tpu.dma_semaphore, #tpu.memory_space<semaphore_mem>>) src(%dma_wait3A_272 : memref<60000xi32, #tpu.memory_space<hbm>>) dst(%arg24 : memref<100xi32, #tpu.memory_space<vmem>>)
    %dma_wait3A_273 = arith.constant 0 : i32
    %dma_wait3A_274 = tpu.memref_slice %arg7[%dma_wait3A_273] : memref<480000xf32, #tpu.memory_space<hbm>> -> memref<480000xf32, #tpu.memory_space<hbm>>
    tpu.wait_indirect_dma semaphore(%arg52 : memref<!tpu.dma_semaphore, #tpu.memory_space<semaphore_mem>>) src(%dma_wait3A_274 : memref<480000xf32, #tpu.memory_space<hbm>>) dst(%arg30 : memref<100xf32, #tpu.memory_space<vmem>>)
    %dma_wait3A_275 = arith.constant 0 : i32
    %dma_wait3A_276 = tpu.memref_slice %arg5[%dma_wait3A_275] : memref<60000xi32, #tpu.memory_space<hbm>> -> memref<60000xi32, #tpu.memory_space<hbm>>
    tpu.wait_indirect_dma semaphore(%arg52 : memref<!tpu.dma_semaphore, #tpu.memory_space<semaphore_mem>>) src(%dma_wait3A_276 : memref<60000xi32, #tpu.memory_space<hbm>>) dst(%arg25 : memref<100xi32, #tpu.memory_space<vmem>>)
    %dma_wait3A_277 = arith.constant 0 : i32
    %dma_wait3A_278 = tpu.memref_slice %arg7[%dma_wait3A_277] : memref<480000xf32, #tpu.memory_space<hbm>> -> memref<480000xf32, #tpu.memory_space<hbm>>
    tpu.wait_indirect_dma semaphore(%arg52 : memref<!tpu.dma_semaphore, #tpu.memory_space<semaphore_mem>>) src(%dma_wait3A_278 : memref<480000xf32, #tpu.memory_space<hbm>>) dst(%arg31 : memref<100xf32, #tpu.memory_space<vmem>>)
    %dma_start3A_279 = arith.constant 0 : i32
    %dma_start3A_280 = arith.constant 0 : i32
    %dma_start3A_281 = tpu.memref_slice %arg35[%dma_start3A_279, %dma_start3A_280] : memref<50x100xi32, #tpu.memory_space<vmem>> -> memref<1x100xi32, #tpu.memory_space<vmem>>
    %dma_start3A_282 = tpu.memref_squeeze %dma_start3A_281 : memref<1x100xi32, #tpu.memory_space<vmem>> -> memref<100xi32, #tpu.memory_space<vmem>>
    %dma_start3A_283 = arith.constant 0 : i32
    %dma_start3A_284 = arith.constant 0 : i32
    %dma_start3A_285 = tpu.memref_slice %arg3[%dma_start3A_283, %dma_start3A_284] : memref<10000x128xbf16, #tpu.memory_space<hbm>> -> memref<10000x128xbf16, #tpu.memory_space<hbm>>
    tpu.enqueue_indirect_dma source(%dma_start3A_285 : memref<10000x128xbf16, #tpu.memory_space<hbm>>) target(%arg41 : memref<100x128xbf16, #tpu.memory_space<vmem>>) offsets(%dma_start3A_282 : memref<100xi32, #tpu.memory_space<vmem>>) semaphore(%arg54 : memref<!tpu.dma_semaphore, #tpu.memory_space<semaphore_mem>>)
    %dma_start3A_286 = arith.constant 0 : i32
    %dma_start3A_287 = arith.constant 0 : i32
    %dma_start3A_288 = tpu.memref_slice %arg36[%dma_start3A_286, %dma_start3A_287] : memref<50x100xi32, #tpu.memory_space<vmem>> -> memref<1x100xi32, #tpu.memory_space<vmem>>
    %dma_start3A_289 = tpu.memref_squeeze %dma_start3A_288 : memref<1x100xi32, #tpu.memory_space<vmem>> -> memref<100xi32, #tpu.memory_space<vmem>>
    %dma_start3A_290 = arith.constant 0 : i32
    %dma_start3A_291 = arith.constant 0 : i32
    %dma_start3A_292 = tpu.memref_slice %arg3[%dma_start3A_290, %dma_start3A_291] : memref<10000x128xbf16, #tpu.memory_space<hbm>> -> memref<10000x128xbf16, #tpu.memory_space<hbm>>
    tpu.enqueue_indirect_dma source(%dma_start3A_292 : memref<10000x128xbf16, #tpu.memory_space<hbm>>) target(%arg42 : memref<100x128xbf16, #tpu.memory_space<vmem>>) offsets(%dma_start3A_289 : memref<100xi32, #tpu.memory_space<vmem>>) semaphore(%arg54 : memref<!tpu.dma_semaphore, #tpu.memory_space<semaphore_mem>>)
    %dma_start3A_293 = arith.constant 0 : i32
    %dma_start3A_294 = arith.constant 0 : i32
    %dma_start3A_295 = tpu.memref_slice %arg37[%dma_start3A_293, %dma_start3A_294] : memref<50x100xi32, #tpu.memory_space<vmem>> -> memref<1x100xi32, #tpu.memory_space<vmem>>
    %dma_start3A_296 = tpu.memref_squeeze %dma_start3A_295 : memref<1x100xi32, #tpu.memory_space<vmem>> -> memref<100xi32, #tpu.memory_space<vmem>>
    %dma_start3A_297 = arith.constant 0 : i32
    %dma_start3A_298 = arith.constant 0 : i32
    %dma_start3A_299 = tpu.memref_slice %arg3[%dma_start3A_297, %dma_start3A_298] : memref<10000x128xbf16, #tpu.memory_space<hbm>> -> memref<10000x128xbf16, #tpu.memory_space<hbm>>
    tpu.enqueue_indirect_dma source(%dma_start3A_299 : memref<10000x128xbf16, #tpu.memory_space<hbm>>) target(%arg43 : memref<100x128xbf16, #tpu.memory_space<vmem>>) offsets(%dma_start3A_296 : memref<100xi32, #tpu.memory_space<vmem>>) semaphore(%arg54 : memref<!tpu.dma_semaphore, #tpu.memory_space<semaphore_mem>>)
    %add3A_300 = arith.constant 0 : i32
    %add3A_301 = arith.addi %mul3A_2, %add3A_300 : i32
    %jit3A = arith.constant 16 : i32
    %div3A = arith.divsi %add3A_301, %jit3A : i32
    %sign3A = arith.constant 0 : i32
    %sign3A_302 = arith.cmpi sgt, %add3A_301, %sign3A : i32
    %sign3A_303 = arith.extui %sign3A_302 : i1 to i32
    %sign3A_304 = arith.constant 0 : i32
    %sign3A_305 = arith.cmpi slt, %add3A_301, %sign3A_304 : i32
    %sign3A_306 = arith.extui %sign3A_305 : i1 to i32
    %sign3A_307 = arith.subi %sign3A_303, %sign3A_306 : i32
    %sign3A_308 = arith.constant 0 : i32
    %sign3A_309 = arith.cmpi sgt, %jit3A, %sign3A_308 : i32
    %sign3A_310 = arith.extui %sign3A_309 : i1 to i32
    %sign3A_311 = arith.constant 0 : i32
    %sign3A_312 = arith.cmpi slt, %jit3A, %sign3A_311 : i32
    %sign3A_313 = arith.extui %sign3A_312 : i1 to i32
    %sign3A_314 = arith.subi %sign3A_310, %sign3A_313 : i32
    %ne3A = arith.cmpi ne, %sign3A_307, %sign3A_314 : i32
    %rem3A = arith.remsi %add3A_301, %jit3A : i32
    %ne3A_315 = arith.constant 0 : i32
    %ne3A_316 = arith.cmpi ne, %rem3A, %ne3A_315 : i32
    %and3A = arith.andi %ne3A, %ne3A_316 : i1
    %sub3A = arith.constant 1 : i32
    %sub3A_317 = arith.subi %div3A, %sub3A : i32
    %select_n3A = arith.select %and3A, %sub3A_317, %div3A : i32
    %min3A = arith.constant 9992 : i32
    %min3A_318 = arith.minsi %select_n3A, %min3A : i32
    %dma_start3A_319 = arith.constant 0 : i32
    %dma_start3A_320 = tpu.memref_slice %arg3[%min3A_318, %dma_start3A_319] : memref<10000x128xbf16, #tpu.memory_space<hbm>> -> memref<8x128xbf16, #tpu.memory_space<hbm>>
    %dma_start3A_321 = arith.constant 0 : i32
    %dma_start3A_322 = tpu.memref_slice %arg3[%min3A_318, %dma_start3A_321] : memref<10000x128xbf16, #tpu.memory_space<hbm>> -> memref<8x128xbf16, #tpu.memory_space<hbm>>
    tpu.enqueue_dma source(%dma_start3A_322 : memref<8x128xbf16, #tpu.memory_space<hbm>>) target(%arg47 : memref<8x128xbf16, #tpu.memory_space<vmem>>) target_semaphore(%arg54 : memref<!tpu.dma_semaphore, #tpu.memory_space<semaphore_mem>>)
    %scan3A_323 = arith.constant 0 : i32
    %scan3A_324 = arith.constant 0 : i32
    %scan3A_325 = arith.constant 25 : i32
    %scan3A_326 = arith.addi %scan3A_324, %scan3A_325 : i32
    %scan3A_327 = arith.constant 1 : i32
    scf.for %scan3A_368 = %scan3A_324 to %scan3A_326 step %scan3A_327  : i32 {
      %mul3A_369 = arith.constant 2 : i32
      %mul3A_370 = arith.muli %mul3A_369, %scan3A_368 : i32
      %mul3A_371 = arith.constant 2 : i32
      %mul3A_372 = arith.muli %mul3A_371, %scan3A_368 : i32
      %add3A_373 = arith.constant 1 : i32
      %add3A_374 = arith.addi %mul3A_372, %add3A_373 : i32
      %mul3A_375 = arith.constant 2 : i32
      %mul3A_376 = arith.muli %mul3A_375, %scan3A_368 : i32
      %add3A_377 = arith.constant 2 : i32
      %add3A_378 = arith.addi %mul3A_376, %add3A_377 : i32
      %min3A_379 = arith.constant 49 : i32
      %min3A_380 = arith.minsi %add3A_378, %min3A_379 : i32
      %dma_start3A_381 = arith.constant 0 : i32
      %dma_start3A_382 = tpu.memref_slice %arg35[%add3A_374, %dma_start3A_381] : memref<50x100xi32, #tpu.memory_space<vmem>> -> memref<1x100xi32, #tpu.memory_space<vmem>>
      %dma_start3A_383 = tpu.memref_squeeze %dma_start3A_382 : memref<1x100xi32, #tpu.memory_space<vmem>> -> memref<100xi32, #tpu.memory_space<vmem>>
      %dma_start3A_384 = arith.constant 0 : i32
      %dma_start3A_385 = arith.constant 0 : i32
      %dma_start3A_386 = tpu.memref_slice %arg3[%dma_start3A_384, %dma_start3A_385] : memref<10000x128xbf16, #tpu.memory_space<hbm>> -> memref<10000x128xbf16, #tpu.memory_space<hbm>>
      tpu.enqueue_indirect_dma source(%dma_start3A_386 : memref<10000x128xbf16, #tpu.memory_space<hbm>>) target(%arg44 : memref<100x128xbf16, #tpu.memory_space<vmem>>) offsets(%dma_start3A_383 : memref<100xi32, #tpu.memory_space<vmem>>) semaphore(%arg55 : memref<!tpu.dma_semaphore, #tpu.memory_space<semaphore_mem>>)
      %dma_start3A_387 = arith.constant 0 : i32
      %dma_start3A_388 = tpu.memref_slice %arg36[%add3A_374, %dma_start3A_387] : memref<50x100xi32, #tpu.memory_space<vmem>> -> memref<1x100xi32, #tpu.memory_space<vmem>>
      %dma_start3A_389 = tpu.memref_squeeze %dma_start3A_388 : memref<1x100xi32, #tpu.memory_space<vmem>> -> memref<100xi32, #tpu.memory_space<vmem>>
      %dma_start3A_390 = arith.constant 0 : i32
      %dma_start3A_391 = arith.constant 0 : i32
      %dma_start3A_392 = tpu.memref_slice %arg3[%dma_start3A_390, %dma_start3A_391] : memref<10000x128xbf16, #tpu.memory_space<hbm>> -> memref<10000x128xbf16, #tpu.memory_space<hbm>>
      tpu.enqueue_indirect_dma source(%dma_start3A_392 : memref<10000x128xbf16, #tpu.memory_space<hbm>>) target(%arg45 : memref<100x128xbf16, #tpu.memory_space<vmem>>) offsets(%dma_start3A_389 : memref<100xi32, #tpu.memory_space<vmem>>) semaphore(%arg55 : memref<!tpu.dma_semaphore, #tpu.memory_space<semaphore_mem>>)
      %dma_start3A_393 = arith.constant 0 : i32
      %dma_start3A_394 = tpu.memref_slice %arg37[%add3A_374, %dma_start3A_393] : memref<50x100xi32, #tpu.memory_space<vmem>> -> memref<1x100xi32, #tpu.memory_space<vmem>>
      %dma_start3A_395 = tpu.memref_squeeze %dma_start3A_394 : memref<1x100xi32, #tpu.memory_space<vmem>> -> memref<100xi32, #tpu.memory_space<vmem>>
      %dma_start3A_396 = arith.constant 0 : i32
      %dma_start3A_397 = arith.constant 0 : i32
      %dma_start3A_398 = tpu.memref_slice %arg3[%dma_start3A_396, %dma_start3A_397] : memref<10000x128xbf16, #tpu.memory_space<hbm>> -> memref<10000x128xbf16, #tpu.memory_space<hbm>>
      tpu.enqueue_indirect_dma source(%dma_start3A_398 : memref<10000x128xbf16, #tpu.memory_space<hbm>>) target(%arg46 : memref<100x128xbf16, #tpu.memory_space<vmem>>) offsets(%dma_start3A_395 : memref<100xi32, #tpu.memory_space<vmem>>) semaphore(%arg55 : memref<!tpu.dma_semaphore, #tpu.memory_space<semaphore_mem>>)
      %mul3A_399 = arith.constant 100 : i32
      %mul3A_400 = arith.muli %add3A_374, %mul3A_399 : i32
      %add3A_401 = arith.addi %mul3A_2, %mul3A_400 : i32
      %jit3A_402 = arith.constant 16 : i32
      %div3A_403 = arith.divsi %add3A_401, %jit3A_402 : i32
      %sign3A_404 = arith.constant 0 : i32
      %sign3A_405 = arith.cmpi sgt, %add3A_401, %sign3A_404 : i32
      %sign3A_406 = arith.extui %sign3A_405 : i1 to i32
      %sign3A_407 = arith.constant 0 : i32
      %sign3A_408 = arith.cmpi slt, %add3A_401, %sign3A_407 : i32
      %sign3A_409 = arith.extui %sign3A_408 : i1 to i32
      %sign3A_410 = arith.subi %sign3A_406, %sign3A_409 : i32
      %sign3A_411 = arith.constant 0 : i32
      %sign3A_412 = arith.cmpi sgt, %jit3A_402, %sign3A_411 : i32
      %sign3A_413 = arith.extui %sign3A_412 : i1 to i32
      %sign3A_414 = arith.constant 0 : i32
      %sign3A_415 = arith.cmpi slt, %jit3A_402, %sign3A_414 : i32
      %sign3A_416 = arith.extui %sign3A_415 : i1 to i32
      %sign3A_417 = arith.subi %sign3A_413, %sign3A_416 : i32
      %ne3A_418 = arith.cmpi ne, %sign3A_410, %sign3A_417 : i32
      %rem3A_419 = arith.remsi %add3A_401, %jit3A_402 : i32
      %ne3A_420 = arith.constant 0 : i32
      %ne3A_421 = arith.cmpi ne, %rem3A_419, %ne3A_420 : i32
      %and3A_422 = arith.andi %ne3A_418, %ne3A_421 : i1
      %sub3A_423 = arith.constant 1 : i32
      %sub3A_424 = arith.subi %div3A_403, %sub3A_423 : i32
      %select_n3A_425 = arith.select %and3A_422, %sub3A_424, %div3A_403 : i32
      %min3A_426 = arith.constant 9992 : i32
      %min3A_427 = arith.minsi %select_n3A_425, %min3A_426 : i32
      %dma_start3A_428 = arith.constant 0 : i32
      %dma_start3A_429 = tpu.memref_slice %arg3[%min3A_427, %dma_start3A_428] : memref<10000x128xbf16, #tpu.memory_space<hbm>> -> memref<8x128xbf16, #tpu.memory_space<hbm>>
      %dma_start3A_430 = arith.constant 0 : i32
      %dma_start3A_431 = tpu.memref_slice %arg3[%min3A_427, %dma_start3A_430] : memref<10000x128xbf16, #tpu.memory_space<hbm>> -> memref<8x128xbf16, #tpu.memory_space<hbm>>
      tpu.enqueue_dma source(%dma_start3A_431 : memref<8x128xbf16, #tpu.memory_space<hbm>>) target(%arg48 : memref<8x128xbf16, #tpu.memory_space<vmem>>) target_semaphore(%arg55 : memref<!tpu.dma_semaphore, #tpu.memory_space<semaphore_mem>>)
      %dma_wait3A_432 = arith.constant 0 : i32
      %dma_wait3A_433 = arith.constant 0 : i32
      %dma_wait3A_434 = tpu.memref_slice %arg35[%dma_wait3A_432, %dma_wait3A_433] : memref<50x100xi32, #tpu.memory_space<vmem>> -> memref<1x100xi32, #tpu.memory_space<vmem>>
      %dma_wait3A_435 = tpu.memref_squeeze %dma_wait3A_434 : memref<1x100xi32, #tpu.memory_space<vmem>> -> memref<100xi32, #tpu.memory_space<vmem>>
      %dma_wait3A_436 = arith.constant 0 : i32
      %dma_wait3A_437 = arith.constant 0 : i32
      %dma_wait3A_438 = tpu.memref_slice %arg3[%dma_wait3A_436, %dma_wait3A_437] : memref<10000x128xbf16, #tpu.memory_space<hbm>> -> memref<10000x128xbf16, #tpu.memory_space<hbm>>
      tpu.wait_indirect_dma semaphore(%arg54 : memref<!tpu.dma_semaphore, #tpu.memory_space<semaphore_mem>>) src(%dma_wait3A_438 : memref<10000x128xbf16, #tpu.memory_space<hbm>>) dst(%arg41 : memref<100x128xbf16, #tpu.memory_space<vmem>>)
      %dma_wait3A_439 = arith.constant 0 : i32
      %dma_wait3A_440 = arith.constant 0 : i32
      %dma_wait3A_441 = tpu.memref_slice %arg36[%dma_wait3A_439, %dma_wait3A_440] : memref<50x100xi32, #tpu.memory_space<vmem>> -> memref<1x100xi32, #tpu.memory_space<vmem>>
      %dma_wait3A_442 = tpu.memref_squeeze %dma_wait3A_441 : memref<1x100xi32, #tpu.memory_space<vmem>> -> memref<100xi32, #tpu.memory_space<vmem>>
      %dma_wait3A_443 = arith.constant 0 : i32
      %dma_wait3A_444 = arith.constant 0 : i32
      %dma_wait3A_445 = tpu.memref_slice %arg3[%dma_wait3A_443, %dma_wait3A_444] : memref<10000x128xbf16, #tpu.memory_space<hbm>> -> memref<10000x128xbf16, #tpu.memory_space<hbm>>
      tpu.wait_indirect_dma semaphore(%arg54 : memref<!tpu.dma_semaphore, #tpu.memory_space<semaphore_mem>>) src(%dma_wait3A_445 : memref<10000x128xbf16, #tpu.memory_space<hbm>>) dst(%arg42 : memref<100x128xbf16, #tpu.memory_space<vmem>>)
      %dma_wait3A_446 = arith.constant 0 : i32
      %dma_wait3A_447 = arith.constant 0 : i32
      %dma_wait3A_448 = tpu.memref_slice %arg37[%dma_wait3A_446, %dma_wait3A_447] : memref<50x100xi32, #tpu.memory_space<vmem>> -> memref<1x100xi32, #tpu.memory_space<vmem>>
      %dma_wait3A_449 = tpu.memref_squeeze %dma_wait3A_448 : memref<1x100xi32, #tpu.memory_space<vmem>> -> memref<100xi32, #tpu.memory_space<vmem>>
      %dma_wait3A_450 = arith.constant 0 : i32
      %dma_wait3A_451 = arith.constant 0 : i32
      %dma_wait3A_452 = tpu.memref_slice %arg3[%dma_wait3A_450, %dma_wait3A_451] : memref<10000x128xbf16, #tpu.memory_space<hbm>> -> memref<10000x128xbf16, #tpu.memory_space<hbm>>
      tpu.wait_indirect_dma semaphore(%arg54 : memref<!tpu.dma_semaphore, #tpu.memory_space<semaphore_mem>>) src(%dma_wait3A_452 : memref<10000x128xbf16, #tpu.memory_space<hbm>>) dst(%arg43 : memref<100x128xbf16, #tpu.memory_space<vmem>>)
      %dma_wait3A_453 = arith.constant 0 : i32
      %dma_wait3A_454 = arith.constant 0 : i32
      %dma_wait3A_455 = tpu.memref_slice %arg3[%dma_wait3A_453, %dma_wait3A_454] : memref<10000x128xbf16, #tpu.memory_space<hbm>> -> memref<8x128xbf16, #tpu.memory_space<hbm>>
      %dma_wait3A_456 = arith.constant 0 : i32
      %dma_wait3A_457 = arith.constant 0 : i32
      %dma_wait3A_458 = tpu.memref_slice %arg3[%dma_wait3A_456, %dma_wait3A_457] : memref<10000x128xbf16, #tpu.memory_space<hbm>> -> memref<8x128xbf16, #tpu.memory_space<hbm>>
      tpu.wait_dma2 semaphore(%arg54 : memref<!tpu.dma_semaphore, #tpu.memory_space<semaphore_mem>>) src(%dma_wait3A_458 : memref<8x128xbf16, #tpu.memory_space<hbm>>) dst(%arg47 : memref<8x128xbf16, #tpu.memory_space<vmem>>)
      %gt3A = arith.constant 0 : i32
      %gt3A_459 = arith.cmpi sgt, %scan3A_368, %gt3A : i32
      %convert_element_type3A = arith.extui %gt3A_459 : i1 to i32
      %cond3A = arith.constant 0 : i32
      %cond3A_460 = arith.cmpi ne, %convert_element_type3A, %cond3A : i32
      scf.if %cond3A_460 {
        %dma_wait3A_629 = arith.constant 0 : i32
        %dma_wait3A_630 = arith.constant 0 : i32
        %dma_wait3A_631 = tpu.memref_slice %arg8[%dma_wait3A_629, %dma_wait3A_630] : memref<160000x128xf32, #tpu.memory_space<hbm>> -> memref<100x128xf32, #tpu.memory_space<hbm>>
        %dma_wait3A_632 = arith.constant 0 : i32
        %dma_wait3A_633 = arith.constant 0 : i32
        %dma_wait3A_634 = tpu.memref_slice %arg8[%dma_wait3A_632, %dma_wait3A_633] : memref<160000x128xf32, #tpu.memory_space<hbm>> -> memref<100x128xf32, #tpu.memory_space<hbm>>
        tpu.wait_dma2 semaphore(%arg56 : memref<!tpu.dma_semaphore, #tpu.memory_space<semaphore_mem>>) src(%arg49 : memref<100x128xf32, #tpu.memory_space<vmem>>) dst(%dma_wait3A_634 : memref<100x128xf32, #tpu.memory_space<hbm>>)
      } else {
      }
      %mul3A_461 = arith.constant 100 : i32
      %mul3A_462 = arith.muli %mul3A_370, %mul3A_461 : i32
      %add3A_463 = arith.addi %mul3A_2, %mul3A_462 : i32
      %jit3A_464 = arith.constant 16 : i32
      %div3A_465 = arith.divsi %add3A_463, %jit3A_464 : i32
      %sign3A_466 = arith.constant 0 : i32
      %sign3A_467 = arith.cmpi sgt, %add3A_463, %sign3A_466 : i32
      %sign3A_468 = arith.extui %sign3A_467 : i1 to i32
      %sign3A_469 = arith.constant 0 : i32
      %sign3A_470 = arith.cmpi slt, %add3A_463, %sign3A_469 : i32
      %sign3A_471 = arith.extui %sign3A_470 : i1 to i32
      %sign3A_472 = arith.subi %sign3A_468, %sign3A_471 : i32
      %sign3A_473 = arith.constant 0 : i32
      %sign3A_474 = arith.cmpi sgt, %jit3A_464, %sign3A_473 : i32
      %sign3A_475 = arith.extui %sign3A_474 : i1 to i32
      %sign3A_476 = arith.constant 0 : i32
      %sign3A_477 = arith.cmpi slt, %jit3A_464, %sign3A_476 : i32
      %sign3A_478 = arith.extui %sign3A_477 : i1 to i32
      %sign3A_479 = arith.subi %sign3A_475, %sign3A_478 : i32
      %ne3A_480 = arith.cmpi ne, %sign3A_472, %sign3A_479 : i32
      %rem3A_481 = arith.remsi %add3A_463, %jit3A_464 : i32
      %ne3A_482 = arith.constant 0 : i32
      %ne3A_483 = arith.cmpi ne, %rem3A_481, %ne3A_482 : i32
      %and3A_484 = arith.andi %ne3A_480, %ne3A_483 : i1
      %sub3A_485 = arith.constant 1 : i32
      %sub3A_486 = arith.subi %div3A_465, %sub3A_485 : i32
      %select_n3A_487 = arith.select %and3A_484, %sub3A_486, %div3A_465 : i32
      %min3A_488 = arith.constant 9992 : i32
      %min3A_489 = arith.minsi %select_n3A_487, %min3A_488 : i32
      %iota3A_490 = tpu.iota {dimensions = array<i32: 0>} : vector<16xi32>
      %mul3A_491 = arith.constant 2 : i32
      %mul3A_492 = vector.broadcast %mul3A_491 : i32 to vector<16xi32>
      %mul3A_493 = arith.muli %mul3A_492, %iota3A_490 : vector<16xi32>
      %parallel_loop3A = arith.constant 0 : i32
      %parallel_loop3A_494 = arith.constant 100 : i32
      %parallel_loop3A_495 = arith.constant 1 : i32
      scf.for %parallel_loop3A_629 = %parallel_loop3A to %parallel_loop3A_494 step %parallel_loop3A_495  : i32 {
        %parallel_loop3A_630 = arith.constant 0 : i32
        %parallel_loop3A_631 = vector.broadcast %parallel_loop3A_630 : i32 to vector<16xi32>
        %parallel_loop3A_632 = vector.broadcast %mul3A_370 : i32 to vector<16xi32>
        %parallel_loop3A_633 = arith.addi %parallel_loop3A_631, %parallel_loop3A_632 : vector<16xi32>
        %parallel_loop3A_634 = arith.constant 0 : i32
        %parallel_loop3A_635 = vector.broadcast %parallel_loop3A_634 : i32 to vector<16xi32>
        %parallel_loop3A_636 = vector.broadcast %parallel_loop3A_629 : i32 to vector<16xi32>
        %parallel_loop3A_637 = arith.addi %parallel_loop3A_635, %parallel_loop3A_636 : vector<16xi32>
        %parallel_loop3A_638 = tpu.vector_load_idx %arg38[%parallel_loop3A_633, %parallel_loop3A_637] : memref<50x100xf32, #tpu.memory_space<vmem>>[vector<16xi32>, vector<16xi32>], vector<16xf32>,
        %parallel_loop3A_639 = arith.constant 0 : i32
        %parallel_loop3A_640 = vector.broadcast %parallel_loop3A_639 : i32 to vector<16xi32>
        %parallel_loop3A_641 = vector.broadcast %mul3A_370 : i32 to vector<16xi32>
        %parallel_loop3A_642 = arith.addi %parallel_loop3A_640, %parallel_loop3A_641 : vector<16xi32>
        %parallel_loop3A_643 = arith.constant 0 : i32
        %parallel_loop3A_644 = vector.broadcast %parallel_loop3A_643 : i32 to vector<16xi32>
        %parallel_loop3A_645 = vector.broadcast %parallel_loop3A_629 : i32 to vector<16xi32>
        %parallel_loop3A_646 = arith.addi %parallel_loop3A_644, %parallel_loop3A_645 : vector<16xi32>
        %parallel_loop3A_647 = tpu.vector_load_idx %arg39[%parallel_loop3A_642, %parallel_loop3A_646] : memref<50x100xf32, #tpu.memory_space<vmem>>[vector<16xi32>, vector<16xi32>], vector<16xf32>,
        %parallel_loop3A_648 = arith.constant 0 : i32
        %parallel_loop3A_649 = vector.broadcast %parallel_loop3A_648 : i32 to vector<16xi32>
        %parallel_loop3A_650 = vector.broadcast %mul3A_370 : i32 to vector<16xi32>
        %parallel_loop3A_651 = arith.addi %parallel_loop3A_649, %parallel_loop3A_650 : vector<16xi32>
        %parallel_loop3A_652 = arith.constant 0 : i32
        %parallel_loop3A_653 = vector.broadcast %parallel_loop3A_652 : i32 to vector<16xi32>
        %parallel_loop3A_654 = vector.broadcast %parallel_loop3A_629 : i32 to vector<16xi32>
        %parallel_loop3A_655 = arith.addi %parallel_loop3A_653, %parallel_loop3A_654 : vector<16xi32>
        %parallel_loop3A_656 = tpu.vector_load_idx %arg40[%parallel_loop3A_651, %parallel_loop3A_655] : memref<50x100xf32, #tpu.memory_space<vmem>>[vector<16xi32>, vector<16xi32>], vector<16xf32>,
        %parallel_loop3A_657 = arith.addi %add3A_463, %parallel_loop3A_629 : i32
        %parallel_loop3A_658 = arith.constant 16 : i32
        %parallel_loop3A_659 = arith.divsi %parallel_loop3A_657, %parallel_loop3A_658 : i32
        %parallel_loop3A_660 = arith.constant 0 : i32
        %parallel_loop3A_661 = arith.cmpi sgt, %parallel_loop3A_657, %parallel_loop3A_660 : i32
        %parallel_loop3A_662 = arith.extui %parallel_loop3A_661 : i1 to i32
        %parallel_loop3A_663 = arith.constant 0 : i32
        %parallel_loop3A_664 = arith.cmpi slt, %parallel_loop3A_657, %parallel_loop3A_663 : i32
        %parallel_loop3A_665 = arith.extui %parallel_loop3A_664 : i1 to i32
        %parallel_loop3A_666 = arith.subi %parallel_loop3A_662, %parallel_loop3A_665 : i32
        %parallel_loop3A_667 = arith.constant 0 : i32
        %parallel_loop3A_668 = arith.cmpi sgt, %parallel_loop3A_658, %parallel_loop3A_667 : i32
        %parallel_loop3A_669 = arith.extui %parallel_loop3A_668 : i1 to i32
        %parallel_loop3A_670 = arith.constant 0 : i32
        %parallel_loop3A_671 = arith.cmpi slt, %parallel_loop3A_658, %parallel_loop3A_670 : i32
        %parallel_loop3A_672 = arith.extui %parallel_loop3A_671 : i1 to i32
        %parallel_loop3A_673 = arith.subi %parallel_loop3A_669, %parallel_loop3A_672 : i32
        %parallel_loop3A_674 = arith.cmpi ne, %parallel_loop3A_666, %parallel_loop3A_673 : i32
        %parallel_loop3A_675 = arith.remsi %parallel_loop3A_657, %parallel_loop3A_658 : i32
        %parallel_loop3A_676 = arith.constant 0 : i32
        %parallel_loop3A_677 = arith.cmpi ne, %parallel_loop3A_675, %parallel_loop3A_676 : i32
        %parallel_loop3A_678 = arith.andi %parallel_loop3A_674, %parallel_loop3A_677 : i1
        %parallel_loop3A_679 = arith.constant 1 : i32
        %parallel_loop3A_680 = arith.subi %parallel_loop3A_659, %parallel_loop3A_679 : i32
        %parallel_loop3A_681 = arith.select %parallel_loop3A_678, %parallel_loop3A_680, %parallel_loop3A_659 : i32
        %parallel_loop3A_682 = arith.subi %parallel_loop3A_681, %min3A_489 : i32
        %parallel_loop3A_683 = arith.index_cast %parallel_loop3A_629 : i32 to index
        %parallel_loop3A_684 = arith.constant 0 : index
        %parallel_loop3A_685 = tpu.vector_load %arg41[%parallel_loop3A_683, %parallel_loop3A_684] {strides = array<i32>} : memref<100x128xbf16, #tpu.memory_space<vmem>>, vector<32xbf16>,
        %parallel_loop3A_686 = vector.bitcast %parallel_loop3A_685 : vector<32xbf16> to vector<16xi32>
        %parallel_loop3A_687 = arith.constant 16 : i32
        %parallel_loop3A_688 = vector.broadcast %parallel_loop3A_687 : i32 to vector<16xi32>
        %parallel_loop3A_689 = arith.shli %parallel_loop3A_686, %parallel_loop3A_688 : vector<16xi32>
        %parallel_loop3A_690 = vector.bitcast %parallel_loop3A_689 : vector<16xi32> to vector<16xf32>
        %parallel_loop3A_691 = arith.constant 16 : i32
        %parallel_loop3A_692 = vector.broadcast %parallel_loop3A_691 : i32 to vector<16xi32>
        %parallel_loop3A_693 = arith.shrsi %parallel_loop3A_686, %parallel_loop3A_692 : vector<16xi32>
        %parallel_loop3A_694 = arith.constant 16 : i32
        %parallel_loop3A_695 = vector.broadcast %parallel_loop3A_694 : i32 to vector<16xi32>
        %parallel_loop3A_696 = arith.shli %parallel_loop3A_693, %parallel_loop3A_695 : vector<16xi32>
        %parallel_loop3A_697 = vector.bitcast %parallel_loop3A_696 : vector<16xi32> to vector<16xf32>
        %parallel_loop3A_698 = arith.index_cast %parallel_loop3A_629 : i32 to index
        %parallel_loop3A_699 = arith.constant 0 : index
        %parallel_loop3A_700 = tpu.vector_load %arg42[%parallel_loop3A_698, %parallel_loop3A_699] {strides = array<i32>} : memref<100x128xbf16, #tpu.memory_space<vmem>>, vector<32xbf16>,
        %parallel_loop3A_701 = vector.bitcast %parallel_loop3A_700 : vector<32xbf16> to vector<16xi32>
        %parallel_loop3A_702 = arith.constant 16 : i32
        %parallel_loop3A_703 = vector.broadcast %parallel_loop3A_702 : i32 to vector<16xi32>
        %parallel_loop3A_704 = arith.shli %parallel_loop3A_701, %parallel_loop3A_703 : vector<16xi32>
        %parallel_loop3A_705 = vector.bitcast %parallel_loop3A_704 : vector<16xi32> to vector<16xf32>
        %parallel_loop3A_706 = arith.constant 16 : i32
        %parallel_loop3A_707 = vector.broadcast %parallel_loop3A_706 : i32 to vector<16xi32>
        %parallel_loop3A_708 = arith.shrsi %parallel_loop3A_701, %parallel_loop3A_707 : vector<16xi32>
        %parallel_loop3A_709 = arith.constant 16 : i32
        %parallel_loop3A_710 = vector.broadcast %parallel_loop3A_709 : i32 to vector<16xi32>
        %parallel_loop3A_711 = arith.shli %parallel_loop3A_708, %parallel_loop3A_710 : vector<16xi32>
        %parallel_loop3A_712 = vector.bitcast %parallel_loop3A_711 : vector<16xi32> to vector<16xf32>
        %parallel_loop3A_713 = arith.index_cast %parallel_loop3A_629 : i32 to index
        %parallel_loop3A_714 = arith.constant 0 : index
        %parallel_loop3A_715 = tpu.vector_load %arg43[%parallel_loop3A_713, %parallel_loop3A_714] {strides = array<i32>} : memref<100x128xbf16, #tpu.memory_space<vmem>>, vector<32xbf16>,
        %parallel_loop3A_716 = vector.bitcast %parallel_loop3A_715 : vector<32xbf16> to vector<16xi32>
        %parallel_loop3A_717 = arith.constant 16 : i32
        %parallel_loop3A_718 = vector.broadcast %parallel_loop3A_717 : i32 to vector<16xi32>
        %parallel_loop3A_719 = arith.shli %parallel_loop3A_716, %parallel_loop3A_718 : vector<16xi32>
        %parallel_loop3A_720 = vector.bitcast %parallel_loop3A_719 : vector<16xi32> to vector<16xf32>
        %parallel_loop3A_721 = arith.constant 16 : i32
        %parallel_loop3A_722 = vector.broadcast %parallel_loop3A_721 : i32 to vector<16xi32>
        %parallel_loop3A_723 = arith.shrsi %parallel_loop3A_716, %parallel_loop3A_722 : vector<16xi32>
        %parallel_loop3A_724 = arith.constant 16 : i32
        %parallel_loop3A_725 = vector.broadcast %parallel_loop3A_724 : i32 to vector<16xi32>
        %parallel_loop3A_726 = arith.shli %parallel_loop3A_723, %parallel_loop3A_725 : vector<16xi32>
        %parallel_loop3A_727 = vector.bitcast %parallel_loop3A_726 : vector<16xi32> to vector<16xf32>
        %parallel_loop3A_728 = arith.index_cast %parallel_loop3A_682 : i32 to index
        %parallel_loop3A_729 = arith.constant 0 : index
        %parallel_loop3A_730 = tpu.vector_load %arg47[%parallel_loop3A_728, %parallel_loop3A_729] {strides = array<i32>} : memref<8x128xbf16, #tpu.memory_space<vmem>>, vector<32xbf16>,
        %parallel_loop3A_731 = vector.bitcast %parallel_loop3A_730 : vector<32xbf16> to vector<16xi32>
        %parallel_loop3A_732 = arith.constant 16 : i32
        %parallel_loop3A_733 = vector.broadcast %parallel_loop3A_732 : i32 to vector<16xi32>
        %parallel_loop3A_734 = arith.shli %parallel_loop3A_731, %parallel_loop3A_733 : vector<16xi32>
        %parallel_loop3A_735 = vector.bitcast %parallel_loop3A_734 : vector<16xi32> to vector<16xf32>
        %parallel_loop3A_736 = arith.constant 16 : i32
        %parallel_loop3A_737 = vector.broadcast %parallel_loop3A_736 : i32 to vector<16xi32>
        %parallel_loop3A_738 = arith.shrsi %parallel_loop3A_731, %parallel_loop3A_737 : vector<16xi32>
        %parallel_loop3A_739 = arith.constant 16 : i32
        %parallel_loop3A_740 = vector.broadcast %parallel_loop3A_739 : i32 to vector<16xi32>
        %parallel_loop3A_741 = arith.shli %parallel_loop3A_738, %parallel_loop3A_740 : vector<16xi32>
        %parallel_loop3A_742 = vector.bitcast %parallel_loop3A_741 : vector<16xi32> to vector<16xf32>
        %parallel_loop3A_743 = arith.mulf %parallel_loop3A_638, %parallel_loop3A_690 : vector<16xf32>
        %parallel_loop3A_744 = arith.mulf %parallel_loop3A_647, %parallel_loop3A_705 : vector<16xf32>
        %parallel_loop3A_745 = arith.addf %parallel_loop3A_743, %parallel_loop3A_744 : vector<16xf32>
        %parallel_loop3A_746 = arith.mulf %parallel_loop3A_656, %parallel_loop3A_720 : vector<16xf32>
        %parallel_loop3A_747 = arith.addf %parallel_loop3A_745, %parallel_loop3A_746 : vector<16xf32>
        %parallel_loop3A_748 = arith.subf %parallel_loop3A_747, %parallel_loop3A_735 : vector<16xf32>
        %parallel_loop3A_749 = arith.mulf %parallel_loop3A_638, %parallel_loop3A_697 : vector<16xf32>
        %parallel_loop3A_750 = arith.mulf %parallel_loop3A_647, %parallel_loop3A_712 : vector<16xf32>
        %parallel_loop3A_751 = arith.addf %parallel_loop3A_749, %parallel_loop3A_750 : vector<16xf32>
        %parallel_loop3A_752 = arith.mulf %parallel_loop3A_656, %parallel_loop3A_727 : vector<16xf32>
        %parallel_loop3A_753 = arith.addf %parallel_loop3A_751, %parallel_loop3A_752 : vector<16xf32>
        %parallel_loop3A_754 = arith.subf %parallel_loop3A_753, %parallel_loop3A_742 : vector<16xf32>
        %parallel_loop3A_755 = arith.constant 0 : i32
        %parallel_loop3A_756 = vector.broadcast %parallel_loop3A_755 : i32 to vector<16xi32>
        %parallel_loop3A_757 = arith.addi %parallel_loop3A_756, %mul3A_493 : vector<16xi32>
        %parallel_loop3A_758 = arith.constant 0 : i32
        %parallel_loop3A_759 = vector.broadcast %parallel_loop3A_758 : i32 to vector<16xi32>
        %parallel_loop3A_760 = vector.broadcast %parallel_loop3A_629 : i32 to vector<16xi32>
        %parallel_loop3A_761 = arith.addi %parallel_loop3A_759, %parallel_loop3A_760 : vector<16xi32>
        tpu.vector_store_idx %arg49[%parallel_loop3A_761, %parallel_loop3A_757], %parallel_loop3A_748 : memref<100x128xf32, #tpu.memory_space<vmem>>[vector<16xi32>, vector<16xi32>], vector<16xf32>,
        %parallel_loop3A_762 = arith.constant 0 : i32
        %parallel_loop3A_763 = vector.broadcast %parallel_loop3A_762 : i32 to vector<16xi32>
        %parallel_loop3A_764 = vector.broadcast %parallel_loop3A_629 : i32 to vector<16xi32>
        %parallel_loop3A_765 = arith.addi %parallel_loop3A_763, %parallel_loop3A_764 : vector<16xi32>
        %parallel_loop3A_766 = arith.constant 1 : i32
        %parallel_loop3A_767 = vector.broadcast %parallel_loop3A_766 : i32 to vector<16xi32>
        %parallel_loop3A_768 = arith.addi %parallel_loop3A_757, %parallel_loop3A_767 : vector<16xi32>
        tpu.vector_store_idx %arg49[%parallel_loop3A_765, %parallel_loop3A_768], %parallel_loop3A_754 : memref<100x128xf32, #tpu.memory_space<vmem>>[vector<16xi32>, vector<16xi32>], vector<16xf32>,
        %parallel_loop3A_769 = arith.index_cast %parallel_loop3A_629 : i32 to index
        %parallel_loop3A_770 = arith.constant 32 : index
        %parallel_loop3A_771 = tpu.vector_load %arg41[%parallel_loop3A_769, %parallel_loop3A_770] {strides = array<i32>} : memref<100x128xbf16, #tpu.memory_space<vmem>>, vector<32xbf16>,
        %parallel_loop3A_772 = vector.bitcast %parallel_loop3A_771 : vector<32xbf16> to vector<16xi32>
        %parallel_loop3A_773 = arith.constant 16 : i32
        %parallel_loop3A_774 = vector.broadcast %parallel_loop3A_773 : i32 to vector<16xi32>
        %parallel_loop3A_775 = arith.shli %parallel_loop3A_772, %parallel_loop3A_774 : vector<16xi32>
        %parallel_loop3A_776 = vector.bitcast %parallel_loop3A_775 : vector<16xi32> to vector<16xf32>
        %parallel_loop3A_777 = arith.constant 16 : i32
        %parallel_loop3A_778 = vector.broadcast %parallel_loop3A_777 : i32 to vector<16xi32>
        %parallel_loop3A_779 = arith.shrsi %parallel_loop3A_772, %parallel_loop3A_778 : vector<16xi32>
        %parallel_loop3A_780 = arith.constant 16 : i32
        %parallel_loop3A_781 = vector.broadcast %parallel_loop3A_780 : i32 to vector<16xi32>
        %parallel_loop3A_782 = arith.shli %parallel_loop3A_779, %parallel_loop3A_781 : vector<16xi32>
        %parallel_loop3A_783 = vector.bitcast %parallel_loop3A_782 : vector<16xi32> to vector<16xf32>
        %parallel_loop3A_784 = arith.index_cast %parallel_loop3A_629 : i32 to index
        %parallel_loop3A_785 = arith.constant 32 : index
        %parallel_loop3A_786 = tpu.vector_load %arg42[%parallel_loop3A_784, %parallel_loop3A_785] {strides = array<i32>} : memref<100x128xbf16, #tpu.memory_space<vmem>>, vector<32xbf16>,
        %parallel_loop3A_787 = vector.bitcast %parallel_loop3A_786 : vector<32xbf16> to vector<16xi32>
        %parallel_loop3A_788 = arith.constant 16 : i32
        %parallel_loop3A_789 = vector.broadcast %parallel_loop3A_788 : i32 to vector<16xi32>
        %parallel_loop3A_790 = arith.shli %parallel_loop3A_787, %parallel_loop3A_789 : vector<16xi32>
        %parallel_loop3A_791 = vector.bitcast %parallel_loop3A_790 : vector<16xi32> to vector<16xf32>
        %parallel_loop3A_792 = arith.constant 16 : i32
        %parallel_loop3A_793 = vector.broadcast %parallel_loop3A_792 : i32 to vector<16xi32>
        %parallel_loop3A_794 = arith.shrsi %parallel_loop3A_787, %parallel_loop3A_793 : vector<16xi32>
        %parallel_loop3A_795 = arith.constant 16 : i32
        %parallel_loop3A_796 = vector.broadcast %parallel_loop3A_795 : i32 to vector<16xi32>
        %parallel_loop3A_797 = arith.shli %parallel_loop3A_794, %parallel_loop3A_796 : vector<16xi32>
        %parallel_loop3A_798 = vector.bitcast %parallel_loop3A_797 : vector<16xi32> to vector<16xf32>
        %parallel_loop3A_799 = arith.index_cast %parallel_loop3A_629 : i32 to index
        %parallel_loop3A_800 = arith.constant 32 : index
        %parallel_loop3A_801 = tpu.vector_load %arg43[%parallel_loop3A_799, %parallel_loop3A_800] {strides = array<i32>} : memref<100x128xbf16, #tpu.memory_space<vmem>>, vector<32xbf16>,
        %parallel_loop3A_802 = vector.bitcast %parallel_loop3A_801 : vector<32xbf16> to vector<16xi32>
        %parallel_loop3A_803 = arith.constant 16 : i32
        %parallel_loop3A_804 = vector.broadcast %parallel_loop3A_803 : i32 to vector<16xi32>
        %parallel_loop3A_805 = arith.shli %parallel_loop3A_802, %parallel_loop3A_804 : vector<16xi32>
        %parallel_loop3A_806 = vector.bitcast %parallel_loop3A_805 : vector<16xi32> to vector<16xf32>
        %parallel_loop3A_807 = arith.constant 16 : i32
        %parallel_loop3A_808 = vector.broadcast %parallel_loop3A_807 : i32 to vector<16xi32>
        %parallel_loop3A_809 = arith.shrsi %parallel_loop3A_802, %parallel_loop3A_808 : vector<16xi32>
        %parallel_loop3A_810 = arith.constant 16 : i32
        %parallel_loop3A_811 = vector.broadcast %parallel_loop3A_810 : i32 to vector<16xi32>
        %parallel_loop3A_812 = arith.shli %parallel_loop3A_809, %parallel_loop3A_811 : vector<16xi32>
        %parallel_loop3A_813 = vector.bitcast %parallel_loop3A_812 : vector<16xi32> to vector<16xf32>
        %parallel_loop3A_814 = arith.index_cast %parallel_loop3A_682 : i32 to index
        %parallel_loop3A_815 = arith.constant 32 : index
        %parallel_loop3A_816 = tpu.vector_load %arg47[%parallel_loop3A_814, %parallel_loop3A_815] {strides = array<i32>} : memref<8x128xbf16, #tpu.memory_space<vmem>>, vector<32xbf16>,
        %parallel_loop3A_817 = vector.bitcast %parallel_loop3A_816 : vector<32xbf16> to vector<16xi32>
        %parallel_loop3A_818 = arith.constant 16 : i32
        %parallel_loop3A_819 = vector.broadcast %parallel_loop3A_818 : i32 to vector<16xi32>
        %parallel_loop3A_820 = arith.shli %parallel_loop3A_817, %parallel_loop3A_819 : vector<16xi32>
        %parallel_loop3A_821 = vector.bitcast %parallel_loop3A_820 : vector<16xi32> to vector<16xf32>
        %parallel_loop3A_822 = arith.constant 16 : i32
        %parallel_loop3A_823 = vector.broadcast %parallel_loop3A_822 : i32 to vector<16xi32>
        %parallel_loop3A_824 = arith.shrsi %parallel_loop3A_817, %parallel_loop3A_823 : vector<16xi32>
        %parallel_loop3A_825 = arith.constant 16 : i32
        %parallel_loop3A_826 = vector.broadcast %parallel_loop3A_825 : i32 to vector<16xi32>
        %parallel_loop3A_827 = arith.shli %parallel_loop3A_824, %parallel_loop3A_826 : vector<16xi32>
        %parallel_loop3A_828 = vector.bitcast %parallel_loop3A_827 : vector<16xi32> to vector<16xf32>
        %parallel_loop3A_829 = arith.mulf %parallel_loop3A_638, %parallel_loop3A_776 : vector<16xf32>
        %parallel_loop3A_830 = arith.mulf %parallel_loop3A_647, %parallel_loop3A_791 : vector<16xf32>
        %parallel_loop3A_831 = arith.addf %parallel_loop3A_829, %parallel_loop3A_830 : vector<16xf32>
        %parallel_loop3A_832 = arith.mulf %parallel_loop3A_656, %parallel_loop3A_806 : vector<16xf32>
        %parallel_loop3A_833 = arith.addf %parallel_loop3A_831, %parallel_loop3A_832 : vector<16xf32>
        %parallel_loop3A_834 = arith.subf %parallel_loop3A_833, %parallel_loop3A_821 : vector<16xf32>
        %parallel_loop3A_835 = arith.mulf %parallel_loop3A_638, %parallel_loop3A_783 : vector<16xf32>
        %parallel_loop3A_836 = arith.mulf %parallel_loop3A_647, %parallel_loop3A_798 : vector<16xf32>
        %parallel_loop3A_837 = arith.addf %parallel_loop3A_835, %parallel_loop3A_836 : vector<16xf32>
        %parallel_loop3A_838 = arith.mulf %parallel_loop3A_656, %parallel_loop3A_813 : vector<16xf32>
        %parallel_loop3A_839 = arith.addf %parallel_loop3A_837, %parallel_loop3A_838 : vector<16xf32>
        %parallel_loop3A_840 = arith.subf %parallel_loop3A_839, %parallel_loop3A_828 : vector<16xf32>
        %parallel_loop3A_841 = arith.constant 32 : i32
        %parallel_loop3A_842 = vector.broadcast %parallel_loop3A_841 : i32 to vector<16xi32>
        %parallel_loop3A_843 = arith.addi %parallel_loop3A_842, %mul3A_493 : vector<16xi32>
        %parallel_loop3A_844 = arith.constant 0 : i32
        %parallel_loop3A_845 = vector.broadcast %parallel_loop3A_844 : i32 to vector<16xi32>
        %parallel_loop3A_846 = vector.broadcast %parallel_loop3A_629 : i32 to vector<16xi32>
        %parallel_loop3A_847 = arith.addi %parallel_loop3A_845, %parallel_loop3A_846 : vector<16xi32>
        tpu.vector_store_idx %arg49[%parallel_loop3A_847, %parallel_loop3A_843], %parallel_loop3A_834 : memref<100x128xf32, #tpu.memory_space<vmem>>[vector<16xi32>, vector<16xi32>], vector<16xf32>,
        %parallel_loop3A_848 = arith.constant 0 : i32
        %parallel_loop3A_849 = vector.broadcast %parallel_loop3A_848 : i32 to vector<16xi32>
        %parallel_loop3A_850 = vector.broadcast %parallel_loop3A_629 : i32 to vector<16xi32>
        %parallel_loop3A_851 = arith.addi %parallel_loop3A_849, %parallel_loop3A_850 : vector<16xi32>
        %parallel_loop3A_852 = arith.constant 1 : i32
        %parallel_loop3A_853 = vector.broadcast %parallel_loop3A_852 : i32 to vector<16xi32>
        %parallel_loop3A_854 = arith.addi %parallel_loop3A_843, %parallel_loop3A_853 : vector<16xi32>
        tpu.vector_store_idx %arg49[%parallel_loop3A_851, %parallel_loop3A_854], %parallel_loop3A_840 : memref<100x128xf32, #tpu.memory_space<vmem>>[vector<16xi32>, vector<16xi32>], vector<16xf32>,
        %parallel_loop3A_855 = arith.index_cast %parallel_loop3A_629 : i32 to index
        %parallel_loop3A_856 = arith.constant 64 : index
        %parallel_loop3A_857 = tpu.vector_load %arg41[%parallel_loop3A_855, %parallel_loop3A_856] {strides = array<i32>} : memref<100x128xbf16, #tpu.memory_space<vmem>>, vector<32xbf16>,
        %parallel_loop3A_858 = vector.bitcast %parallel_loop3A_857 : vector<32xbf16> to vector<16xi32>
        %parallel_loop3A_859 = arith.constant 16 : i32
        %parallel_loop3A_860 = vector.broadcast %parallel_loop3A_859 : i32 to vector<16xi32>
        %parallel_loop3A_861 = arith.shli %parallel_loop3A_858, %parallel_loop3A_860 : vector<16xi32>
        %parallel_loop3A_862 = vector.bitcast %parallel_loop3A_861 : vector<16xi32> to vector<16xf32>
        %parallel_loop3A_863 = arith.constant 16 : i32
        %parallel_loop3A_864 = vector.broadcast %parallel_loop3A_863 : i32 to vector<16xi32>
        %parallel_loop3A_865 = arith.shrsi %parallel_loop3A_858, %parallel_loop3A_864 : vector<16xi32>
        %parallel_loop3A_866 = arith.constant 16 : i32
        %parallel_loop3A_867 = vector.broadcast %parallel_loop3A_866 : i32 to vector<16xi32>
        %parallel_loop3A_868 = arith.shli %parallel_loop3A_865, %parallel_loop3A_867 : vector<16xi32>
        %parallel_loop3A_869 = vector.bitcast %parallel_loop3A_868 : vector<16xi32> to vector<16xf32>
        %parallel_loop3A_870 = arith.index_cast %parallel_loop3A_629 : i32 to index
        %parallel_loop3A_871 = arith.constant 64 : index
        %parallel_loop3A_872 = tpu.vector_load %arg42[%parallel_loop3A_870, %parallel_loop3A_871] {strides = array<i32>} : memref<100x128xbf16, #tpu.memory_space<vmem>>, vector<32xbf16>,
        %parallel_loop3A_873 = vector.bitcast %parallel_loop3A_872 : vector<32xbf16> to vector<16xi32>
        %parallel_loop3A_874 = arith.constant 16 : i32
        %parallel_loop3A_875 = vector.broadcast %parallel_loop3A_874 : i32 to vector<16xi32>
        %parallel_loop3A_876 = arith.shli %parallel_loop3A_873, %parallel_loop3A_875 : vector<16xi32>
        %parallel_loop3A_877 = vector.bitcast %parallel_loop3A_876 : vector<16xi32> to vector<16xf32>
        %parallel_loop3A_878 = arith.constant 16 : i32
        %parallel_loop3A_879 = vector.broadcast %parallel_loop3A_878 : i32 to vector<16xi32>
        %parallel_loop3A_880 = arith.shrsi %parallel_loop3A_873, %parallel_loop3A_879 : vector<16xi32>
        %parallel_loop3A_881 = arith.constant 16 : i32
        %parallel_loop3A_882 = vector.broadcast %parallel_loop3A_881 : i32 to vector<16xi32>
        %parallel_loop3A_883 = arith.shli %parallel_loop3A_880, %parallel_loop3A_882 : vector<16xi32>
        %parallel_loop3A_884 = vector.bitcast %parallel_loop3A_883 : vector<16xi32> to vector<16xf32>
        %parallel_loop3A_885 = arith.index_cast %parallel_loop3A_629 : i32 to index
        %parallel_loop3A_886 = arith.constant 64 : index
        %parallel_loop3A_887 = tpu.vector_load %arg43[%parallel_loop3A_885, %parallel_loop3A_886] {strides = array<i32>} : memref<100x128xbf16, #tpu.memory_space<vmem>>, vector<32xbf16>,
        %parallel_loop3A_888 = vector.bitcast %parallel_loop3A_887 : vector<32xbf16> to vector<16xi32>
        %parallel_loop3A_889 = arith.constant 16 : i32
        %parallel_loop3A_890 = vector.broadcast %parallel_loop3A_889 : i32 to vector<16xi32>
        %parallel_loop3A_891 = arith.shli %parallel_loop3A_888, %parallel_loop3A_890 : vector<16xi32>
        %parallel_loop3A_892 = vector.bitcast %parallel_loop3A_891 : vector<16xi32> to vector<16xf32>
        %parallel_loop3A_893 = arith.constant 16 : i32
        %parallel_loop3A_894 = vector.broadcast %parallel_loop3A_893 : i32 to vector<16xi32>
        %parallel_loop3A_895 = arith.shrsi %parallel_loop3A_888, %parallel_loop3A_894 : vector<16xi32>
        %parallel_loop3A_896 = arith.constant 16 : i32
        %parallel_loop3A_897 = vector.broadcast %parallel_loop3A_896 : i32 to vector<16xi32>
        %parallel_loop3A_898 = arith.shli %parallel_loop3A_895, %parallel_loop3A_897 : vector<16xi32>
        %parallel_loop3A_899 = vector.bitcast %parallel_loop3A_898 : vector<16xi32> to vector<16xf32>
        %parallel_loop3A_900 = arith.index_cast %parallel_loop3A_682 : i32 to index
        %parallel_loop3A_901 = arith.constant 64 : index
        %parallel_loop3A_902 = tpu.vector_load %arg47[%parallel_loop3A_900, %parallel_loop3A_901] {strides = array<i32>} : memref<8x128xbf16, #tpu.memory_space<vmem>>, vector<32xbf16>,
        %parallel_loop3A_903 = vector.bitcast %parallel_loop3A_902 : vector<32xbf16> to vector<16xi32>
        %parallel_loop3A_904 = arith.constant 16 : i32
        %parallel_loop3A_905 = vector.broadcast %parallel_loop3A_904 : i32 to vector<16xi32>
        %parallel_loop3A_906 = arith.shli %parallel_loop3A_903, %parallel_loop3A_905 : vector<16xi32>
        %parallel_loop3A_907 = vector.bitcast %parallel_loop3A_906 : vector<16xi32> to vector<16xf32>
        %parallel_loop3A_908 = arith.constant 16 : i32
        %parallel_loop3A_909 = vector.broadcast %parallel_loop3A_908 : i32 to vector<16xi32>
        %parallel_loop3A_910 = arith.shrsi %parallel_loop3A_903, %parallel_loop3A_909 : vector<16xi32>
        %parallel_loop3A_911 = arith.constant 16 : i32
        %parallel_loop3A_912 = vector.broadcast %parallel_loop3A_911 : i32 to vector<16xi32>
        %parallel_loop3A_913 = arith.shli %parallel_loop3A_910, %parallel_loop3A_912 : vector<16xi32>
        %parallel_loop3A_914 = vector.bitcast %parallel_loop3A_913 : vector<16xi32> to vector<16xf32>
        %parallel_loop3A_915 = arith.mulf %parallel_loop3A_638, %parallel_loop3A_862 : vector<16xf32>
        %parallel_loop3A_916 = arith.mulf %parallel_loop3A_647, %parallel_loop3A_877 : vector<16xf32>
        %parallel_loop3A_917 = arith.addf %parallel_loop3A_915, %parallel_loop3A_916 : vector<16xf32>
        %parallel_loop3A_918 = arith.mulf %parallel_loop3A_656, %parallel_loop3A_892 : vector<16xf32>
        %parallel_loop3A_919 = arith.addf %parallel_loop3A_917, %parallel_loop3A_918 : vector<16xf32>
        %parallel_loop3A_920 = arith.subf %parallel_loop3A_919, %parallel_loop3A_907 : vector<16xf32>
        %parallel_loop3A_921 = arith.mulf %parallel_loop3A_638, %parallel_loop3A_869 : vector<16xf32>
        %parallel_loop3A_922 = arith.mulf %parallel_loop3A_647, %parallel_loop3A_884 : vector<16xf32>
        %parallel_loop3A_923 = arith.addf %parallel_loop3A_921, %parallel_loop3A_922 : vector<16xf32>
        %parallel_loop3A_924 = arith.mulf %parallel_loop3A_656, %parallel_loop3A_899 : vector<16xf32>
        %parallel_loop3A_925 = arith.addf %parallel_loop3A_923, %parallel_loop3A_924 : vector<16xf32>
        %parallel_loop3A_926 = arith.subf %parallel_loop3A_925, %parallel_loop3A_914 : vector<16xf32>
        %parallel_loop3A_927 = arith.constant 64 : i32
        %parallel_loop3A_928 = vector.broadcast %parallel_loop3A_927 : i32 to vector<16xi32>
        %parallel_loop3A_929 = arith.addi %parallel_loop3A_928, %mul3A_493 : vector<16xi32>
        %parallel_loop3A_930 = arith.constant 0 : i32
        %parallel_loop3A_931 = vector.broadcast %parallel_loop3A_930 : i32 to vector<16xi32>
        %parallel_loop3A_932 = vector.broadcast %parallel_loop3A_629 : i32 to vector<16xi32>
        %parallel_loop3A_933 = arith.addi %parallel_loop3A_931, %parallel_loop3A_932 : vector<16xi32>
        tpu.vector_store_idx %arg49[%parallel_loop3A_933, %parallel_loop3A_929], %parallel_loop3A_920 : memref<100x128xf32, #tpu.memory_space<vmem>>[vector<16xi32>, vector<16xi32>], vector<16xf32>,
        %parallel_loop3A_934 = arith.constant 0 : i32
        %parallel_loop3A_935 = vector.broadcast %parallel_loop3A_934 : i32 to vector<16xi32>
        %parallel_loop3A_936 = vector.broadcast %parallel_loop3A_629 : i32 to vector<16xi32>
        %parallel_loop3A_937 = arith.addi %parallel_loop3A_935, %parallel_loop3A_936 : vector<16xi32>
        %parallel_loop3A_938 = arith.constant 1 : i32
        %parallel_loop3A_939 = vector.broadcast %parallel_loop3A_938 : i32 to vector<16xi32>
        %parallel_loop3A_940 = arith.addi %parallel_loop3A_929, %parallel_loop3A_939 : vector<16xi32>
        tpu.vector_store_idx %arg49[%parallel_loop3A_937, %parallel_loop3A_940], %parallel_loop3A_926 : memref<100x128xf32, #tpu.memory_space<vmem>>[vector<16xi32>, vector<16xi32>], vector<16xf32>,
        %parallel_loop3A_941 = arith.index_cast %parallel_loop3A_629 : i32 to index
        %parallel_loop3A_942 = arith.constant 96 : index
        %parallel_loop3A_943 = tpu.vector_load %arg41[%parallel_loop3A_941, %parallel_loop3A_942] {strides = array<i32>} : memref<100x128xbf16, #tpu.memory_space<vmem>>, vector<32xbf16>,
        %parallel_loop3A_944 = vector.bitcast %parallel_loop3A_943 : vector<32xbf16> to vector<16xi32>
        %parallel_loop3A_945 = arith.constant 16 : i32
        %parallel_loop3A_946 = vector.broadcast %parallel_loop3A_945 : i32 to vector<16xi32>
        %parallel_loop3A_947 = arith.shli %parallel_loop3A_944, %parallel_loop3A_946 : vector<16xi32>
        %parallel_loop3A_948 = vector.bitcast %parallel_loop3A_947 : vector<16xi32> to vector<16xf32>
        %parallel_loop3A_949 = arith.constant 16 : i32
        %parallel_loop3A_950 = vector.broadcast %parallel_loop3A_949 : i32 to vector<16xi32>
        %parallel_loop3A_951 = arith.shrsi %parallel_loop3A_944, %parallel_loop3A_950 : vector<16xi32>
        %parallel_loop3A_952 = arith.constant 16 : i32
        %parallel_loop3A_953 = vector.broadcast %parallel_loop3A_952 : i32 to vector<16xi32>
        %parallel_loop3A_954 = arith.shli %parallel_loop3A_951, %parallel_loop3A_953 : vector<16xi32>
        %parallel_loop3A_955 = vector.bitcast %parallel_loop3A_954 : vector<16xi32> to vector<16xf32>
        %parallel_loop3A_956 = arith.index_cast %parallel_loop3A_629 : i32 to index
        %parallel_loop3A_957 = arith.constant 96 : index
        %parallel_loop3A_958 = tpu.vector_load %arg42[%parallel_loop3A_956, %parallel_loop3A_957] {strides = array<i32>} : memref<100x128xbf16, #tpu.memory_space<vmem>>, vector<32xbf16>,
        %parallel_loop3A_959 = vector.bitcast %parallel_loop3A_958 : vector<32xbf16> to vector<16xi32>
        %parallel_loop3A_960 = arith.constant 16 : i32
        %parallel_loop3A_961 = vector.broadcast %parallel_loop3A_960 : i32 to vector<16xi32>
        %parallel_loop3A_962 = arith.shli %parallel_loop3A_959, %parallel_loop3A_961 : vector<16xi32>
        %parallel_loop3A_963 = vector.bitcast %parallel_loop3A_962 : vector<16xi32> to vector<16xf32>
        %parallel_loop3A_964 = arith.constant 16 : i32
        %parallel_loop3A_965 = vector.broadcast %parallel_loop3A_964 : i32 to vector<16xi32>
        %parallel_loop3A_966 = arith.shrsi %parallel_loop3A_959, %parallel_loop3A_965 : vector<16xi32>
        %parallel_loop3A_967 = arith.constant 16 : i32
        %parallel_loop3A_968 = vector.broadcast %parallel_loop3A_967 : i32 to vector<16xi32>
        %parallel_loop3A_969 = arith.shli %parallel_loop3A_966, %parallel_loop3A_968 : vector<16xi32>
        %parallel_loop3A_970 = vector.bitcast %parallel_loop3A_969 : vector<16xi32> to vector<16xf32>
        %parallel_loop3A_971 = arith.index_cast %parallel_loop3A_629 : i32 to index
        %parallel_loop3A_972 = arith.constant 96 : index
        %parallel_loop3A_973 = tpu.vector_load %arg43[%parallel_loop3A_971, %parallel_loop3A_972] {strides = array<i32>} : memref<100x128xbf16, #tpu.memory_space<vmem>>, vector<32xbf16>,
        %parallel_loop3A_974 = vector.bitcast %parallel_loop3A_973 : vector<32xbf16> to vector<16xi32>
        %parallel_loop3A_975 = arith.constant 16 : i32
        %parallel_loop3A_976 = vector.broadcast %parallel_loop3A_975 : i32 to vector<16xi32>
        %parallel_loop3A_977 = arith.shli %parallel_loop3A_974, %parallel_loop3A_976 : vector<16xi32>
        %parallel_loop3A_978 = vector.bitcast %parallel_loop3A_977 : vector<16xi32> to vector<16xf32>
        %parallel_loop3A_979 = arith.constant 16 : i32
        %parallel_loop3A_980 = vector.broadcast %parallel_loop3A_979 : i32 to vector<16xi32>
        %parallel_loop3A_981 = arith.shrsi %parallel_loop3A_974, %parallel_loop3A_980 : vector<16xi32>
        %parallel_loop3A_982 = arith.constant 16 : i32
        %parallel_loop3A_983 = vector.broadcast %parallel_loop3A_982 : i32 to vector<16xi32>
        %parallel_loop3A_984 = arith.shli %parallel_loop3A_981, %parallel_loop3A_983 : vector<16xi32>
        %parallel_loop3A_985 = vector.bitcast %parallel_loop3A_984 : vector<16xi32> to vector<16xf32>
        %parallel_loop3A_986 = arith.index_cast %parallel_loop3A_682 : i32 to index
        %parallel_loop3A_987 = arith.constant 96 : index
        %parallel_loop3A_988 = tpu.vector_load %arg47[%parallel_loop3A_986, %parallel_loop3A_987] {strides = array<i32>} : memref<8x128xbf16, #tpu.memory_space<vmem>>, vector<32xbf16>,
        %parallel_loop3A_989 = vector.bitcast %parallel_loop3A_988 : vector<32xbf16> to vector<16xi32>
        %parallel_loop3A_990 = arith.constant 16 : i32
        %parallel_loop3A_991 = vector.broadcast %parallel_loop3A_990 : i32 to vector<16xi32>
        %parallel_loop3A_992 = arith.shli %parallel_loop3A_989, %parallel_loop3A_991 : vector<16xi32>
        %parallel_loop3A_993 = vector.bitcast %parallel_loop3A_992 : vector<16xi32> to vector<16xf32>
        %parallel_loop3A_994 = arith.constant 16 : i32
        %parallel_loop3A_995 = vector.broadcast %parallel_loop3A_994 : i32 to vector<16xi32>
        %parallel_loop3A_996 = arith.shrsi %parallel_loop3A_989, %parallel_loop3A_995 : vector<16xi32>
        %parallel_loop3A_997 = arith.constant 16 : i32
        %parallel_loop3A_998 = vector.broadcast %parallel_loop3A_997 : i32 to vector<16xi32>
        %parallel_loop3A_999 = arith.shli %parallel_loop3A_996, %parallel_loop3A_998 : vector<16xi32>
        %parallel_loop3A_1000 = vector.bitcast %parallel_loop3A_999 : vector<16xi32> to vector<16xf32>
        %parallel_loop3A_1001 = arith.mulf %parallel_loop3A_638, %parallel_loop3A_948 : vector<16xf32>
        %parallel_loop3A_1002 = arith.mulf %parallel_loop3A_647, %parallel_loop3A_963 : vector<16xf32>
        %parallel_loop3A_1003 = arith.addf %parallel_loop3A_1001, %parallel_loop3A_1002 : vector<16xf32>
        %parallel_loop3A_1004 = arith.mulf %parallel_loop3A_656, %parallel_loop3A_978 : vector<16xf32>
        %parallel_loop3A_1005 = arith.addf %parallel_loop3A_1003, %parallel_loop3A_1004 : vector<16xf32>
        %parallel_loop3A_1006 = arith.subf %parallel_loop3A_1005, %parallel_loop3A_993 : vector<16xf32>
        %parallel_loop3A_1007 = arith.mulf %parallel_loop3A_638, %parallel_loop3A_955 : vector<16xf32>
        %parallel_loop3A_1008 = arith.mulf %parallel_loop3A_647, %parallel_loop3A_970 : vector<16xf32>
        %parallel_loop3A_1009 = arith.addf %parallel_loop3A_1007, %parallel_loop3A_1008 : vector<16xf32>
        %parallel_loop3A_1010 = arith.mulf %parallel_loop3A_656, %parallel_loop3A_985 : vector<16xf32>
        %parallel_loop3A_1011 = arith.addf %parallel_loop3A_1009, %parallel_loop3A_1010 : vector<16xf32>
        %parallel_loop3A_1012 = arith.subf %parallel_loop3A_1011, %parallel_loop3A_1000 : vector<16xf32>
        %parallel_loop3A_1013 = arith.constant 96 : i32
        %parallel_loop3A_1014 = vector.broadcast %parallel_loop3A_1013 : i32 to vector<16xi32>
        %parallel_loop3A_1015 = arith.addi %parallel_loop3A_1014, %mul3A_493 : vector<16xi32>
        %parallel_loop3A_1016 = arith.constant 0 : i32
        %parallel_loop3A_1017 = vector.broadcast %parallel_loop3A_1016 : i32 to vector<16xi32>
        %parallel_loop3A_1018 = vector.broadcast %parallel_loop3A_629 : i32 to vector<16xi32>
        %parallel_loop3A_1019 = arith.addi %parallel_loop3A_1017, %parallel_loop3A_1018 : vector<16xi32>
        tpu.vector_store_idx %arg49[%parallel_loop3A_1019, %parallel_loop3A_1015], %parallel_loop3A_1006 : memref<100x128xf32, #tpu.memory_space<vmem>>[vector<16xi32>, vector<16xi32>], vector<16xf32>,
        %parallel_loop3A_1020 = arith.constant 0 : i32
        %parallel_loop3A_1021 = vector.broadcast %parallel_loop3A_1020 : i32 to vector<16xi32>
        %parallel_loop3A_1022 = vector.broadcast %parallel_loop3A_629 : i32 to vector<16xi32>
        %parallel_loop3A_1023 = arith.addi %parallel_loop3A_1021, %parallel_loop3A_1022 : vector<16xi32>
        %parallel_loop3A_1024 = arith.constant 1 : i32
        %parallel_loop3A_1025 = vector.broadcast %parallel_loop3A_1024 : i32 to vector<16xi32>
        %parallel_loop3A_1026 = arith.addi %parallel_loop3A_1015, %parallel_loop3A_1025 : vector<16xi32>
        tpu.vector_store_idx %arg49[%parallel_loop3A_1023, %parallel_loop3A_1026], %parallel_loop3A_1012 : memref<100x128xf32, #tpu.memory_space<vmem>>[vector<16xi32>, vector<16xi32>], vector<16xf32>,
      } {sc.loop_unroll_factor = 5 : i64, sc.parallel_access}
      %mul3A_496 = arith.constant 100 : i32
      %mul3A_497 = arith.muli %mul3A_370, %mul3A_496 : i32
      %add3A_498 = arith.addi %mul3A_2, %mul3A_497 : i32
      %dma_start3A_499 = arith.constant 0 : i32
      %dma_start3A_500 = tpu.memref_slice %arg8[%add3A_498, %dma_start3A_499] : memref<160000x128xf32, #tpu.memory_space<hbm>> -> memref<100x128xf32, #tpu.memory_space<hbm>>
      %dma_start3A_501 = arith.constant 0 : i32
      %dma_start3A_502 = tpu.memref_slice %arg8[%add3A_498, %dma_start3A_501] : memref<160000x128xf32, #tpu.memory_space<hbm>> -> memref<100x128xf32, #tpu.memory_space<hbm>>
      tpu.enqueue_dma source(%arg49 : memref<100x128xf32, #tpu.memory_space<vmem>>) target(%dma_start3A_502 : memref<100x128xf32, #tpu.memory_space<hbm>>) target_semaphore(%arg56 : memref<!tpu.dma_semaphore, #tpu.memory_space<semaphore_mem>>)
      %dma_start3A_503 = arith.constant 0 : i32
      %dma_start3A_504 = tpu.memref_slice %arg35[%min3A_380, %dma_start3A_503] : memref<50x100xi32, #tpu.memory_space<vmem>> -> memref<1x100xi32, #tpu.memory_space<vmem>>
      %dma_start3A_505 = tpu.memref_squeeze %dma_start3A_504 : memref<1x100xi32, #tpu.memory_space<vmem>> -> memref<100xi32, #tpu.memory_space<vmem>>
      %dma_start3A_506 = arith.constant 0 : i32
      %dma_start3A_507 = arith.constant 0 : i32
      %dma_start3A_508 = tpu.memref_slice %arg3[%dma_start3A_506, %dma_start3A_507] : memref<10000x128xbf16, #tpu.memory_space<hbm>> -> memref<10000x128xbf16, #tpu.memory_space<hbm>>
      tpu.enqueue_indirect_dma source(%dma_start3A_508 : memref<10000x128xbf16, #tpu.memory_space<hbm>>) target(%arg41 : memref<100x128xbf16, #tpu.memory_space<vmem>>) offsets(%dma_start3A_505 : memref<100xi32, #tpu.memory_space<vmem>>) semaphore(%arg54 : memref<!tpu.dma_semaphore, #tpu.memory_space<semaphore_mem>>)
      %dma_start3A_509 = arith.constant 0 : i32
      %dma_start3A_510 = tpu.memref_slice %arg36[%min3A_380, %dma_start3A_509] : memref<50x100xi32, #tpu.memory_space<vmem>> -> memref<1x100xi32, #tpu.memory_space<vmem>>
      %dma_start3A_511 = tpu.memref_squeeze %dma_start3A_510 : memref<1x100xi32, #tpu.memory_space<vmem>> -> memref<100xi32, #tpu.memory_space<vmem>>
      %dma_start3A_512 = arith.constant 0 : i32
      %dma_start3A_513 = arith.constant 0 : i32
      %dma_start3A_514 = tpu.memref_slice %arg3[%dma_start3A_512, %dma_start3A_513] : memref<10000x128xbf16, #tpu.memory_space<hbm>> -> memref<10000x128xbf16, #tpu.memory_space<hbm>>
      tpu.enqueue_indirect_dma source(%dma_start3A_514 : memref<10000x128xbf16, #tpu.memory_space<hbm>>) target(%arg42 : memref<100x128xbf16, #tpu.memory_space<vmem>>) offsets(%dma_start3A_511 : memref<100xi32, #tpu.memory_space<vmem>>) semaphore(%arg54 : memref<!tpu.dma_semaphore, #tpu.memory_space<semaphore_mem>>)
      %dma_start3A_515 = arith.constant 0 : i32
      %dma_start3A_516 = tpu.memref_slice %arg37[%min3A_380, %dma_start3A_515] : memref<50x100xi32, #tpu.memory_space<vmem>> -> memref<1x100xi32, #tpu.memory_space<vmem>>
      %dma_start3A_517 = tpu.memref_squeeze %dma_start3A_516 : memref<1x100xi32, #tpu.memory_space<vmem>> -> memref<100xi32, #tpu.memory_space<vmem>>
      %dma_start3A_518 = arith.constant 0 : i32
      %dma_start3A_519 = arith.constant 0 : i32
      %dma_start3A_520 = tpu.memref_slice %arg3[%dma_start3A_518, %dma_start3A_519] : memref<10000x128xbf16, #tpu.memory_space<hbm>> -> memref<10000x128xbf16, #tpu.memory_space<hbm>>
      tpu.enqueue_indirect_dma source(%dma_start3A_520 : memref<10000x128xbf16, #tpu.memory_space<hbm>>) target(%arg43 : memref<100x128xbf16, #tpu.memory_space<vmem>>) offsets(%dma_start3A_517 : memref<100xi32, #tpu.memory_space<vmem>>) semaphore(%arg54 : memref<!tpu.dma_semaphore, #tpu.memory_space<semaphore_mem>>)
      %mul3A_521 = arith.constant 100 : i32
      %mul3A_522 = arith.muli %min3A_380, %mul3A_521 : i32
      %add3A_523 = arith.addi %mul3A_2, %mul3A_522 : i32
      %jit3A_524 = arith.constant 16 : i32
      %div3A_525 = arith.divsi %add3A_523, %jit3A_524 : i32
      %sign3A_526 = arith.constant 0 : i32
      %sign3A_527 = arith.cmpi sgt, %add3A_523, %sign3A_526 : i32
      %sign3A_528 = arith.extui %sign3A_527 : i1 to i32
      %sign3A_529 = arith.constant 0 : i32
      %sign3A_530 = arith.cmpi slt, %add3A_523, %sign3A_529 : i32
      %sign3A_531 = arith.extui %sign3A_530 : i1 to i32
      %sign3A_532 = arith.subi %sign3A_528, %sign3A_531 : i32
      %sign3A_533 = arith.constant 0 : i32
      %sign3A_534 = arith.cmpi sgt, %jit3A_524, %sign3A_533 : i32
      %sign3A_535 = arith.extui %sign3A_534 : i1 to i32
      %sign3A_536 = arith.constant 0 : i32
      %sign3A_537 = arith.cmpi slt, %jit3A_524, %sign3A_536 : i32
      %sign3A_538 = arith.extui %sign3A_537 : i1 to i32
      %sign3A_539 = arith.subi %sign3A_535, %sign3A_538 : i32
      %ne3A_540 = arith.cmpi ne, %sign3A_532, %sign3A_539 : i32
      %rem3A_541 = arith.remsi %add3A_523, %jit3A_524 : i32
      %ne3A_542 = arith.constant 0 : i32
      %ne3A_543 = arith.cmpi ne, %rem3A_541, %ne3A_542 : i32
      %and3A_544 = arith.andi %ne3A_540, %ne3A_543 : i1
      %sub3A_545 = arith.constant 1 : i32
      %sub3A_546 = arith.subi %div3A_525, %sub3A_545 : i32
      %select_n3A_547 = arith.select %and3A_544, %sub3A_546, %div3A_525 : i32
      %min3A_548 = arith.constant 9992 : i32
      %min3A_549 = arith.minsi %select_n3A_547, %min3A_548 : i32
      %dma_start3A_550 = arith.constant 0 : i32
      %dma_start3A_551 = tpu.memref_slice %arg3[%min3A_549, %dma_start3A_550] : memref<10000x128xbf16, #tpu.memory_space<hbm>> -> memref<8x128xbf16, #tpu.memory_space<hbm>>
      %dma_start3A_552 = arith.constant 0 : i32
      %dma_start3A_553 = tpu.memref_slice %arg3[%min3A_549, %dma_start3A_552] : memref<10000x128xbf16, #tpu.memory_space<hbm>> -> memref<8x128xbf16, #tpu.memory_space<hbm>>
      tpu.enqueue_dma source(%dma_start3A_553 : memref<8x128xbf16, #tpu.memory_space<hbm>>) target(%arg47 : memref<8x128xbf16, #tpu.memory_space<vmem>>) target_semaphore(%arg54 : memref<!tpu.dma_semaphore, #tpu.memory_space<semaphore_mem>>)
      %dma_wait3A_554 = arith.constant 0 : i32
      %dma_wait3A_555 = arith.constant 0 : i32
      %dma_wait3A_556 = tpu.memref_slice %arg35[%dma_wait3A_554, %dma_wait3A_555] : memref<50x100xi32, #tpu.memory_space<vmem>> -> memref<1x100xi32, #tpu.memory_space<vmem>>
      %dma_wait3A_557 = tpu.memref_squeeze %dma_wait3A_556 : memref<1x100xi32, #tpu.memory_space<vmem>> -> memref<100xi32, #tpu.memory_space<vmem>>
      %dma_wait3A_558 = arith.constant 0 : i32
      %dma_wait3A_559 = arith.constant 0 : i32
      %dma_wait3A_560 = tpu.memref_slice %arg3[%dma_wait3A_558, %dma_wait3A_559] : memref<10000x128xbf16, #tpu.memory_space<hbm>> -> memref<10000x128xbf16, #tpu.memory_space<hbm>>
      tpu.wait_indirect_dma semaphore(%arg55 : memref<!tpu.dma_semaphore, #tpu.memory_space<semaphore_mem>>) src(%dma_wait3A_560 : memref<10000x128xbf16, #tpu.memory_space<hbm>>) dst(%arg44 : memref<100x128xbf16, #tpu.memory_space<vmem>>)
      %dma_wait3A_561 = arith.constant 0 : i32
      %dma_wait3A_562 = arith.constant 0 : i32
      %dma_wait3A_563 = tpu.memref_slice %arg36[%dma_wait3A_561, %dma_wait3A_562] : memref<50x100xi32, #tpu.memory_space<vmem>> -> memref<1x100xi32, #tpu.memory_space<vmem>>
      %dma_wait3A_564 = tpu.memref_squeeze %dma_wait3A_563 : memref<1x100xi32, #tpu.memory_space<vmem>> -> memref<100xi32, #tpu.memory_space<vmem>>
      %dma_wait3A_565 = arith.constant 0 : i32
      %dma_wait3A_566 = arith.constant 0 : i32
      %dma_wait3A_567 = tpu.memref_slice %arg3[%dma_wait3A_565, %dma_wait3A_566] : memref<10000x128xbf16, #tpu.memory_space<hbm>> -> memref<10000x128xbf16, #tpu.memory_space<hbm>>
      tpu.wait_indirect_dma semaphore(%arg55 : memref<!tpu.dma_semaphore, #tpu.memory_space<semaphore_mem>>) src(%dma_wait3A_567 : memref<10000x128xbf16, #tpu.memory_space<hbm>>) dst(%arg45 : memref<100x128xbf16, #tpu.memory_space<vmem>>)
      %dma_wait3A_568 = arith.constant 0 : i32
      %dma_wait3A_569 = arith.constant 0 : i32
      %dma_wait3A_570 = tpu.memref_slice %arg37[%dma_wait3A_568, %dma_wait3A_569] : memref<50x100xi32, #tpu.memory_space<vmem>> -> memref<1x100xi32, #tpu.memory_space<vmem>>
      %dma_wait3A_571 = tpu.memref_squeeze %dma_wait3A_570 : memref<1x100xi32, #tpu.memory_space<vmem>> -> memref<100xi32, #tpu.memory_space<vmem>>
      %dma_wait3A_572 = arith.constant 0 : i32
      %dma_wait3A_573 = arith.constant 0 : i32
      %dma_wait3A_574 = tpu.memref_slice %arg3[%dma_wait3A_572, %dma_wait3A_573] : memref<10000x128xbf16, #tpu.memory_space<hbm>> -> memref<10000x128xbf16, #tpu.memory_space<hbm>>
      tpu.wait_indirect_dma semaphore(%arg55 : memref<!tpu.dma_semaphore, #tpu.memory_space<semaphore_mem>>) src(%dma_wait3A_574 : memref<10000x128xbf16, #tpu.memory_space<hbm>>) dst(%arg46 : memref<100x128xbf16, #tpu.memory_space<vmem>>)
      %dma_wait3A_575 = arith.constant 0 : i32
      %dma_wait3A_576 = arith.constant 0 : i32
      %dma_wait3A_577 = tpu.memref_slice %arg3[%dma_wait3A_575, %dma_wait3A_576] : memref<10000x128xbf16, #tpu.memory_space<hbm>> -> memref<8x128xbf16, #tpu.memory_space<hbm>>
      %dma_wait3A_578 = arith.constant 0 : i32
      %dma_wait3A_579 = arith.constant 0 : i32
      %dma_wait3A_580 = tpu.memref_slice %arg3[%dma_wait3A_578, %dma_wait3A_579] : memref<10000x128xbf16, #tpu.memory_space<hbm>> -> memref<8x128xbf16, #tpu.memory_space<hbm>>
      tpu.wait_dma2 semaphore(%arg55 : memref<!tpu.dma_semaphore, #tpu.memory_space<semaphore_mem>>) src(%dma_wait3A_580 : memref<8x128xbf16, #tpu.memory_space<hbm>>) dst(%arg48 : memref<8x128xbf16, #tpu.memory_space<vmem>>)
      %gt3A_581 = arith.constant 0 : i32
      %gt3A_582 = arith.cmpi sgt, %scan3A_368, %gt3A_581 : i32
      %convert_element_type3A_583 = arith.extui %gt3A_582 : i1 to i32
      %cond3A_584 = arith.constant 0 : i32
      %cond3A_585 = arith.cmpi ne, %convert_element_type3A_583, %cond3A_584 : i32
      scf.if %cond3A_585 {
        %dma_wait3A_629 = arith.constant 0 : i32
        %dma_wait3A_630 = arith.constant 0 : i32
        %dma_wait3A_631 = tpu.memref_slice %arg8[%dma_wait3A_629, %dma_wait3A_630] : memref<160000x128xf32, #tpu.memory_space<hbm>> -> memref<100x128xf32, #tpu.memory_space<hbm>>
        %dma_wait3A_632 = arith.constant 0 : i32
        %dma_wait3A_633 = arith.constant 0 : i32
        %dma_wait3A_634 = tpu.memref_slice %arg8[%dma_wait3A_632, %dma_wait3A_633] : memref<160000x128xf32, #tpu.memory_space<hbm>> -> memref<100x128xf32, #tpu.memory_space<hbm>>
        tpu.wait_dma2 semaphore(%arg57 : memref<!tpu.dma_semaphore, #tpu.memory_space<semaphore_mem>>) src(%arg50 : memref<100x128xf32, #tpu.memory_space<vmem>>) dst(%dma_wait3A_634 : memref<100x128xf32, #tpu.memory_space<hbm>>)
      } else {
      }
      %mul3A_586 = arith.constant 100 : i32
      %mul3A_587 = arith.muli %add3A_374, %mul3A_586 : i32
      %add3A_588 = arith.addi %mul3A_2, %mul3A_587 : i32
      %jit3A_589 = arith.constant 16 : i32
      %div3A_590 = arith.divsi %add3A_588, %jit3A_589 : i32
      %sign3A_591 = arith.constant 0 : i32
      %sign3A_592 = arith.cmpi sgt, %add3A_588, %sign3A_591 : i32
      %sign3A_593 = arith.extui %sign3A_592 : i1 to i32
      %sign3A_594 = arith.constant 0 : i32
      %sign3A_595 = arith.cmpi slt, %add3A_588, %sign3A_594 : i32
      %sign3A_596 = arith.extui %sign3A_595 : i1 to i32
      %sign3A_597 = arith.subi %sign3A_593, %sign3A_596 : i32
      %sign3A_598 = arith.constant 0 : i32
      %sign3A_599 = arith.cmpi sgt, %jit3A_589, %sign3A_598 : i32
      %sign3A_600 = arith.extui %sign3A_599 : i1 to i32
      %sign3A_601 = arith.constant 0 : i32
      %sign3A_602 = arith.cmpi slt, %jit3A_589, %sign3A_601 : i32
      %sign3A_603 = arith.extui %sign3A_602 : i1 to i32
      %sign3A_604 = arith.subi %sign3A_600, %sign3A_603 : i32
      %ne3A_605 = arith.cmpi ne, %sign3A_597, %sign3A_604 : i32
      %rem3A_606 = arith.remsi %add3A_588, %jit3A_589 : i32
      %ne3A_607 = arith.constant 0 : i32
      %ne3A_608 = arith.cmpi ne, %rem3A_606, %ne3A_607 : i32
      %and3A_609 = arith.andi %ne3A_605, %ne3A_608 : i1
      %sub3A_610 = arith.constant 1 : i32
      %sub3A_611 = arith.subi %div3A_590, %sub3A_610 : i32
      %select_n3A_612 = arith.select %and3A_609, %sub3A_611, %div3A_590 : i32
      %min3A_613 = arith.constant 9992 : i32
      %min3A_614 = arith.minsi %select_n3A_612, %min3A_613 : i32
      %iota3A_615 = tpu.iota {dimensions = array<i32: 0>} : vector<16xi32>
      %mul3A_616 = arith.constant 2 : i32
      %mul3A_617 = vector.broadcast %mul3A_616 : i32 to vector<16xi32>
      %mul3A_618 = arith.muli %mul3A_617, %iota3A_615 : vector<16xi32>
      %parallel_loop3A_619 = arith.constant 0 : i32
      %parallel_loop3A_620 = arith.constant 100 : i32
      %parallel_loop3A_621 = arith.constant 1 : i32
      scf.for %parallel_loop3A_629 = %parallel_loop3A_619 to %parallel_loop3A_620 step %parallel_loop3A_621  : i32 {
        %parallel_loop3A_630 = arith.constant 0 : i32
        %parallel_loop3A_631 = vector.broadcast %parallel_loop3A_630 : i32 to vector<16xi32>
        %parallel_loop3A_632 = vector.broadcast %add3A_374 : i32 to vector<16xi32>
        %parallel_loop3A_633 = arith.addi %parallel_loop3A_631, %parallel_loop3A_632 : vector<16xi32>
        %parallel_loop3A_634 = arith.constant 0 : i32
        %parallel_loop3A_635 = vector.broadcast %parallel_loop3A_634 : i32 to vector<16xi32>
        %parallel_loop3A_636 = vector.broadcast %parallel_loop3A_629 : i32 to vector<16xi32>
        %parallel_loop3A_637 = arith.addi %parallel_loop3A_635, %parallel_loop3A_636 : vector<16xi32>
        %parallel_loop3A_638 = tpu.vector_load_idx %arg38[%parallel_loop3A_633, %parallel_loop3A_637] : memref<50x100xf32, #tpu.memory_space<vmem>>[vector<16xi32>, vector<16xi32>], vector<16xf32>,
        %parallel_loop3A_639 = arith.constant 0 : i32
        %parallel_loop3A_640 = vector.broadcast %parallel_loop3A_639 : i32 to vector<16xi32>
        %parallel_loop3A_641 = vector.broadcast %add3A_374 : i32 to vector<16xi32>
        %parallel_loop3A_642 = arith.addi %parallel_loop3A_640, %parallel_loop3A_641 : vector<16xi32>
        %parallel_loop3A_643 = arith.constant 0 : i32
        %parallel_loop3A_644 = vector.broadcast %parallel_loop3A_643 : i32 to vector<16xi32>
        %parallel_loop3A_645 = vector.broadcast %parallel_loop3A_629 : i32 to vector<16xi32>
        %parallel_loop3A_646 = arith.addi %parallel_loop3A_644, %parallel_loop3A_645 : vector<16xi32>
        %parallel_loop3A_647 = tpu.vector_load_idx %arg39[%parallel_loop3A_642, %parallel_loop3A_646] : memref<50x100xf32, #tpu.memory_space<vmem>>[vector<16xi32>, vector<16xi32>], vector<16xf32>,
        %parallel_loop3A_648 = arith.constant 0 : i32
        %parallel_loop3A_649 = vector.broadcast %parallel_loop3A_648 : i32 to vector<16xi32>
        %parallel_loop3A_650 = vector.broadcast %add3A_374 : i32 to vector<16xi32>
        %parallel_loop3A_651 = arith.addi %parallel_loop3A_649, %parallel_loop3A_650 : vector<16xi32>
        %parallel_loop3A_652 = arith.constant 0 : i32
        %parallel_loop3A_653 = vector.broadcast %parallel_loop3A_652 : i32 to vector<16xi32>
        %parallel_loop3A_654 = vector.broadcast %parallel_loop3A_629 : i32 to vector<16xi32>
        %parallel_loop3A_655 = arith.addi %parallel_loop3A_653, %parallel_loop3A_654 : vector<16xi32>
        %parallel_loop3A_656 = tpu.vector_load_idx %arg40[%parallel_loop3A_651, %parallel_loop3A_655] : memref<50x100xf32, #tpu.memory_space<vmem>>[vector<16xi32>, vector<16xi32>], vector<16xf32>,
        %parallel_loop3A_657 = arith.addi %add3A_588, %parallel_loop3A_629 : i32
        %parallel_loop3A_658 = arith.constant 16 : i32
        %parallel_loop3A_659 = arith.divsi %parallel_loop3A_657, %parallel_loop3A_658 : i32
        %parallel_loop3A_660 = arith.constant 0 : i32
        %parallel_loop3A_661 = arith.cmpi sgt, %parallel_loop3A_657, %parallel_loop3A_660 : i32
        %parallel_loop3A_662 = arith.extui %parallel_loop3A_661 : i1 to i32
        %parallel_loop3A_663 = arith.constant 0 : i32
        %parallel_loop3A_664 = arith.cmpi slt, %parallel_loop3A_657, %parallel_loop3A_663 : i32
        %parallel_loop3A_665 = arith.extui %parallel_loop3A_664 : i1 to i32
        %parallel_loop3A_666 = arith.subi %parallel_loop3A_662, %parallel_loop3A_665 : i32
        %parallel_loop3A_667 = arith.constant 0 : i32
        %parallel_loop3A_668 = arith.cmpi sgt, %parallel_loop3A_658, %parallel_loop3A_667 : i32
        %parallel_loop3A_669 = arith.extui %parallel_loop3A_668 : i1 to i32
        %parallel_loop3A_670 = arith.constant 0 : i32
        %parallel_loop3A_671 = arith.cmpi slt, %parallel_loop3A_658, %parallel_loop3A_670 : i32
        %parallel_loop3A_672 = arith.extui %parallel_loop3A_671 : i1 to i32
        %parallel_loop3A_673 = arith.subi %parallel_loop3A_669, %parallel_loop3A_672 : i32
        %parallel_loop3A_674 = arith.cmpi ne, %parallel_loop3A_666, %parallel_loop3A_673 : i32
        %parallel_loop3A_675 = arith.remsi %parallel_loop3A_657, %parallel_loop3A_658 : i32
        %parallel_loop3A_676 = arith.constant 0 : i32
        %parallel_loop3A_677 = arith.cmpi ne, %parallel_loop3A_675, %parallel_loop3A_676 : i32
        %parallel_loop3A_678 = arith.andi %parallel_loop3A_674, %parallel_loop3A_677 : i1
        %parallel_loop3A_679 = arith.constant 1 : i32
        %parallel_loop3A_680 = arith.subi %parallel_loop3A_659, %parallel_loop3A_679 : i32
        %parallel_loop3A_681 = arith.select %parallel_loop3A_678, %parallel_loop3A_680, %parallel_loop3A_659 : i32
        %parallel_loop3A_682 = arith.subi %parallel_loop3A_681, %min3A_614 : i32
        %parallel_loop3A_683 = arith.index_cast %parallel_loop3A_629 : i32 to index
        %parallel_loop3A_684 = arith.constant 0 : index
        %parallel_loop3A_685 = tpu.vector_load %arg44[%parallel_loop3A_683, %parallel_loop3A_684] {strides = array<i32>} : memref<100x128xbf16, #tpu.memory_space<vmem>>, vector<32xbf16>,
        %parallel_loop3A_686 = vector.bitcast %parallel_loop3A_685 : vector<32xbf16> to vector<16xi32>
        %parallel_loop3A_687 = arith.constant 16 : i32
        %parallel_loop3A_688 = vector.broadcast %parallel_loop3A_687 : i32 to vector<16xi32>
        %parallel_loop3A_689 = arith.shli %parallel_loop3A_686, %parallel_loop3A_688 : vector<16xi32>
        %parallel_loop3A_690 = vector.bitcast %parallel_loop3A_689 : vector<16xi32> to vector<16xf32>
        %parallel_loop3A_691 = arith.constant 16 : i32
        %parallel_loop3A_692 = vector.broadcast %parallel_loop3A_691 : i32 to vector<16xi32>
        %parallel_loop3A_693 = arith.shrsi %parallel_loop3A_686, %parallel_loop3A_692 : vector<16xi32>
        %parallel_loop3A_694 = arith.constant 16 : i32
        %parallel_loop3A_695 = vector.broadcast %parallel_loop3A_694 : i32 to vector<16xi32>
        %parallel_loop3A_696 = arith.shli %parallel_loop3A_693, %parallel_loop3A_695 : vector<16xi32>
        %parallel_loop3A_697 = vector.bitcast %parallel_loop3A_696 : vector<16xi32> to vector<16xf32>
        %parallel_loop3A_698 = arith.index_cast %parallel_loop3A_629 : i32 to index
        %parallel_loop3A_699 = arith.constant 0 : index
        %parallel_loop3A_700 = tpu.vector_load %arg45[%parallel_loop3A_698, %parallel_loop3A_699] {strides = array<i32>} : memref<100x128xbf16, #tpu.memory_space<vmem>>, vector<32xbf16>,
        %parallel_loop3A_701 = vector.bitcast %parallel_loop3A_700 : vector<32xbf16> to vector<16xi32>
        %parallel_loop3A_702 = arith.constant 16 : i32
        %parallel_loop3A_703 = vector.broadcast %parallel_loop3A_702 : i32 to vector<16xi32>
        %parallel_loop3A_704 = arith.shli %parallel_loop3A_701, %parallel_loop3A_703 : vector<16xi32>
        %parallel_loop3A_705 = vector.bitcast %parallel_loop3A_704 : vector<16xi32> to vector<16xf32>
        %parallel_loop3A_706 = arith.constant 16 : i32
        %parallel_loop3A_707 = vector.broadcast %parallel_loop3A_706 : i32 to vector<16xi32>
        %parallel_loop3A_708 = arith.shrsi %parallel_loop3A_701, %parallel_loop3A_707 : vector<16xi32>
        %parallel_loop3A_709 = arith.constant 16 : i32
        %parallel_loop3A_710 = vector.broadcast %parallel_loop3A_709 : i32 to vector<16xi32>
        %parallel_loop3A_711 = arith.shli %parallel_loop3A_708, %parallel_loop3A_710 : vector<16xi32>
        %parallel_loop3A_712 = vector.bitcast %parallel_loop3A_711 : vector<16xi32> to vector<16xf32>
        %parallel_loop3A_713 = arith.index_cast %parallel_loop3A_629 : i32 to index
        %parallel_loop3A_714 = arith.constant 0 : index
        %parallel_loop3A_715 = tpu.vector_load %arg46[%parallel_loop3A_713, %parallel_loop3A_714] {strides = array<i32>} : memref<100x128xbf16, #tpu.memory_space<vmem>>, vector<32xbf16>,
        %parallel_loop3A_716 = vector.bitcast %parallel_loop3A_715 : vector<32xbf16> to vector<16xi32>
        %parallel_loop3A_717 = arith.constant 16 : i32
        %parallel_loop3A_718 = vector.broadcast %parallel_loop3A_717 : i32 to vector<16xi32>
        %parallel_loop3A_719 = arith.shli %parallel_loop3A_716, %parallel_loop3A_718 : vector<16xi32>
        %parallel_loop3A_720 = vector.bitcast %parallel_loop3A_719 : vector<16xi32> to vector<16xf32>
        %parallel_loop3A_721 = arith.constant 16 : i32
        %parallel_loop3A_722 = vector.broadcast %parallel_loop3A_721 : i32 to vector<16xi32>
        %parallel_loop3A_723 = arith.shrsi %parallel_loop3A_716, %parallel_loop3A_722 : vector<16xi32>
        %parallel_loop3A_724 = arith.constant 16 : i32
        %parallel_loop3A_725 = vector.broadcast %parallel_loop3A_724 : i32 to vector<16xi32>
        %parallel_loop3A_726 = arith.shli %parallel_loop3A_723, %parallel_loop3A_725 : vector<16xi32>
        %parallel_loop3A_727 = vector.bitcast %parallel_loop3A_726 : vector<16xi32> to vector<16xf32>
        %parallel_loop3A_728 = arith.index_cast %parallel_loop3A_682 : i32 to index
        %parallel_loop3A_729 = arith.constant 0 : index
        %parallel_loop3A_730 = tpu.vector_load %arg48[%parallel_loop3A_728, %parallel_loop3A_729] {strides = array<i32>} : memref<8x128xbf16, #tpu.memory_space<vmem>>, vector<32xbf16>,
        %parallel_loop3A_731 = vector.bitcast %parallel_loop3A_730 : vector<32xbf16> to vector<16xi32>
        %parallel_loop3A_732 = arith.constant 16 : i32
        %parallel_loop3A_733 = vector.broadcast %parallel_loop3A_732 : i32 to vector<16xi32>
        %parallel_loop3A_734 = arith.shli %parallel_loop3A_731, %parallel_loop3A_733 : vector<16xi32>
        %parallel_loop3A_735 = vector.bitcast %parallel_loop3A_734 : vector<16xi32> to vector<16xf32>
        %parallel_loop3A_736 = arith.constant 16 : i32
        %parallel_loop3A_737 = vector.broadcast %parallel_loop3A_736 : i32 to vector<16xi32>
        %parallel_loop3A_738 = arith.shrsi %parallel_loop3A_731, %parallel_loop3A_737 : vector<16xi32>
        %parallel_loop3A_739 = arith.constant 16 : i32
        %parallel_loop3A_740 = vector.broadcast %parallel_loop3A_739 : i32 to vector<16xi32>
        %parallel_loop3A_741 = arith.shli %parallel_loop3A_738, %parallel_loop3A_740 : vector<16xi32>
        %parallel_loop3A_742 = vector.bitcast %parallel_loop3A_741 : vector<16xi32> to vector<16xf32>
        %parallel_loop3A_743 = arith.mulf %parallel_loop3A_638, %parallel_loop3A_690 : vector<16xf32>
        %parallel_loop3A_744 = arith.mulf %parallel_loop3A_647, %parallel_loop3A_705 : vector<16xf32>
        %parallel_loop3A_745 = arith.addf %parallel_loop3A_743, %parallel_loop3A_744 : vector<16xf32>
        %parallel_loop3A_746 = arith.mulf %parallel_loop3A_656, %parallel_loop3A_720 : vector<16xf32>
        %parallel_loop3A_747 = arith.addf %parallel_loop3A_745, %parallel_loop3A_746 : vector<16xf32>
        %parallel_loop3A_748 = arith.subf %parallel_loop3A_747, %parallel_loop3A_735 : vector<16xf32>
        %parallel_loop3A_749 = arith.mulf %parallel_loop3A_638, %parallel_loop3A_697 : vector<16xf32>
        %parallel_loop3A_750 = arith.mulf %parallel_loop3A_647, %parallel_loop3A_712 : vector<16xf32>
        %parallel_loop3A_751 = arith.addf %parallel_loop3A_749, %parallel_loop3A_750 : vector<16xf32>
        %parallel_loop3A_752 = arith.mulf %parallel_loop3A_656, %parallel_loop3A_727 : vector<16xf32>
        %parallel_loop3A_753 = arith.addf %parallel_loop3A_751, %parallel_loop3A_752 : vector<16xf32>
        %parallel_loop3A_754 = arith.subf %parallel_loop3A_753, %parallel_loop3A_742 : vector<16xf32>
        %parallel_loop3A_755 = arith.constant 0 : i32
        %parallel_loop3A_756 = vector.broadcast %parallel_loop3A_755 : i32 to vector<16xi32>
        %parallel_loop3A_757 = arith.addi %parallel_loop3A_756, %mul3A_618 : vector<16xi32>
        %parallel_loop3A_758 = arith.constant 0 : i32
        %parallel_loop3A_759 = vector.broadcast %parallel_loop3A_758 : i32 to vector<16xi32>
        %parallel_loop3A_760 = vector.broadcast %parallel_loop3A_629 : i32 to vector<16xi32>
        %parallel_loop3A_761 = arith.addi %parallel_loop3A_759, %parallel_loop3A_760 : vector<16xi32>
        tpu.vector_store_idx %arg50[%parallel_loop3A_761, %parallel_loop3A_757], %parallel_loop3A_748 : memref<100x128xf32, #tpu.memory_space<vmem>>[vector<16xi32>, vector<16xi32>], vector<16xf32>,
        %parallel_loop3A_762 = arith.constant 0 : i32
        %parallel_loop3A_763 = vector.broadcast %parallel_loop3A_762 : i32 to vector<16xi32>
        %parallel_loop3A_764 = vector.broadcast %parallel_loop3A_629 : i32 to vector<16xi32>
        %parallel_loop3A_765 = arith.addi %parallel_loop3A_763, %parallel_loop3A_764 : vector<16xi32>
        %parallel_loop3A_766 = arith.constant 1 : i32
        %parallel_loop3A_767 = vector.broadcast %parallel_loop3A_766 : i32 to vector<16xi32>
        %parallel_loop3A_768 = arith.addi %parallel_loop3A_757, %parallel_loop3A_767 : vector<16xi32>
        tpu.vector_store_idx %arg50[%parallel_loop3A_765, %parallel_loop3A_768], %parallel_loop3A_754 : memref<100x128xf32, #tpu.memory_space<vmem>>[vector<16xi32>, vector<16xi32>], vector<16xf32>,
        %parallel_loop3A_769 = arith.index_cast %parallel_loop3A_629 : i32 to index
        %parallel_loop3A_770 = arith.constant 32 : index
        %parallel_loop3A_771 = tpu.vector_load %arg44[%parallel_loop3A_769, %parallel_loop3A_770] {strides = array<i32>} : memref<100x128xbf16, #tpu.memory_space<vmem>>, vector<32xbf16>,
        %parallel_loop3A_772 = vector.bitcast %parallel_loop3A_771 : vector<32xbf16> to vector<16xi32>
        %parallel_loop3A_773 = arith.constant 16 : i32
        %parallel_loop3A_774 = vector.broadcast %parallel_loop3A_773 : i32 to vector<16xi32>
        %parallel_loop3A_775 = arith.shli %parallel_loop3A_772, %parallel_loop3A_774 : vector<16xi32>
        %parallel_loop3A_776 = vector.bitcast %parallel_loop3A_775 : vector<16xi32> to vector<16xf32>
        %parallel_loop3A_777 = arith.constant 16 : i32
        %parallel_loop3A_778 = vector.broadcast %parallel_loop3A_777 : i32 to vector<16xi32>
        %parallel_loop3A_779 = arith.shrsi %parallel_loop3A_772, %parallel_loop3A_778 : vector<16xi32>
        %parallel_loop3A_780 = arith.constant 16 : i32
        %parallel_loop3A_781 = vector.broadcast %parallel_loop3A_780 : i32 to vector<16xi32>
        %parallel_loop3A_782 = arith.shli %parallel_loop3A_779, %parallel_loop3A_781 : vector<16xi32>
        %parallel_loop3A_783 = vector.bitcast %parallel_loop3A_782 : vector<16xi32> to vector<16xf32>
        %parallel_loop3A_784 = arith.index_cast %parallel_loop3A_629 : i32 to index
        %parallel_loop3A_785 = arith.constant 32 : index
        %parallel_loop3A_786 = tpu.vector_load %arg45[%parallel_loop3A_784, %parallel_loop3A_785] {strides = array<i32>} : memref<100x128xbf16, #tpu.memory_space<vmem>>, vector<32xbf16>,
        %parallel_loop3A_787 = vector.bitcast %parallel_loop3A_786 : vector<32xbf16> to vector<16xi32>
        %parallel_loop3A_788 = arith.constant 16 : i32
        %parallel_loop3A_789 = vector.broadcast %parallel_loop3A_788 : i32 to vector<16xi32>
        %parallel_loop3A_790 = arith.shli %parallel_loop3A_787, %parallel_loop3A_789 : vector<16xi32>
        %parallel_loop3A_791 = vector.bitcast %parallel_loop3A_790 : vector<16xi32> to vector<16xf32>
        %parallel_loop3A_792 = arith.constant 16 : i32
        %parallel_loop3A_793 = vector.broadcast %parallel_loop3A_792 : i32 to vector<16xi32>
        %parallel_loop3A_794 = arith.shrsi %parallel_loop3A_787, %parallel_loop3A_793 : vector<16xi32>
        %parallel_loop3A_795 = arith.constant 16 : i32
        %parallel_loop3A_796 = vector.broadcast %parallel_loop3A_795 : i32 to vector<16xi32>
        %parallel_loop3A_797 = arith.shli %parallel_loop3A_794, %parallel_loop3A_796 : vector<16xi32>
        %parallel_loop3A_798 = vector.bitcast %parallel_loop3A_797 : vector<16xi32> to vector<16xf32>
        %parallel_loop3A_799 = arith.index_cast %parallel_loop3A_629 : i32 to index
        %parallel_loop3A_800 = arith.constant 32 : index
        %parallel_loop3A_801 = tpu.vector_load %arg46[%parallel_loop3A_799, %parallel_loop3A_800] {strides = array<i32>} : memref<100x128xbf16, #tpu.memory_space<vmem>>, vector<32xbf16>,
        %parallel_loop3A_802 = vector.bitcast %parallel_loop3A_801 : vector<32xbf16> to vector<16xi32>
        %parallel_loop3A_803 = arith.constant 16 : i32
        %parallel_loop3A_804 = vector.broadcast %parallel_loop3A_803 : i32 to vector<16xi32>
        %parallel_loop3A_805 = arith.shli %parallel_loop3A_802, %parallel_loop3A_804 : vector<16xi32>
        %parallel_loop3A_806 = vector.bitcast %parallel_loop3A_805 : vector<16xi32> to vector<16xf32>
        %parallel_loop3A_807 = arith.constant 16 : i32
        %parallel_loop3A_808 = vector.broadcast %parallel_loop3A_807 : i32 to vector<16xi32>
        %parallel_loop3A_809 = arith.shrsi %parallel_loop3A_802, %parallel_loop3A_808 : vector<16xi32>
        %parallel_loop3A_810 = arith.constant 16 : i32
        %parallel_loop3A_811 = vector.broadcast %parallel_loop3A_810 : i32 to vector<16xi32>
        %parallel_loop3A_812 = arith.shli %parallel_loop3A_809, %parallel_loop3A_811 : vector<16xi32>
        %parallel_loop3A_813 = vector.bitcast %parallel_loop3A_812 : vector<16xi32> to vector<16xf32>
        %parallel_loop3A_814 = arith.index_cast %parallel_loop3A_682 : i32 to index
        %parallel_loop3A_815 = arith.constant 32 : index
        %parallel_loop3A_816 = tpu.vector_load %arg48[%parallel_loop3A_814, %parallel_loop3A_815] {strides = array<i32>} : memref<8x128xbf16, #tpu.memory_space<vmem>>, vector<32xbf16>,
        %parallel_loop3A_817 = vector.bitcast %parallel_loop3A_816 : vector<32xbf16> to vector<16xi32>
        %parallel_loop3A_818 = arith.constant 16 : i32
        %parallel_loop3A_819 = vector.broadcast %parallel_loop3A_818 : i32 to vector<16xi32>
        %parallel_loop3A_820 = arith.shli %parallel_loop3A_817, %parallel_loop3A_819 : vector<16xi32>
        %parallel_loop3A_821 = vector.bitcast %parallel_loop3A_820 : vector<16xi32> to vector<16xf32>
        %parallel_loop3A_822 = arith.constant 16 : i32
        %parallel_loop3A_823 = vector.broadcast %parallel_loop3A_822 : i32 to vector<16xi32>
        %parallel_loop3A_824 = arith.shrsi %parallel_loop3A_817, %parallel_loop3A_823 : vector<16xi32>
        %parallel_loop3A_825 = arith.constant 16 : i32
        %parallel_loop3A_826 = vector.broadcast %parallel_loop3A_825 : i32 to vector<16xi32>
        %parallel_loop3A_827 = arith.shli %parallel_loop3A_824, %parallel_loop3A_826 : vector<16xi32>
        %parallel_loop3A_828 = vector.bitcast %parallel_loop3A_827 : vector<16xi32> to vector<16xf32>
        %parallel_loop3A_829 = arith.mulf %parallel_loop3A_638, %parallel_loop3A_776 : vector<16xf32>
        %parallel_loop3A_830 = arith.mulf %parallel_loop3A_647, %parallel_loop3A_791 : vector<16xf32>
        %parallel_loop3A_831 = arith.addf %parallel_loop3A_829, %parallel_loop3A_830 : vector<16xf32>
        %parallel_loop3A_832 = arith.mulf %parallel_loop3A_656, %parallel_loop3A_806 : vector<16xf32>
        %parallel_loop3A_833 = arith.addf %parallel_loop3A_831, %parallel_loop3A_832 : vector<16xf32>
        %parallel_loop3A_834 = arith.subf %parallel_loop3A_833, %parallel_loop3A_821 : vector<16xf32>
        %parallel_loop3A_835 = arith.mulf %parallel_loop3A_638, %parallel_loop3A_783 : vector<16xf32>
        %parallel_loop3A_836 = arith.mulf %parallel_loop3A_647, %parallel_loop3A_798 : vector<16xf32>
        %parallel_loop3A_837 = arith.addf %parallel_loop3A_835, %parallel_loop3A_836 : vector<16xf32>
        %parallel_loop3A_838 = arith.mulf %parallel_loop3A_656, %parallel_loop3A_813 : vector<16xf32>
        %parallel_loop3A_839 = arith.addf %parallel_loop3A_837, %parallel_loop3A_838 : vector<16xf32>
        %parallel_loop3A_840 = arith.subf %parallel_loop3A_839, %parallel_loop3A_828 : vector<16xf32>
        %parallel_loop3A_841 = arith.constant 32 : i32
        %parallel_loop3A_842 = vector.broadcast %parallel_loop3A_841 : i32 to vector<16xi32>
        %parallel_loop3A_843 = arith.addi %parallel_loop3A_842, %mul3A_618 : vector<16xi32>
        %parallel_loop3A_844 = arith.constant 0 : i32
        %parallel_loop3A_845 = vector.broadcast %parallel_loop3A_844 : i32 to vector<16xi32>
        %parallel_loop3A_846 = vector.broadcast %parallel_loop3A_629 : i32 to vector<16xi32>
        %parallel_loop3A_847 = arith.addi %parallel_loop3A_845, %parallel_loop3A_846 : vector<16xi32>
        tpu.vector_store_idx %arg50[%parallel_loop3A_847, %parallel_loop3A_843], %parallel_loop3A_834 : memref<100x128xf32, #tpu.memory_space<vmem>>[vector<16xi32>, vector<16xi32>], vector<16xf32>,
        %parallel_loop3A_848 = arith.constant 0 : i32
        %parallel_loop3A_849 = vector.broadcast %parallel_loop3A_848 : i32 to vector<16xi32>
        %parallel_loop3A_850 = vector.broadcast %parallel_loop3A_629 : i32 to vector<16xi32>
        %parallel_loop3A_851 = arith.addi %parallel_loop3A_849, %parallel_loop3A_850 : vector<16xi32>
        %parallel_loop3A_852 = arith.constant 1 : i32
        %parallel_loop3A_853 = vector.broadcast %parallel_loop3A_852 : i32 to vector<16xi32>
        %parallel_loop3A_854 = arith.addi %parallel_loop3A_843, %parallel_loop3A_853 : vector<16xi32>
        tpu.vector_store_idx %arg50[%parallel_loop3A_851, %parallel_loop3A_854], %parallel_loop3A_840 : memref<100x128xf32, #tpu.memory_space<vmem>>[vector<16xi32>, vector<16xi32>], vector<16xf32>,
        %parallel_loop3A_855 = arith.index_cast %parallel_loop3A_629 : i32 to index
        %parallel_loop3A_856 = arith.constant 64 : index
        %parallel_loop3A_857 = tpu.vector_load %arg44[%parallel_loop3A_855, %parallel_loop3A_856] {strides = array<i32>} : memref<100x128xbf16, #tpu.memory_space<vmem>>, vector<32xbf16>,
        %parallel_loop3A_858 = vector.bitcast %parallel_loop3A_857 : vector<32xbf16> to vector<16xi32>
        %parallel_loop3A_859 = arith.constant 16 : i32
        %parallel_loop3A_860 = vector.broadcast %parallel_loop3A_859 : i32 to vector<16xi32>
        %parallel_loop3A_861 = arith.shli %parallel_loop3A_858, %parallel_loop3A_860 : vector<16xi32>
        %parallel_loop3A_862 = vector.bitcast %parallel_loop3A_861 : vector<16xi32> to vector<16xf32>
        %parallel_loop3A_863 = arith.constant 16 : i32
        %parallel_loop3A_864 = vector.broadcast %parallel_loop3A_863 : i32 to vector<16xi32>
        %parallel_loop3A_865 = arith.shrsi %parallel_loop3A_858, %parallel_loop3A_864 : vector<16xi32>
        %parallel_loop3A_866 = arith.constant 16 : i32
        %parallel_loop3A_867 = vector.broadcast %parallel_loop3A_866 : i32 to vector<16xi32>
        %parallel_loop3A_868 = arith.shli %parallel_loop3A_865, %parallel_loop3A_867 : vector<16xi32>
        %parallel_loop3A_869 = vector.bitcast %parallel_loop3A_868 : vector<16xi32> to vector<16xf32>
        %parallel_loop3A_870 = arith.index_cast %parallel_loop3A_629 : i32 to index
        %parallel_loop3A_871 = arith.constant 64 : index
        %parallel_loop3A_872 = tpu.vector_load %arg45[%parallel_loop3A_870, %parallel_loop3A_871] {strides = array<i32>} : memref<100x128xbf16, #tpu.memory_space<vmem>>, vector<32xbf16>,
        %parallel_loop3A_873 = vector.bitcast %parallel_loop3A_872 : vector<32xbf16> to vector<16xi32>
        %parallel_loop3A_874 = arith.constant 16 : i32
        %parallel_loop3A_875 = vector.broadcast %parallel_loop3A_874 : i32 to vector<16xi32>
        %parallel_loop3A_876 = arith.shli %parallel_loop3A_873, %parallel_loop3A_875 : vector<16xi32>
        %parallel_loop3A_877 = vector.bitcast %parallel_loop3A_876 : vector<16xi32> to vector<16xf32>
        %parallel_loop3A_878 = arith.constant 16 : i32
        %parallel_loop3A_879 = vector.broadcast %parallel_loop3A_878 : i32 to vector<16xi32>
        %parallel_loop3A_880 = arith.shrsi %parallel_loop3A_873, %parallel_loop3A_879 : vector<16xi32>
        %parallel_loop3A_881 = arith.constant 16 : i32
        %parallel_loop3A_882 = vector.broadcast %parallel_loop3A_881 : i32 to vector<16xi32>
        %parallel_loop3A_883 = arith.shli %parallel_loop3A_880, %parallel_loop3A_882 : vector<16xi32>
        %parallel_loop3A_884 = vector.bitcast %parallel_loop3A_883 : vector<16xi32> to vector<16xf32>
        %parallel_loop3A_885 = arith.index_cast %parallel_loop3A_629 : i32 to index
        %parallel_loop3A_886 = arith.constant 64 : index
        %parallel_loop3A_887 = tpu.vector_load %arg46[%parallel_loop3A_885, %parallel_loop3A_886] {strides = array<i32>} : memref<100x128xbf16, #tpu.memory_space<vmem>>, vector<32xbf16>,
        %parallel_loop3A_888 = vector.bitcast %parallel_loop3A_887 : vector<32xbf16> to vector<16xi32>
        %parallel_loop3A_889 = arith.constant 16 : i32
        %parallel_loop3A_890 = vector.broadcast %parallel_loop3A_889 : i32 to vector<16xi32>
        %parallel_loop3A_891 = arith.shli %parallel_loop3A_888, %parallel_loop3A_890 : vector<16xi32>
        %parallel_loop3A_892 = vector.bitcast %parallel_loop3A_891 : vector<16xi32> to vector<16xf32>
        %parallel_loop3A_893 = arith.constant 16 : i32
        %parallel_loop3A_894 = vector.broadcast %parallel_loop3A_893 : i32 to vector<16xi32>
        %parallel_loop3A_895 = arith.shrsi %parallel_loop3A_888, %parallel_loop3A_894 : vector<16xi32>
        %parallel_loop3A_896 = arith.constant 16 : i32
        %parallel_loop3A_897 = vector.broadcast %parallel_loop3A_896 : i32 to vector<16xi32>
        %parallel_loop3A_898 = arith.shli %parallel_loop3A_895, %parallel_loop3A_897 : vector<16xi32>
        %parallel_loop3A_899 = vector.bitcast %parallel_loop3A_898 : vector<16xi32> to vector<16xf32>
        %parallel_loop3A_900 = arith.index_cast %parallel_loop3A_682 : i32 to index
        %parallel_loop3A_901 = arith.constant 64 : index
        %parallel_loop3A_902 = tpu.vector_load %arg48[%parallel_loop3A_900, %parallel_loop3A_901] {strides = array<i32>} : memref<8x128xbf16, #tpu.memory_space<vmem>>, vector<32xbf16>,
        %parallel_loop3A_903 = vector.bitcast %parallel_loop3A_902 : vector<32xbf16> to vector<16xi32>
        %parallel_loop3A_904 = arith.constant 16 : i32
        %parallel_loop3A_905 = vector.broadcast %parallel_loop3A_904 : i32 to vector<16xi32>
        %parallel_loop3A_906 = arith.shli %parallel_loop3A_903, %parallel_loop3A_905 : vector<16xi32>
        %parallel_loop3A_907 = vector.bitcast %parallel_loop3A_906 : vector<16xi32> to vector<16xf32>
        %parallel_loop3A_908 = arith.constant 16 : i32
        %parallel_loop3A_909 = vector.broadcast %parallel_loop3A_908 : i32 to vector<16xi32>
        %parallel_loop3A_910 = arith.shrsi %parallel_loop3A_903, %parallel_loop3A_909 : vector<16xi32>
        %parallel_loop3A_911 = arith.constant 16 : i32
        %parallel_loop3A_912 = vector.broadcast %parallel_loop3A_911 : i32 to vector<16xi32>
        %parallel_loop3A_913 = arith.shli %parallel_loop3A_910, %parallel_loop3A_912 : vector<16xi32>
        %parallel_loop3A_914 = vector.bitcast %parallel_loop3A_913 : vector<16xi32> to vector<16xf32>
        %parallel_loop3A_915 = arith.mulf %parallel_loop3A_638, %parallel_loop3A_862 : vector<16xf32>
        %parallel_loop3A_916 = arith.mulf %parallel_loop3A_647, %parallel_loop3A_877 : vector<16xf32>
        %parallel_loop3A_917 = arith.addf %parallel_loop3A_915, %parallel_loop3A_916 : vector<16xf32>
        %parallel_loop3A_918 = arith.mulf %parallel_loop3A_656, %parallel_loop3A_892 : vector<16xf32>
        %parallel_loop3A_919 = arith.addf %parallel_loop3A_917, %parallel_loop3A_918 : vector<16xf32>
        %parallel_loop3A_920 = arith.subf %parallel_loop3A_919, %parallel_loop3A_907 : vector<16xf32>
        %parallel_loop3A_921 = arith.mulf %parallel_loop3A_638, %parallel_loop3A_869 : vector<16xf32>
        %parallel_loop3A_922 = arith.mulf %parallel_loop3A_647, %parallel_loop3A_884 : vector<16xf32>
        %parallel_loop3A_923 = arith.addf %parallel_loop3A_921, %parallel_loop3A_922 : vector<16xf32>
        %parallel_loop3A_924 = arith.mulf %parallel_loop3A_656, %parallel_loop3A_899 : vector<16xf32>
        %parallel_loop3A_925 = arith.addf %parallel_loop3A_923, %parallel_loop3A_924 : vector<16xf32>
        %parallel_loop3A_926 = arith.subf %parallel_loop3A_925, %parallel_loop3A_914 : vector<16xf32>
        %parallel_loop3A_927 = arith.constant 64 : i32
        %parallel_loop3A_928 = vector.broadcast %parallel_loop3A_927 : i32 to vector<16xi32>
        %parallel_loop3A_929 = arith.addi %parallel_loop3A_928, %mul3A_618 : vector<16xi32>
        %parallel_loop3A_930 = arith.constant 0 : i32
        %parallel_loop3A_931 = vector.broadcast %parallel_loop3A_930 : i32 to vector<16xi32>
        %parallel_loop3A_932 = vector.broadcast %parallel_loop3A_629 : i32 to vector<16xi32>
        %parallel_loop3A_933 = arith.addi %parallel_loop3A_931, %parallel_loop3A_932 : vector<16xi32>
        tpu.vector_store_idx %arg50[%parallel_loop3A_933, %parallel_loop3A_929], %parallel_loop3A_920 : memref<100x128xf32, #tpu.memory_space<vmem>>[vector<16xi32>, vector<16xi32>], vector<16xf32>,
        %parallel_loop3A_934 = arith.constant 0 : i32
        %parallel_loop3A_935 = vector.broadcast %parallel_loop3A_934 : i32 to vector<16xi32>
        %parallel_loop3A_936 = vector.broadcast %parallel_loop3A_629 : i32 to vector<16xi32>
        %parallel_loop3A_937 = arith.addi %parallel_loop3A_935, %parallel_loop3A_936 : vector<16xi32>
        %parallel_loop3A_938 = arith.constant 1 : i32
        %parallel_loop3A_939 = vector.broadcast %parallel_loop3A_938 : i32 to vector<16xi32>
        %parallel_loop3A_940 = arith.addi %parallel_loop3A_929, %parallel_loop3A_939 : vector<16xi32>
        tpu.vector_store_idx %arg50[%parallel_loop3A_937, %parallel_loop3A_940], %parallel_loop3A_926 : memref<100x128xf32, #tpu.memory_space<vmem>>[vector<16xi32>, vector<16xi32>], vector<16xf32>,
        %parallel_loop3A_941 = arith.index_cast %parallel_loop3A_629 : i32 to index
        %parallel_loop3A_942 = arith.constant 96 : index
        %parallel_loop3A_943 = tpu.vector_load %arg44[%parallel_loop3A_941, %parallel_loop3A_942] {strides = array<i32>} : memref<100x128xbf16, #tpu.memory_space<vmem>>, vector<32xbf16>,
        %parallel_loop3A_944 = vector.bitcast %parallel_loop3A_943 : vector<32xbf16> to vector<16xi32>
        %parallel_loop3A_945 = arith.constant 16 : i32
        %parallel_loop3A_946 = vector.broadcast %parallel_loop3A_945 : i32 to vector<16xi32>
        %parallel_loop3A_947 = arith.shli %parallel_loop3A_944, %parallel_loop3A_946 : vector<16xi32>
        %parallel_loop3A_948 = vector.bitcast %parallel_loop3A_947 : vector<16xi32> to vector<16xf32>
        %parallel_loop3A_949 = arith.constant 16 : i32
        %parallel_loop3A_950 = vector.broadcast %parallel_loop3A_949 : i32 to vector<16xi32>
        %parallel_loop3A_951 = arith.shrsi %parallel_loop3A_944, %parallel_loop3A_950 : vector<16xi32>
        %parallel_loop3A_952 = arith.constant 16 : i32
        %parallel_loop3A_953 = vector.broadcast %parallel_loop3A_952 : i32 to vector<16xi32>
        %parallel_loop3A_954 = arith.shli %parallel_loop3A_951, %parallel_loop3A_953 : vector<16xi32>
        %parallel_loop3A_955 = vector.bitcast %parallel_loop3A_954 : vector<16xi32> to vector<16xf32>
        %parallel_loop3A_956 = arith.index_cast %parallel_loop3A_629 : i32 to index
        %parallel_loop3A_957 = arith.constant 96 : index
        %parallel_loop3A_958 = tpu.vector_load %arg45[%parallel_loop3A_956, %parallel_loop3A_957] {strides = array<i32>} : memref<100x128xbf16, #tpu.memory_space<vmem>>, vector<32xbf16>,
        %parallel_loop3A_959 = vector.bitcast %parallel_loop3A_958 : vector<32xbf16> to vector<16xi32>
        %parallel_loop3A_960 = arith.constant 16 : i32
        %parallel_loop3A_961 = vector.broadcast %parallel_loop3A_960 : i32 to vector<16xi32>
        %parallel_loop3A_962 = arith.shli %parallel_loop3A_959, %parallel_loop3A_961 : vector<16xi32>
        %parallel_loop3A_963 = vector.bitcast %parallel_loop3A_962 : vector<16xi32> to vector<16xf32>
        %parallel_loop3A_964 = arith.constant 16 : i32
        %parallel_loop3A_965 = vector.broadcast %parallel_loop3A_964 : i32 to vector<16xi32>
        %parallel_loop3A_966 = arith.shrsi %parallel_loop3A_959, %parallel_loop3A_965 : vector<16xi32>
        %parallel_loop3A_967 = arith.constant 16 : i32
        %parallel_loop3A_968 = vector.broadcast %parallel_loop3A_967 : i32 to vector<16xi32>
        %parallel_loop3A_969 = arith.shli %parallel_loop3A_966, %parallel_loop3A_968 : vector<16xi32>
        %parallel_loop3A_970 = vector.bitcast %parallel_loop3A_969 : vector<16xi32> to vector<16xf32>
        %parallel_loop3A_971 = arith.index_cast %parallel_loop3A_629 : i32 to index
        %parallel_loop3A_972 = arith.constant 96 : index
        %parallel_loop3A_973 = tpu.vector_load %arg46[%parallel_loop3A_971, %parallel_loop3A_972] {strides = array<i32>} : memref<100x128xbf16, #tpu.memory_space<vmem>>, vector<32xbf16>,
        %parallel_loop3A_974 = vector.bitcast %parallel_loop3A_973 : vector<32xbf16> to vector<16xi32>
        %parallel_loop3A_975 = arith.constant 16 : i32
        %parallel_loop3A_976 = vector.broadcast %parallel_loop3A_975 : i32 to vector<16xi32>
        %parallel_loop3A_977 = arith.shli %parallel_loop3A_974, %parallel_loop3A_976 : vector<16xi32>
        %parallel_loop3A_978 = vector.bitcast %parallel_loop3A_977 : vector<16xi32> to vector<16xf32>
        %parallel_loop3A_979 = arith.constant 16 : i32
        %parallel_loop3A_980 = vector.broadcast %parallel_loop3A_979 : i32 to vector<16xi32>
        %parallel_loop3A_981 = arith.shrsi %parallel_loop3A_974, %parallel_loop3A_980 : vector<16xi32>
        %parallel_loop3A_982 = arith.constant 16 : i32
        %parallel_loop3A_983 = vector.broadcast %parallel_loop3A_982 : i32 to vector<16xi32>
        %parallel_loop3A_984 = arith.shli %parallel_loop3A_981, %parallel_loop3A_983 : vector<16xi32>
        %parallel_loop3A_985 = vector.bitcast %parallel_loop3A_984 : vector<16xi32> to vector<16xf32>
        %parallel_loop3A_986 = arith.index_cast %parallel_loop3A_682 : i32 to index
        %parallel_loop3A_987 = arith.constant 96 : index
        %parallel_loop3A_988 = tpu.vector_load %arg48[%parallel_loop3A_986, %parallel_loop3A_987] {strides = array<i32>} : memref<8x128xbf16, #tpu.memory_space<vmem>>, vector<32xbf16>,
        %parallel_loop3A_989 = vector.bitcast %parallel_loop3A_988 : vector<32xbf16> to vector<16xi32>
        %parallel_loop3A_990 = arith.constant 16 : i32
        %parallel_loop3A_991 = vector.broadcast %parallel_loop3A_990 : i32 to vector<16xi32>
        %parallel_loop3A_992 = arith.shli %parallel_loop3A_989, %parallel_loop3A_991 : vector<16xi32>
        %parallel_loop3A_993 = vector.bitcast %parallel_loop3A_992 : vector<16xi32> to vector<16xf32>
        %parallel_loop3A_994 = arith.constant 16 : i32
        %parallel_loop3A_995 = vector.broadcast %parallel_loop3A_994 : i32 to vector<16xi32>
        %parallel_loop3A_996 = arith.shrsi %parallel_loop3A_989, %parallel_loop3A_995 : vector<16xi32>
        %parallel_loop3A_997 = arith.constant 16 : i32
        %parallel_loop3A_998 = vector.broadcast %parallel_loop3A_997 : i32 to vector<16xi32>
        %parallel_loop3A_999 = arith.shli %parallel_loop3A_996, %parallel_loop3A_998 : vector<16xi32>
        %parallel_loop3A_1000 = vector.bitcast %parallel_loop3A_999 : vector<16xi32> to vector<16xf32>
        %parallel_loop3A_1001 = arith.mulf %parallel_loop3A_638, %parallel_loop3A_948 : vector<16xf32>
        %parallel_loop3A_1002 = arith.mulf %parallel_loop3A_647, %parallel_loop3A_963 : vector<16xf32>
        %parallel_loop3A_1003 = arith.addf %parallel_loop3A_1001, %parallel_loop3A_1002 : vector<16xf32>
        %parallel_loop3A_1004 = arith.mulf %parallel_loop3A_656, %parallel_loop3A_978 : vector<16xf32>
        %parallel_loop3A_1005 = arith.addf %parallel_loop3A_1003, %parallel_loop3A_1004 : vector<16xf32>
        %parallel_loop3A_1006 = arith.subf %parallel_loop3A_1005, %parallel_loop3A_993 : vector<16xf32>
        %parallel_loop3A_1007 = arith.mulf %parallel_loop3A_638, %parallel_loop3A_955 : vector<16xf32>
        %parallel_loop3A_1008 = arith.mulf %parallel_loop3A_647, %parallel_loop3A_970 : vector<16xf32>
        %parallel_loop3A_1009 = arith.addf %parallel_loop3A_1007, %parallel_loop3A_1008 : vector<16xf32>
        %parallel_loop3A_1010 = arith.mulf %parallel_loop3A_656, %parallel_loop3A_985 : vector<16xf32>
        %parallel_loop3A_1011 = arith.addf %parallel_loop3A_1009, %parallel_loop3A_1010 : vector<16xf32>
        %parallel_loop3A_1012 = arith.subf %parallel_loop3A_1011, %parallel_loop3A_1000 : vector<16xf32>
        %parallel_loop3A_1013 = arith.constant 96 : i32
        %parallel_loop3A_1014 = vector.broadcast %parallel_loop3A_1013 : i32 to vector<16xi32>
        %parallel_loop3A_1015 = arith.addi %parallel_loop3A_1014, %mul3A_618 : vector<16xi32>
        %parallel_loop3A_1016 = arith.constant 0 : i32
        %parallel_loop3A_1017 = vector.broadcast %parallel_loop3A_1016 : i32 to vector<16xi32>
        %parallel_loop3A_1018 = vector.broadcast %parallel_loop3A_629 : i32 to vector<16xi32>
        %parallel_loop3A_1019 = arith.addi %parallel_loop3A_1017, %parallel_loop3A_1018 : vector<16xi32>
        tpu.vector_store_idx %arg50[%parallel_loop3A_1019, %parallel_loop3A_1015], %parallel_loop3A_1006 : memref<100x128xf32, #tpu.memory_space<vmem>>[vector<16xi32>, vector<16xi32>], vector<16xf32>,
        %parallel_loop3A_1020 = arith.constant 0 : i32
        %parallel_loop3A_1021 = vector.broadcast %parallel_loop3A_1020 : i32 to vector<16xi32>
        %parallel_loop3A_1022 = vector.broadcast %parallel_loop3A_629 : i32 to vector<16xi32>
        %parallel_loop3A_1023 = arith.addi %parallel_loop3A_1021, %parallel_loop3A_1022 : vector<16xi32>
        %parallel_loop3A_1024 = arith.constant 1 : i32
        %parallel_loop3A_1025 = vector.broadcast %parallel_loop3A_1024 : i32 to vector<16xi32>
        %parallel_loop3A_1026 = arith.addi %parallel_loop3A_1015, %parallel_loop3A_1025 : vector<16xi32>
        tpu.vector_store_idx %arg50[%parallel_loop3A_1023, %parallel_loop3A_1026], %parallel_loop3A_1012 : memref<100x128xf32, #tpu.memory_space<vmem>>[vector<16xi32>, vector<16xi32>], vector<16xf32>,
      } {sc.loop_unroll_factor = 5 : i64, sc.parallel_access}
      %mul3A_622 = arith.constant 100 : i32
      %mul3A_623 = arith.muli %add3A_374, %mul3A_622 : i32
      %add3A_624 = arith.addi %mul3A_2, %mul3A_623 : i32
      %dma_start3A_625 = arith.constant 0 : i32
      %dma_start3A_626 = tpu.memref_slice %arg8[%add3A_624, %dma_start3A_625] : memref<160000x128xf32, #tpu.memory_space<hbm>> -> memref<100x128xf32, #tpu.memory_space<hbm>>
      %dma_start3A_627 = arith.constant 0 : i32
      %dma_start3A_628 = tpu.memref_slice %arg8[%add3A_624, %dma_start3A_627] : memref<160000x128xf32, #tpu.memory_space<hbm>> -> memref<100x128xf32, #tpu.memory_space<hbm>>
      tpu.enqueue_dma source(%arg50 : memref<100x128xf32, #tpu.memory_space<vmem>>) target(%dma_start3A_628 : memref<100x128xf32, #tpu.memory_space<hbm>>) target_semaphore(%arg57 : memref<!tpu.dma_semaphore, #tpu.memory_space<semaphore_mem>>)
    }
    %scan3A_328 = arith.constant 25 : i32
    %dma_wait3A_329 = arith.constant 0 : i32
    %dma_wait3A_330 = arith.constant 0 : i32
    %dma_wait3A_331 = tpu.memref_slice %arg35[%dma_wait3A_329, %dma_wait3A_330] : memref<50x100xi32, #tpu.memory_space<vmem>> -> memref<1x100xi32, #tpu.memory_space<vmem>>
    %dma_wait3A_332 = tpu.memref_squeeze %dma_wait3A_331 : memref<1x100xi32, #tpu.memory_space<vmem>> -> memref<100xi32, #tpu.memory_space<vmem>>
    %dma_wait3A_333 = arith.constant 0 : i32
    %dma_wait3A_334 = arith.constant 0 : i32
    %dma_wait3A_335 = tpu.memref_slice %arg3[%dma_wait3A_333, %dma_wait3A_334] : memref<10000x128xbf16, #tpu.memory_space<hbm>> -> memref<10000x128xbf16, #tpu.memory_space<hbm>>
    tpu.wait_indirect_dma semaphore(%arg54 : memref<!tpu.dma_semaphore, #tpu.memory_space<semaphore_mem>>) src(%dma_wait3A_335 : memref<10000x128xbf16, #tpu.memory_space<hbm>>) dst(%arg41 : memref<100x128xbf16, #tpu.memory_space<vmem>>)
    %dma_wait3A_336 = arith.constant 0 : i32
    %dma_wait3A_337 = arith.constant 0 : i32
    %dma_wait3A_338 = tpu.memref_slice %arg36[%dma_wait3A_336, %dma_wait3A_337] : memref<50x100xi32, #tpu.memory_space<vmem>> -> memref<1x100xi32, #tpu.memory_space<vmem>>
    %dma_wait3A_339 = tpu.memref_squeeze %dma_wait3A_338 : memref<1x100xi32, #tpu.memory_space<vmem>> -> memref<100xi32, #tpu.memory_space<vmem>>
    %dma_wait3A_340 = arith.constant 0 : i32
    %dma_wait3A_341 = arith.constant 0 : i32
    %dma_wait3A_342 = tpu.memref_slice %arg3[%dma_wait3A_340, %dma_wait3A_341] : memref<10000x128xbf16, #tpu.memory_space<hbm>> -> memref<10000x128xbf16, #tpu.memory_space<hbm>>
    tpu.wait_indirect_dma semaphore(%arg54 : memref<!tpu.dma_semaphore, #tpu.memory_space<semaphore_mem>>) src(%dma_wait3A_342 : memref<10000x128xbf16, #tpu.memory_space<hbm>>) dst(%arg42 : memref<100x128xbf16, #tpu.memory_space<vmem>>)
    %dma_wait3A_343 = arith.constant 0 : i32
    %dma_wait3A_344 = arith.constant 0 : i32
    %dma_wait3A_345 = tpu.memref_slice %arg37[%dma_wait3A_343, %dma_wait3A_344] : memref<50x100xi32, #tpu.memory_space<vmem>> -> memref<1x100xi32, #tpu.memory_space<vmem>>
    %dma_wait3A_346 = tpu.memref_squeeze %dma_wait3A_345 : memref<1x100xi32, #tpu.memory_space<vmem>> -> memref<100xi32, #tpu.memory_space<vmem>>
    %dma_wait3A_347 = arith.constant 0 : i32
    %dma_wait3A_348 = arith.constant 0 : i32
    %dma_wait3A_349 = tpu.memref_slice %arg3[%dma_wait3A_347, %dma_wait3A_348] : memref<10000x128xbf16, #tpu.memory_space<hbm>> -> memref<10000x128xbf16, #tpu.memory_space<hbm>>
    tpu.wait_indirect_dma semaphore(%arg54 : memref<!tpu.dma_semaphore, #tpu.memory_space<semaphore_mem>>) src(%dma_wait3A_349 : memref<10000x128xbf16, #tpu.memory_space<hbm>>) dst(%arg43 : memref<100x128xbf16, #tpu.memory_space<vmem>>)
    %dma_wait3A_350 = arith.constant 0 : i32
    %dma_wait3A_351 = arith.constant 0 : i32
    %dma_wait3A_352 = tpu.memref_slice %arg3[%dma_wait3A_350, %dma_wait3A_351] : memref<10000x128xbf16, #tpu.memory_space<hbm>> -> memref<8x128xbf16, #tpu.memory_space<hbm>>
    %dma_wait3A_353 = arith.constant 0 : i32
    %dma_wait3A_354 = arith.constant 0 : i32
    %dma_wait3A_355 = tpu.memref_slice %arg3[%dma_wait3A_353, %dma_wait3A_354] : memref<10000x128xbf16, #tpu.memory_space<hbm>> -> memref<8x128xbf16, #tpu.memory_space<hbm>>
    tpu.wait_dma2 semaphore(%arg54 : memref<!tpu.dma_semaphore, #tpu.memory_space<semaphore_mem>>) src(%dma_wait3A_355 : memref<8x128xbf16, #tpu.memory_space<hbm>>) dst(%arg47 : memref<8x128xbf16, #tpu.memory_space<vmem>>)
    %dma_wait3A_356 = arith.constant 0 : i32
    %dma_wait3A_357 = arith.constant 0 : i32
    %dma_wait3A_358 = tpu.memref_slice %arg8[%dma_wait3A_356, %dma_wait3A_357] : memref<160000x128xf32, #tpu.memory_space<hbm>> -> memref<100x128xf32, #tpu.memory_space<hbm>>
    %dma_wait3A_359 = arith.constant 0 : i32
    %dma_wait3A_360 = arith.constant 0 : i32
    %dma_wait3A_361 = tpu.memref_slice %arg8[%dma_wait3A_359, %dma_wait3A_360] : memref<160000x128xf32, #tpu.memory_space<hbm>> -> memref<100x128xf32, #tpu.memory_space<hbm>>
    tpu.wait_dma2 semaphore(%arg56 : memref<!tpu.dma_semaphore, #tpu.memory_space<semaphore_mem>>) src(%arg49 : memref<100x128xf32, #tpu.memory_space<vmem>>) dst(%dma_wait3A_361 : memref<100x128xf32, #tpu.memory_space<hbm>>)
    %dma_wait3A_362 = arith.constant 0 : i32
    %dma_wait3A_363 = arith.constant 0 : i32
    %dma_wait3A_364 = tpu.memref_slice %arg8[%dma_wait3A_362, %dma_wait3A_363] : memref<160000x128xf32, #tpu.memory_space<hbm>> -> memref<100x128xf32, #tpu.memory_space<hbm>>
    %dma_wait3A_365 = arith.constant 0 : i32
    %dma_wait3A_366 = arith.constant 0 : i32
    %dma_wait3A_367 = tpu.memref_slice %arg8[%dma_wait3A_365, %dma_wait3A_366] : memref<160000x128xf32, #tpu.memory_space<hbm>> -> memref<100x128xf32, #tpu.memory_space<hbm>>
    tpu.wait_dma2 semaphore(%arg57 : memref<!tpu.dma_semaphore, #tpu.memory_space<semaphore_mem>>) src(%arg50 : memref<100x128xf32, #tpu.memory_space<vmem>>) dst(%dma_wait3A_367 : memref<100x128xf32, #tpu.memory_space<hbm>>)
    return
  }
}

</mosaic_0001>

<sc_bundles>
// kernel: kernel.3.cloned.1.call-start
scs
__scs_entry_jumppad:
0x0: {  	(pc) =	sbr.rel $0x88, $3  }
0x1: {  	(tag) =	ssettag $0x0;
	lr =	simm.s32 $0x1  }
0x2: {  	[smem:$0x3F9C] =	sst lr;
	_ =	strace $0xD0000000  }
0x3: {  	_ = 	snop  }
0x4: {  	_ = 	snop  }
0x5: {  	_ = 	snop  }
0x6: {  	_ = 	snop  }
0x7: {  	_ = 	snop  }
__scs_overlays_trampoline_lowered:
0x8: {  	[smem:$0x3FAB] =	sst s0  }
0x9: {  	[smem:$0x3FAC] =	sst s1  }
0xa: {  	[smem:$0x3FAD] =	sst s2  }
0xb: {  	[smem:$0x3FAE] =	sst s3  }
0xc: {  	[smem:$0x3FAF] =	sst s4  }
0xd: {  	[smem:$0x3FB0] =	sst s5  }
0xe: {  	[smem:$0x3FB1] =	sst s6  }
0xf: {  	[smem:$0x3FB2] =	sst s7  }
0x10: {  	[smem:$0x3FB3] =	sst s8  }
0x11: {  	[smem:$0x3FB4] =	sst s9;
	s0 =	simm.s32 @!p0 $0x0  }
0x12: {  	s1 =	sld [smem:$0x3F9A];
	s0 =	simm.s32 @p0 $0x1  }
0x13: {  	[smem:$0x3FB5] =	sst s0;
	s0 =	simm.s32 @!p1 $0x0  }
0x14: {  	s2 =	sld [smem:$0x3F99];
	s0 =	simm.s32 @p1 $0x1  }
0x15: {  	[smem:$0x3FB6] =	sst s0;
	s0 =	simm.s32 @!p2 $0x0  }
0x16: {  	s3 =	sld [smem:$0x3FDB];
	s0 =	simm.s32 @p2 $0x1  }
0x17: {  	s4 =	simm.s32 $0x1BF5;
	[smem:$0x3FB8] =	sst s0  }
0x18: {  	s0 =	sld [smem:$0x3F9B];
	_ =	swait.ge [sflag:s4], $0x0  }
0x19: {  	s7 =	sld [smem:$0x3F9C]  }
0x1a: {  	s8 =	sadd.s32 $0xFFFFE003, lr  }
0x1b: {  	s9 =	sadd.s32 $0xFFFFFEF7, lr;
	s5 =	simm.s32 $0xFFFFFFFF;
	p2 =	slt.u32 s8, $0xFFFFF086  }
0x1c: {  	p1 =	slt.u32 s9, $0xF7A;
	s5 =	simm.s32 @!p2 $0x0  }
0x1d: {  	s5 =	simm.s32 @p1 $0x1;
	p0 =	seq.s32 s7, s2  }
0x1e: {  	s7 =	smul.u32 @!p0 $0xF7A, s2;
	p2 =	seq.s32 @!p0 s5, $0x0  }
0x1f: {  	s9 =	smul.u32 $0xF7A, s1;
	s8 =	simm.s32 @!p0 $0x1BF5;
	p2 =	por !p2, p0  }
0x20: {  	[sflag:s8] =	ssyncset.s32 @!p0 $0xFFFFF086;
	s6 =	sadd.s32 @!p0 s3, s7;
	s7 =	simm.s32 @!p0 $0x108  }
0x21: {  	s3 =	sadd.s32 s3, s9;
	s6 =	sadd.s32 @!p0 $0x88, s6;
	s7 =	simm.s32 @p2 $0x1082  }
0x22: {  	[simem:s7], [sflag:s8] =	dma.local @!p0 [hbm:s6], $0xF7A  }
0x23: {  	s9 =	sor.u32 $0xD0000000, s2;
	s6 =	simm.s32 $0x108;
	_ =	swait.ge @!p0 [sflag:s8], $0x0  }
0x24: {  	s3 =	sadd.s32 $0x88, s3;
	s6 =	simm.s32 @!p1 $0x1082;
	[sflag:s4] =	ssyncset.s32 $0xFFFFF086  }
0x25: {  	[simem:s6], [sflag:s4] =	dma.local [hbm:s3], $0xF7A  }
0x26: {  	[smem:$0x3F9C] =	sst s1;
	(tag) =	ssettag s2;
	_ =	strace s9  }
0x27: {  	s1 =	sld [smem:$0x3FAC]  }
0x28: {  	s2 =	sld [smem:$0x3FAD]  }
0x29: {  	s4 =	sld [smem:$0x3FAF]  }
0x2a: {  	p0 =	seq.s32 s5, $0x0;
	s5 =	sld [smem:$0x3FB0]  }
0x2b: {  	s6 =	sld [smem:$0x3FB1]  }
0x2c: {  	s7 =	sld [smem:$0x3FB2]  }
0x2d: {  	s3 =	simm.s32 $0x108;
	s8 =	sld [smem:$0x3FB3]  }
0x2e: {  	s3 =	simm.s32 @!p0 $0x1082;
	s9 =	sld [smem:$0x3FB4]  }
0x2f: {  	lr =	sadd.s32 s0, s3;
	s0 =	sld [smem:$0x3FAB]  }
0x30: {  	s3 =	sld [smem:$0x3FAE]  }
0x31: {  	[smem:$0x3FB7] =	sst s10  }
0x32: {  	s10 =	sld [smem:$0x3FB5];
	_ =	sdelay $0x3  }
0x33: {  	p0 =	seq.s32 s10, $0x1;
	s10 =	sld [smem:$0x3FB7];
	_ =	sdelay $0x3  }
0x34: {  	[smem:$0x3FB7] =	sst s10  }
0x35: {  	s10 =	sld [smem:$0x3FB6];
	_ =	sdelay $0x3  }
0x36: {  	p1 =	seq.s32 s10, $0x1;
	s10 =	sld [smem:$0x3FB7];
	_ =	sdelay $0x3  }
0x37: {  	[smem:$0x3FB7] =	sst s10  }
0x38: {  	s10 =	sld [smem:$0x3FB8]  }
0x39: {  	_ = 	snop;
	(pc) =	sbr.ind lr, $3  }
0x3a: {  	_ = 	snop  }
0x3b: {  	_ = 	snop  }
0x3c: {  	p2 =	seq.s32 s10, $0x1;
	s10 =	sld [smem:$0x3FB7]  }
0x3d: {  	_ =	shalt  }
0x3e: {  	_ =	shalt  }
0x3f: {  	_ =	shalt  }
0x40: {  	_ =	shalt  }
0x41: {  	_ =	shalt  }
0x42: {  	_ =	shalt  }
0x43: {  	_ =	shalt  }
0x44: {  	_ =	shalt  }
0x45: {  	_ =	shalt  }
0x46: {  	_ =	shalt  }
0x47: {  	_ =	shalt  }
0x48: {  	_ =	shalt  }
0x49: {  	_ =	shalt  }
0x4a: {  	_ =	shalt  }
0x4b: {  	_ =	shalt  }
0x4c: {  	_ =	shalt  }
0x4d: {  	_ =	shalt  }
0x4e: {  	_ =	shalt  }
0x4f: {  	_ =	shalt  }
0x50: {  	_ =	shalt  }
0x51: {  	_ =	shalt  }
0x52: {  	_ =	shalt  }
0x53: {  	_ =	shalt  }
0x54: {  	_ =	shalt  }
0x55: {  	_ =	shalt  }
0x56: {  	_ =	shalt  }
0x57: {  	_ =	shalt  }
0x58: {  	_ =	shalt  }
0x59: {  	_ =	shalt  }
0x5a: {  	_ =	shalt  }
0x5b: {  	_ =	shalt  }
0x5c: {  	_ =	shalt  }
0x5d: {  	_ =	shalt  }
0x5e: {  	_ =	shalt  }
0x5f: {  	_ =	shalt  }
0x60: {  	_ =	shalt  }
0x61: {  	_ =	shalt  }
0x62: {  	_ =	shalt  }
0x63: {  	_ =	shalt  }
0x64: {  	_ =	shalt  }
0x65: {  	_ =	shalt  }
0x66: {  	_ =	shalt  }
0x67: {  	_ =	shalt  }
0x68: {  	_ =	shalt  }
0x69: {  	_ =	shalt  }
0x6a: {  	_ =	shalt  }
0x6b: {  	_ =	shalt  }
0x6c: {  	_ =	shalt  }
0x6d: {  	_ =	shalt  }
0x6e: {  	_ =	shalt  }
0x6f: {  	_ =	shalt  }
0x70: {  	_ =	shalt  }
0x71: {  	_ =	shalt  }
0x72: {  	_ =	shalt  }
0x73: {  	_ =	shalt  }
0x74: {  	_ =	shalt  }
0x75: {  	_ =	shalt  }
0x76: {  	_ =	shalt  }
0x77: {  	_ =	shalt  }
0x78: {  	_ =	shalt  }
0x79: {  	_ =	shalt  }
0x7a: {  	_ =	shalt  }
0x7b: {  	_ =	shalt  }
0x7c: {  	_ =	shalt  }
0x7d: {  	_ =	shalt  }
0x7e: {  	_ =	shalt  }
0x7f: {  	_ =	shalt  }
0x80: {  	_ =	shalt  }
0x81: {  	_ =	shalt  }
0x82: {  	_ =	shalt  }
0x83: {  	_ =	shalt  }
0x84: {  	_ =	shalt  }
0x85: {  	_ =	shalt  }
0x86: {  	_ =	shalt  }
0x87: {  	_ =	shalt  }
.Lfunc_end0:
.L_simem_size_0:
called_computation_lowered:
.L_overlay_start_0:
0x88: {  	s2 =	sld [smem:$0x3FD9]  }
0x89: {  	s3 =	sld [smem:$0x3FFE];
	_ =	sdelay $0x1  }
0x8a: {  	s1 =	srdreg.scid  }
0x8b: {  	s0 =	sand.u32 $0x1, s1  }
0x8c: {  	s17 =	sshll.u32 s0, $0xA;
	s2 =	sadd.s32 s3, s2  }
0x8d: {  	s2 =	sadd.s32 s2, s17  }
0x8e: {  	[smem:$0x3FC3] =	sst s2  }
0x8f: {  	_ = 	snop  }
0x90: {  	s2 =	sld [smem:$0x3FD0];
	(tm) =	ssettm $0x1  }
0x91: {  	s18 =	sld [smem:$0x3FFB];
	_ =	sdelay $0x3  }
0x92: {  	_ =	strace s18  }
0x93: {  	s3 =	sld [smem:$0x3FFC];
	_ =	sdelay $0x3  }
0x94: {  	_ =	strace s3  }
0x95: {  	s3 =	sld [smem:$0x3FFD];
	_ =	sdelay $0x3  }
0x96: {  	_ =	strace s3  }
0x97: {  	_ =	strace $0x8FFFFFFF  }
0x98: {  	s19 =	sld [smem:$0x3FDB];
	_ =	sdelay $0x1  }
0x99: {  	s4 =	simm.s32 $_scs_section_size  }
0x9a: {  	s5 =	simm.s32 $_size__tile_overlayer_lowered;
	s6 =	simm.s32 $_tile_overlayer_lowered  }
0x9b: {  	s22 =	simm.s32 $0x1BFF;
	s21 =	sshll.u32 s6, $0x1;
	s3 =	sadd.s32 s4, s19  }
0x9c: {  	s7 =	simm.s32 $0x0;
	s20 =	sshll.u32 s5, $0x1;
	s5 =	sadd.s32 s21, s3  }
0x9d: {  	[timem:s7], [sflag:s22] =	dma.local [hbm:s5], s20  }
0x9e: {  	_ =	swait.ge [sflag:s22], s20  }
0x9f: {  	s4 =	ssub.s32 $0x0, s20;
	[sflag:s22] =	ssyncset.done $0x0  }
0xa0: {  	[sflag:s22] =	ssyncadd.s32 s4;
	_ =	sdelay $0x1  }
0xa1: {  	s23 =	simm.s32 $0x1B8B  }
0xa2: {  	_ =	swait.ge [sflag:s23], $0x1  }
0xa3: {  	[sflag:s23] =	ssyncset.done $0x0  }
0xa4: {  	s25 =	simm.s32 $0x1B8E;
	s24 =	sld [smem:$0x3FFE];
	[sflag:s23] =	ssyncadd.s32 $0xFFFFFFFF  }
0xa5: {  	s26 =	simm.s32 $execute0_lowered;
	[smem:$0x3FD2] =	sst s25  }
0xa6: {  	s5 =	sshll.u32 s26, $0x1;
	_ =	strace $0x80000046;
	[dreg:$0x1] =	wrdreg $0xFFFFFFFF  }
0xa7: {  	s28 =	simm.s32 $_size_execute0_lowered;
	s3 =	sadd.s32 s3, s5;
	[dreg:$0x0] =	wrdreg $0x0  }
0xa8: {  	s5 =	sshll.u32 s28, $0x1;
	[dreg:$0x2] =	wrdreg s3  }
0xa9: {  	[dreg:$0x3] =	wrdreg s5  }
0xaa: {  	[dreg:$0x4] =	wrdreg $0xC0  }
0xab: {  	_ =	task [dreg:s7], $0x5FFFF  }
0xac: {  	[dreg:$0x1] =	wrdreg $0xFFFFFFFF  }
0xad: {  	[dreg:$0x0] =	wrdreg $0x60  }
0xae: {  	[dreg:$0x2] =	wrdreg s24  }
0xaf: {  	[dreg:$0x3] =	wrdreg s2  }
0xb0: {  	[dreg:$0x4] =	wrdreg $0x9  }
0xb1: {  	_ =	task.clear_ibuf [dreg:s7], $0x5FFFF;
	_ =	strace $0x90000046  }
0xb2: {  	s29 =	simm.s32 $0x9;
	_ =	strace $0x80000048  }
0xb3: {  	_ =	swait.ge [sflag:s29], $0x1  }
0xb4: {  	[sflag:s29] =	ssyncadd.s32 $0xFFFFFFFF  }
0xb5: {  	_ =	strace $0x90000048  }
0xb6: {  	_ =	sfence  }
0xb7: {  	s30 =	sld [smem:$0x0];
	_ =	sdelay $0x2  }
0xb8: {  	s31 =	sshll.u32 s1, $0xD;
	s1 =	sshrl.u32 s1, $0x2  }
0xb9: {  	s3 =	sand.u32 $0x4000, s31;
	s1 =	sadd.s32 s1, s30  }
0xba: {  	s0 =	sor.u32 s3, s0;
	s1 =	sshll.u32 s1, $0x11  }
0xbb: {  	s0 =	sor.u32 s1, s0  }
0xbc: {  	s0 =	sadd.s32 $0x8F2B, s0  }
0xbd: {  	[sflag:s0] =	ssyncadd.remote.s32 $0x1  }
0xbe: {  	_ =	sfence.sel $0xFFFF  }
0xbf: {  	[dreg:$0x0] =	wrdreg $0xFFFFFFFF;
	(pc) =	sbr.abs _section_cstart, $3  }
0xc0: {  	[dreg:$0x1] =	wrdreg $0xFFFFFFFF  }
0xc1: {  	_ =	task.clear_ibuf [dreg:s7], $0x2FFFF;
	_ =	strace $0x9FFFFFFF  }
0xc2: {  	(tm) =	ssettm $0x7FFFFFFF  }
0xc3: {  	_ =	shalt  }
tec
execute0_lowered:
.L_overlay_start_1:
0x0: {  	(tag) =	ssettag $0x1  }
0x1: {  	s0 =	rddreg [dreg:$0x0]  }
0x2: {  	s1 =	srdreg.scid;
	s8 =	stileid.u32  }
0x3: {  	s3 =	simm.s32 $0x0;
	s13 =	simm.s32 $0x64;
	s14 =	simm.s32 $0x1450  }
0x4: {  	s11 =	simm.s32 $0x1;
	s17 =	simm.s32 $0x28A0;
	s18 =	simm.s32 $0x2B10  }
0x5: {  	s19 =	simm.s32 $0x2908;
	s21 =	simm.s32 $0x2B78;
	s22 =	simm.s32 $0x2970  }
0x6: {  	s23 =	simm.s32 $0x2BE0;
	s29 =	simm.s32 $0x2DE8;
	s30 =	simm.s32 $0x6F50  }
0x7: {  	s10 =	simm.s32 $0x83A0;
	s12 =	simm.s32 $0x97F0;
	s1 =	sand.u32 $0x1, s1  }
0x8: {  	s2 =	sshll.u32 s8, $0x1;
	[smem:$0x7FF] =	sst s3;
	s4 =	sadd.s32 $0x10C00, s0  }
0x9: {  	s15 =	sadd.s32 $0x200, s0;
	s16 =	sadd.s32 $0x2000, s0;
	s8 =	smul.u32 $0x2710, s8  }
0xa: {  	s2 =	sor.u32 s1, s2;
	_ =	strace $0x80000047;
	[dreg:$0x3] =	wrdreg s15  }
0xb: {  	s24 =	ssub.s32 $0x2, s1;
	s1 =	smul.u32 $0x1388, s1;
	[dreg:$0x5] =	wrdreg s16  }
0xc: {  	v0 =	vlaneseq.u32;
	s7 =	sadd.s32 $0x24600, s0;
	[dreg:$0xa] =	wrdreg s4;
	s5 =	smul.u32 $0x28A, s2  }
0xd: {  	s20 =	simm.s32 $0x17840;
	v1 =	vor.u32 $0x10, v0;
	[dreg:$0xb] =	wrdreg s7;
	s26 =	smul.u32 $0x1388, s2  }
0xe: {  	v2 =	vor.u32 $0x20, v0;
	[tilespmem:$0x1FFA0] =	vst v1;
	s25 =	sshrl.u32 s24, $0x1;
	s31 =	sadd.s32 s1, s8;
	s5 =	sadd.s32 s5, s0  }
0xf: {  	v3 =	vor.u32 $0x30, v0;
	[tilespmem:$0x1FFB0] =	vst v2;
	s6 =	sshrl.u32 s26, $0x1;
	s0 =	ssub.s32 s24, s25;
	[dreg:$0x9] =	wrdreg s31  }
0x10: {  	v4 =	vor.u32 $0x40, v0;
	[tilespmem:$0x1FFC0] =	vst v3;
	s24 =	simm.s32 $0x2D80;
	[dreg:$0x4] =	wrdreg s26;
	s5 =	sadd.s32 $0x29600, s5  }
0x11: {  	v5 =	vor.u32 $0x50, v0;
	[tilespmem:$0x1FFD0] =	vst v4;
	s28 =	sand.u32 $0x1FFF8, s6;
	s0 =	smax.u32 s0, $0x1;
	[dreg:$0x6] =	wrdreg s5  }
0x12: {  	v6 =	vadd.s32 $0x54, v0;
	[tilespmem:$0x1FFE0] =	vst v5;
	s25 =	simm.s32 $0x2FF0;
	s2 =	sadd.s32 s4, s28;
	[dreg:$0x8] =	wrdreg s0  }
0x13: {  	[tilespmem:$0x1FFF0] =	vst v6;
	s6 =	simm.s32 $0x14640;
	[dreg:$0x7] =	wrdreg s2;
	s2 =	simm.s32 $0x0  }
.LBB2_1:
0x14: {  	[dreg:$0xc] =	wrdreg s2  }
0x15: {  	s0 =	rddreg [dreg:$0x6];
	s9 =	simm.s32 $0x8  }
0x16: {  	[tilespmem:s3], [sflag:$0x8] =	stream.linear.gather [hbm4b:s0+s3], $0x1450, $0x38;
	[tilespmem:$0x1AA40] =	vst v63  }
0x17: {  	_ =	swait.ge [sflag:s9], $0x1450  }
0x18: {  	[sflag:s9] =	ssyncset.done $0x0  }
0x19: {  	[sflag:s9] =	ssyncadd.s32 $0xFFFFEBB0  }
0x1a: {  	[tilespmem:s14], [sflag:$0x1] =	stream.indirect.gather [hbm4b:s7+s13], $0x1, s3, s13, $0xb8;
	[tilespmem:$0x1AA40] =	vst v63  }
0x1b: {  	s26 =	simm.s32 $0x68;
	s1 =	simm.s32 $0x14B8  }
0x1c: {  	[tilespmem:s1], [sflag:$0x1] =	stream.indirect.gather [hbm4b:s7+s13], $0x1, s26, s13, $0xb8;
	[tilespmem:$0x1AA40] =	vst v63  }
0x1d: {  	s28 =	simm.s32 $0xD0;
	s31 =	simm.s32 $0x1520  }
0x1e: {  	[tilespmem:s31], [sflag:$0x1] =	stream.indirect.gather [hbm4b:s7+s13], $0x1, s28, s13, $0xb8;
	[tilespmem:$0x1AA40] =	vst v63  }
0x1f: {  	s2 =	simm.s32 $0x1588;
	s1 =	simm.s32 $0x138  }
0x20: {  	[tilespmem:s2], [sflag:$0x1] =	stream.indirect.gather [hbm4b:s7+s13], $0x1, s1, s13, $0xb8;
	[tilespmem:$0x1AA40] =	vst v63  }
0x21: {  	s4 =	simm.s32 $0x15F0;
	s3 =	simm.s32 $0x1A0  }
0x22: {  	[tilespmem:s4], [sflag:$0x1] =	stream.indirect.gather [hbm4b:s7+s13], $0x1, s3, s13, $0xb8;
	[tilespmem:$0x1AA40] =	vst v63  }
0x23: {  	s5 =	simm.s32 $0x208;
	s8 =	simm.s32 $0x1658  }
0x24: {  	[tilespmem:s8], [sflag:$0x1] =	stream.indirect.gather [hbm4b:s7+s13], $0x1, s5, s13, $0xb8;
	[tilespmem:$0x1AA40] =	vst v63  }
0x25: {  	s9 =	simm.s32 $0x270;
	s26 =	simm.s32 $0x16C0  }
0x26: {  	[tilespmem:s26], [sflag:$0x1] =	stream.indirect.gather [hbm4b:s7+s13], $0x1, s9, s13, $0xb8;
	[tilespmem:$0x1AA40] =	vst v63  }
0x27: {  	p0 =	por $0x0, $0x0;
	s28 =	simm.s32 $0x2D8;
	s31 =	simm.s32 $0x1728  }
0x28: {  	[tilespmem:s31], [sflag:$0x1] =	stream.indirect.gather [hbm4b:s7+s13], $0x1, s28, s13, $0xb8;
	[tilespmem:$0x1AA40] =	vst v63  }
0x29: {  	s0 =	simm.s32 $0x1;
	s1 =	simm.s32 $0x1790;
	_ =	swait.ge [sflag:s11], $0x64  }
0x2a: {  	s2 =	simm.s32 $0x340;
	s5 =	simm.s32 $0x3A8;
	[sflag:s11] =	ssyncset.done $0x0  }
0x2b: {  	s8 =	simm.s32 $0x17F8;
	s9 =	simm.s32 @!p0 $0x64;
	[sflag:s11] =	ssyncadd.s32 $0xFFFFFF9C  }
.LBB2_2:
0x2c: {  	[tilespmem:s1], [sflag:$0x1] =	stream.indirect.gather @!p0 [hbm4b:s7+s9], $0x1, s2, s9, $0xb8;
	[tilespmem:$0x1AA40] =	vst v63  }
0x2d: {  	s9 =	smov.u32 s0;
	s0 =	sadd.s32 $0x1, s0  }
0x2e: {  	p1 =	sne.s32 s0, $0x32  }
.Ltmp0:
0x2f: {  	(pc) =	sbr.rel @p1 .LBB2_2-.Ltmp0, $4  }
0x30: {  	s2 =	smov.u32 s5;
	s1 =	smov.u32 s8  }
0x31: {  	_ =	swait.ge [sflag:s11], $0x64  }
0x32: {  	s5 =	sadd.s32 $0x68, s5;
	p0 =	sgt.u32 s9, $0x29;
	[sflag:s11] =	ssyncset.done $0x0  }
0x33: {  	s8 =	sadd.s32 $0x68, s8;
	s9 =	simm.s32 @!p0 $0x64;
	[sflag:s11] =	ssyncadd.s32 $0xFFFFFF9C  }
0x34: {  	_ =	sdelay $0x2  }
0x35: {  	[tilespmem:s1], [sflag:$0x1] =	stream.indirect.gather @!p0 [hbm4b:s7+s9], $0x1, s2, s9, $0xb8;
	[tilespmem:$0x1AA40] =	vst v63  }
0x36: {  	s0 =	simm.s32 $0x0;
	v7 =	vld.idx.msk [tilespmem:v0+s14+$0x0], $0xffff  }
0x37: {  	v8 =	vld.idx.msk [tilespmem:v0+s0+$0x0], $0xffff;
	_ =	sdelay $0x3  }
0x38: {  	[tilespmem:v0+s17+$0x0] =	vst.idx.msk $0xffff, v7  }
0x39: {  	v9 =	vadd.s32 $0x4E20, v7;
	[tilespmem:v0+s18+$0x0] =	vst.idx.msk $0xffff, v8  }
0x3a: {  	v51 =	vadd.s32 $0x27100, v8;
	[tilespmem:v0+s19+$0x0] =	vst.idx.msk $0xffff, v9  }
0x3b: {  	v7 =	vadd.s32 $0x9C40, v7;
	[tilespmem:v0+s21+$0x0] =	vst.idx.msk $0xffff, v51  }
0x3c: {  	[tilespmem:v0+s22+$0x0] =	vst.idx.msk $0xffff, v7;
	v7 =	vadd.s32 $0x4E200, v8  }
0x3d: {  	[tilespmem:v0+s23+$0x0] =	vst.idx.msk $0xffff, v7  }
0x3e: {  	v7 =	vld.idx.msk [tilespmem:v1+s14+$0x0], $0xffff  }
0x3f: {  	v8 =	vld.idx.msk [tilespmem:v1+s0+$0x0], $0xffff;
	_ =	sdelay $0x3  }
0x40: {  	[tilespmem:v1+s17+$0x0] =	vst.idx.msk $0xffff, v7  }
0x41: {  	v52 =	vadd.s32 $0x4E20, v7;
	[tilespmem:v1+s18+$0x0] =	vst.idx.msk $0xffff, v8  }
0x42: {  	v53 =	vadd.s32 $0x27100, v8;
	[tilespmem:v1+s19+$0x0] =	vst.idx.msk $0xffff, v52  }
0x43: {  	v7 =	vadd.s32 $0x9C40, v7;
	[tilespmem:v1+s21+$0x0] =	vst.idx.msk $0xffff, v53  }
0x44: {  	[tilespmem:v1+s22+$0x0] =	vst.idx.msk $0xffff, v7;
	v7 =	vadd.s32 $0x4E200, v8  }
0x45: {  	[tilespmem:v1+s23+$0x0] =	vst.idx.msk $0xffff, v7  }
0x46: {  	v7 =	vld.idx.msk [tilespmem:v2+s14+$0x0], $0xffff  }
0x47: {  	v8 =	vld.idx.msk [tilespmem:v2+s0+$0x0], $0xffff;
	_ =	sdelay $0x3  }
0x48: {  	[tilespmem:v2+s17+$0x0] =	vst.idx.msk $0xffff, v7  }
0x49: {  	v54 =	vadd.s32 $0x4E20, v7;
	[tilespmem:v2+s18+$0x0] =	vst.idx.msk $0xffff, v8  }
0x4a: {  	v55 =	vadd.s32 $0x27100, v8;
	[tilespmem:v2+s19+$0x0] =	vst.idx.msk $0xffff, v54  }
0x4b: {  	v7 =	vadd.s32 $0x9C40, v7;
	[tilespmem:v2+s21+$0x0] =	vst.idx.msk $0xffff, v55  }
0x4c: {  	[tilespmem:v2+s22+$0x0] =	vst.idx.msk $0xffff, v7;
	v7 =	vadd.s32 $0x4E200, v8  }
0x4d: {  	[tilespmem:v2+s23+$0x0] =	vst.idx.msk $0xffff, v7  }
0x4e: {  	v7 =	vld.idx.msk [tilespmem:v3+s14+$0x0], $0xffff  }
0x4f: {  	v8 =	vld.idx.msk [tilespmem:v3+s0+$0x0], $0xffff;
	_ =	sdelay $0x3  }
0x50: {  	[tilespmem:v3+s17+$0x0] =	vst.idx.msk $0xffff, v7  }
0x51: {  	v56 =	vadd.s32 $0x4E20, v7;
	[tilespmem:v3+s18+$0x0] =	vst.idx.msk $0xffff, v8  }
0x52: {  	v57 =	vadd.s32 $0x27100, v8;
	[tilespmem:v3+s19+$0x0] =	vst.idx.msk $0xffff, v56  }
0x53: {  	v7 =	vadd.s32 $0x9C40, v7;
	[tilespmem:v3+s21+$0x0] =	vst.idx.msk $0xffff, v57  }
0x54: {  	[tilespmem:v3+s22+$0x0] =	vst.idx.msk $0xffff, v7;
	v7 =	vadd.s32 $0x4E200, v8  }
0x55: {  	[tilespmem:v3+s23+$0x0] =	vst.idx.msk $0xffff, v7  }
0x56: {  	v7 =	vld.idx.msk [tilespmem:v4+s14+$0x0], $0xffff  }
0x57: {  	v8 =	vld.idx.msk [tilespmem:v4+s0+$0x0], $0xffff;
	_ =	sdelay $0x3  }
0x58: {  	[tilespmem:v4+s17+$0x0] =	vst.idx.msk $0xffff, v7  }
0x59: {  	v58 =	vadd.s32 $0x4E20, v7;
	[tilespmem:v4+s18+$0x0] =	vst.idx.msk $0xffff, v8  }
0x5a: {  	v59 =	vadd.s32 $0x27100, v8;
	[tilespmem:v4+s19+$0x0] =	vst.idx.msk $0xffff, v58  }
0x5b: {  	v7 =	vadd.s32 $0x9C40, v7;
	[tilespmem:v4+s21+$0x0] =	vst.idx.msk $0xffff, v59  }
0x5c: {  	[tilespmem:v4+s22+$0x0] =	vst.idx.msk $0xffff, v7;
	v7 =	vadd.s32 $0x4E200, v8  }
0x5d: {  	[tilespmem:v4+s23+$0x0] =	vst.idx.msk $0xffff, v7  }
0x5e: {  	v7 =	vld.idx.msk [tilespmem:v5+s14+$0x0], $0xffff  }
0x5f: {  	v8 =	vld.idx.msk [tilespmem:v5+s0+$0x0], $0xffff;
	_ =	sdelay $0x3  }
0x60: {  	[tilespmem:v5+s17+$0x0] =	vst.idx.msk $0xffff, v7  }
0x61: {  	v60 =	vadd.s32 $0x4E20, v7;
	[tilespmem:v5+s18+$0x0] =	vst.idx.msk $0xffff, v8  }
0x62: {  	v61 =	vadd.s32 $0x27100, v8;
	[tilespmem:v5+s19+$0x0] =	vst.idx.msk $0xffff, v60  }
0x63: {  	v7 =	vadd.s32 $0x9C40, v7;
	[tilespmem:v5+s21+$0x0] =	vst.idx.msk $0xffff, v61  }
0x64: {  	[tilespmem:v5+s22+$0x0] =	vst.idx.msk $0xffff, v7;
	v7 =	vadd.s32 $0x4E200, v8  }
0x65: {  	[tilespmem:v5+s23+$0x0] =	vst.idx.msk $0xffff, v7  }
0x66: {  	v7 =	vld.idx.msk [tilespmem:v6+s14+$0x0], $0xffff  }
0x67: {  	v8 =	vld.idx.msk [tilespmem:v6+s0+$0x0], $0xffff;
	_ =	sdelay $0x3  }
0x68: {  	[tilespmem:v6+s17+$0x0] =	vst.idx.msk $0xffff, v7  }
0x69: {  	v62 =	vadd.s32 $0x4E20, v7;
	[tilespmem:v6+s18+$0x0] =	vst.idx.msk $0xffff, v8  }
0x6a: {  	v63 =	vadd.s32 $0x27100, v8;
	[tilespmem:v6+s19+$0x0] =	vst.idx.msk $0xffff, v62  }
0x6b: {  	v7 =	vadd.s32 $0x9C40, v7;
	[tilespmem:v6+s21+$0x0] =	vst.idx.msk $0xffff, v63  }
0x6c: {  	[tilespmem:v6+s22+$0x0] =	vst.idx.msk $0xffff, v7;
	v7 =	vadd.s32 $0x4E200, v8  }
0x6d: {  	[tilespmem:v6+s23+$0x0] =	vst.idx.msk $0xffff, v7  }
0x6e: {  	[tilespmem:s24], [sflag:$0x2] =	stream.indirect.gather [hbm4b:s15+s13], $0x1, s17, s13, $0xb8;
	[tilespmem:$0x1AA40] =	vst v63  }
0x6f: {  	_ = 	snop  }
0x70: {  	[tilespmem:s25], [sflag:$0x2] =	stream.indirect.gather [hbm4b:s16+s13], $0x1, s18, s13, $0xb8;
	[tilespmem:$0x1AA40] =	vst v63  }
0x71: {  	_ = 	snop  }
0x72: {  	[tilespmem:s29], [sflag:$0x2] =	stream.indirect.gather [hbm4b:s15+s13], $0x1, s19, s13, $0xb8;
	[tilespmem:$0x1AA40] =	vst v63  }
0x73: {  	s26 =	simm.s32 $0x3058;
	s28 =	simm.s32 $0x2E50  }
0x74: {  	[tilespmem:s26], [sflag:$0x2] =	stream.indirect.gather [hbm4b:s16+s13], $0x1, s21, s13, $0xb8;
	[tilespmem:$0x1AA40] =	vst v63  }
0x75: {  	s31 =	simm.s32 $0x30C0;
	s1 =	simm.s32 $0x1;
	s4 =	simm.s32 $0x1450  }
0x76: {  	[tilespmem:s28], [sflag:$0x2] =	stream.indirect.gather [hbm4b:s15+s13], $0x1, s22, s13, $0xb8;
	[tilespmem:$0x1AA40] =	vst v63  }
0x77: {  	s3 =	simm.s32 $0x2;
	s5 =	simm.s32 $0x3260;
	s8 =	simm.s32 $0x46B0  }
0x78: {  	[tilespmem:s31], [sflag:$0x2] =	stream.indirect.gather [hbm4b:s16+s13], $0x1, s23, s13, $0xb8;
	[tilespmem:$0x1AA40] =	vst v63  }
0x79: {  	s26 =	simm.s32 $0x5B00;
	s15 =	simm.s32 $0x3;
	s13 =	simm.s32 $0x0  }
.LBB2_4:
0x7a: {  	v7 =	vmov s1  }
0x7b: {  	v7 =	vmul.u32 $0x68, v7;
	_ =	sdelay $0x1  }
0x7c: {  	v7 =	vbroadcast v7, $0x0;
	_ =	sdelay $0x1  }
0x7d: {  	v8 =	vadd.s32 v0, v7;
	_ =	sdelay $0x4  }
0x7e: {  	v9 =	vld.idx.msk [tilespmem:v8+s4+$0x0], $0xffff  }
0x7f: {  	v8 =	vld.idx.msk [tilespmem:v8+s13+$0x0], $0xffff;
	_ =	sdelay $0x2  }
0x80: {  	s2 =	simm.s32 $0x29D8  }
0x81: {  	s7 =	simm.s32 $0x2C48;
	[tilespmem:v0+s2+$0x0] =	vst.idx.msk $0xffff, v9  }
0x82: {  	s9 =	simm.s32 $0x2A40;
	v11 =	vadd.s32 v1, v7;
	v10 =	vadd.s32 $0x4E20, v9;
	[tilespmem:v0+s7+$0x0] =	vst.idx.msk $0xffff, v8  }
0x83: {  	s14 =	simm.s32 $0x2CB0;
	v16 =	vadd.s32 $0x27100, v8;
	[tilespmem:v0+s9+$0x0] =	vst.idx.msk $0xffff, v10  }
0x84: {  	s11 =	simm.s32 $0x2AA8;
	v9 =	vadd.s32 $0x9C40, v9;
	[tilespmem:v0+s14+$0x0] =	vst.idx.msk $0xffff, v16  }
0x85: {  	s28 =	simm.s32 $0x2D18;
	v8 =	vadd.s32 $0x4E200, v8;
	[tilespmem:v0+s11+$0x0] =	vst.idx.msk $0xffff, v9  }
0x86: {  	[tilespmem:v0+s28+$0x0] =	vst.idx.msk $0xffff, v8  }
0x87: {  	v8 =	vld.idx.msk [tilespmem:v11+s4+$0x0], $0xffff  }
0x88: {  	v9 =	vld.idx.msk [tilespmem:v11+s13+$0x0], $0xffff;
	_ =	sdelay $0x3  }
0x89: {  	[tilespmem:v1+s2+$0x0] =	vst.idx.msk $0xffff, v8  }
0x8a: {  	v18 =	vadd.s32 v2, v7;
	v17 =	vadd.s32 $0x4E20, v8;
	[tilespmem:v1+s7+$0x0] =	vst.idx.msk $0xffff, v9  }
0x8b: {  	v19 =	vadd.s32 $0x27100, v9;
	[tilespmem:v1+s9+$0x0] =	vst.idx.msk $0xffff, v17  }
0x8c: {  	v8 =	vadd.s32 $0x9C40, v8;
	[tilespmem:v1+s14+$0x0] =	vst.idx.msk $0xffff, v19  }
0x8d: {  	[tilespmem:v1+s11+$0x0] =	vst.idx.msk $0xffff, v8;
	v8 =	vadd.s32 $0x4E200, v9  }
0x8e: {  	[tilespmem:v1+s28+$0x0] =	vst.idx.msk $0xffff, v8  }
0x8f: {  	v8 =	vld.idx.msk [tilespmem:v18+s4+$0x0], $0xffff  }
0x90: {  	v20 =	vld.idx.msk [tilespmem:v18+s13+$0x0], $0xffff;
	_ =	sdelay $0x3  }
0x91: {  	[tilespmem:v2+s2+$0x0] =	vst.idx.msk $0xffff, v8  }
0x92: {  	v22 =	vadd.s32 v3, v7;
	v21 =	vadd.s32 $0x4E20, v8;
	[tilespmem:v2+s7+$0x0] =	vst.idx.msk $0xffff, v20  }
0x93: {  	v23 =	vadd.s32 $0x27100, v20;
	[tilespmem:v2+s9+$0x0] =	vst.idx.msk $0xffff, v21  }
0x94: {  	v8 =	vadd.s32 $0x9C40, v8;
	[tilespmem:v2+s14+$0x0] =	vst.idx.msk $0xffff, v23  }
0x95: {  	[tilespmem:v2+s11+$0x0] =	vst.idx.msk $0xffff, v8;
	v8 =	vadd.s32 $0x4E200, v20  }
0x96: {  	[tilespmem:v2+s28+$0x0] =	vst.idx.msk $0xffff, v8  }
0x97: {  	v8 =	vld.idx.msk [tilespmem:v22+s4+$0x0], $0xffff  }
0x98: {  	v24 =	vld.idx.msk [tilespmem:v22+s13+$0x0], $0xffff;
	_ =	sdelay $0x3  }
0x99: {  	[tilespmem:v3+s2+$0x0] =	vst.idx.msk $0xffff, v8  }
0x9a: {  	v26 =	vadd.s32 v4, v7;
	v25 =	vadd.s32 $0x4E20, v8;
	[tilespmem:v3+s7+$0x0] =	vst.idx.msk $0xffff, v24  }
0x9b: {  	v27 =	vadd.s32 $0x27100, v24;
	[tilespmem:v3+s9+$0x0] =	vst.idx.msk $0xffff, v25  }
0x9c: {  	v8 =	vadd.s32 $0x9C40, v8;
	[tilespmem:v3+s14+$0x0] =	vst.idx.msk $0xffff, v27  }
0x9d: {  	[tilespmem:v3+s11+$0x0] =	vst.idx.msk $0xffff, v8;
	v8 =	vadd.s32 $0x4E200, v24  }
0x9e: {  	[tilespmem:v3+s28+$0x0] =	vst.idx.msk $0xffff, v8  }
0x9f: {  	v8 =	vld.idx.msk [tilespmem:v26+s4+$0x0], $0xffff  }
0xa0: {  	v28 =	vld.idx.msk [tilespmem:v26+s13+$0x0], $0xffff;
	_ =	sdelay $0x3  }
0xa1: {  	[tilespmem:v4+s2+$0x0] =	vst.idx.msk $0xffff, v8  }
0xa2: {  	v30 =	vadd.s32 v5, v7;
	v29 =	vadd.s32 $0x4E20, v8;
	[tilespmem:v4+s7+$0x0] =	vst.idx.msk $0xffff, v28  }
0xa3: {  	v31 =	vadd.s32 $0x27100, v28;
	[tilespmem:v4+s9+$0x0] =	vst.idx.msk $0xffff, v29  }
0xa4: {  	v8 =	vadd.s32 $0x9C40, v8;
	[tilespmem:v4+s14+$0x0] =	vst.idx.msk $0xffff, v31  }
0xa5: {  	[tilespmem:v4+s11+$0x0] =	vst.idx.msk $0xffff, v8;
	v8 =	vadd.s32 $0x4E200, v28  }
0xa6: {  	[tilespmem:v4+s28+$0x0] =	vst.idx.msk $0xffff, v8  }
0xa7: {  	v8 =	vld.idx.msk [tilespmem:v30+s4+$0x0], $0xffff  }
0xa8: {  	v32 =	vld.idx.msk [tilespmem:v30+s13+$0x0], $0xffff;
	_ =	sdelay $0x3  }
0xa9: {  	[tilespmem:v5+s2+$0x0] =	vst.idx.msk $0xffff, v8  }
0xaa: {  	v7 =	vadd.s32 v6, v7;
	v33 =	vadd.s32 $0x4E20, v8;
	[tilespmem:v5+s7+$0x0] =	vst.idx.msk $0xffff, v32  }
0xab: {  	v34 =	vadd.s32 $0x27100, v32;
	[tilespmem:v5+s9+$0x0] =	vst.idx.msk $0xffff, v33  }
0xac: {  	v8 =	vadd.s32 $0x9C40, v8;
	[tilespmem:v5+s14+$0x0] =	vst.idx.msk $0xffff, v34  }
0xad: {  	[tilespmem:v5+s11+$0x0] =	vst.idx.msk $0xffff, v8;
	v8 =	vadd.s32 $0x4E200, v32  }
0xae: {  	[tilespmem:v5+s28+$0x0] =	vst.idx.msk $0xffff, v8  }
0xaf: {  	v8 =	vld.idx.msk [tilespmem:v7+s4+$0x0], $0xffff  }
0xb0: {  	v7 =	vld.idx.msk [tilespmem:v7+s13+$0x0], $0xffff;
	_ =	sdelay $0x3  }
0xb1: {  	[tilespmem:v6+s2+$0x0] =	vst.idx.msk $0xffff, v8  }
0xb2: {  	v35 =	vadd.s32 $0x4E20, v8;
	[tilespmem:v6+s7+$0x0] =	vst.idx.msk $0xffff, v7  }
0xb3: {  	v36 =	vadd.s32 $0x27100, v7;
	[tilespmem:v6+s9+$0x0] =	vst.idx.msk $0xffff, v35  }
0xb4: {  	v8 =	vadd.s32 $0x9C40, v8;
	[tilespmem:v6+s14+$0x0] =	vst.idx.msk $0xffff, v36  }
0xb5: {  	v7 =	vadd.s32 $0x4E200, v7;
	[tilespmem:v6+s11+$0x0] =	vst.idx.msk $0xffff, v8  }
0xb6: {  	s24 =	simm.s32 $0x64;
	s16 =	rddreg [dreg:$0x3];
	s31 =	simm.s32 $0x2EB8;
	[tilespmem:v6+s28+$0x0] =	vst.idx.msk $0xffff, v7  }
0xb7: {  	[tilespmem:s31], [sflag:$0x3] =	stream.indirect.gather [hbm4b:s16+s24], $0x1, s2, s24, $0xb8;
	[tilespmem:$0x1AA40] =	vst v63  }
0xb8: {  	s31 =	rddreg [dreg:$0x5];
	s2 =	simm.s32 $0x3128  }
0xb9: {  	[tilespmem:s2], [sflag:$0x3] =	stream.indirect.gather [hbm4b:s31+s24], $0x1, s7, s24, $0xb8;
	[tilespmem:$0x1AA40] =	vst v63  }
0xba: {  	s7 =	simm.s32 $0x2F20  }
0xbb: {  	[tilespmem:s7], [sflag:$0x3] =	stream.indirect.gather [hbm4b:s16+s24], $0x1, s9, s24, $0xb8;
	[tilespmem:$0x1AA40] =	vst v63  }
0xbc: {  	s7 =	simm.s32 $0x3190  }
0xbd: {  	[tilespmem:s7], [sflag:$0x3] =	stream.indirect.gather [hbm4b:s31+s24], $0x1, s14, s24, $0xb8;
	[tilespmem:$0x1AA40] =	vst v63  }
0xbe: {  	s9 =	simm.s32 $0x2F88  }
0xbf: {  	[tilespmem:s9], [sflag:$0x3] =	stream.indirect.gather [hbm4b:s16+s24], $0x1, s11, s24, $0xb8;
	[tilespmem:$0x1AA40] =	vst v63  }
0xc0: {  	s11 =	simm.s32 $0x31F8  }
0xc1: {  	[tilespmem:s11], [sflag:$0x3] =	stream.indirect.gather [hbm4b:s31+s24], $0x1, s28, s24, $0xb8;
	[tilespmem:$0x1AA40] =	vst v63  }
0xc2: {  	_ =	swait.ge [sflag:s3], $0x64  }
0xc3: {  	[sflag:s3] =	ssyncset.done $0x0  }
0xc4: {  	[sflag:s3] =	ssyncadd.s32 $0xFFFFFF9C  }
0xc5: {  	_ =	swait.ge [sflag:s3], $0x64  }
0xc6: {  	[sflag:s3] =	ssyncset.done $0x0  }
0xc7: {  	[sflag:s3] =	ssyncadd.s32 $0xFFFFFF9C  }
0xc8: {  	_ =	swait.ge [sflag:s3], $0x64  }
0xc9: {  	[sflag:s3] =	ssyncset.done $0x0  }
0xca: {  	[sflag:s3] =	ssyncadd.s32 $0xFFFFFF9C  }
0xcb: {  	v7 =	vadd.s32 s0, v0;
	_ =	swait.ge [sflag:s3], $0x64  }
0xcc: {  	v8 =	vmulhi.u32 $0x51EB851F, v7;
	[sflag:s3] =	ssyncset.done $0x0  }
0xcd: {  	[sflag:s3] =	ssyncadd.s32 $0xFFFFFF9C  }
0xce: {  	v8 =	vshrl.u32 v8, $0x5;
	_ =	swait.ge [sflag:s3], $0x64  }
0xcf: {  	v37 =	vmul.u32 $0xFFFFFF9C, v8;
	[sflag:s3] =	ssyncset.done $0x0  }
0xd0: {  	[sflag:s3] =	ssyncadd.s32 $0xFFFFFF9C  }
0xd1: {  	v8 =	vmul.u32 $0x68, v8;
	v7 =	vadd.s32 v7, v37;
	_ =	swait.ge [sflag:s3], $0x64  }
0xd2: {  	v9 =	vand.u32 $0x78, v7;
	[sflag:s3] =	ssyncset.done $0x0  }
0xd3: {  	v7 =	vand.u32 $0x7, v7;
	v8 =	vadd.s32 v9, v8;
	s11 =	simm.s32 $0x2D80;
	[sflag:s3] =	ssyncadd.s32 $0xFFFFFF9C  }
0xd4: {  	v7 =	vor.u32 v7, v8;
	v38 =	vld.idx.msk [tilespmem:v0+s11+$0x0], $0xffff;
	_ =	sdelay $0x4  }
0xd5: {  	[tilespmem:v7+s5+$0x0] =	vst.idx.msk $0xffff, v38  }
0xd6: {  	v8 =	vld.idx.msk [tilespmem:v0+s25+$0x0], $0xffff;
	_ =	sdelay $0x4  }
0xd7: {  	[tilespmem:v7+s30+$0x0] =	vst.idx.msk $0xffff, v8  }
0xd8: {  	v8 =	vld.idx.msk [tilespmem:v0+s29+$0x0], $0xffff;
	_ =	sdelay $0x4  }
0xd9: {  	s9 =	simm.s32 $0x3058;
	[tilespmem:v7+s8+$0x0] =	vst.idx.msk $0xffff, v8  }
0xda: {  	v8 =	vld.idx.msk [tilespmem:v0+s9+$0x0], $0xffff;
	_ =	sdelay $0x4  }
0xdb: {  	s14 =	simm.s32 $0x2E50;
	[tilespmem:v7+s10+$0x0] =	vst.idx.msk $0xffff, v8  }
0xdc: {  	v8 =	vld.idx.msk [tilespmem:v0+s14+$0x0], $0xffff;
	_ =	sdelay $0x2  }
0xdd: {  	v39 =	vadd.s32 s0, v1  }
0xde: {  	v40 =	vmulhi.u32 $0x51EB851F, v39  }
0xdf: {  	s7 =	simm.s32 $0x30C0;
	[tilespmem:v7+s26+$0x0] =	vst.idx.msk $0xffff, v8  }
0xe0: {  	v10 =	vshrl.u32 v40, $0x5;
	v8 =	vld.idx.msk [tilespmem:v0+s7+$0x0], $0xffff  }
0xe1: {  	v41 =	vmul.u32 $0xFFFFFF9C, v10;
	_ =	sdelay $0x1  }
0xe2: {  	v10 =	vmul.u32 $0x68, v10;
	v9 =	vadd.s32 v39, v41  }
0xe3: {  	v11 =	vand.u32 $0x78, v9  }
0xe4: {  	[tilespmem:v7+s12+$0x0] =	vst.idx.msk $0xffff, v8;
	v7 =	vand.u32 $0x7, v9;
	v8 =	vadd.s32 v11, v10  }
0xe5: {  	v42 =	vld.idx.msk [tilespmem:v1+s11+$0x0], $0xffff;
	v7 =	vor.u32 v7, v8;
	_ =	sdelay $0x4  }
0xe6: {  	[tilespmem:v7+s5+$0x0] =	vst.idx.msk $0xffff, v42  }
0xe7: {  	v8 =	vld.idx.msk [tilespmem:v1+s25+$0x0], $0xffff;
	_ =	sdelay $0x4  }
0xe8: {  	[tilespmem:v7+s30+$0x0] =	vst.idx.msk $0xffff, v8  }
0xe9: {  	v8 =	vld.idx.msk [tilespmem:v1+s29+$0x0], $0xffff;
	_ =	sdelay $0x4  }
0xea: {  	[tilespmem:v7+s8+$0x0] =	vst.idx.msk $0xffff, v8  }
0xeb: {  	v8 =	vld.idx.msk [tilespmem:v1+s9+$0x0], $0xffff;
	_ =	sdelay $0x4  }
0xec: {  	[tilespmem:v7+s10+$0x0] =	vst.idx.msk $0xffff, v8  }
0xed: {  	v8 =	vld.idx.msk [tilespmem:v1+s14+$0x0], $0xffff;
	_ =	sdelay $0x2  }
0xee: {  	v43 =	vadd.s32 s0, v2  }
0xef: {  	v44 =	vmulhi.u32 $0x51EB851F, v43  }
0xf0: {  	[tilespmem:v7+s26+$0x0] =	vst.idx.msk $0xffff, v8  }
0xf1: {  	v10 =	vshrl.u32 v44, $0x5;
	v8 =	vld.idx.msk [tilespmem:v1+s7+$0x0], $0xffff  }
0xf2: {  	v45 =	vmul.u32 $0xFFFFFF9C, v10;
	_ =	sdelay $0x1  }
0xf3: {  	v10 =	vmul.u32 $0x68, v10;
	v9 =	vadd.s32 v43, v45  }
0xf4: {  	v11 =	vand.u32 $0x78, v9  }
0xf5: {  	[tilespmem:v7+s12+$0x0] =	vst.idx.msk $0xffff, v8;
	v7 =	vand.u32 $0x7, v9;
	v8 =	vadd.s32 v11, v10  }
0xf6: {  	v46 =	vld.idx.msk [tilespmem:v2+s11+$0x0], $0xffff;
	v7 =	vor.u32 v7, v8;
	_ =	sdelay $0x4  }
0xf7: {  	[tilespmem:v7+s5+$0x0] =	vst.idx.msk $0xffff, v46  }
0xf8: {  	v8 =	vld.idx.msk [tilespmem:v2+s25+$0x0], $0xffff;
	_ =	sdelay $0x4  }
0xf9: {  	[tilespmem:v7+s30+$0x0] =	vst.idx.msk $0xffff, v8  }
0xfa: {  	v8 =	vld.idx.msk [tilespmem:v2+s29+$0x0], $0xffff;
	_ =	sdelay $0x4  }
0xfb: {  	[tilespmem:v7+s8+$0x0] =	vst.idx.msk $0xffff, v8  }
0xfc: {  	v8 =	vld.idx.msk [tilespmem:v2+s9+$0x0], $0xffff;
	_ =	sdelay $0x4  }
0xfd: {  	[tilespmem:v7+s10+$0x0] =	vst.idx.msk $0xffff, v8  }
0xfe: {  	v8 =	vld.idx.msk [tilespmem:v2+s14+$0x0], $0xffff;
	_ =	sdelay $0x2  }
0xff: {  	v47 =	vadd.s32 s0, v3  }
0x100: {  	v48 =	vmulhi.u32 $0x51EB851F, v47  }
0x101: {  	[tilespmem:v7+s26+$0x0] =	vst.idx.msk $0xffff, v8  }
0x102: {  	v10 =	vshrl.u32 v48, $0x5;
	v8 =	vld.idx.msk [tilespmem:v2+s7+$0x0], $0xffff  }
0x103: {  	v49 =	vmul.u32 $0xFFFFFF9C, v10;
	_ =	sdelay $0x1  }
0x104: {  	v10 =	vmul.u32 $0x68, v10;
	v9 =	vadd.s32 v47, v49  }
0x105: {  	v11 =	vand.u32 $0x78, v9  }
0x106: {  	[tilespmem:v7+s12+$0x0] =	vst.idx.msk $0xffff, v8;
	v7 =	vand.u32 $0x7, v9;
	v8 =	vadd.s32 v11, v10  }
0x107: {  	v50 =	vld.idx.msk [tilespmem:v3+s11+$0x0], $0xffff;
	v7 =	vor.u32 v7, v8;
	_ =	sdelay $0x4  }
0x108: {  	[tilespmem:v7+s5+$0x0] =	vst.idx.msk $0xffff, v50  }
0x109: {  	v8 =	vld.idx.msk [tilespmem:v3+s25+$0x0], $0xffff;
	_ =	sdelay $0x4  }
0x10a: {  	[tilespmem:v7+s30+$0x0] =	vst.idx.msk $0xffff, v8  }
0x10b: {  	v8 =	vld.idx.msk [tilespmem:v3+s29+$0x0], $0xffff;
	_ =	sdelay $0x4  }
0x10c: {  	[tilespmem:v7+s8+$0x0] =	vst.idx.msk $0xffff, v8  }
0x10d: {  	v8 =	vld.idx.msk [tilespmem:v3+s9+$0x0], $0xffff;
	_ =	sdelay $0x4  }
0x10e: {  	[tilespmem:v7+s10+$0x0] =	vst.idx.msk $0xffff, v8  }
0x10f: {  	v8 =	vld.idx.msk [tilespmem:v3+s14+$0x0], $0xffff;
	_ =	sdelay $0x2  }
0x110: {  	v51 =	vadd.s32 s0, v4  }
0x111: {  	v52 =	vmulhi.u32 $0x51EB851F, v51  }
0x112: {  	[tilespmem:v7+s26+$0x0] =	vst.idx.msk $0xffff, v8  }
0x113: {  	v10 =	vshrl.u32 v52, $0x5;
	v8 =	vld.idx.msk [tilespmem:v3+s7+$0x0], $0xffff  }
0x114: {  	v53 =	vmul.u32 $0xFFFFFF9C, v10;
	_ =	sdelay $0x1  }
0x115: {  	v10 =	vmul.u32 $0x68, v10;
	v9 =	vadd.s32 v51, v53  }
0x116: {  	v11 =	vand.u32 $0x78, v9  }
0x117: {  	[tilespmem:v7+s12+$0x0] =	vst.idx.msk $0xffff, v8;
	v7 =	vand.u32 $0x7, v9;
	v8 =	vadd.s32 v11, v10  }
0x118: {  	v54 =	vld.idx.msk [tilespmem:v4+s11+$0x0], $0xffff;
	v7 =	vor.u32 v7, v8;
	_ =	sdelay $0x4  }
0x119: {  	[tilespmem:v7+s5+$0x0] =	vst.idx.msk $0xffff, v54  }
0x11a: {  	v8 =	vld.idx.msk [tilespmem:v4+s25+$0x0], $0xffff;
	_ =	sdelay $0x4  }
0x11b: {  	[tilespmem:v7+s30+$0x0] =	vst.idx.msk $0xffff, v8  }
0x11c: {  	v8 =	vld.idx.msk [tilespmem:v4+s29+$0x0], $0xffff;
	_ =	sdelay $0x4  }
0x11d: {  	[tilespmem:v7+s8+$0x0] =	vst.idx.msk $0xffff, v8  }
0x11e: {  	v8 =	vld.idx.msk [tilespmem:v4+s9+$0x0], $0xffff;
	_ =	sdelay $0x4  }
0x11f: {  	[tilespmem:v7+s10+$0x0] =	vst.idx.msk $0xffff, v8  }
0x120: {  	v8 =	vld.idx.msk [tilespmem:v4+s14+$0x0], $0xffff;
	_ =	sdelay $0x2  }
0x121: {  	v55 =	vadd.s32 s0, v5  }
0x122: {  	v56 =	vmulhi.u32 $0x51EB851F, v55  }
0x123: {  	[tilespmem:v7+s26+$0x0] =	vst.idx.msk $0xffff, v8  }
0x124: {  	v10 =	vshrl.u32 v56, $0x5;
	v8 =	vld.idx.msk [tilespmem:v4+s7+$0x0], $0xffff  }
0x125: {  	v57 =	vmul.u32 $0xFFFFFF9C, v10;
	_ =	sdelay $0x1  }
0x126: {  	v10 =	vmul.u32 $0x68, v10;
	v9 =	vadd.s32 v55, v57  }
0x127: {  	v11 =	vand.u32 $0x78, v9  }
0x128: {  	[tilespmem:v7+s12+$0x0] =	vst.idx.msk $0xffff, v8;
	v7 =	vand.u32 $0x7, v9;
	v8 =	vadd.s32 v11, v10  }
0x129: {  	v58 =	vld.idx.msk [tilespmem:v5+s11+$0x0], $0xffff;
	v7 =	vor.u32 v7, v8;
	_ =	sdelay $0x4  }
0x12a: {  	[tilespmem:v7+s5+$0x0] =	vst.idx.msk $0xffff, v58  }
0x12b: {  	v8 =	vld.idx.msk [tilespmem:v5+s25+$0x0], $0xffff;
	_ =	sdelay $0x4  }
0x12c: {  	[tilespmem:v7+s30+$0x0] =	vst.idx.msk $0xffff, v8  }
0x12d: {  	v8 =	vld.idx.msk [tilespmem:v5+s29+$0x0], $0xffff;
	_ =	sdelay $0x4  }
0x12e: {  	[tilespmem:v7+s8+$0x0] =	vst.idx.msk $0xffff, v8  }
0x12f: {  	v8 =	vld.idx.msk [tilespmem:v5+s9+$0x0], $0xffff;
	_ =	sdelay $0x4  }
0x130: {  	[tilespmem:v7+s10+$0x0] =	vst.idx.msk $0xffff, v8  }
0x131: {  	v8 =	vld.idx.msk [tilespmem:v5+s14+$0x0], $0xffff;
	_ =	sdelay $0x2  }
0x132: {  	v59 =	vadd.s32 s0, v6  }
0x133: {  	v60 =	vmulhi.u32 $0x51EB851F, v59  }
0x134: {  	[tilespmem:v7+s26+$0x0] =	vst.idx.msk $0xffff, v8  }
0x135: {  	v10 =	vshrl.u32 v60, $0x5;
	v8 =	vld.idx.msk [tilespmem:v5+s7+$0x0], $0xffff  }
0x136: {  	v61 =	vmul.u32 $0xFFFFFF9C, v10;
	_ =	sdelay $0x1  }
0x137: {  	v10 =	vmul.u32 $0x68, v10;
	v9 =	vadd.s32 v59, v61  }
0x138: {  	v11 =	vand.u32 $0x78, v9  }
0x139: {  	[tilespmem:v7+s12+$0x0] =	vst.idx.msk $0xffff, v8;
	v7 =	vand.u32 $0x7, v9;
	v8 =	vadd.s32 v11, v10  }
0x13a: {  	v62 =	vld.idx.msk [tilespmem:v6+s11+$0x0], $0xffff;
	v7 =	vor.u32 v7, v8;
	_ =	sdelay $0x4  }
0x13b: {  	[tilespmem:v7+s5+$0x0] =	vst.idx.msk $0xffff, v62  }
0x13c: {  	v8 =	vld.idx.msk [tilespmem:v6+s25+$0x0], $0xffff;
	_ =	sdelay $0x4  }
0x13d: {  	[tilespmem:v7+s30+$0x0] =	vst.idx.msk $0xffff, v8  }
0x13e: {  	v8 =	vld.idx.msk [tilespmem:v6+s29+$0x0], $0xffff;
	_ =	sdelay $0x4  }
0x13f: {  	[tilespmem:v7+s8+$0x0] =	vst.idx.msk $0xffff, v8  }
0x140: {  	v8 =	vld.idx.msk [tilespmem:v6+s9+$0x0], $0xffff;
	_ =	sdelay $0x4  }
0x141: {  	s2 =	sadd.s32 $0xFFFFFFFF, s1;
	[tilespmem:v7+s10+$0x0] =	vst.idx.msk $0xffff, v8  }
0x142: {  	s2 =	smin.u32 s2, $0x2F;
	v8 =	vld.idx.msk [tilespmem:v6+s14+$0x0], $0xffff  }
0x143: {  	s2 =	sadd.s32 $0x2, s2  }
0x144: {  	v63 =	vmov s2  }
0x145: {  	v9 =	vmul.u32 $0x68, v63;
	_ =	sdelay $0x1  }
0x146: {  	[tilespmem:v7+s26+$0x0] =	vst.idx.msk $0xffff, v8;
	v8 =	vbroadcast v9, $0x0  }
0x147: {  	v12 =	vld.idx.msk [tilespmem:v6+s7+$0x0], $0xffff  }
0x148: {  	v13 =	vadd.s32 v0, v8;
	_ =	sdelay $0x3  }
0x149: {  	[tilespmem:v7+s12+$0x0] =	vst.idx.msk $0xffff, v12  }
0x14a: {  	v7 =	vld.idx.msk [tilespmem:v13+s4+$0x0], $0xffff  }
0x14b: {  	v9 =	vld.idx.msk [tilespmem:v13+s13+$0x0], $0xffff;
	_ =	sdelay $0x3  }
0x14c: {  	[tilespmem:v0+s17+$0x0] =	vst.idx.msk $0xffff, v7  }
0x14d: {  	v15 =	vadd.s32 v1, v8;
	v14 =	vadd.s32 $0x4E20, v7;
	[tilespmem:v0+s18+$0x0] =	vst.idx.msk $0xffff, v9  }
0x14e: {  	v16 =	vadd.s32 $0x27100, v9;
	[tilespmem:v0+s19+$0x0] =	vst.idx.msk $0xffff, v14  }
0x14f: {  	v7 =	vadd.s32 $0x9C40, v7;
	[tilespmem:v0+s21+$0x0] =	vst.idx.msk $0xffff, v16  }
0x150: {  	[tilespmem:v0+s22+$0x0] =	vst.idx.msk $0xffff, v7;
	v7 =	vadd.s32 $0x4E200, v9  }
0x151: {  	[tilespmem:v0+s23+$0x0] =	vst.idx.msk $0xffff, v7  }
0x152: {  	v7 =	vld.idx.msk [tilespmem:v15+s4+$0x0], $0xffff  }
0x153: {  	v17 =	vld.idx.msk [tilespmem:v15+s13+$0x0], $0xffff;
	_ =	sdelay $0x3  }
0x154: {  	[tilespmem:v1+s17+$0x0] =	vst.idx.msk $0xffff, v7  }
0x155: {  	v19 =	vadd.s32 v2, v8;
	v18 =	vadd.s32 $0x4E20, v7;
	[tilespmem:v1+s18+$0x0] =	vst.idx.msk $0xffff, v17  }
0x156: {  	v20 =	vadd.s32 $0x27100, v17;
	[tilespmem:v1+s19+$0x0] =	vst.idx.msk $0xffff, v18  }
0x157: {  	v7 =	vadd.s32 $0x9C40, v7;
	[tilespmem:v1+s21+$0x0] =	vst.idx.msk $0xffff, v20  }
0x158: {  	[tilespmem:v1+s22+$0x0] =	vst.idx.msk $0xffff, v7;
	v7 =	vadd.s32 $0x4E200, v17  }
0x159: {  	[tilespmem:v1+s23+$0x0] =	vst.idx.msk $0xffff, v7  }
0x15a: {  	v7 =	vld.idx.msk [tilespmem:v19+s4+$0x0], $0xffff  }
0x15b: {  	v21 =	vld.idx.msk [tilespmem:v19+s13+$0x0], $0xffff;
	_ =	sdelay $0x3  }
0x15c: {  	[tilespmem:v2+s17+$0x0] =	vst.idx.msk $0xffff, v7  }
0x15d: {  	v23 =	vadd.s32 v3, v8;
	v22 =	vadd.s32 $0x4E20, v7;
	[tilespmem:v2+s18+$0x0] =	vst.idx.msk $0xffff, v21  }
0x15e: {  	v24 =	vadd.s32 $0x27100, v21;
	[tilespmem:v2+s19+$0x0] =	vst.idx.msk $0xffff, v22  }
0x15f: {  	v7 =	vadd.s32 $0x9C40, v7;
	[tilespmem:v2+s21+$0x0] =	vst.idx.msk $0xffff, v24  }
0x160: {  	[tilespmem:v2+s22+$0x0] =	vst.idx.msk $0xffff, v7;
	v7 =	vadd.s32 $0x4E200, v21  }
0x161: {  	[tilespmem:v2+s23+$0x0] =	vst.idx.msk $0xffff, v7  }
0x162: {  	v7 =	vld.idx.msk [tilespmem:v23+s4+$0x0], $0xffff  }
0x163: {  	v25 =	vld.idx.msk [tilespmem:v23+s13+$0x0], $0xffff;
	_ =	sdelay $0x3  }
0x164: {  	[tilespmem:v3+s17+$0x0] =	vst.idx.msk $0xffff, v7  }
0x165: {  	v27 =	vadd.s32 v4, v8;
	v26 =	vadd.s32 $0x4E20, v7;
	[tilespmem:v3+s18+$0x0] =	vst.idx.msk $0xffff, v25  }
0x166: {  	v28 =	vadd.s32 $0x27100, v25;
	[tilespmem:v3+s19+$0x0] =	vst.idx.msk $0xffff, v26  }
0x167: {  	v7 =	vadd.s32 $0x9C40, v7;
	[tilespmem:v3+s21+$0x0] =	vst.idx.msk $0xffff, v28  }
0x168: {  	[tilespmem:v3+s22+$0x0] =	vst.idx.msk $0xffff, v7;
	v7 =	vadd.s32 $0x4E200, v25  }
0x169: {  	[tilespmem:v3+s23+$0x0] =	vst.idx.msk $0xffff, v7  }
0x16a: {  	v7 =	vld.idx.msk [tilespmem:v27+s4+$0x0], $0xffff  }
0x16b: {  	v29 =	vld.idx.msk [tilespmem:v27+s13+$0x0], $0xffff;
	_ =	sdelay $0x3  }
0x16c: {  	[tilespmem:v4+s17+$0x0] =	vst.idx.msk $0xffff, v7  }
0x16d: {  	v31 =	vadd.s32 v5, v8;
	v30 =	vadd.s32 $0x4E20, v7;
	[tilespmem:v4+s18+$0x0] =	vst.idx.msk $0xffff, v29  }
0x16e: {  	v32 =	vadd.s32 $0x27100, v29;
	[tilespmem:v4+s19+$0x0] =	vst.idx.msk $0xffff, v30  }
0x16f: {  	v7 =	vadd.s32 $0x9C40, v7;
	[tilespmem:v4+s21+$0x0] =	vst.idx.msk $0xffff, v32  }
0x170: {  	[tilespmem:v4+s22+$0x0] =	vst.idx.msk $0xffff, v7;
	v7 =	vadd.s32 $0x4E200, v29  }
0x171: {  	[tilespmem:v4+s23+$0x0] =	vst.idx.msk $0xffff, v7  }
0x172: {  	v7 =	vld.idx.msk [tilespmem:v31+s4+$0x0], $0xffff  }
0x173: {  	v33 =	vld.idx.msk [tilespmem:v31+s13+$0x0], $0xffff;
	_ =	sdelay $0x3  }
0x174: {  	[tilespmem:v5+s17+$0x0] =	vst.idx.msk $0xffff, v7  }
0x175: {  	v8 =	vadd.s32 v6, v8;
	v34 =	vadd.s32 $0x4E20, v7;
	[tilespmem:v5+s18+$0x0] =	vst.idx.msk $0xffff, v33  }
0x176: {  	v35 =	vadd.s32 $0x27100, v33;
	[tilespmem:v5+s19+$0x0] =	vst.idx.msk $0xffff, v34  }
0x177: {  	v7 =	vadd.s32 $0x9C40, v7;
	[tilespmem:v5+s21+$0x0] =	vst.idx.msk $0xffff, v35  }
0x178: {  	[tilespmem:v5+s22+$0x0] =	vst.idx.msk $0xffff, v7;
	v7 =	vadd.s32 $0x4E200, v33  }
0x179: {  	[tilespmem:v5+s23+$0x0] =	vst.idx.msk $0xffff, v7  }
0x17a: {  	v7 =	vld.idx.msk [tilespmem:v8+s4+$0x0], $0xffff  }
0x17b: {  	v8 =	vld.idx.msk [tilespmem:v8+s13+$0x0], $0xffff;
	_ =	sdelay $0x3  }
0x17c: {  	[tilespmem:v6+s17+$0x0] =	vst.idx.msk $0xffff, v7  }
0x17d: {  	v36 =	vadd.s32 $0x4E20, v7;
	[tilespmem:v6+s18+$0x0] =	vst.idx.msk $0xffff, v8  }
0x17e: {  	v37 =	vadd.s32 $0x27100, v8;
	[tilespmem:v6+s19+$0x0] =	vst.idx.msk $0xffff, v36  }
0x17f: {  	v7 =	vadd.s32 $0x9C40, v7;
	[tilespmem:v6+s21+$0x0] =	vst.idx.msk $0xffff, v37  }
0x180: {  	[tilespmem:v6+s22+$0x0] =	vst.idx.msk $0xffff, v7;
	v7 =	vadd.s32 $0x4E200, v8  }
0x181: {  	[tilespmem:v6+s23+$0x0] =	vst.idx.msk $0xffff, v7  }
0x182: {  	[tilespmem:s11], [sflag:$0x2] =	stream.indirect.gather [hbm4b:s16+s24], $0x1, s17, s24, $0xb8;
	[tilespmem:$0x1AA40] =	vst v63  }
0x183: {  	_ = 	snop  }
0x184: {  	[tilespmem:s25], [sflag:$0x2] =	stream.indirect.gather [hbm4b:s31+s24], $0x1, s18, s24, $0xb8;
	[tilespmem:$0x1AA40] =	vst v63  }
0x185: {  	_ = 	snop  }
0x186: {  	[tilespmem:s29], [sflag:$0x2] =	stream.indirect.gather [hbm4b:s16+s24], $0x1, s19, s24, $0xb8;
	[tilespmem:$0x1AA40] =	vst v63  }
0x187: {  	_ = 	snop  }
0x188: {  	[tilespmem:s9], [sflag:$0x2] =	stream.indirect.gather [hbm4b:s31+s24], $0x1, s21, s24, $0xb8;
	[tilespmem:$0x1AA40] =	vst v63  }
0x189: {  	_ = 	snop  }
0x18a: {  	[tilespmem:s14], [sflag:$0x2] =	stream.indirect.gather [hbm4b:s16+s24], $0x1, s22, s24, $0xb8;
	[tilespmem:$0x1AA40] =	vst v63  }
0x18b: {  	_ = 	snop  }
0x18c: {  	[tilespmem:s7], [sflag:$0x2] =	stream.indirect.gather [hbm4b:s31+s24], $0x1, s23, s24, $0xb8;
	[tilespmem:$0x1AA40] =	vst v63  }
0x18d: {  	_ =	swait.ge [sflag:s15], $0x64  }
0x18e: {  	[sflag:s15] =	ssyncset.done $0x0  }
0x18f: {  	[sflag:s15] =	ssyncadd.s32 $0xFFFFFF9C  }
0x190: {  	_ =	swait.ge [sflag:s15], $0x64  }
0x191: {  	[sflag:s15] =	ssyncset.done $0x0  }
0x192: {  	[sflag:s15] =	ssyncadd.s32 $0xFFFFFF9C  }
0x193: {  	_ =	swait.ge [sflag:s15], $0x64  }
0x194: {  	[sflag:s15] =	ssyncset.done $0x0  }
0x195: {  	s2 =	sadd.s32 $0x64, s0;
	[sflag:s15] =	ssyncadd.s32 $0xFFFFFF9C  }
0x196: {  	v7 =	vadd.s32 s2, v0;
	_ =	swait.ge [sflag:s15], $0x64  }
0x197: {  	v8 =	vmulhi.u32 $0x51EB851F, v7;
	[sflag:s15] =	ssyncset.done $0x0  }
0x198: {  	[sflag:s15] =	ssyncadd.s32 $0xFFFFFF9C  }
0x199: {  	v8 =	vshrl.u32 v8, $0x5;
	_ =	swait.ge [sflag:s15], $0x64  }
0x19a: {  	v38 =	vmul.u32 $0xFFFFFF9C, v8;
	[sflag:s15] =	ssyncset.done $0x0  }
0x19b: {  	[sflag:s15] =	ssyncadd.s32 $0xFFFFFF9C  }
0x19c: {  	v8 =	vmul.u32 $0x68, v8;
	v7 =	vadd.s32 v7, v38;
	_ =	swait.ge [sflag:s15], $0x64  }
0x19d: {  	v9 =	vand.u32 $0x78, v7;
	[sflag:s15] =	ssyncset.done $0x0  }
0x19e: {  	v7 =	vand.u32 $0x7, v7;
	v8 =	vadd.s32 v9, v8;
	s14 =	simm.s32 $0x2EB8;
	[sflag:s15] =	ssyncadd.s32 $0xFFFFFF9C  }
0x19f: {  	v7 =	vor.u32 v7, v8;
	v39 =	vld.idx.msk [tilespmem:v0+s14+$0x0], $0xffff;
	_ =	sdelay $0x4  }
0x1a0: {  	s7 =	simm.s32 $0x3128;
	[tilespmem:v7+s5+$0x0] =	vst.idx.msk $0xffff, v39  }
0x1a1: {  	v8 =	vld.idx.msk [tilespmem:v0+s7+$0x0], $0xffff;
	_ =	sdelay $0x4  }
0x1a2: {  	s9 =	simm.s32 $0x2F20;
	[tilespmem:v7+s30+$0x0] =	vst.idx.msk $0xffff, v8  }
0x1a3: {  	v8 =	vld.idx.msk [tilespmem:v0+s9+$0x0], $0xffff;
	_ =	sdelay $0x4  }
0x1a4: {  	s24 =	simm.s32 $0x3190;
	[tilespmem:v7+s8+$0x0] =	vst.idx.msk $0xffff, v8  }
0x1a5: {  	v8 =	vld.idx.msk [tilespmem:v0+s24+$0x0], $0xffff;
	_ =	sdelay $0x4  }
0x1a6: {  	s31 =	simm.s32 $0x2F88;
	[tilespmem:v7+s10+$0x0] =	vst.idx.msk $0xffff, v8  }
0x1a7: {  	v8 =	vld.idx.msk [tilespmem:v0+s31+$0x0], $0xffff;
	_ =	sdelay $0x2  }
0x1a8: {  	v40 =	vadd.s32 s2, v1  }
0x1a9: {  	v41 =	vmulhi.u32 $0x51EB851F, v40  }
0x1aa: {  	s28 =	simm.s32 $0x31F8;
	[tilespmem:v7+s26+$0x0] =	vst.idx.msk $0xffff, v8  }
0x1ab: {  	v10 =	vshrl.u32 v41, $0x5;
	v8 =	vld.idx.msk [tilespmem:v0+s28+$0x0], $0xffff  }
0x1ac: {  	v42 =	vmul.u32 $0xFFFFFF9C, v10;
	_ =	sdelay $0x1  }
0x1ad: {  	v10 =	vmul.u32 $0x68, v10;
	v9 =	vadd.s32 v40, v42  }
0x1ae: {  	v11 =	vand.u32 $0x78, v9  }
0x1af: {  	[tilespmem:v7+s12+$0x0] =	vst.idx.msk $0xffff, v8;
	v7 =	vand.u32 $0x7, v9;
	v8 =	vadd.s32 v11, v10  }
0x1b0: {  	v43 =	vld.idx.msk [tilespmem:v1+s14+$0x0], $0xffff;
	v7 =	vor.u32 v7, v8;
	_ =	sdelay $0x4  }
0x1b1: {  	[tilespmem:v7+s5+$0x0] =	vst.idx.msk $0xffff, v43  }
0x1b2: {  	v8 =	vld.idx.msk [tilespmem:v1+s7+$0x0], $0xffff;
	_ =	sdelay $0x4  }
0x1b3: {  	[tilespmem:v7+s30+$0x0] =	vst.idx.msk $0xffff, v8  }
0x1b4: {  	v8 =	vld.idx.msk [tilespmem:v1+s9+$0x0], $0xffff;
	_ =	sdelay $0x4  }
0x1b5: {  	[tilespmem:v7+s8+$0x0] =	vst.idx.msk $0xffff, v8  }
0x1b6: {  	v8 =	vld.idx.msk [tilespmem:v1+s24+$0x0], $0xffff;
	_ =	sdelay $0x4  }
0x1b7: {  	[tilespmem:v7+s10+$0x0] =	vst.idx.msk $0xffff, v8  }
0x1b8: {  	v8 =	vld.idx.msk [tilespmem:v1+s31+$0x0], $0xffff;
	_ =	sdelay $0x2  }
0x1b9: {  	v44 =	vadd.s32 s2, v2  }
0x1ba: {  	v45 =	vmulhi.u32 $0x51EB851F, v44  }
0x1bb: {  	[tilespmem:v7+s26+$0x0] =	vst.idx.msk $0xffff, v8  }
0x1bc: {  	v10 =	vshrl.u32 v45, $0x5;
	v8 =	vld.idx.msk [tilespmem:v1+s28+$0x0], $0xffff  }
0x1bd: {  	v46 =	vmul.u32 $0xFFFFFF9C, v10;
	_ =	sdelay $0x1  }
0x1be: {  	v10 =	vmul.u32 $0x68, v10;
	v9 =	vadd.s32 v44, v46  }
0x1bf: {  	v11 =	vand.u32 $0x78, v9  }
0x1c0: {  	s16 =	simm.s32 $0x2EB8;
	[tilespmem:v7+s12+$0x0] =	vst.idx.msk $0xffff, v8;
	v7 =	vand.u32 $0x7, v9;
	v8 =	vadd.s32 v11, v10  }
0x1c1: {  	v47 =	vld.idx.msk [tilespmem:v2+s16+$0x0], $0xffff;
	v7 =	vor.u32 v7, v8;
	_ =	sdelay $0x4  }
0x1c2: {  	s14 =	simm.s32 $0x3128;
	[tilespmem:v7+s5+$0x0] =	vst.idx.msk $0xffff, v47  }
0x1c3: {  	v8 =	vld.idx.msk [tilespmem:v2+s14+$0x0], $0xffff;
	_ =	sdelay $0x4  }
0x1c4: {  	s11 =	simm.s32 $0x2F20;
	[tilespmem:v7+s30+$0x0] =	vst.idx.msk $0xffff, v8  }
0x1c5: {  	v8 =	vld.idx.msk [tilespmem:v2+s11+$0x0], $0xffff;
	_ =	sdelay $0x4  }
0x1c6: {  	s24 =	simm.s32 $0x3190;
	[tilespmem:v7+s8+$0x0] =	vst.idx.msk $0xffff, v8  }
0x1c7: {  	v8 =	vld.idx.msk [tilespmem:v2+s24+$0x0], $0xffff;
	_ =	sdelay $0x4  }
0x1c8: {  	s31 =	simm.s32 $0x2F88;
	[tilespmem:v7+s10+$0x0] =	vst.idx.msk $0xffff, v8  }
0x1c9: {  	v8 =	vld.idx.msk [tilespmem:v2+s31+$0x0], $0xffff;
	_ =	sdelay $0x2  }
0x1ca: {  	v48 =	vadd.s32 s2, v3  }
0x1cb: {  	v49 =	vmulhi.u32 $0x51EB851F, v48  }
0x1cc: {  	[tilespmem:v7+s26+$0x0] =	vst.idx.msk $0xffff, v8  }
0x1cd: {  	v10 =	vshrl.u32 v49, $0x5;
	v8 =	vld.idx.msk [tilespmem:v2+s28+$0x0], $0xffff  }
0x1ce: {  	v50 =	vmul.u32 $0xFFFFFF9C, v10;
	_ =	sdelay $0x1  }
0x1cf: {  	v10 =	vmul.u32 $0x68, v10;
	v9 =	vadd.s32 v48, v50  }
0x1d0: {  	v11 =	vand.u32 $0x78, v9  }
0x1d1: {  	[tilespmem:v7+s12+$0x0] =	vst.idx.msk $0xffff, v8;
	v7 =	vand.u32 $0x7, v9;
	v8 =	vadd.s32 v11, v10  }
0x1d2: {  	v51 =	vld.idx.msk [tilespmem:v3+s16+$0x0], $0xffff;
	v7 =	vor.u32 v7, v8;
	_ =	sdelay $0x4  }
0x1d3: {  	[tilespmem:v7+s5+$0x0] =	vst.idx.msk $0xffff, v51  }
0x1d4: {  	v8 =	vld.idx.msk [tilespmem:v3+s14+$0x0], $0xffff;
	_ =	sdelay $0x4  }
0x1d5: {  	[tilespmem:v7+s30+$0x0] =	vst.idx.msk $0xffff, v8  }
0x1d6: {  	v8 =	vld.idx.msk [tilespmem:v3+s11+$0x0], $0xffff;
	_ =	sdelay $0x4  }
0x1d7: {  	[tilespmem:v7+s8+$0x0] =	vst.idx.msk $0xffff, v8  }
0x1d8: {  	v8 =	vld.idx.msk [tilespmem:v3+s24+$0x0], $0xffff;
	_ =	sdelay $0x4  }
0x1d9: {  	[tilespmem:v7+s10+$0x0] =	vst.idx.msk $0xffff, v8  }
0x1da: {  	v8 =	vld.idx.msk [tilespmem:v3+s31+$0x0], $0xffff;
	_ =	sdelay $0x2  }
0x1db: {  	v52 =	vadd.s32 s2, v4  }
0x1dc: {  	v53 =	vmulhi.u32 $0x51EB851F, v52  }
0x1dd: {  	[tilespmem:v7+s26+$0x0] =	vst.idx.msk $0xffff, v8  }
0x1de: {  	v10 =	vshrl.u32 v53, $0x5;
	v8 =	vld.idx.msk [tilespmem:v3+s28+$0x0], $0xffff  }
0x1df: {  	v54 =	vmul.u32 $0xFFFFFF9C, v10;
	_ =	sdelay $0x1  }
0x1e0: {  	v10 =	vmul.u32 $0x68, v10;
	v9 =	vadd.s32 v52, v54  }
0x1e1: {  	v11 =	vand.u32 $0x78, v9  }
0x1e2: {  	[tilespmem:v7+s12+$0x0] =	vst.idx.msk $0xffff, v8;
	v7 =	vand.u32 $0x7, v9;
	v8 =	vadd.s32 v11, v10  }
0x1e3: {  	v55 =	vld.idx.msk [tilespmem:v4+s16+$0x0], $0xffff;
	v7 =	vor.u32 v7, v8;
	_ =	sdelay $0x4  }
0x1e4: {  	[tilespmem:v7+s5+$0x0] =	vst.idx.msk $0xffff, v55  }
0x1e5: {  	v8 =	vld.idx.msk [tilespmem:v4+s14+$0x0], $0xffff;
	_ =	sdelay $0x4  }
0x1e6: {  	[tilespmem:v7+s30+$0x0] =	vst.idx.msk $0xffff, v8  }
0x1e7: {  	v8 =	vld.idx.msk [tilespmem:v4+s11+$0x0], $0xffff;
	_ =	sdelay $0x4  }
0x1e8: {  	[tilespmem:v7+s8+$0x0] =	vst.idx.msk $0xffff, v8  }
0x1e9: {  	v8 =	vld.idx.msk [tilespmem:v4+s24+$0x0], $0xffff;
	_ =	sdelay $0x4  }
0x1ea: {  	[tilespmem:v7+s10+$0x0] =	vst.idx.msk $0xffff, v8  }
0x1eb: {  	v8 =	vld.idx.msk [tilespmem:v4+s31+$0x0], $0xffff;
	_ =	sdelay $0x2  }
0x1ec: {  	v56 =	vadd.s32 s2, v5  }
0x1ed: {  	v57 =	vmulhi.u32 $0x51EB851F, v56  }
0x1ee: {  	[tilespmem:v7+s26+$0x0] =	vst.idx.msk $0xffff, v8  }
0x1ef: {  	v10 =	vshrl.u32 v57, $0x5;
	v8 =	vld.idx.msk [tilespmem:v4+s28+$0x0], $0xffff  }
0x1f0: {  	v58 =	vmul.u32 $0xFFFFFF9C, v10;
	_ =	sdelay $0x1  }
0x1f1: {  	v10 =	vmul.u32 $0x68, v10;
	v9 =	vadd.s32 v56, v58  }
0x1f2: {  	v11 =	vand.u32 $0x78, v9  }
0x1f3: {  	[tilespmem:v7+s12+$0x0] =	vst.idx.msk $0xffff, v8;
	v7 =	vand.u32 $0x7, v9;
	v8 =	vadd.s32 v11, v10  }
0x1f4: {  	v59 =	vld.idx.msk [tilespmem:v5+s16+$0x0], $0xffff;
	v7 =	vor.u32 v7, v8;
	_ =	sdelay $0x4  }
0x1f5: {  	[tilespmem:v7+s5+$0x0] =	vst.idx.msk $0xffff, v59  }
0x1f6: {  	v8 =	vld.idx.msk [tilespmem:v5+s14+$0x0], $0xffff;
	_ =	sdelay $0x4  }
0x1f7: {  	[tilespmem:v7+s30+$0x0] =	vst.idx.msk $0xffff, v8  }
0x1f8: {  	v8 =	vld.idx.msk [tilespmem:v5+s11+$0x0], $0xffff;
	_ =	sdelay $0x4  }
0x1f9: {  	[tilespmem:v7+s8+$0x0] =	vst.idx.msk $0xffff, v8  }
0x1fa: {  	v8 =	vld.idx.msk [tilespmem:v5+s24+$0x0], $0xffff;
	_ =	sdelay $0x4  }
0x1fb: {  	[tilespmem:v7+s10+$0x0] =	vst.idx.msk $0xffff, v8  }
0x1fc: {  	v8 =	vld.idx.msk [tilespmem:v5+s31+$0x0], $0xffff;
	_ =	sdelay $0x2  }
0x1fd: {  	v60 =	vadd.s32 s2, v6  }
0x1fe: {  	v61 =	vmulhi.u32 $0x51EB851F, v60  }
0x1ff: {  	[tilespmem:v7+s26+$0x0] =	vst.idx.msk $0xffff, v8  }
0x200: {  	v10 =	vshrl.u32 v61, $0x5;
	v8 =	vld.idx.msk [tilespmem:v5+s28+$0x0], $0xffff  }
0x201: {  	v62 =	vmul.u32 $0xFFFFFF9C, v10;
	_ =	sdelay $0x1  }
0x202: {  	v10 =	vmul.u32 $0x68, v10;
	v9 =	vadd.s32 v60, v62  }
0x203: {  	v11 =	vand.u32 $0x78, v9  }
0x204: {  	[tilespmem:v7+s12+$0x0] =	vst.idx.msk $0xffff, v8;
	v7 =	vand.u32 $0x7, v9;
	v8 =	vadd.s32 v11, v10  }
0x205: {  	v63 =	vld.idx.msk [tilespmem:v6+s16+$0x0], $0xffff;
	v7 =	vor.u32 v7, v8;
	_ =	sdelay $0x4  }
0x206: {  	[tilespmem:v7+s5+$0x0] =	vst.idx.msk $0xffff, v63  }
0x207: {  	v8 =	vld.idx.msk [tilespmem:v6+s14+$0x0], $0xffff;
	_ =	sdelay $0x4  }
0x208: {  	[tilespmem:v7+s30+$0x0] =	vst.idx.msk $0xffff, v8  }
0x209: {  	v8 =	vld.idx.msk [tilespmem:v6+s11+$0x0], $0xffff;
	_ =	sdelay $0x4  }
0x20a: {  	[tilespmem:v7+s8+$0x0] =	vst.idx.msk $0xffff, v8  }
0x20b: {  	v8 =	vld.idx.msk [tilespmem:v6+s24+$0x0], $0xffff;
	_ =	sdelay $0x4  }
0x20c: {  	[tilespmem:v7+s10+$0x0] =	vst.idx.msk $0xffff, v8  }
0x20d: {  	v8 =	vld.idx.msk [tilespmem:v6+s31+$0x0], $0xffff;
	_ =	sdelay $0x4  }
0x20e: {  	[tilespmem:v7+s26+$0x0] =	vst.idx.msk $0xffff, v8  }
0x20f: {  	p0 =	sne.s32 s1, $0x31;
	v8 =	vld.idx.msk [tilespmem:v6+s28+$0x0], $0xffff  }
.Ltmp1:
0x210: {  	_ = 	snop;
	(pc) =	sbr.rel @p0 .LBB2_4-.Ltmp1, $2  }
0x211: {  	_ =	sdelay $0x2  }
0x212: {  	s1 =	sadd.s32 $0x2, s1;
	s0 =	sadd.s32 $0xC8, s0;
	[tilespmem:v7+s12+$0x0] =	vst.idx.msk $0xffff, v8  }
0x213: {  	_ =	swait.ge [sflag:s3], $0x64  }
0x214: {  	[sflag:s3] =	ssyncset.done $0x0  }
0x215: {  	[sflag:s3] =	ssyncadd.s32 $0xFFFFFF9C  }
0x216: {  	_ =	swait.ge [sflag:s3], $0x64  }
0x217: {  	[sflag:s3] =	ssyncset.done $0x0  }
0x218: {  	[sflag:s3] =	ssyncadd.s32 $0xFFFFFF9C  }
0x219: {  	_ =	swait.ge [sflag:s3], $0x64  }
0x21a: {  	[sflag:s3] =	ssyncset.done $0x0  }
0x21b: {  	[sflag:s3] =	ssyncadd.s32 $0xFFFFFF9C  }
0x21c: {  	_ =	swait.ge [sflag:s3], $0x64  }
0x21d: {  	[sflag:s3] =	ssyncset.done $0x0  }
0x21e: {  	[sflag:s3] =	ssyncadd.s32 $0xFFFFFF9C  }
0x21f: {  	_ =	swait.ge [sflag:s3], $0x64  }
0x220: {  	[sflag:s3] =	ssyncset.done $0x0  }
0x221: {  	[sflag:s3] =	ssyncadd.s32 $0xFFFFFF9C  }
0x222: {  	s14 =	simm.s32 $0xAC40;
	s1 =	simm.s32 $0x64;
	_ =	swait.ge [sflag:s3], $0x64  }
0x223: {  	s0 =	simm.s32 $0xC540;
	[sflag:s3] =	ssyncset.done $0x0;
	s4 =	rddreg [dreg:$0xa]  }
0x224: {  	s28 =	simm.s32 $0xDE40;
	s29 =	rddreg [dreg:$0x7];
	[sflag:s3] =	ssyncadd.s32 $0xFFFFFF9C  }
0x225: {  	[tilespmem:s14], [sflag:$0x4] =	stream.indirect.gather [hbm4b:s4+s1], $0x40, s5, s1, $0xb8;
	[tilespmem:$0x1AA40] =	vst v63  }
0x226: {  	s2 =	simm.s32 $0x0;
	s31 =	simm.s32 $0x14240;
	s21 =	rddreg [dreg:$0x9]  }
0x227: {  	[tilespmem:s0], [sflag:$0x4] =	stream.indirect.gather [hbm4b:s4+s1], $0x40, s8, s1, $0xb8;
	[tilespmem:$0x1AA40] =	vst v63  }
0x228: {  	s15 =	simm.s32 $0x0;
	s22 =	simm.s32 $0x0;
	s7 =	rddreg [dreg:$0xb]  }
0x229: {  	[tilespmem:s28], [sflag:$0x4] =	stream.indirect.gather [hbm4b:s4+s1], $0x40, s26, s1, $0xb8;
	[tilespmem:$0x1AA40] =	vst v63  }
0x22a: {  	s13 =	simm.s32 $0x64;
	s3 =	simm.s32 $0x0;
	s26 =	rddreg [dreg:$0x4]  }
0x22b: {  	[tilespmem:s31], [sflag:$0x4] =	stream.linear.gather [hbm4b:s29+s2], $0x200, $0x38;
	[tilespmem:$0x1AA40] =	vst v63  }
.LBB2_6:
0x22c: {  	s24 =	sshllo.u32 s22, $0x1  }
0x22d: {  	s0 =	smul.u32 $0x68, s24;
	_ =	sdelay $0x1  }
0x22e: {  	s2 =	simm.s32 $0xF740;
	s1 =	sadd.s32 $0x3260, s0  }
0x22f: {  	[tilespmem:s2], [sflag:$0x5] =	stream.indirect.gather [hbm4b:s4+s13], $0x40, s1, s13, $0xb8;
	[tilespmem:$0x1AA40] =	vst v63  }
0x230: {  	s18 =	simm.s32 $0x11040;
	s19 =	smul.u32 $0x64, s24;
	s17 =	sadd.s32 $0x46B0, s0  }
0x231: {  	[tilespmem:s18], [sflag:$0x5] =	stream.indirect.gather [hbm4b:s4+s13], $0x40, s17, s13, $0xb8;
	[tilespmem:$0x1AA40] =	vst v63  }
0x232: {  	s23 =	simm.s32 $0x12940;
	s0 =	sadd.s32 $0x5B00, s0;
	s25 =	sadd.s32 s26, s19  }
0x233: {  	[tilespmem:s23], [sflag:$0x5] =	stream.indirect.gather [hbm4b:s4+s13], $0x40, s0, s13, $0xb8;
	[tilespmem:$0x1AA40] =	vst v63  }
0x234: {  	s0 =	sshrl.u32 s25, $0x4  }
0x235: {  	s23 =	smin.u32 s0, $0x2708  }
0x236: {  	s0 =	sshll.u32 s23, $0x3  }
0x237: {  	s29 =	simm.s32 $0x14440;
	s31 =	simm.s32 $0x4;
	s0 =	sadd.s32 s4, s0  }
0x238: {  	[tilespmem:s29], [sflag:$0x5] =	stream.linear.gather [hbm4b:s0+s3], $0x200, $0x38;
	[tilespmem:$0x1AA40] =	vst v63  }
0x239: {  	_ =	swait.ge [sflag:s31], $0x1900  }
0x23a: {  	[sflag:s31] =	ssyncset.done $0x0  }
0x23b: {  	[sflag:s31] =	ssyncadd.s32 $0xFFFFE700  }
0x23c: {  	s16 =	sshll.u32 s22, $0x1;
	_ =	swait.ge [sflag:s31], $0x1900  }
0x23d: {  	v7 =	vmov s16;
	[sflag:s31] =	ssyncset.done $0x0  }
0x23e: {  	v7 =	vmul.u32 $0x68, v7;
	[sflag:s31] =	ssyncadd.s32 $0xFFFFE700  }
0x23f: {  	s2 =	simm.s32 $0x1;
	_ =	swait.ge [sflag:s31], $0x1900  }
0x240: {  	v15 =	vbroadcast v7, $0x0;
	v10 =	vmov s2;
	[sflag:s31] =	ssyncset.done $0x0  }
0x241: {  	s5 =	simm.s32 $0x2;
	v58 =	vand.u32 $0xF8, v10;
	[sflag:s31] =	ssyncadd.s32 $0xFFFFE700  }
0x242: {  	v11 =	vmov s5;
	v8 =	vand.u32 $0x7, v10;
	v7 =	vadd.s32 v15, v58;
	_ =	swait.ge [sflag:s31], $0x200  }
0x243: {  	p0 =	seq.s32 s22, $0x0;
	v9 =	vand.u32 $0xF8, v11;
	v7 =	vor.u32 v8, v7;
	[sflag:s31] =	ssyncset.done $0x0  }
0x244: {  	s8 =	simm.s32 $0x4;
	v8 =	vadd.s32 v15, v9;
	v9 =	vand.u32 $0x7, v11;
	s0 =	simm.s32 @!p0 $0x6;
	[sflag:s31] =	ssyncadd.s32 $0xFFFFFE00  }
0x245: {  	v12 =	vmov s8;
	v8 =	vor.u32 v9, v8;
	_ =	swait.ge @!p0 [sflag:s0], $0x3200  }
0x246: {  	v9 =	vand.u32 $0xF8, v12;
	[sflag:s0] =	ssyncset.done @!p0 $0x0  }
0x247: {  	v13 =	vand.u32 $0x7, v12;
	v9 =	vadd.s32 v15, v9;
	[sflag:s0] =	ssyncadd.s32 @!p0 $0xFFFFCE00  }
0x248: {  	v23 =	vor.u32 v13, v9;
	v19 =	vld.idx.msk [tilespmem:v7+s30+$0x0], $0xffff  }
0x249: {  	v20 =	vld.idx.msk [tilespmem:v7+s10+$0x0], $0xffff  }
0x24a: {  	s9 =	simm.s32 $0x3;
	s2 =	simm.s32 $0xACE0;
	v18 =	vld.idx.msk [tilespmem:v8+s30+$0x0], $0xffff  }
0x24b: {  	s11 =	smul.u32 $0xC8, s22;
	v14 =	vmov s9;
	s5 =	simm.s32 $0xC5E0;
	s8 =	simm.s32 $0x7;
	v27 =	vld [tilespmem:s2+$0x60]  }
0x24c: {  	v5 =	vmul.u32 $0x2, v0;
	v16 =	vmov s8;
	s17 =	simm.s32 $0x6;
	v9 =	vand.u32 $0xF8, v14;
	v28 =	vld [tilespmem:s5+$0x60]  }
0x24d: {  	s28 =	smov.u32 s25;
	v17 =	vmov s17;
	s17 =	sadd.s32 $0x0, s21;
	s25 =	sadd.s32 s26, s11;
	v13 =	vand.u32 $0x7, v14;
	v9 =	vadd.s32 v15, v9;
	v30 =	vld.idx.msk [tilespmem:v23+s30+$0x0], $0xffff  }
0x24e: {  	v25 =	vshll.u32 v11, $0x7;
	s19 =	sadd.s32 $0x4, s17;
	s18 =	sshrl.u32 s25, $0x4;
	v9 =	vor.u32 v13, v9;
	v13 =	vmov s15;
	s0 =	simm.s32 $0xDEE0;
	v31 =	vld.idx.msk [tilespmem:v23+s10+$0x0], $0xffff  }
0x24f: {  	v6 =	vor.u32 $0x1, v5;
	v39 =	vshll.u32 v12, $0x7;
	s8 =	sshrl.u32 s19, $0x4;
	s1 =	smin.u32 s18, $0x2708;
	v21 =	vand.u32 $0x78, v13;
	v11 =	vld [tilespmem:s0+$0x60]  }
0x250: {  	v24 =	vshll.u32 v10, $0x7;
	s8 =	ssub.s32 s8, s1;
	v29 =	vand.u32 $0x7, v13;
	v10 =	vadd.s32 v15, v21;
	v32 =	vld.idx.msk [tilespmem:v23+s12+$0x0], $0xffff  }
0x251: {  	v4 =	vor.u32 $0x20, v5;
	v33 =	vand.u32 $0xF8, v16;
	s8 =	sshll.u32 s8, $0x8;
	v38 =	vor.u32 v29, v10;
	v10 =	vld [tilespmem:s2+$0xFFFFFF60]  }
0x252: {  	v3 =	vor.u32 $0x21, v5;
	v62 =	vor.u32 v6, v39;
	s9 =	sshra.s32 s8, $0x2;
	v23 =	vadd.s32 v15, v33;
	v12 =	vld [tilespmem:s5+$0xFFFFFF60]  }
0x253: {  	v34 =	vld [tilespmem:s9+$0x14240];
	v29 =	vshll.u32 v27, $0x10;
	v27 =	vand.u32 $0xFFFF0000, v27;
	v59 =	vshll.u32 v28, $0x10  }
0x254: {  	v35 =	vld [tilespmem:s2+$0xFFFFFFA0];
	v28 =	vand.u32 $0xFFFF0000, v28;
	v29 =	vmul.f32 v29, v30;
	v33 =	vmul.f32 v59, v31  }
0x255: {  	v37 =	vld [tilespmem:s5+$0xFFFFFFA0];
	v36 =	vshll.u32 v11, $0x10;
	v27 =	vmul.f32 v27, v30;
	v28 =	vmul.f32 v28, v31  }
0x256: {  	v40 =	vor.u32 v5, v24;
	v61 =	vld [tilespmem:s2+$0xFFFFFFE0];
	v60 =	vmul.f32 v36, v32;
	v29 =	vadd.f32 v33, v29  }
0x257: {  	v41 =	vld [tilespmem:s5+$0xFFFFFFE0];
	v11 =	vand.u32 $0xFFFF0000, v11;
	v27 =	vadd.f32 v28, v27;
	v28 =	vor.u32 v5, v39  }
0x258: {  	v22 =	vshll.u32 v13, $0x7;
	v43 =	vld [tilespmem:s2+$0x20];
	v11 =	vmul.f32 v11, v32;
	v29 =	vadd.f32 v60, v29  }
0x259: {  	v21 =	vshll.u32 v14, $0x7;
	v14 =	vand.u32 $0xF8, v17;
	v45 =	vld [tilespmem:s5+$0x20];
	v44 =	vshll.u32 v34, $0x10  }
0x25a: {  	v26 =	vadd.s32 v15, v14;
	v63 =	vld [tilespmem:s0+$0xFFFFFF60];
	v11 =	vadd.f32 v11, v27;
	v29 =	vsub.f32 v29, v44  }
0x25b: {  	v48 =	vld [tilespmem:s0+$0xFFFFFFA0];
	v42 =	vshll.u32 v10, $0x10;
	v10 =	vand.u32 $0xFFFF0000, v10;
	v27 =	vand.u32 $0xFFFF0000, v34  }
0x25c: {  	v46 =	vshll.u32 v12, $0x10;
	v11 =	vsub.f32 v11, v27;
	v27 =	vld.idx.msk [tilespmem:v8+s10+$0x0], $0xffff;
	[tilespmem:v28+s6+$0x0] =	vst.idx.msk $0xffff, v29;
	v28 =	vshll.u32 v61, $0x10  }
0x25d: {  	v47 =	vshll.u32 v37, $0x10;
	v29 =	vand.u32 $0xFFFF0000, v61;
	v57 =	vmul.f32 v28, v18;
	v28 =	vld.idx.msk [tilespmem:v9+s30+$0x0], $0xffff  }
0x25e: {  	v37 =	vand.u32 $0xFFFF0000, v37;
	v0 =	vshll.u32 v41, $0x10;
	[tilespmem:v62+s6+$0x0] =	vst.idx.msk $0xffff, v11;
	v60 =	vmul.f32 v29, v18;
	v29 =	vld.idx.msk [tilespmem:v9+s10+$0x0], $0xffff  }
0x25f: {  	v51 =	vshll.u32 v45, $0x10;
	v45 =	vand.u32 $0xFFFF0000, v45;
	v53 =	vshll.u32 v63, $0x10;
	v49 =	vld [tilespmem:s2+$0x70]  }
0x260: {  	v55 =	vand.u32 $0xFFFF0000, v63;
	v58 =	vshll.u32 v48, $0x10;
	v47 =	vmul.f32 v47, v20;
	v52 =	vld [tilespmem:s5+$0x70]  }
0x261: {  	v56 =	vmul.f32 v37, v20;
	v44 =	vand.u32 $0xFFFF0000, v12;
	v12 =	vshll.u32 v35, $0x10;
	v34 =	vld [tilespmem:s0+$0x70]  }
0x262: {  	v33 =	vand.u32 $0xFFFF0000, v41;
	v35 =	vand.u32 $0xFFFF0000, v35;
	v50 =	vmul.f32 v12, v19  }
0x263: {  	v41 =	vshll.u32 v43, $0x10;
	v54 =	vmul.f32 v35, v19;
	v59 =	vmul.f32 v0, v27  }
0x264: {  	v43 =	vand.u32 $0xFFFF0000, v43;
	v35 =	vld.idx.msk [tilespmem:v38+s10+$0x0], $0xffff;
	v61 =	vmul.f32 v33, v27;
	v41 =	vmul.f32 v41, v28  }
0x265: {  	v33 =	vld.idx.msk [tilespmem:v38+s30+$0x0], $0xffff;
	v51 =	vmul.f32 v51, v29;
	v1 =	vshll.u32 v49, $0x10;
	v2 =	vand.u32 $0xFFFF0000, v49  }
0x266: {  	v38 =	vld.idx.msk [tilespmem:v38+s12+$0x0], $0xffff;
	v63 =	vshll.u32 v52, $0x10;
	v0 =	vand.u32 $0xFFFF0000, v52;
	v62 =	vshll.u32 v34, $0x10  }
0x267: {  	v49 =	vld [tilespmem:s9+$0x14250];
	v34 =	vand.u32 $0xFFFF0000, v34;
	v1 =	vmul.f32 v1, v30;
	v36 =	vmul.f32 v63, v31  }
0x268: {  	v52 =	vor.u32 v3, v39;
	v63 =	vmul.f32 v2, v30;
	v37 =	vmul.f32 v0, v31  }
0x269: {  	v2 =	vmul.f32 v62, v32;
	v34 =	vmul.f32 v34, v32;
	v36 =	vadd.f32 v36, v1  }
0x26a: {  	v62 =	vor.u32 v4, v39;
	v10 =	vmul.f32 v10, v33;
	v37 =	vadd.f32 v37, v63  }
0x26b: {  	v0 =	vld [tilespmem:s0+$0x20];
	v41 =	vadd.f32 v51, v41;
	v53 =	vmul.f32 v53, v38;
	v36 =	vadd.f32 v2, v36  }
0x26c: {  	v55 =	vmul.f32 v55, v38;
	v63 =	vld [tilespmem:s0+$0xFFFFFFE0];
	v1 =	vshll.u32 v49, $0x10;
	v2 =	vadd.f32 v34, v37  }
0x26d: {  	v37 =	vld.idx.msk [tilespmem:v7+s12+$0x0], $0xffff;
	v7 =	vmul.f32 v43, v28;
	v49 =	vand.u32 $0xFFFF0000, v49;
	v1 =	vsub.f32 v36, v1  }
0x26e: {  	v34 =	vld.idx.msk [tilespmem:v8+s12+$0x0], $0xffff;
	v8 =	vmul.f32 v42, v33;
	v43 =	vmul.f32 v46, v35;
	v2 =	vsub.f32 v2, v49  }
0x26f: {  	v11 =	vor.u32 $0x40, v5;
	v42 =	vmul.f32 v45, v29;
	v49 =	vadd.f32 v56, v54;
	[tilespmem:v62+s6+$0x0] =	vst.idx.msk $0xffff, v1  }
0x270: {  	v36 =	vld.idx.msk [tilespmem:v9+s12+$0x0], $0xffff;
	v54 =	vadd.f32 v61, v60;
	v8 =	vadd.f32 v43, v8;
	[tilespmem:v52+s6+$0x0] =	vst.idx.msk $0xffff, v2  }
0x271: {  	v45 =	vand.u32 $0xFFFF0000, v48;
	v7 =	vadd.f32 v42, v7;
	v2 =	vadd.f32 v47, v50;
	v47 =	vld [tilespmem:s2+$0x80]  }
0x272: {  	v9 =	vshll.u32 v63, $0x10;
	v1 =	vmul.f32 v44, v35;
	v44 =	vand.u32 $0xFFFF0000, v63;
	v52 =	vld [tilespmem:s5+$0x80]  }
0x273: {  	v63 =	vshll.u32 v0, $0x10;
	v0 =	vand.u32 $0xFFFF0000, v0;
	v48 =	vmul.f32 v58, v37  }
0x274: {  	v50 =	vadd.f32 v59, v57;
	v45 =	vmul.f32 v45, v37;
	v43 =	vmul.f32 v9, v34;
	v62 =	vld [tilespmem:s0+$0x80]  }
0x275: {  	v44 =	vmul.f32 v44, v34;
	v9 =	vor.u32 $0x41, v5;
	v1 =	vadd.f32 v1, v10  }
0x276: {  	s26 =	sadd.s32 $0x1, s17;
	v46 =	vmul.f32 v63, v36;
	v0 =	vmul.f32 v0, v36;
	v2 =	vadd.f32 v48, v2  }
0x277: {  	s18 =	sadd.s32 $0x2, s17;
	s8 =	sshrl.u32 s26, $0x4;
	v63 =	vshll.u32 v47, $0x10;
	v47 =	vand.u32 $0xFFFF0000, v47;
	v60 =	vshll.u32 v52, $0x10  }
0x278: {  	s18 =	sshrl.u32 s18, $0x4;
	s8 =	ssub.s32 s8, s1;
	v57 =	vld [tilespmem:s9+$0x14260];
	v52 =	vand.u32 $0xFFFF0000, v52;
	v51 =	vmul.f32 v63, v30;
	v56 =	vmul.f32 v60, v31  }
0x279: {  	s19 =	sadd.s32 $0x3, s17;
	s18 =	ssub.s32 s18, s1;
	s8 =	sshll.u32 s8, $0x8;
	v61 =	vshll.u32 v62, $0x10;
	v47 =	vmul.f32 v47, v30;
	v52 =	vmul.f32 v52, v31  }
0x27a: {  	s19 =	sshrl.u32 s19, $0x4;
	s18 =	sshll.u32 s18, $0x8;
	s8 =	sshra.s32 s8, $0x2;
	v42 =	vand.u32 $0xFFFF0000, v62;
	v62 =	vmul.f32 v61, v32;
	v51 =	vadd.f32 v56, v51  }
0x27b: {  	s19 =	ssub.s32 s19, s1;
	s31 =	sshra.s32 s18, $0x2;
	v59 =	vld [tilespmem:s8+$0x14240];
	v42 =	vmul.f32 v42, v32;
	v47 =	vadd.f32 v52, v47;
	v52 =	vor.u32 v11, v39  }
0x27c: {  	s17 =	sshrl.u32 s17, $0x4;
	s29 =	sshll.u32 s19, $0x8;
	v58 =	vld [tilespmem:s31+$0x14240];
	v45 =	vadd.f32 v45, v49;
	v56 =	vor.u32 v9, v39;
	v51 =	vadd.f32 v62, v51  }
0x27d: {  	s17 =	ssub.s32 s17, s1;
	s11 =	sshra.s32 s29, $0x2;
	v43 =	vadd.f32 v43, v50;
	v61 =	vshll.u32 v57, $0x10;
	v42 =	vadd.f32 v42, v47  }
0x27e: {  	s17 =	sshll.u32 s17, $0x8;
	v44 =	vadd.f32 v44, v54;
	v60 =	vld [tilespmem:s11+$0x14240];
	v63 =	vand.u32 $0xFFFF0000, v57;
	v51 =	vsub.f32 v51, v61  }
0x27f: {  	s17 =	sshra.s32 s17, $0x2;
	v48 =	vor.u32 v6, v22;
	v1 =	vadd.f32 v55, v1;
	v42 =	vsub.f32 v42, v63  }
0x280: {  	v10 =	vor.u32 $0x61, v5;
	v41 =	vadd.f32 v46, v41;
	v0 =	vadd.f32 v0, v7;
	v47 =	vld [tilespmem:s17+$0x14240];
	[tilespmem:v52+s6+$0x0] =	vst.idx.msk $0xffff, v51  }
0x281: {  	v7 =	vor.u32 $0x60, v5;
	v57 =	vshll.u32 v59, $0x10;
	v63 =	vshll.u32 v58, $0x10;
	[tilespmem:v56+s6+$0x0] =	vst.idx.msk $0xffff, v42  }
0x282: {  	v62 =	vand.u32 $0xFFFF0000, v59;
	v43 =	vsub.f32 v43, v63;
	v63 =	vor.u32 v6, v24;
	v42 =	vld [tilespmem:s2+$0x90]  }
0x283: {  	v2 =	vsub.f32 v2, v57;
	v59 =	vshll.u32 v60, $0x10;
	v45 =	vsub.f32 v45, v62;
	v52 =	vld [tilespmem:s5+$0x90]  }
0x284: {  	v61 =	vand.u32 $0xFFFF0000, v60;
	v50 =	vsub.f32 v41, v59;
	v56 =	vadd.f32 v53, v8;
	v62 =	vld [tilespmem:s0+$0x90]  }
0x285: {  	[tilespmem:v40+s6+$0x0] =	vst.idx.msk $0xffff, v2;
	v8 =	vand.u32 $0xFFFF0000, v58;
	v58 =	vshll.u32 v47, $0x10;
	v47 =	vand.u32 $0xFFFF0000, v47;
	v59 =	vld [tilespmem:s9+$0x14270]  }
0x286: {  	v40 =	vor.u32 v7, v39;
	v0 =	vsub.f32 v0, v61;
	v1 =	vsub.f32 v1, v47  }
0x287: {  	v46 =	vsub.f32 v56, v58;
	[tilespmem:v63+s6+$0x0] =	vst.idx.msk $0xffff, v45;
	v63 =	vor.u32 v5, v25;
	v57 =	vshll.u32 v42, $0x10  }
0x288: {  	v42 =	vand.u32 $0xFFFF0000, v42;
	v58 =	vshll.u32 v52, $0x10;
	v52 =	vand.u32 $0xFFFF0000, v52  }
0x289: {  	v47 =	vld [tilespmem:s0+$0xFFFFFFB0];
	v60 =	vshll.u32 v62, $0x10;
	v61 =	vand.u32 $0xFFFF0000, v62;
	v41 =	vmul.f32 v57, v30  }
0x28a: {  	v56 =	vshll.u32 v59, $0x10;
	v51 =	vmul.f32 v58, v31;
	v30 =	vmul.f32 v42, v30  }
0x28b: {  	v62 =	vld [tilespmem:s5+$0xFFFFFFB0];
	v31 =	vmul.f32 v52, v31;
	v2 =	vmul.f32 v60, v32;
	v58 =	vor.u32 v5, v21  }
0x28c: {  	v45 =	vld [tilespmem:s2+$0xFFFFFFB0];
	[tilespmem:$0x1FF30] =	vst v6;
	v57 =	vand.u32 $0xFFFF0000, v59;
	v59 =	vor.u32 v6, v21;
	v60 =	vor.u32 v5, v22  }
0x28d: {  	[tilespmem:$0x1FF40] =	vst v5;
	v41 =	vadd.f32 v51, v41;
	v30 =	vadd.f32 v31, v30;
	v31 =	vmul.f32 v61, v32  }
0x28e: {  	v39 =	vor.u32 v10, v39;
	v44 =	vsub.f32 v44, v8;
	[tilespmem:v63+s6+$0x0] =	vst.idx.msk $0xffff, v43;
	v63 =	vand.u32 $0xFFFF0000, v47  }
0x28f: {  	v43 =	vmul.f32 v63, v37;
	v2 =	vadd.f32 v2, v41;
	v30 =	vadd.f32 v31, v30  }
0x290: {  	v53 =	vld [tilespmem:s8+$0x14250];
	v31 =	vor.u32 v6, v25;
	v61 =	vshll.u32 v62, $0x10;
	v32 =	vand.u32 $0xFFFF0000, v62;
	[tilespmem:v58+s6+$0x0] =	vst.idx.msk $0xffff, v50  }
0x291: {  	v54 =	vmul.f32 v61, v20;
	v32 =	vmul.f32 v32, v20;
	[tilespmem:v59+s6+$0x0] =	vst.idx.msk $0xffff, v0  }
0x292: {  	[tilespmem:v60+s6+$0x0] =	vst.idx.msk $0xffff, v46;
	v41 =	vsub.f32 v30, v57;
	v30 =	vshll.u32 v45, $0x10;
	v45 =	vand.u32 $0xFFFF0000, v45;
	v57 =	vld [tilespmem:s2+$0x30]  }
0x293: {  	v62 =	vshll.u32 v47, $0x10;
	[tilespmem:v48+s6+$0x0] =	vst.idx.msk $0xffff, v1;
	v30 =	vmul.f32 v30, v19;
	v45 =	vmul.f32 v45, v19;
	v60 =	vld [tilespmem:s5+$0x30]  }
0x294: {  	v5 =	vmul.f32 v62, v37;
	v46 =	vor.u32 v3, v22;
	v50 =	vor.u32 v4, v25;
	v51 =	vld [tilespmem:s5+$0xFFFFFF70]  }
0x295: {  	v58 =	vand.u32 $0xFFFF0000, v53;
	[tilespmem:v31+s6+$0x0] =	vst.idx.msk $0xffff, v44;
	v31 =	vadd.f32 v54, v30;
	v32 =	vadd.f32 v32, v45  }
0x296: {  	v42 =	vsub.f32 v2, v56;
	v2 =	vor.u32 v4, v22;
	v56 =	vshll.u32 v53, $0x10  }
0x297: {  	v48 =	vld [tilespmem:s2+$0xFFFFFF70];
	v31 =	vadd.f32 v5, v31;
	v59 =	vadd.f32 v43, v32;
	v32 =	vor.u32 v4, v24  }
0x298: {  	v44 =	vld [tilespmem:s2+$0xFFFFFFF0];
	v63 =	vshll.u32 v57, $0x10;
	v47 =	vand.u32 $0xFFFF0000, v57;
	v43 =	vand.u32 $0xFFFF0000, v60  }
0x299: {  	v6 =	vld [tilespmem:s5+$0xFFFFFFF0];
	v5 =	vshll.u32 v51, $0x10;
	v51 =	vand.u32 $0xFFFF0000, v51;
	v0 =	vsub.f32 v31, v56  }
0x29a: {  	v53 =	vld [tilespmem:s0+$0xFFFFFFF0];
	v31 =	vor.u32 v3, v24;
	v1 =	vsub.f32 v59, v58;
	v54 =	vmul.f32 v63, v28  }
0x29b: {  	v56 =	vshll.u32 v60, $0x10;
	v47 =	vmul.f32 v47, v28;
	v43 =	vmul.f32 v43, v29  }
0x29c: {  	v58 =	vshll.u32 v48, $0x10;
	v59 =	vmul.f32 v5, v35;
	v51 =	vmul.f32 v51, v35  }
0x29d: {  	v55 =	vld [tilespmem:s0+$0x30];
	v48 =	vand.u32 $0xFFFF0000, v48;
	v56 =	vmul.f32 v56, v29;
	v58 =	vmul.f32 v58, v33  }
0x29e: {  	v48 =	vmul.f32 v48, v33;
	v61 =	vshll.u32 v44, $0x10;
	v44 =	vand.u32 $0xFFFF0000, v44  }
0x29f: {  	v57 =	vld [tilespmem:s0+$0xFFFFFF70];
	v62 =	vshll.u32 v6, $0x10;
	v45 =	vand.u32 $0xFFFF0000, v6;
	v6 =	vshll.u32 v53, $0x10  }
0x2a0: {  	v53 =	vand.u32 $0xFFFF0000, v53;
	v49 =	vmul.f32 v61, v18;
	v52 =	vmul.f32 v62, v27  }
0x2a1: {  	v43 =	vadd.f32 v43, v47;
	v44 =	vmul.f32 v44, v18;
	v45 =	vmul.f32 v45, v27  }
0x2a2: {  	v61 =	vshll.u32 v55, $0x10;
	v55 =	vand.u32 $0xFFFF0000, v55;
	v54 =	vadd.f32 v56, v54  }
0x2a3: {  	v47 =	vld [tilespmem:s17+$0x14250];
	v5 =	vmul.f32 v6, v34;
	v6 =	vadd.f32 v59, v58;
	v48 =	vadd.f32 v51, v48  }
0x2a4: {  	[tilespmem:v32+s6+$0x0] =	vst.idx.msk $0xffff, v0;
	v0 =	vld [tilespmem:s31+$0x14250];
	v58 =	vmul.f32 v53, v34;
	v62 =	vshll.u32 v57, $0x10;
	v59 =	vmul.f32 v61, v36  }
0x2a5: {  	v60 =	vmul.f32 v55, v36;
	v49 =	vadd.f32 v52, v49;
	v44 =	vadd.f32 v45, v44  }
0x2a6: {  	v63 =	vand.u32 $0xFFFF0000, v57;
	v45 =	vld [tilespmem:s11+$0x14250];
	v61 =	vmul.f32 v62, v38;
	[tilespmem:v31+s6+$0x0] =	vst.idx.msk $0xffff, v1;
	v31 =	vadd.f32 v59, v54  }
0x2a7: {  	v32 =	vmul.f32 v63, v38;
	v43 =	vadd.f32 v60, v43;
	v49 =	vadd.f32 v5, v49  }
0x2a8: {  	v59 =	vor.u32 v3, v25;
	v44 =	vadd.f32 v58, v44;
	v63 =	vadd.f32 v61, v6  }
0x2a9: {  	v51 =	vld [tilespmem:s2+$0xFFFFFFC0];
	v32 =	vadd.f32 v32, v48;
	v6 =	vshll.u32 v47, $0x10;
	v62 =	vshll.u32 v0, $0x10  }
0x2aa: {  	v5 =	vld [tilespmem:s5+$0xFFFFFFC0];
	v47 =	vand.u32 $0xFFFF0000, v47;
	v0 =	vand.u32 $0xFFFF0000, v0;
	v1 =	vsub.f32 v49, v62  }
0x2ab: {  	v58 =	vld [tilespmem:s0+$0xFFFFFFC0];
	v0 =	vsub.f32 v44, v0;
	v57 =	vshll.u32 v45, $0x10;
	v45 =	vand.u32 $0xFFFF0000, v45  }
0x2ac: {  	v61 =	vor.u32 v4, v21;
	v60 =	vsub.f32 v63, v6;
	v43 =	vsub.f32 v43, v45;
	v45 =	vld [tilespmem:s8+$0x14260];
	[tilespmem:$0x1FF50] =	vst v4  }
0x2ad: {  	v32 =	vsub.f32 v32, v47;
	v63 =	vor.u32 v3, v21;
	[tilespmem:v50+s6+$0x0] =	vst.idx.msk $0xffff, v1  }
0x2ae: {  	v31 =	vsub.f32 v31, v57;
	v62 =	vshll.u32 v51, $0x10;
	v51 =	vand.u32 $0xFFFF0000, v51;
	[tilespmem:$0x1FF60] =	vst v3  }
0x2af: {  	v4 =	vshll.u32 v5, $0x10;
	v48 =	vand.u32 $0xFFFF0000, v5;
	v5 =	vmul.f32 v62, v19;
	[tilespmem:v2+s6+$0x0] =	vst.idx.msk $0xffff, v60  }
0x2b0: {  	v54 =	vmul.f32 v51, v19;
	v48 =	vmul.f32 v48, v20;
	[tilespmem:v59+s6+$0x0] =	vst.idx.msk $0xffff, v0  }
0x2b1: {  	v57 =	vand.u32 $0xFFFF0000, v58;
	v1 =	vor.u32 v9, v22;
	v2 =	vmul.f32 v4, v20;
	[tilespmem:v61+s6+$0x0] =	vst.idx.msk $0xffff, v31;
	v60 =	vld [tilespmem:s2+$0x0]  }
0x2b2: {  	v6 =	vshll.u32 v58, $0x10;
	v59 =	vmul.f32 v57, v37;
	[tilespmem:v46+s6+$0x0] =	vst.idx.msk $0xffff, v32;
	v46 =	vadd.f32 v48, v54;
	v61 =	vld [tilespmem:s5+$0x0]  }
0x2b3: {  	s26 =	simm.s32 $0x8;
	v31 =	vor.u32 v11, v22;
	v32 =	vmul.f32 v6, v37;
	v6 =	vld [tilespmem:s0+$0x0];
	v2 =	vadd.f32 v2, v5  }
0x2b4: {  	v30 =	vmov s26;
	[tilespmem:v63+s6+$0x0] =	vst.idx.msk $0xffff, v43;
	v48 =	vor.u32 v11, v25;
	v56 =	vld [tilespmem:s2+$0xFFFFFF80];
	v44 =	vadd.f32 v59, v46  }
0x2b5: {  	v58 =	vshll.u32 v45, $0x10;
	v45 =	vand.u32 $0xFFFF0000, v45;
	v43 =	vld [tilespmem:s2+$0x40];
	v2 =	vadd.f32 v32, v2  }
0x2b6: {  	v46 =	vor.u32 v9, v24;
	v32 =	vor.u32 v11, v24;
	v44 =	vsub.f32 v44, v45  }
0x2b7: {  	v62 =	vld [tilespmem:s5+$0x40];
	v0 =	vsub.f32 v2, v58;
	v5 =	vshll.u32 v60, $0x10;
	v49 =	vand.u32 $0xFFFF0000, v60  }
0x2b8: {  	v53 =	vld [tilespmem:s5+$0xFFFFFF80];
	v63 =	vshll.u32 v61, $0x10;
	v47 =	vand.u32 $0xFFFF0000, v61;
	v61 =	vshll.u32 v6, $0x10  }
0x2b9: {  	v54 =	vand.u32 $0xFFFF0000, v6;
	v4 =	vshll.u32 v56, $0x10;
	v50 =	vand.u32 $0xFFFF0000, v56  }
0x2ba: {  	v52 =	vmul.f32 v5, v18;
	v55 =	vmul.f32 v63, v27;
	v3 =	vshll.u32 v43, $0x10  }
0x2bb: {  	v43 =	vand.u32 $0xFFFF0000, v43;
	v49 =	vmul.f32 v49, v18;
	v47 =	vmul.f32 v47, v27  }
0x2bc: {  	v51 =	vand.u32 $0xFFFF0000, v62;
	v2 =	vmul.f32 v4, v33;
	v57 =	vmul.f32 v3, v28  }
0x2bd: {  	v58 =	vld [tilespmem:s0+$0xFFFFFF80];
	v5 =	vshll.u32 v53, $0x10;
	v43 =	vmul.f32 v43, v28;
	v51 =	vmul.f32 v51, v29  }
0x2be: {  	v53 =	vand.u32 $0xFFFF0000, v53;
	v60 =	vmul.f32 v5, v35;
	v50 =	vmul.f32 v50, v33  }
0x2bf: {  	v56 =	vld [tilespmem:s0+$0x40];
	v4 =	vshll.u32 v62, $0x10;
	v53 =	vmul.f32 v53, v35;
	v5 =	vmul.f32 v54, v34  }
0x2c0: {  	v59 =	vmul.f32 v4, v29;
	v52 =	vadd.f32 v55, v52;
	v47 =	vadd.f32 v47, v49  }
0x2c1: {  	v3 =	vld [tilespmem:s31+$0x14260];
	v4 =	vmul.f32 v61, v34;
	v55 =	vor.u32 v10, v21;
	v43 =	vadd.f32 v51, v43  }
0x2c2: {  	v49 =	vld [tilespmem:s11+$0x14260];
	[tilespmem:v32+s6+$0x0] =	vst.idx.msk $0xffff, v0;
	v2 =	vadd.f32 v60, v2;
	v50 =	vadd.f32 v53, v50;
	v63 =	vshll.u32 v58, $0x10  }
0x2c3: {  	v51 =	vld [tilespmem:s17+$0x14260];
	[tilespmem:$0x1FF70] =	vst v11;
	v58 =	vand.u32 $0xFFFF0000, v58;
	v57 =	vadd.f32 v59, v57;
	v52 =	vadd.f32 v4, v52  }
0x2c4: {  	v47 =	vadd.f32 v5, v47;
	[tilespmem:v46+s6+$0x0] =	vst.idx.msk $0xffff, v44;
	v44 =	vor.u32 v7, v22;
	v6 =	vshll.u32 v56, $0x10  }
0x2c5: {  	v56 =	vand.u32 $0xFFFF0000, v56;
	v61 =	vmul.f32 v63, v38;
	v58 =	vmul.f32 v58, v38  }
0x2c6: {  	v6 =	vmul.f32 v6, v36;
	v60 =	vmul.f32 v56, v36;
	v62 =	vshll.u32 v3, $0x10  }
0x2c7: {  	v3 =	vand.u32 $0xFFFF0000, v3;
	v2 =	vadd.f32 v61, v2;
	v50 =	vadd.f32 v58, v50  }
0x2c8: {  	v56 =	vsub.f32 v52, v62;
	v3 =	vsub.f32 v47, v3;
	v47 =	vor.u32 v11, v21  }
0x2c9: {  	[tilespmem:$0x1FF80] =	vst v9;
	v58 =	vor.u32 v9, v21;
	v54 =	vadd.f32 v6, v57;
	v57 =	vor.u32 v9, v25  }
0x2ca: {  	v53 =	vld [tilespmem:s0+$0xFFFFFFD0];
	v43 =	vadd.f32 v60, v43;
	v63 =	vshll.u32 v51, $0x10;
	v6 =	vshll.u32 v49, $0x10  }
0x2cb: {  	v62 =	vld [tilespmem:s5+$0xFFFFFFD0];
	v51 =	vand.u32 $0xFFFF0000, v51;
	v0 =	vsub.f32 v2, v63;
	v32 =	vsub.f32 v54, v6  }
0x2cc: {  	v61 =	vld [tilespmem:s2+$0xFFFFFFD0];
	v49 =	vand.u32 $0xFFFF0000, v49;
	v60 =	vsub.f32 v50, v51;
	[tilespmem:v48+s6+$0x0] =	vst.idx.msk $0xffff, v56;
	v48 =	vor.u32 v7, v24  }
0x2cd: {  	v24 =	vor.u32 v10, v24;
	v63 =	vand.u32 $0x7, v16;
	v59 =	vsub.f32 v43, v49;
	[tilespmem:v47+s6+$0x0] =	vst.idx.msk $0xffff, v32  }
0x2ce: {  	v43 =	vor.u32 v10, v22;
	v22 =	vand.u32 $0x7, v17;
	v6 =	vand.u32 $0xF8, v30;
	[tilespmem:v57+s6+$0x0] =	vst.idx.msk $0xffff, v3  }
0x2cf: {  	v50 =	vshll.u32 v53, $0x10;
	v47 =	vor.u32 v7, v21;
	v32 =	vor.u32 v22, v26;
	v57 =	vld [tilespmem:s2+$0x10];
	[tilespmem:$0x1FF90] =	vst v7  }
0x2d0: {  	v26 =	vshll.u32 v62, $0x10;
	v45 =	vand.u32 $0xFFFF0000, v62;
	v3 =	vor.u32 v7, v25;
	v22 =	vld [tilespmem:s5+$0x10];
	[tilespmem:v58+s6+$0x0] =	vst.idx.msk $0xffff, v59  }
0x2d1: {  	v25 =	vor.u32 v10, v25;
	[tilespmem:v31+s6+$0x0] =	vst.idx.msk $0xffff, v0;
	v31 =	vor.u32 v63, v23;
	v58 =	vshll.u32 v61, $0x10;
	v63 =	vld [tilespmem:s0+$0x10]  }
0x2d2: {  	v26 =	vmul.f32 v26, v20;
	v59 =	vand.u32 $0xFFFF0000, v61;
	v23 =	vld [tilespmem:s2+$0x50];
	v2 =	vmul.f32 v58, v19  }
0x2d3: {  	v21 =	vand.u32 $0x7, v30;
	[tilespmem:v1+s6+$0x0] =	vst.idx.msk $0xffff, v60;
	v46 =	vld [tilespmem:s5+$0x50];
	v1 =	vmul.f32 v59, v19;
	v19 =	vmul.f32 v45, v20  }
0x2d4: {  	v0 =	vadd.s32 v15, v6;
	v49 =	vld [tilespmem:s2+$0xFFFFFF90];
	v2 =	vadd.f32 v26, v2;
	v26 =	vmul.f32 v50, v37  }
0x2d5: {  	v51 =	vld [tilespmem:s5+$0xFFFFFF90];
	v1 =	vadd.f32 v19, v1;
	v20 =	vshll.u32 v57, $0x10;
	v60 =	vand.u32 $0xFFFF0000, v57  }
0x2d6: {  	v61 =	vshll.u32 v22, $0x10;
	v22 =	vand.u32 $0xFFFF0000, v22;
	v20 =	vmul.f32 v20, v18  }
0x2d7: {  	v18 =	vmul.f32 v60, v18;
	v2 =	vadd.f32 v26, v2;
	v52 =	vmul.f32 v61, v27  }
0x2d8: {  	v5 =	vld [tilespmem:s0+$0x50];
	v62 =	vshll.u32 v23, $0x10;
	v23 =	vand.u32 $0xFFFF0000, v23;
	v4 =	vshll.u32 v46, $0x10  }
0x2d9: {  	v7 =	vld [tilespmem:s0+$0xFFFFFF90];
	v46 =	vand.u32 $0xFFFF0000, v46;
	v22 =	vmul.f32 v22, v27;
	v61 =	vshll.u32 v63, $0x10  }
0x2da: {  	v6 =	vshll.u32 v49, $0x10;
	v49 =	vand.u32 $0xFFFF0000, v49;
	v27 =	vshll.u32 v51, $0x10  }
0x2db: {  	v54 =	vmul.f32 v62, v28;
	v51 =	vand.u32 $0xFFFF0000, v51;
	v45 =	vmul.f32 v4, v29  }
0x2dc: {  	v23 =	vmul.f32 v23, v28;
	v28 =	vand.u32 $0xFFFF0000, v53;
	v29 =	vmul.f32 v46, v29  }
0x2dd: {  	v62 =	vand.u32 $0xFFFF0000, v63;
	v63 =	vshll.u32 v5, $0x10;
	v4 =	vand.u32 $0xFFFF0000, v5  }
0x2de: {  	v50 =	vld [tilespmem:s31+$0x14270];
	v5 =	vshll.u32 v7, $0x10;
	v60 =	vmul.f32 v6, v33;
	v27 =	vmul.f32 v27, v35  }
0x2df: {  	v33 =	vmul.f32 v49, v33;
	v35 =	vmul.f32 v51, v35;
	v6 =	vand.u32 $0xFFFF0000, v7  }
0x2e0: {  	v19 =	vadd.f32 v52, v20;
	v20 =	vmul.f32 v28, v37;
	v7 =	vmul.f32 v61, v34  }
0x2e1: {  	v18 =	vadd.f32 v22, v18;
	v49 =	vmul.f32 v62, v34;
	v51 =	vmul.f32 v63, v36  }
0x2e2: {  	v22 =	vld [tilespmem:s8+$0x14270];
	v52 =	vmul.f32 v5, v38;
	v26 =	vmul.f32 v4, v36;
	v28 =	vadd.f32 v45, v54  }
0x2e3: {  	v56 =	vld [tilespmem:s17+$0x14270];
	v57 =	vand.u32 $0xFFFF0000, v50;
	v23 =	vadd.f32 v29, v23;
	v27 =	vadd.f32 v27, v60  }
0x2e4: {  	v53 =	vmul.f32 v6, v38;
	v29 =	vadd.f32 v35, v33;
	v19 =	vadd.f32 v7, v19  }
0x2e5: {  	[tilespmem:v40+s6+$0x0] =	vst.idx.msk $0xffff, v42;
	v18 =	vadd.f32 v49, v18;
	v26 =	vadd.f32 v26, v23;
	v23 =	vshll.u32 v50, $0x10  }
0x2e6: {  	v1 =	vadd.f32 v20, v1;
	v20 =	vld [tilespmem:s11+$0x14270];
	v35 =	vor.u32 v21, v0;
	v19 =	vsub.f32 v19, v23  }
0x2e7: {  	[tilespmem:v39+s6+$0x0] =	vst.idx.msk $0xffff, v41;
	v27 =	vadd.f32 v52, v27;
	v0 =	vsub.f32 v18, v57;
	v54 =	vshll.u32 v22, $0x10  }
0x2e8: {  	s17 =	simm.s32 $0xAE20;
	v61 =	vand.u32 $0xFFFF0000, v56;
	v21 =	vld.idx.msk [tilespmem:v31+s30+$0x0], $0xffff;
	v60 =	vshll.u32 v56, $0x10;
	v2 =	vsub.f32 v2, v54;
	[tilespmem:v3+s6+$0x0] =	vst.idx.msk $0xffff, v19  }
0x2e9: {  	v45 =	vld [tilespmem:s17+$0x60];
	v29 =	vadd.f32 v53, v29;
	v22 =	vand.u32 $0xFFFF0000, v22;
	v3 =	vsub.f32 v27, v60;
	[tilespmem:v25+s6+$0x0] =	vst.idx.msk $0xffff, v0  }
0x2ea: {  	v28 =	vadd.f32 v51, v28;
	v23 =	vld.idx.msk [tilespmem:v32+s10+$0x0], $0xffff;
	v1 =	vsub.f32 v1, v22;
	[tilespmem:v48+s6+$0x0] =	vst.idx.msk $0xffff, v2  }
0x2eb: {  	s29 =	simm.s32 $0x9;
	v22 =	vld.idx.msk [tilespmem:v32+s30+$0x0], $0xffff;
	v58 =	vshll.u32 v20, $0x10;
	v0 =	vsub.f32 v29, v61;
	[tilespmem:v44+s6+$0x0] =	vst.idx.msk $0xffff, v3  }
0x2ec: {  	v37 =	vmov s29;
	v59 =	vand.u32 $0xFFFF0000, v20;
	v20 =	vld.idx.msk [tilespmem:v31+s10+$0x0], $0xffff;
	v2 =	vsub.f32 v28, v58;
	[tilespmem:v24+s6+$0x0] =	vst.idx.msk $0xffff, v1  }
0x2ed: {  	v62 =	vand.u32 $0xF8, v37;
	v19 =	vld.idx.msk [tilespmem:v35+s30+$0x0], $0xffff;
	v1 =	vsub.f32 v26, v59;
	[tilespmem:v43+s6+$0x0] =	vst.idx.msk $0xffff, v0  }
0x2ee: {  	s19 =	simm.s32 $0x5;
	s18 =	simm.s32 $0xC720;
	s31 =	smin.u32 s16, $0x2F;
	v63 =	vand.u32 $0x7, v37;
	v18 =	vld.idx.msk [tilespmem:v35+s10+$0x0], $0xffff;
	[tilespmem:v47+s6+$0x0] =	vst.idx.msk $0xffff, v2;
	v2 =	vadd.s32 v15, v62  }
0x2ef: {  	s26 =	simm.s32 $0xA;
	s16 =	sadd.s32 $0x2, s31;
	v44 =	vld [tilespmem:s18+$0x60];
	v24 =	vmov s19;
	[tilespmem:v55+s6+$0x0] =	vst.idx.msk $0xffff, v1;
	v27 =	vor.u32 v63, v2  }
.LBB2_7:
0x2f0: {  	_ =	sdelay $0x3  }
0x2f1: {  	s5 =	sadd.s32 $0x2, s26;
	v39 =	vld.idx.msk [tilespmem:v27+s30+$0x0], $0xffff;
	s11 =	sadd.s32 s19, s21  }
0x2f2: {  	v0 =	vand.u32 $0x78, v24;
	v1 =	vand.u32 $0x7, v24;
	v40 =	vld.idx.msk [tilespmem:v27+s10+$0x0], $0xffff;
	s0 =	sadd.s32 $0x140, s0;
	v2 =	vmov s5;
	s9 =	sadd.s32 $0x4, s11  }
0x2f3: {  	s2 =	sadd.s32 $0x1, s26;
	v26 =	vshll.u32 v24, $0x7;
	v25 =	vshll.u32 v17, $0x7;
	v28 =	vshll.u32 v16, $0x7;
	v3 =	vld [tilespmem:s0+$0x60];
	v16 =	vmovc v2;
	s9 =	sshrl.u32 s9, $0x4  }
0x2f4: {  	v24 =	vshll.u32 v30, $0x7;
	v30 =	vld.idx.msk [tilespmem:v27+s12+$0x0], $0xffff;
	v17 =	vmov s2;
	v33 =	vand.u32 $0xF8, v16;
	s9 =	ssub.s32 s9, s1  }
0x2f5: {  	v12 =	vld [tilespmem:$0x1FF40];
	v41 =	vshll.u32 v37, $0x7;
	v62 =	vand.u32 $0xF8, v17;
	v27 =	vadd.s32 v15, v33;
	s9 =	sshll.u32 s9, $0x8  }
0x2f6: {  	v13 =	vld [tilespmem:$0x1FF30];
	v55 =	vshll.u32 v45, $0x10;
	v34 =	vand.u32 $0xFFFF0000, v45;
	v36 =	vshll.u32 v44, $0x10;
	s9 =	sshra.s32 s9, $0x2  }
0x2f7: {  	v56 =	vand.u32 $0xFFFF0000, v44;
	v33 =	vmul.f32 v55, v39;
	v36 =	vmul.f32 v36, v40;
	v43 =	vld [tilespmem:s9+$0x14240]  }
0x2f8: {  	v34 =	vmul.f32 v34, v39;
	v37 =	vmul.f32 v56, v40;
	v58 =	vshll.u32 v3, $0x10  }
0x2f9: {  	v3 =	vand.u32 $0xFFFF0000, v3;
	v33 =	vadd.f32 v36, v33;
	v59 =	vmul.f32 v58, v30  }
0x2fa: {  	v63 =	vld [tilespmem:s17+$0xFFFFFF60];
	v61 =	vor.u32 v12, v41;
	v34 =	vadd.f32 v37, v34;
	v3 =	vmul.f32 v3, v30  }
0x2fb: {  	v6 =	vld [tilespmem:s18+$0xFFFFFF60];
	v29 =	vadd.s32 v15, v62;
	v62 =	vor.u32 v13, v41;
	v33 =	vadd.f32 v59, v33  }
0x2fc: {  	v7 =	vld [tilespmem:s17+$0xFFFFFFA0];
	v3 =	vadd.f32 v3, v34;
	v50 =	vshll.u32 v43, $0x10  }
0x2fd: {  	v57 =	vld [tilespmem:s18+$0xFFFFFFA0];
	v43 =	vand.u32 $0xFFFF0000, v43;
	v33 =	vsub.f32 v33, v50  }
0x2fe: {  	v46 =	vld [tilespmem:s17+$0xFFFFFFE0];
	v3 =	vsub.f32 v3, v43  }
0x2ff: {  	v60 =	vld [tilespmem:s18+$0xFFFFFFE0];
	v0 =	vadd.s32 v15, v0;
	[tilespmem:v61+s6+$0x0] =	vst.idx.msk $0xffff, v33  }
0x300: {  	v38 =	vor.u32 v1, v0;
	v34 =	vld [tilespmem:s0+$0xFFFFFF60];
	[tilespmem:v62+s6+$0x0] =	vst.idx.msk $0xffff, v3  }
0x301: {  	v47 =	vshll.u32 v63, $0x10;
	v0 =	vand.u32 $0xFFFF0000, v63;
	v51 =	vshll.u32 v6, $0x10;
	v36 =	vld [tilespmem:s17+$0x70]  }
0x302: {  	v1 =	vand.u32 $0xFFFF0000, v6;
	v63 =	vshll.u32 v7, $0x10;
	v2 =	vand.u32 $0xFFFF0000, v7;
	v58 =	vld [tilespmem:s18+$0x70]  }
0x303: {  	v6 =	vshll.u32 v57, $0x10;
	v44 =	vand.u32 $0xFFFF0000, v57;
	v37 =	vand.u32 $0xFFFF0000, v46  }
0x304: {  	v7 =	vshll.u32 v46, $0x10;
	v54 =	vshll.u32 v60, $0x10;
	v5 =	vmul.f32 v37, v21;
	v33 =	vld [tilespmem:s0+$0x70]  }
0x305: {  	v49 =	vld [tilespmem:s18+$0x20];
	v50 =	vmul.f32 v63, v22;
	v63 =	vmul.f32 v7, v21;
	v59 =	vshll.u32 v34, $0x10  }
0x306: {  	v11 =	vld [tilespmem:$0x1FF50];
	v61 =	vand.u32 $0xFFFF0000, v34;
	v3 =	vand.u32 $0xFFFF0000, v60;
	v60 =	vmul.f32 v6, v23  }
0x307: {  	v14 =	vld [tilespmem:$0x1FF60];
	v34 =	vshll.u32 v36, $0x10;
	v36 =	vand.u32 $0xFFFF0000, v36;
	v37 =	vshll.u32 v58, $0x10  }
0x308: {  	v6 =	vld [tilespmem:s9+$0x14250];
	v58 =	vand.u32 $0xFFFF0000, v58;
	v7 =	vmul.f32 v34, v39;
	v37 =	vmul.f32 v37, v40  }
0x309: {  	v8 =	vshll.u32 v33, $0x10;
	v9 =	vmul.f32 v36, v39;
	v58 =	vmul.f32 v58, v40  }
0x30a: {  	v48 =	vld [tilespmem:s17+$0x20];
	v33 =	vand.u32 $0xFFFF0000, v33;
	v8 =	vmul.f32 v8, v30;
	v7 =	vadd.f32 v37, v7  }
0x30b: {  	v35 =	vld.idx.msk [tilespmem:v35+s12+$0x0], $0xffff;
	v33 =	vmul.f32 v33, v30;
	v9 =	vadd.f32 v58, v9;
	v58 =	vor.u32 v11, v41  }
0x30c: {  	v53 =	vld [tilespmem:s0+$0xFFFFFFE0];
	v57 =	vshll.u32 v49, $0x10;
	v7 =	vadd.f32 v8, v7;
	v8 =	vor.u32 v14, v41  }
0x30d: {  	v37 =	vld.idx.msk [tilespmem:v32+s12+$0x0], $0xffff;
	v32 =	vmul.f32 v57, v18;
	v57 =	vshll.u32 v6, $0x10;
	v9 =	vadd.f32 v33, v9  }
0x30e: {  	v34 =	vld.idx.msk [tilespmem:v38+s30+$0x0], $0xffff;
	v6 =	vand.u32 $0xFFFF0000, v6;
	v7 =	vsub.f32 v7, v57  }
0x30f: {  	v56 =	vshll.u32 v48, $0x10;
	v36 =	vld.idx.msk [tilespmem:v38+s10+$0x0], $0xffff;
	v6 =	vsub.f32 v9, v6  }
0x310: {  	v55 =	vld [tilespmem:s0+$0x20];
	v48 =	vand.u32 $0xFFFF0000, v48;
	v49 =	vand.u32 $0xFFFF0000, v49;
	v2 =	vmul.f32 v2, v22;
	[tilespmem:v58+s6+$0x0] =	vst.idx.msk $0xffff, v7  }
0x311: {  	v54 =	vmul.f32 v54, v20;
	v62 =	vmul.f32 v44, v23;
	v33 =	vld.idx.msk [tilespmem:v31+s12+$0x0], $0xffff;
	[tilespmem:v8+s6+$0x0] =	vst.idx.msk $0xffff, v6  }
0x312: {  	v56 =	vmul.f32 v56, v19;
	v3 =	vmul.f32 v3, v20;
	v6 =	vadd.f32 v60, v50;
	v60 =	vld [tilespmem:s17+$0x80]  }
0x313: {  	v2 =	vadd.f32 v62, v2;
	v31 =	vmul.f32 v48, v19;
	v48 =	vmul.f32 v49, v18;
	v57 =	vld [tilespmem:s18+$0x80]  }
0x314: {  	v3 =	vadd.f32 v3, v5;
	v0 =	vmul.f32 v0, v34;
	v1 =	vmul.f32 v1, v36  }
0x315: {  	s29 =	sadd.s32 $0x1, s11;
	v5 =	vadd.f32 v32, v56;
	v47 =	vmul.f32 v47, v34;
	v9 =	vmul.f32 v51, v36;
	v32 =	vld [tilespmem:s0+$0x80]  }
0x316: {  	s8 =	sadd.s32 $0x2, s11;
	s2 =	sshrl.u32 s29, $0x4;
	v51 =	vand.u32 $0xFFFF0000, v53;
	v31 =	vadd.f32 v48, v31;
	v0 =	vadd.f32 v1, v0  }
0x317: {  	s8 =	sshrl.u32 s8, $0x4;
	s2 =	ssub.s32 s2, s1;
	v58 =	vand.u32 $0xFFFF0000, v55;
	v9 =	vadd.f32 v9, v47;
	v1 =	vmul.f32 v51, v33  }
0x318: {  	s5 =	sshrl.u32 s11, $0x4;
	v52 =	vld [tilespmem:s0+$0xFFFFFFA0];
	s8 =	ssub.s32 s8, s1;
	s2 =	sshll.u32 s2, $0x8;
	v47 =	vmul.f32 v58, v35;
	v58 =	vshll.u32 v60, $0x10;
	v62 =	vshll.u32 v57, $0x10  }
0x319: {  	s29 =	sadd.s32 $0x3, s11;
	s11 =	sshll.u32 s8, $0x8;
	s8 =	sshra.s32 s2, $0x2;
	v38 =	vld.idx.msk [tilespmem:v38+s12+$0x0], $0xffff;
	v7 =	vshll.u32 v53, $0x10;
	v48 =	vmul.f32 v58, v39;
	v51 =	vmul.f32 v62, v40  }
0x31a: {  	v46 =	vld [tilespmem:s8+$0x14240];
	v53 =	vadd.f32 v54, v63;
	v63 =	vand.u32 $0xFFFF0000, v57;
	v57 =	vshll.u32 v32, $0x10  }
0x31b: {  	v60 =	vand.u32 $0xFFFF0000, v60;
	v58 =	vmul.f32 v57, v30;
	v48 =	vadd.f32 v51, v48  }
0x31c: {  	v50 =	vmul.f32 v60, v39;
	v60 =	vld [tilespmem:$0x1FF70]  }
0x31d: {  	s29 =	sshrl.u32 s29, $0x4;
	v42 =	vor.u32 v12, v25;
	v4 =	vshll.u32 v52, $0x10;
	v48 =	vadd.f32 v58, v48;
	v58 =	vld [tilespmem:$0x1FF80]  }
0x31e: {  	s29 =	ssub.s32 s29, s1;
	v49 =	vand.u32 $0xFFFF0000, v52;
	v56 =	vmul.f32 v61, v38;
	v4 =	vmul.f32 v4, v37;
	v54 =	vld [tilespmem:s9+$0x14260]  }
0x31f: {  	s2 =	sshll.u32 s29, $0x8;
	v61 =	vand.u32 $0xFFFF0000, v46;
	v49 =	vmul.f32 v49, v37;
	v52 =	vmul.f32 v63, v40  }
0x320: {  	s2 =	sshra.s32 s2, $0x2;
	v8 =	vshll.u32 v55, $0x10;
	v7 =	vmul.f32 v7, v33;
	v32 =	vand.u32 $0xFFFF0000, v32  }
0x321: {  	s31 =	sshra.s32 s11, $0x2;
	v45 =	vld [tilespmem:s2+$0x14240];
	v32 =	vmul.f32 v32, v30;
	v50 =	vadd.f32 v52, v50;
	v62 =	vor.u32 v60, v41  }
0x322: {  	v44 =	vld [tilespmem:s31+$0x14240];
	v55 =	vmul.f32 v59, v38;
	v59 =	vshll.u32 v46, $0x10;
	v51 =	vor.u32 v58, v41  }
0x323: {  	v2 =	vadd.f32 v49, v2;
	v63 =	vshll.u32 v54, $0x10;
	v32 =	vadd.f32 v32, v50  }
0x324: {  	s5 =	ssub.s32 s5, s1;
	v0 =	vadd.f32 v56, v0;
	v54 =	vand.u32 $0xFFFF0000, v54;
	v48 =	vsub.f32 v48, v63  }
0x325: {  	s5 =	sshll.u32 s5, $0x8;
	v8 =	vmul.f32 v8, v35;
	v4 =	vadd.f32 v4, v6;
	v6 =	vsub.f32 v32, v54  }
0x326: {  	s5 =	sshra.s32 s5, $0x2;
	v49 =	vshll.u32 v45, $0x10;
	v7 =	vadd.f32 v7, v53;
	v1 =	vadd.f32 v1, v3;
	[tilespmem:v62+s6+$0x0] =	vst.idx.msk $0xffff, v48  }
0x327: {  	v43 =	vld [tilespmem:s5+$0x14240];
	v5 =	vadd.f32 v8, v5;
	v63 =	vadd.f32 v55, v9;
	v9 =	vand.u32 $0xFFFF0000, v44;
	[tilespmem:v51+s6+$0x0] =	vst.idx.msk $0xffff, v6  }
0x328: {  	v8 =	vadd.f32 v47, v31;
	v1 =	vsub.f32 v1, v9;
	v9 =	vor.u32 v13, v25;
	v31 =	vld [tilespmem:s17+$0x90]  }
0x329: {  	v45 =	vand.u32 $0xFFFF0000, v45;
	v2 =	vsub.f32 v2, v61;
	v4 =	vsub.f32 v4, v59;
	v51 =	vld [tilespmem:s18+$0x90]  }
0x32a: {  	v5 =	vsub.f32 v5, v49;
	v8 =	vsub.f32 v8, v45;
	v52 =	vld [tilespmem:s0+$0x90]  }
0x32b: {  	v49 =	vor.u32 v12, v28;
	v32 =	vor.u32 v13, v26;
	v62 =	vshll.u32 v44, $0x10  }
0x32c: {  	[tilespmem:v42+s6+$0x0] =	vst.idx.msk $0xffff, v4;
	v48 =	vshll.u32 v43, $0x10;
	v43 =	vand.u32 $0xFFFF0000, v43;
	v3 =	vsub.f32 v7, v62  }
0x32d: {  	v0 =	vsub.f32 v0, v43;
	[tilespmem:v9+s6+$0x0] =	vst.idx.msk $0xffff, v2;
	v6 =	vsub.f32 v63, v48  }
0x32e: {  	v9 =	vld [tilespmem:s17+$0xFFFFFFB0];
	v53 =	vshll.u32 v31, $0x10;
	v31 =	vand.u32 $0xFFFF0000, v31;
	v54 =	vshll.u32 v51, $0x10  }
0x32f: {  	v48 =	vld [tilespmem:s0+$0xFFFFFFB0];
	v55 =	vand.u32 $0xFFFF0000, v51;
	v56 =	vshll.u32 v52, $0x10;
	v51 =	vor.u32 v13, v28  }
0x330: {  	v4 =	vmul.f32 v53, v39;
	v42 =	vmul.f32 v54, v40;
	v54 =	vld [tilespmem:$0x1FF90];
	v53 =	vor.u32 v12, v24  }
0x331: {  	v45 =	vld [tilespmem:s9+$0x14270];
	v31 =	vmul.f32 v31, v39;
	v57 =	vmul.f32 v55, v40;
	v55 =	vor.u32 v13, v24  }
0x332: {  	v62 =	vld [tilespmem:s18+$0xFFFFFFB0];
	[tilespmem:v49+s6+$0x0] =	vst.idx.msk $0xffff, v3;
	v59 =	vand.u32 $0xFFFF0000, v52;
	v61 =	vmul.f32 v56, v30;
	v56 =	vor.u32 v12, v26  }
0x333: {  	v49 =	vor.u32 v11, v25;
	v2 =	vmul.f32 v59, v30;
	v31 =	vadd.f32 v57, v31  }
0x334: {  	v63 =	vor.u32 v10, v41;
	v4 =	vadd.f32 v42, v4;
	[tilespmem:v51+s6+$0x0] =	vst.idx.msk $0xffff, v1  }
0x335: {  	v2 =	vadd.f32 v2, v31;
	v31 =	vld [tilespmem:s8+$0x14250];
	v30 =	vor.u32 v54, v41;
	v41 =	vand.u32 $0xFFFF0000, v48;
	[tilespmem:v53+s6+$0x0] =	vst.idx.msk $0xffff, v5  }
0x336: {  	v50 =	vshll.u32 v45, $0x10;
	v4 =	vadd.f32 v61, v4;
	v3 =	vmul.f32 v41, v37;
	[tilespmem:v55+s6+$0x0] =	vst.idx.msk $0xffff, v8;
	v41 =	vld [tilespmem:s0+$0xFFFFFFF0]  }
0x337: {  	v52 =	vand.u32 $0xFFFF0000, v45;
	v59 =	vshll.u32 v62, $0x10;
	v57 =	vshll.u32 v9, $0x10;
	[tilespmem:v56+s6+$0x0] =	vst.idx.msk $0xffff, v6;
	v47 =	vld [tilespmem:s17+$0x30]  }
0x338: {  	v9 =	vand.u32 $0xFFFF0000, v9;
	v61 =	vmul.f32 v57, v22;
	v4 =	vsub.f32 v4, v50;
	[tilespmem:v32+s6+$0x0] =	vst.idx.msk $0xffff, v0;
	v50 =	vld [tilespmem:s18+$0x30]  }
0x339: {  	v51 =	vor.u32 v14, v25;
	v5 =	vor.u32 v11, v26;
	v2 =	vsub.f32 v2, v52;
	v52 =	vld [tilespmem:s18+$0xFFFFFF70]  }
0x33a: {  	v6 =	vor.u32 v14, v26;
	v32 =	vor.u32 v11, v28;
	v43 =	vld [tilespmem:s0+$0x30];
	v46 =	vshll.u32 v31, $0x10  }
0x33b: {  	v44 =	vld [tilespmem:s0+$0xFFFFFF70];
	[tilespmem:v30+s6+$0x0] =	vst.idx.msk $0xffff, v4;
	v30 =	vand.u32 $0xFFFF0000, v62;
	v62 =	vshll.u32 v48, $0x10;
	v4 =	vmul.f32 v59, v23  }
0x33c: {  	v31 =	vand.u32 $0xFFFF0000, v31;
	[tilespmem:v63+s6+$0x0] =	vst.idx.msk $0xffff, v2;
	v63 =	vmul.f32 v9, v22;
	v2 =	vmul.f32 v62, v37  }
0x33d: {  	v9 =	vmul.f32 v30, v23;
	v4 =	vadd.f32 v4, v61;
	v55 =	vshll.u32 v47, $0x10  }
0x33e: {  	v57 =	vshll.u32 v50, $0x10;
	v39 =	vand.u32 $0xFFFF0000, v52;
	v61 =	vshll.u32 v41, $0x10  }
0x33f: {  	v41 =	vand.u32 $0xFFFF0000, v41;
	v62 =	vshll.u32 v43, $0x10;
	v43 =	vand.u32 $0xFFFF0000, v43  }
0x340: {  	v30 =	vld [tilespmem:s17+$0xFFFFFFF0];
	v7 =	vadd.f32 v9, v63;
	v42 =	vmul.f32 v55, v19;
	v63 =	vshll.u32 v44, $0x10  }
0x341: {  	v9 =	vld [tilespmem:s18+$0xFFFFFFF0];
	v39 =	vmul.f32 v39, v36;
	v44 =	vand.u32 $0xFFFF0000, v44;
	v55 =	vmul.f32 v61, v33  }
0x342: {  	v8 =	vld [tilespmem:s17+$0xFFFFFF70];
	v2 =	vadd.f32 v2, v4;
	v4 =	vand.u32 $0xFFFF0000, v47;
	v48 =	vadd.f32 v3, v7  }
0x343: {  	v7 =	vand.u32 $0xFFFF0000, v50;
	v3 =	vmul.f32 v57, v18;
	v4 =	vmul.f32 v4, v19  }
0x344: {  	v57 =	vmul.f32 v63, v38;
	v1 =	vsub.f32 v2, v46;
	v7 =	vmul.f32 v7, v18  }
0x345: {  	v45 =	vld [tilespmem:s2+$0x14250];
	v0 =	vsub.f32 v48, v31;
	v31 =	vshll.u32 v30, $0x10;
	v30 =	vand.u32 $0xFFFF0000, v30  }
0x346: {  	v3 =	vadd.f32 v3, v42;
	v53 =	vshll.u32 v9, $0x10;
	v9 =	vand.u32 $0xFFFF0000, v9  }
0x347: {  	v31 =	vmul.f32 v31, v21;
	v56 =	vmul.f32 v30, v21;
	v30 =	vshll.u32 v8, $0x10  }
0x348: {  	v46 =	vld [tilespmem:s5+$0x14250];
	v8 =	vand.u32 $0xFFFF0000, v8;
	v4 =	vadd.f32 v7, v4;
	v40 =	vmul.f32 v53, v20  }
0x349: {  	[tilespmem:v49+s6+$0x0] =	vst.idx.msk $0xffff, v1;
	v59 =	vmul.f32 v9, v20;
	v9 =	vshll.u32 v52, $0x10;
	v30 =	vmul.f32 v30, v34  }
0x34a: {  	v61 =	vand.u32 $0xFFFF0000, v45;
	[tilespmem:v51+s6+$0x0] =	vst.idx.msk $0xffff, v0;
	v0 =	vld [tilespmem:s31+$0x14250];
	v8 =	vmul.f32 v8, v34;
	v9 =	vmul.f32 v9, v36  }
0x34b: {  	v63 =	vor.u32 v14, v28;
	v31 =	vadd.f32 v40, v31;
	v1 =	vadd.f32 v59, v56  }
0x34c: {  	v8 =	vadd.f32 v39, v8;
	v59 =	vmul.f32 v44, v38;
	v56 =	vadd.f32 v9, v30  }
0x34d: {  	v48 =	vld [tilespmem:s17+$0xFFFFFFC0];
	v9 =	vmul.f32 v41, v33;
	v30 =	vmul.f32 v62, v35;
	v62 =	vand.u32 $0xFFFF0000, v46  }
0x34e: {  	v49 =	vld [tilespmem:s18+$0xFFFFFFC0];
	v41 =	vor.u32 v14, v24;
	v2 =	vadd.f32 v55, v31;
	v31 =	vmul.f32 v43, v35  }
0x34f: {  	v52 =	vld [tilespmem:s0+$0xFFFFFFC0];
	v8 =	vadd.f32 v59, v8;
	v1 =	vadd.f32 v9, v1;
	v9 =	vshll.u32 v0, $0x10  }
0x350: {  	v53 =	vld [tilespmem:s8+$0x14260];
	v3 =	vadd.f32 v30, v3;
	v7 =	vadd.f32 v57, v56;
	v0 =	vand.u32 $0xFFFF0000, v0  }
0x351: {  	v30 =	vshll.u32 v46, $0x10;
	v4 =	vadd.f32 v31, v4;
	v2 =	vsub.f32 v2, v9  }
0x352: {  	v31 =	vshll.u32 v45, $0x10;
	v8 =	vsub.f32 v8, v62;
	v7 =	vsub.f32 v7, v30  }
0x353: {  	v9 =	vor.u32 v11, v24;
	v42 =	vshll.u32 v49, $0x10;
	v0 =	vsub.f32 v1, v0;
	[tilespmem:v32+s6+$0x0] =	vst.idx.msk $0xffff, v2  }
0x354: {  	v43 =	vand.u32 $0xFFFF0000, v49;
	v44 =	vshll.u32 v52, $0x10;
	v45 =	vand.u32 $0xFFFF0000, v52;
	[tilespmem:v5+s6+$0x0] =	vst.idx.msk $0xffff, v7  }
0x355: {  	v46 =	vshll.u32 v53, $0x10;
	v3 =	vsub.f32 v3, v31;
	v30 =	vshll.u32 v48, $0x10;
	[tilespmem:v63+s6+$0x0] =	vst.idx.msk $0xffff, v0  }
0x356: {  	v31 =	vand.u32 $0xFFFF0000, v48;
	v30 =	vmul.f32 v30, v22;
	v5 =	vmul.f32 v42, v23;
	[tilespmem:v6+s6+$0x0] =	vst.idx.msk $0xffff, v8;
	v55 =	vld [tilespmem:s0+$0x0]  }
0x357: {  	v49 =	vor.u32 v60, v25;
	v7 =	vmul.f32 v43, v23;
	v8 =	vmul.f32 v31, v22;
	v31 =	vld [tilespmem:s17+$0xFFFFFF80]  }
0x358: {  	v48 =	vmul.f32 v45, v37;
	v6 =	vmul.f32 v44, v37;
	v47 =	vadd.f32 v5, v30;
	v30 =	vld [tilespmem:s17+$0x0]  }
0x359: {  	v4 =	vsub.f32 v4, v61;
	v43 =	vor.u32 v58, v26;
	v52 =	vld [tilespmem:s18+$0xFFFFFF80];
	v7 =	vadd.f32 v7, v8  }
0x35a: {  	[tilespmem:v9+s6+$0x0] =	vst.idx.msk $0xffff, v3;
	v3 =	vor.u32 v60, v26;
	v9 =	vand.u32 $0xFFFF0000, v53;
	v1 =	vadd.f32 v6, v47  }
0x35b: {  	v8 =	vld [tilespmem:s18+$0x0];
	v6 =	vor.u32 v58, v25;
	v5 =	vadd.f32 v48, v7;
	v7 =	vor.u32 v60, v28  }
0x35c: {  	[tilespmem:v41+s6+$0x0] =	vst.idx.msk $0xffff, v4;
	v0 =	vsub.f32 v1, v46;
	v62 =	vshll.u32 v55, $0x10;
	v41 =	vand.u32 $0xFFFF0000, v55  }
0x35d: {  	v45 =	vld [tilespmem:s0+$0xFFFFFF80];
	v51 =	vshll.u32 v31, $0x10;
	v31 =	vand.u32 $0xFFFF0000, v31;
	v53 =	vshll.u32 v30, $0x10  }
0x35e: {  	v4 =	vld [tilespmem:s17+$0x40];
	v30 =	vand.u32 $0xFFFF0000, v30;
	v61 =	vshll.u32 v52, $0x10;
	v40 =	vand.u32 $0xFFFF0000, v52  }
0x35f: {  	v50 =	vld [tilespmem:s18+$0x40];
	v5 =	vsub.f32 v5, v9;
	v9 =	vor.u32 v58, v28;
	v1 =	vmul.f32 v51, v34  }
0x360: {  	v44 =	vld [tilespmem:s0+$0x40];
	v56 =	vshll.u32 v8, $0x10;
	v39 =	vmul.f32 v53, v21;
	v30 =	vmul.f32 v30, v21  }
0x361: {  	v8 =	vand.u32 $0xFFFF0000, v8;
	v47 =	vmul.f32 v61, v36;
	v31 =	vmul.f32 v31, v34  }
0x362: {  	v40 =	vmul.f32 v40, v36;
	v51 =	vand.u32 $0x7, v17;
	v53 =	vand.u32 $0x7, v16  }
0x363: {  	[tilespmem:v49+s6+$0x0] =	vst.idx.msk $0xffff, v0;
	v0 =	vmul.f32 v56, v20;
	v57 =	vshll.u32 v4, $0x10;
	v4 =	vand.u32 $0xFFFF0000, v4  }
0x364: {  	v48 =	vld [tilespmem:s2+$0x14260];
	v59 =	vshll.u32 v50, $0x10;
	v32 =	vand.u32 $0xFFFF0000, v50;
	v8 =	vmul.f32 v8, v20  }
0x365: {  	v63 =	vshll.u32 v44, $0x10;
	v56 =	vshll.u32 v45, $0x10;
	v44 =	vand.u32 $0xFFFF0000, v44  }
0x366: {  	v45 =	vand.u32 $0xFFFF0000, v45;
	v2 =	vmul.f32 v57, v19;
	v46 =	vmul.f32 v59, v18  }
0x367: {  	v50 =	vor.u32 v58, v24;
	v4 =	vmul.f32 v4, v19;
	v32 =	vmul.f32 v32, v18  }
0x368: {  	v1 =	vadd.f32 v47, v1;
	v31 =	vadd.f32 v40, v31;
	v57 =	vmul.f32 v41, v33  }
0x369: {  	v42 =	vld [tilespmem:s31+$0x14260];
	v59 =	vmul.f32 v44, v35;
	v61 =	vmul.f32 v56, v38;
	v47 =	vand.u32 $0xFFFF0000, v48  }
0x36a: {  	v49 =	vld [tilespmem:s5+$0x14260];
	v40 =	vor.u32 v10, v25;
	v41 =	vor.u32 v54, v28;
	v0 =	vadd.f32 v0, v39  }
0x36b: {  	v8 =	vadd.f32 v8, v30;
	v30 =	vmul.f32 v62, v33;
	v62 =	vmul.f32 v45, v38  }
0x36c: {  	v39 =	vor.u32 v54, v26;
	v26 =	vor.u32 v10, v26;
	v2 =	vadd.f32 v46, v2  }
0x36d: {  	[tilespmem:v6+s6+$0x0] =	vst.idx.msk $0xffff, v5;
	v4 =	vadd.f32 v32, v4;
	v1 =	vadd.f32 v61, v1;
	v46 =	vshll.u32 v48, $0x10  }
0x36e: {  	v6 =	vld [tilespmem:s17+$0xFFFFFFD0];
	v32 =	vor.u32 v51, v29;
	v0 =	vadd.f32 v30, v0;
	v30 =	vmul.f32 v63, v35  }
0x36f: {  	v8 =	vadd.f32 v57, v8;
	v63 =	vshll.u32 v42, $0x10;
	v45 =	vshll.u32 v49, $0x10  }
0x370: {  	v52 =	vld [tilespmem:s18+$0xFFFFFFD0];
	v48 =	vand.u32 $0xFFFF0000, v49;
	v4 =	vadd.f32 v59, v4;
	v1 =	vsub.f32 v1, v45  }
0x371: {  	v2 =	vadd.f32 v30, v2;
	v30 =	vadd.f32 v62, v31;
	v31 =	vand.u32 $0xFFFF0000, v42  }
0x372: {  	v0 =	vsub.f32 v0, v63;
	v42 =	vor.u32 v54, v25;
	v25 =	vor.u32 v10, v28  }
0x373: {  	v55 =	vld [tilespmem:s0+$0xFFFFFFD0];
	v28 =	vor.u32 v54, v24;
	v56 =	vshll.u32 v6, $0x10;
	v8 =	vsub.f32 v8, v31;
	[tilespmem:v3+s6+$0x0] =	vst.idx.msk $0xffff, v1  }
0x374: {  	v57 =	vand.u32 $0xFFFF0000, v6;
	v4 =	vsub.f32 v4, v47;
	v31 =	vor.u32 v60, v24;
	[tilespmem:v7+s6+$0x0] =	vst.idx.msk $0xffff, v0  }
0x375: {  	v58 =	vshll.u32 v52, $0x10;
	v3 =	vmul.f32 v56, v22;
	v56 =	vld [tilespmem:s8+$0x14270];
	v49 =	vsub.f32 v30, v48;
	[tilespmem:v9+s6+$0x0] =	vst.idx.msk $0xffff, v8  }
0x376: {  	s11 =	sadd.s32 $0x3, s26;
	v24 =	vor.u32 v10, v24;
	v1 =	vand.u32 $0xFFFF0000, v52;
	v6 =	vmul.f32 v58, v23;
	v9 =	vld [tilespmem:s17+$0x10]  }
0x377: {  	v2 =	vsub.f32 v2, v46;
	v30 =	vmov s11;
	v1 =	vmul.f32 v1, v23;
	[tilespmem:v43+s6+$0x0] =	vst.idx.msk $0xffff, v49;
	v60 =	vld [tilespmem:s0+$0x10]  }
0x378: {  	v8 =	vand.u32 $0xF8, v30;
	v3 =	vadd.f32 v6, v3;
	v43 =	vshll.u32 v55, $0x10;
	v29 =	vld [tilespmem:s17+$0xFFFFFF90]  }
0x379: {  	v7 =	vand.u32 $0xFFFF0000, v55;
	v43 =	vmul.f32 v43, v37;
	[tilespmem:v31+s6+$0x0] =	vst.idx.msk $0xffff, v2;
	v2 =	vadd.s32 v15, v8;
	v8 =	vld [tilespmem:s18+$0x10]  }
0x37a: {  	v0 =	vand.u32 $0x7, v30;
	v7 =	vmul.f32 v7, v37;
	v48 =	vld [tilespmem:s0+$0xFFFFFF90];
	[tilespmem:v50+s6+$0x0] =	vst.idx.msk $0xffff, v4;
	v4 =	vmul.f32 v57, v22  }
0x37b: {  	v31 =	vor.u32 v53, v27;
	v54 =	vshll.u32 v56, $0x10;
	v22 =	vld [tilespmem:s18+$0xFFFFFF90];
	v3 =	vadd.f32 v43, v3  }
0x37c: {  	v5 =	vld [tilespmem:s17+$0x50];
	v23 =	vshll.u32 v9, $0x10;
	v9 =	vand.u32 $0xFFFF0000, v9;
	v1 =	vadd.f32 v1, v4  }
0x37d: {  	v27 =	vld [tilespmem:s18+$0x50];
	v3 =	vsub.f32 v3, v54;
	v23 =	vmul.f32 v23, v21;
	v9 =	vmul.f32 v9, v21  }
0x37e: {  	v63 =	vshll.u32 v29, $0x10;
	v29 =	vand.u32 $0xFFFF0000, v29;
	v59 =	vshll.u32 v8, $0x10  }
0x37f: {  	v8 =	vand.u32 $0xFFFF0000, v8;
	v49 =	vmul.f32 v63, v34;
	v63 =	vand.u32 $0xFFFF0000, v48  }
0x380: {  	v62 =	vld [tilespmem:s0+$0x50];
	v1 =	vadd.f32 v7, v1;
	v44 =	vmul.f32 v59, v20;
	v8 =	vmul.f32 v8, v20  }
0x381: {  	v20 =	vshll.u32 v22, $0x10;
	v22 =	vand.u32 $0xFFFF0000, v22;
	v59 =	vshll.u32 v60, $0x10  }
0x382: {  	v61 =	vshll.u32 v5, $0x10;
	v21 =	vshll.u32 v27, $0x10;
	v20 =	vmul.f32 v20, v36  }
0x383: {  	v27 =	vand.u32 $0xFFFF0000, v27;
	v22 =	vmul.f32 v22, v36;
	v46 =	vmul.f32 v61, v19  }
0x384: {  	v5 =	vand.u32 $0xFFFF0000, v5;
	v21 =	vmul.f32 v21, v18;
	v18 =	vmul.f32 v27, v18  }
0x385: {  	v27 =	vmul.f32 v29, v34;
	v29 =	vand.u32 $0xFFFF0000, v60;
	v60 =	vshll.u32 v62, $0x10  }
0x386: {  	v61 =	vand.u32 $0xFFFF0000, v62;
	v62 =	vshll.u32 v48, $0x10;
	v48 =	vadd.f32 v44, v23  }
0x387: {  	v5 =	vmul.f32 v5, v19;
	v8 =	vadd.f32 v8, v9;
	v20 =	vadd.f32 v20, v49  }
0x388: {  	v57 =	vld [tilespmem:s31+$0x14270];
	v23 =	vmul.f32 v60, v35;
	v9 =	vadd.f32 v21, v46;
	v21 =	vmul.f32 v59, v33  }
0x389: {  	v58 =	vld [tilespmem:s2+$0x14270];
	v5 =	vadd.f32 v18, v5;
	v18 =	vadd.f32 v22, v27;
	v22 =	vmul.f32 v29, v33  }
0x38a: {  	v53 =	vmul.f32 v61, v35;
	v35 =	vor.u32 v0, v2;
	v27 =	vmul.f32 v62, v38  }
0x38b: {  	v19 =	vld [tilespmem:s5+$0x14270];
	v29 =	vmul.f32 v63, v38;
	v4 =	vadd.f32 v21, v48;
	v8 =	vadd.f32 v22, v8  }
0x38c: {  	v9 =	vadd.f32 v23, v9;
	v20 =	vadd.f32 v27, v20;
	v21 =	vand.u32 $0xFFFF0000, v56  }
0x38d: {  	v55 =	vadd.f32 v29, v18;
	v18 =	vshll.u32 v57, $0x10;
	v23 =	vand.u32 $0xFFFF0000, v57  }
0x38e: {  	v29 =	vshll.u32 v58, $0x10;
	v56 =	vand.u32 $0xFFFF0000, v58;
	v22 =	vld.idx.msk [tilespmem:v32+s30+$0x0], $0xffff;
	v1 =	vsub.f32 v1, v21  }
0x38f: {  	v57 =	vsub.f32 v4, v18;
	v58 =	vsub.f32 v8, v23;
	v23 =	vld.idx.msk [tilespmem:v32+s10+$0x0], $0xffff;
	[tilespmem:v42+s6+$0x0] =	vst.idx.msk $0xffff, v3  }
0x390: {  	v5 =	vadd.f32 v53, v5;
	v27 =	vshll.u32 v19, $0x10;
	v59 =	vsub.f32 v9, v29;
	[tilespmem:v40+s6+$0x0] =	vst.idx.msk $0xffff, v1  }
0x391: {  	p1 =	slt.u32 s26, $0x5F;
	v19 =	vand.u32 $0xFFFF0000, v19;
	v21 =	vld.idx.msk [tilespmem:v31+s30+$0x0], $0xffff;
	v62 =	vsub.f32 v20, v27;
	[tilespmem:v41+s6+$0x0] =	vst.idx.msk $0xffff, v57  }
.Ltmp2:
0x392: {  	s31 =	sadd.s32 $0x4, s26;
	s17 =	sadd.s32 $0x140, s17;
	v6 =	vsub.f32 v55, v19;
	v19 =	vld.idx.msk [tilespmem:v35+s30+$0x0], $0xffff;
	[tilespmem:v28+s6+$0x0] =	vst.idx.msk $0xffff, v59;
	(pc) =	sbr.rel @p1 .LBB2_7-.Ltmp2, $4  }
0x393: {  	v37 =	vmov s31;
	v45 =	vld [tilespmem:s17+$0x60];
	v60 =	vsub.f32 v5, v56;
	[tilespmem:v39+s6+$0x0] =	vst.idx.msk $0xffff, v62  }
0x394: {  	v61 =	vand.u32 $0xF8, v37;
	v20 =	vld.idx.msk [tilespmem:v31+s10+$0x0], $0xffff;
	[tilespmem:v25+s6+$0x0] =	vst.idx.msk $0xffff, v58  }
0x395: {  	s19 =	smov.u32 s26;
	s18 =	sadd.s32 $0x140, s18;
	v63 =	vand.u32 $0x7, v37;
	v5 =	vadd.s32 v15, v61;
	v18 =	vld.idx.msk [tilespmem:v35+s10+$0x0], $0xffff;
	[tilespmem:v24+s6+$0x0] =	vst.idx.msk $0xffff, v60  }
0x396: {  	s26 =	sadd.s32 $0x5, s26;
	v44 =	vld [tilespmem:s18+$0x60];
	v27 =	vor.u32 v63, v5;
	v24 =	vmov s19;
	[tilespmem:v26+s6+$0x0] =	vst.idx.msk $0xffff, v6  }
0x397: {  	_ =	sdelay $0x3  }
0x398: {  	v33 =	vld.idx.msk [tilespmem:v27+s30+$0x0], $0xffff  }
0x399: {  	v34 =	vld.idx.msk [tilespmem:v27+s10+$0x0], $0xffff  }
0x39a: {  	s2 =	sadd.s32 s19, s21;
	v36 =	vld.idx.msk [tilespmem:v27+s12+$0x0], $0xffff  }
0x39b: {  	s0 =	sadd.s32 $0x140, s0;
	v25 =	vld [tilespmem:s18+$0xFFFFFF60];
	s5 =	sadd.s32 $0x4, s2  }
0x39c: {  	v1 =	vand.u32 $0x78, v24;
	v2 =	vand.u32 $0x7, v24;
	v24 =	vshll.u32 v24, $0x7;
	v0 =	vld [tilespmem:s0+$0x60];
	s5 =	sshrl.u32 s5, $0x4  }
0x39d: {  	v17 =	vshll.u32 v17, $0x7;
	v37 =	vshll.u32 v37, $0x7;
	v11 =	vld [tilespmem:$0x1FF40];
	v16 =	vshll.u32 v16, $0x7;
	s5 =	ssub.s32 s5, s1  }
0x39e: {  	v26 =	vld [tilespmem:s18+$0xFFFFFFA0];
	v3 =	vshll.u32 v45, $0x10;
	v4 =	vand.u32 $0xFFFF0000, v45;
	v1 =	vadd.s32 v15, v1;
	s5 =	sshll.u32 s5, $0x8  }
0x39f: {  	v12 =	vld [tilespmem:$0x1FF30];
	v15 =	vshll.u32 v30, $0x7;
	v1 =	vor.u32 v2, v1;
	v5 =	vshll.u32 v44, $0x10;
	s9 =	sshra.s32 s5, $0x2  }
0x3a0: {  	v6 =	vand.u32 $0xFFFF0000, v44;
	v3 =	vmul.f32 v3, v33;
	v5 =	vmul.f32 v5, v34;
	v7 =	vld [tilespmem:s9+$0x14240]  }
0x3a1: {  	v27 =	vld [tilespmem:s17+$0xFFFFFFE0];
	v4 =	vmul.f32 v4, v33;
	v6 =	vmul.f32 v6, v34;
	v9 =	vshll.u32 v0, $0x10  }
0x3a2: {  	v52 =	vld [tilespmem:s18+$0xFFFFFFE0];
	v0 =	vand.u32 $0xFFFF0000, v0;
	v3 =	vadd.f32 v5, v3;
	v49 =	vmul.f32 v9, v36  }
0x3a3: {  	v53 =	vld [tilespmem:s17+$0x20];
	v50 =	vor.u32 v11, v37;
	v4 =	vadd.f32 v6, v4;
	v0 =	vmul.f32 v0, v36  }
0x3a4: {  	v51 =	vor.u32 v12, v37;
	v38 =	vor.u32 v11, v17;
	v3 =	vadd.f32 v49, v3  }
0x3a5: {  	v54 =	vld [tilespmem:s0+$0xFFFFFF60];
	v29 =	vshll.u32 v25, $0x10;
	v0 =	vadd.f32 v0, v4;
	v28 =	vshll.u32 v7, $0x10  }
0x3a6: {  	v8 =	vld [tilespmem:s17+$0xFFFFFF60];
	v55 =	vshll.u32 v26, $0x10;
	v7 =	vand.u32 $0xFFFF0000, v7;
	v3 =	vsub.f32 v3, v28  }
0x3a7: {  	v56 =	vand.u32 $0xFFFF0000, v26;
	v26 =	vshll.u32 v27, $0x10;
	v9 =	vld [tilespmem:s17+$0xFFFFFFA0];
	v0 =	vsub.f32 v0, v7  }
0x3a8: {  	v27 =	vand.u32 $0xFFFF0000, v27;
	v39 =	vshll.u32 v52, $0x10;
	v41 =	vshll.u32 v53, $0x10;
	[tilespmem:v50+s6+$0x0] =	vst.idx.msk $0xffff, v3  }
0x3a9: {  	v2 =	vand.u32 $0xFFFF0000, v53;
	v45 =	vmul.f32 v26, v21;
	v39 =	vmul.f32 v39, v20;
	v28 =	vld [tilespmem:s18+$0x20];
	[tilespmem:v51+s6+$0x0] =	vst.idx.msk $0xffff, v0  }
0x3aa: {  	v44 =	vshll.u32 v54, $0x10;
	v41 =	vmul.f32 v41, v19;
	v2 =	vmul.f32 v2, v19;
	v30 =	vld [tilespmem:s17+$0x70]  }
0x3ab: {  	v6 =	vand.u32 $0xFFFF0000, v25;
	v5 =	vmul.f32 v56, v23;
	v4 =	vand.u32 $0xFFFF0000, v52;
	v40 =	vld [tilespmem:s18+$0x70]  }
0x3ac: {  	v4 =	vmul.f32 v4, v20;
	v7 =	vshll.u32 v8, $0x10;
	v25 =	vshll.u32 v9, $0x10  }
0x3ad: {  	v8 =	vand.u32 $0xFFFF0000, v8;
	v9 =	vand.u32 $0xFFFF0000, v9;
	v42 =	vmul.f32 v25, v22;
	v25 =	vld [tilespmem:s0+$0x70]  }
0x3ae: {  	v9 =	vmul.f32 v9, v22;
	v43 =	vshll.u32 v28, $0x10;
	v28 =	vand.u32 $0xFFFF0000, v28  }
0x3af: {  	v3 =	vand.u32 $0xFFFF0000, v54;
	v0 =	vmul.f32 v55, v23;
	v54 =	vld [tilespmem:$0x1FF50];
	v13 =	vmul.f32 v28, v18  }
0x3b0: {  	v14 =	vld [tilespmem:$0x1FF60];
	v26 =	vshll.u32 v30, $0x10;
	v30 =	vand.u32 $0xFFFF0000, v30;
	v46 =	vshll.u32 v40, $0x10  }
0x3b1: {  	v47 =	vld [tilespmem:s9+$0x14250];
	v40 =	vand.u32 $0xFFFF0000, v40;
	v26 =	vmul.f32 v26, v33;
	v46 =	vmul.f32 v46, v34  }
0x3b2: {  	v60 =	vld [tilespmem:s0+$0xFFFFFFE0];
	v48 =	vshll.u32 v25, $0x10;
	v30 =	vmul.f32 v30, v33;
	v40 =	vmul.f32 v40, v34  }
0x3b3: {  	v49 =	vld [tilespmem:s0+$0xFFFFFFA0];
	v50 =	vand.u32 $0xFFFF0000, v25;
	v48 =	vmul.f32 v48, v36;
	v46 =	vadd.f32 v46, v26  }
0x3b4: {  	v28 =	vld.idx.msk [tilespmem:v31+s12+$0x0], $0xffff;
	v58 =	vor.u32 v54, v37;
	v57 =	vmul.f32 v50, v36;
	v30 =	vadd.f32 v40, v30  }
0x3b5: {  	v51 =	vmul.f32 v27, v21;
	v25 =	vld.idx.msk [tilespmem:v1+s30+$0x0], $0xffff;
	v59 =	vor.u32 v14, v37;
	v27 =	vadd.f32 v48, v46  }
0x3b6: {  	v5 =	vadd.f32 v5, v9;
	v52 =	vshll.u32 v47, $0x10;
	v26 =	vld.idx.msk [tilespmem:v1+s10+$0x0], $0xffff;
	v30 =	vadd.f32 v57, v30  }
0x3b7: {  	v9 =	vadd.f32 v39, v45;
	v47 =	vand.u32 $0xFFFF0000, v47;
	v52 =	vsub.f32 v27, v52  }
0x3b8: {  	v0 =	vadd.f32 v0, v42;
	v31 =	vshll.u32 v60, $0x10;
	v30 =	vsub.f32 v30, v47  }
0x3b9: {  	v4 =	vadd.f32 v4, v51;
	v31 =	vmul.f32 v31, v28;
	v27 =	vld.idx.msk [tilespmem:v32+s12+$0x0], $0xffff;
	[tilespmem:v58+s6+$0x0] =	vst.idx.msk $0xffff, v52  }
0x3ba: {  	v61 =	vld [tilespmem:s0+$0x20];
	v63 =	vshll.u32 v49, $0x10;
	v62 =	vmul.f32 v43, v18;
	v2 =	vadd.f32 v13, v2;
	[tilespmem:v59+s6+$0x0] =	vst.idx.msk $0xffff, v30  }
0x3bb: {  	v9 =	vadd.f32 v31, v9;
	v8 =	vmul.f32 v8, v25;
	v6 =	vmul.f32 v6, v26;
	v46 =	vld [tilespmem:s17+$0x80]  }
0x3bc: {  	v7 =	vmul.f32 v7, v25;
	v48 =	vand.u32 $0xFFFF0000, v60;
	v29 =	vmul.f32 v29, v26;
	v59 =	vld [tilespmem:s18+$0x80]  }
0x3bd: {  	v30 =	vand.u32 $0xFFFF0000, v49;
	v6 =	vadd.f32 v6, v8;
	v8 =	vmul.f32 v48, v28  }
0x3be: {  	v32 =	vadd.f32 v62, v41;
	v60 =	vld [tilespmem:s0+$0x80];
	v43 =	vmul.f32 v63, v27;
	v39 =	vmul.f32 v30, v27  }
0x3bf: {  	v53 =	vshll.u32 v61, $0x10;
	v7 =	vadd.f32 v29, v7;
	v29 =	vld.idx.msk [tilespmem:v35+s12+$0x0], $0xffff;
	v4 =	vadd.f32 v8, v4  }
0x3c0: {  	s26 =	sadd.s32 $0x1, s2;
	v40 =	vand.u32 $0xFFFF0000, v61;
	v56 =	vld [tilespmem:$0x1FF70];
	v0 =	vadd.f32 v43, v0;
	v5 =	vadd.f32 v39, v5  }
0x3c1: {  	s8 =	sadd.s32 $0x2, s2;
	s5 =	sshrl.u32 s26, $0x4;
	v55 =	vld [tilespmem:$0x1FF80];
	v30 =	vshll.u32 v46, $0x10;
	v61 =	vand.u32 $0xFFFF0000, v46;
	v62 =	vshll.u32 v59, $0x10  }
0x3c2: {  	s11 =	sadd.s32 $0x3, s2;
	s8 =	sshrl.u32 s8, $0x4;
	s5 =	ssub.s32 s5, s1;
	v13 =	vld [tilespmem:s9+$0x14260];
	v63 =	vand.u32 $0xFFFF0000, v59;
	v57 =	vmul.f32 v30, v33;
	v41 =	vmul.f32 v62, v34  }
0x3c3: {  	s19 =	sshrl.u32 s2, $0x4;
	s8 =	ssub.s32 s8, s1;
	s5 =	sshll.u32 s5, $0x8;
	v58 =	vshll.u32 v60, $0x10;
	v35 =	vmul.f32 v61, v33;
	v46 =	vmul.f32 v63, v34  }
0x3c4: {  	s31 =	ssub.s32 s19, s1;
	s8 =	sshll.u32 s8, $0x8;
	s2 =	sshra.s32 s5, $0x2;
	v45 =	vand.u32 $0xFFFF0000, v60;
	v30 =	vld.idx.msk [tilespmem:v1+s12+$0x0], $0xffff;
	v1 =	vmul.f32 v58, v36;
	v41 =	vadd.f32 v41, v57  }
0x3c5: {  	s29 =	sshrl.u32 s11, $0x4;
	s11 =	sshll.u32 s31, $0x8;
	s26 =	sshra.s32 s8, $0x2;
	v48 =	vld [tilespmem:s2+$0x14240];
	v59 =	vor.u32 v56, v37;
	v45 =	vmul.f32 v45, v36;
	v35 =	vadd.f32 v46, v35  }
0x3c6: {  	s19 =	ssub.s32 s29, s1;
	s31 =	sshra.s32 s11, $0x2;
	v42 =	vmul.f32 v53, v29;
	v60 =	vor.u32 v55, v37;
	v61 =	vld [tilespmem:s26+$0x14240];
	v1 =	vadd.f32 v1, v41  }
0x3c7: {  	s29 =	sshll.u32 s19, $0x8;
	v40 =	vmul.f32 v40, v29;
	v62 =	vshll.u32 v13, $0x10;
	v63 =	vld [tilespmem:s31+$0x14240];
	v35 =	vadd.f32 v45, v35  }
0x3c8: {  	s8 =	sshra.s32 s29, $0x2;
	v47 =	vand.u32 $0xFFFF0000, v13;
	v8 =	vadd.f32 v42, v32;
	v1 =	vsub.f32 v1, v62  }
0x3c9: {  	v50 =	vor.u32 v11, v16;
	v13 =	vld [tilespmem:s8+$0x14240];
	v2 =	vadd.f32 v40, v2;
	v35 =	vsub.f32 v35, v47  }
0x3ca: {  	v40 =	vor.u32 v12, v24;
	v44 =	vmul.f32 v44, v30;
	[tilespmem:v59+s6+$0x0] =	vst.idx.msk $0xffff, v1  }
0x3cb: {  	v31 =	vshll.u32 v61, $0x10;
	v52 =	vand.u32 $0xFFFF0000, v61;
	v61 =	vor.u32 v12, v17;
	[tilespmem:v60+s6+$0x0] =	vst.idx.msk $0xffff, v35  }
0x3cc: {  	v3 =	vmul.f32 v3, v30;
	v53 =	vshll.u32 v63, $0x10;
	v47 =	vshll.u32 v48, $0x10;
	v51 =	vld [tilespmem:s17+$0x90]  }
0x3cd: {  	v48 =	vand.u32 $0xFFFF0000, v48;
	v4 =	vsub.f32 v4, v52;
	v0 =	vsub.f32 v0, v47;
	v57 =	vld [tilespmem:s18+$0x90]  }
0x3ce: {  	v58 =	vshll.u32 v13, $0x10;
	v1 =	vsub.f32 v5, v48;
	v5 =	vsub.f32 v9, v31;
	v9 =	vld [tilespmem:s0+$0x90]  }
0x3cf: {  	v8 =	vsub.f32 v8, v58;
	v7 =	vadd.f32 v44, v7;
	v60 =	vand.u32 $0xFFFF0000, v63;
	[tilespmem:v38+s6+$0x0] =	vst.idx.msk $0xffff, v0;
	v63 =	vld [tilespmem:s9+$0x14270]  }
0x3d0: {  	v52 =	vor.u32 v12, v16;
	v3 =	vadd.f32 v3, v6;
	v59 =	vand.u32 $0xFFFF0000, v13;
	[tilespmem:v61+s6+$0x0] =	vst.idx.msk $0xffff, v1  }
0x3d1: {  	v58 =	vor.u32 v12, v15;
	v2 =	vsub.f32 v2, v59;
	v7 =	vsub.f32 v7, v53;
	v48 =	vld [tilespmem:s18+$0xFFFFFFB0]  }
0x3d2: {  	v59 =	vor.u32 v11, v24;
	v3 =	vsub.f32 v3, v60;
	v49 =	vld [tilespmem:s0+$0xFFFFFFB0];
	v31 =	vshll.u32 v51, $0x10  }
0x3d3: {  	v61 =	vld [tilespmem:s2+$0x14250];
	v32 =	vand.u32 $0xFFFF0000, v51;
	v62 =	vshll.u32 v57, $0x10;
	v39 =	vand.u32 $0xFFFF0000, v57  }
0x3d4: {  	v44 =	vshll.u32 v9, $0x10;
	v46 =	vand.u32 $0xFFFF0000, v9;
	v51 =	vshll.u32 v63, $0x10  }
0x3d5: {  	v13 =	vld [tilespmem:$0x1FF90];
	[tilespmem:v50+s6+$0x0] =	vst.idx.msk $0xffff, v5;
	v53 =	vand.u32 $0xFFFF0000, v63;
	v31 =	vmul.f32 v31, v33;
	v35 =	vmul.f32 v62, v34  }
0x3d6: {  	v57 =	vor.u32 v11, v15;
	v32 =	vmul.f32 v32, v33;
	v45 =	vmul.f32 v39, v34  }
0x3d7: {  	[tilespmem:v52+s6+$0x0] =	vst.idx.msk $0xffff, v4;
	v0 =	vmul.f32 v44, v36;
	v1 =	vmul.f32 v46, v36;
	v62 =	vshll.u32 v48, $0x10  }
0x3d8: {  	[tilespmem:v59+s6+$0x0] =	vst.idx.msk $0xffff, v7;
	v9 =	vld [tilespmem:s17+$0xFFFFFFB0];
	v63 =	vshll.u32 v49, $0x10;
	v50 =	vand.u32 $0xFFFF0000, v61;
	v42 =	vmul.f32 v62, v23  }
0x3d9: {  	v59 =	vld [tilespmem:s0+$0xFFFFFFF0];
	v46 =	vmul.f32 v63, v27;
	v47 =	vadd.f32 v35, v31;
	v33 =	vadd.f32 v45, v32  }
0x3da: {  	v36 =	vld [tilespmem:s17+$0xFFFFFFF0];
	v32 =	vor.u32 v13, v37;
	v31 =	vor.u32 v10, v37;
	v35 =	vand.u32 $0xFFFF0000, v48  }
0x3db: {  	[tilespmem:v40+s6+$0x0] =	vst.idx.msk $0xffff, v3;
	v45 =	vand.u32 $0xFFFF0000, v49;
	v48 =	vshll.u32 v61, $0x10;
	v37 =	vor.u32 v54, v16  }
0x3dc: {  	v35 =	vmul.f32 v35, v23;
	v5 =	vmul.f32 v45, v27;
	v0 =	vadd.f32 v0, v47  }
0x3dd: {  	v52 =	vld [tilespmem:s17+$0xFFFFFF70];
	v1 =	vadd.f32 v1, v33;
	v60 =	vshll.u32 v9, $0x10;
	v9 =	vand.u32 $0xFFFF0000, v9  }
0x3de: {  	v40 =	vand.u32 $0xFFFF0000, v59;
	[tilespmem:v57+s6+$0x0] =	vst.idx.msk $0xffff, v8;
	v39 =	vmul.f32 v60, v22;
	v9 =	vmul.f32 v9, v22  }
0x3df: {  	[tilespmem:v58+s6+$0x0] =	vst.idx.msk $0xffff, v2;
	v57 =	vshll.u32 v36, $0x10;
	v34 =	vsub.f32 v0, v51;
	v33 =	vsub.f32 v1, v53  }
0x3e0: {  	v36 =	vand.u32 $0xFFFF0000, v36;
	v49 =	vld [tilespmem:s17+$0x30];
	v47 =	vadd.f32 v42, v39;
	v8 =	vadd.f32 v35, v9  }
0x3e1: {  	v0 =	vor.u32 v54, v24;
	v1 =	vor.u32 v14, v24;
	v53 =	vld [tilespmem:s18+$0xFFFFFF70];
	v7 =	vmul.f32 v57, v21  }
0x3e2: {  	v61 =	vld [tilespmem:s0+$0x30];
	v35 =	vand.u32 $0xFFFF0000, v52;
	v4 =	vadd.f32 v46, v47;
	v51 =	vadd.f32 v5, v8  }
0x3e3: {  	v36 =	vmul.f32 v36, v21;
	v9 =	vld [tilespmem:s18+$0xFFFFFFF0];
	v35 =	vmul.f32 v35, v25;
	v5 =	vor.u32 v54, v17  }
0x3e4: {  	v2 =	vsub.f32 v4, v48;
	v4 =	vor.u32 v14, v17;
	v3 =	vsub.f32 v51, v50  }
0x3e5: {  	v63 =	vld [tilespmem:s0+$0xFFFFFF70];
	v60 =	vshll.u32 v49, $0x10;
	v6 =	vand.u32 $0xFFFF0000, v49;
	v51 =	vshll.u32 v52, $0x10  }
0x3e6: {  	v8 =	vld [tilespmem:s18+$0x30];
	v52 =	vshll.u32 v53, $0x10;
	v38 =	vand.u32 $0xFFFF0000, v53;
	v53 =	vshll.u32 v59, $0x10  }
0x3e7: {  	v57 =	vshll.u32 v61, $0x10;
	v42 =	vand.u32 $0xFFFF0000, v61;
	v41 =	vmul.f32 v60, v19  }
0x3e8: {  	v58 =	vshll.u32 v9, $0x10;
	v6 =	vmul.f32 v6, v19;
	v45 =	vmul.f32 v51, v25  }
0x3e9: {  	v9 =	vand.u32 $0xFFFF0000, v9;
	v46 =	vmul.f32 v52, v26;
	v38 =	vmul.f32 v38, v26  }
0x3ea: {  	v60 =	vand.u32 $0xFFFF0000, v63;
	v47 =	vmul.f32 v42, v29;
	v39 =	vmul.f32 v58, v20  }
0x3eb: {  	v59 =	vld [tilespmem:s26+$0x14250];
	v9 =	vmul.f32 v9, v20;
	v58 =	vshll.u32 v63, $0x10;
	v62 =	vshll.u32 v8, $0x10  }
0x3ec: {  	v8 =	vand.u32 $0xFFFF0000, v8;
	[tilespmem:v5+s6+$0x0] =	vst.idx.msk $0xffff, v2;
	v63 =	vadd.f32 v46, v45;
	v45 =	vmul.f32 v40, v28  }
0x3ed: {  	v61 =	vld [tilespmem:s8+$0x14250];
	v35 =	vadd.f32 v38, v35;
	v46 =	vmul.f32 v57, v29;
	v48 =	vmul.f32 v58, v30  }
0x3ee: {  	v5 =	vmul.f32 v60, v30;
	v38 =	vor.u32 v56, v16;
	v8 =	vmul.f32 v8, v18  }
0x3ef: {  	v43 =	vmul.f32 v62, v18;
	v7 =	vadd.f32 v39, v7;
	v9 =	vadd.f32 v9, v36  }
0x3f0: {  	v62 =	vmul.f32 v53, v28;
	[tilespmem:v4+s6+$0x0] =	vst.idx.msk $0xffff, v3;
	v52 =	vshll.u32 v59, $0x10;
	v6 =	vadd.f32 v8, v6;
	v8 =	vld [tilespmem:s31+$0x14250]  }
0x3f1: {  	v2 =	vand.u32 $0xFFFF0000, v59;
	v41 =	vadd.f32 v43, v41;
	v9 =	vadd.f32 v45, v9;
	v51 =	vld [tilespmem:s17+$0xFFFFFFC0]  }
0x3f2: {  	v59 =	vshll.u32 v61, $0x10;
	v7 =	vadd.f32 v62, v7;
	v57 =	vld [tilespmem:s18+$0xFFFFFFC0];
	v62 =	vor.u32 v54, v15  }
0x3f3: {  	v60 =	vld [tilespmem:s0+$0xFFFFFFC0];
	v49 =	vadd.f32 v46, v41;
	v2 =	vsub.f32 v9, v2;
	v9 =	vor.u32 v14, v16  }
0x3f4: {  	v43 =	vor.u32 v14, v15;
	v50 =	vadd.f32 v47, v6;
	v7 =	vsub.f32 v7, v52  }
0x3f5: {  	v53 =	vadd.f32 v48, v63;
	v36 =	vand.u32 $0xFFFF0000, v61;
	v3 =	vsub.f32 v49, v59  }
0x3f6: {  	v5 =	vadd.f32 v5, v35;
	v63 =	vld [tilespmem:s2+$0x14260];
	v4 =	vsub.f32 v50, v36;
	[tilespmem:v37+s6+$0x0] =	vst.idx.msk $0xffff, v7  }
0x3f7: {  	v58 =	vshll.u32 v8, $0x10;
	v8 =	vand.u32 $0xFFFF0000, v8;
	v6 =	vand.u32 $0xFFFF0000, v51;
	[tilespmem:v62+s6+$0x0] =	vst.idx.msk $0xffff, v3  }
0x3f8: {  	v44 =	vshll.u32 v57, $0x10;
	v35 =	vand.u32 $0xFFFF0000, v57;
	v45 =	vshll.u32 v60, $0x10;
	[tilespmem:v9+s6+$0x0] =	vst.idx.msk $0xffff, v2  }
0x3f9: {  	v48 =	vand.u32 $0xFFFF0000, v60;
	v61 =	vsub.f32 v53, v58;
	v5 =	vsub.f32 v5, v8;
	[tilespmem:v43+s6+$0x0] =	vst.idx.msk $0xffff, v4;
	v9 =	vld [tilespmem:s18+$0x0]  }
0x3fa: {  	v8 =	vshll.u32 v51, $0x10;
	v46 =	vmul.f32 v6, v22;
	v35 =	vmul.f32 v35, v23;
	v50 =	vld [tilespmem:s17+$0x40]  }
0x3fb: {  	v49 =	vshll.u32 v63, $0x10;
	v8 =	vmul.f32 v8, v22;
	[tilespmem:v0+s6+$0x0] =	vst.idx.msk $0xffff, v61;
	v0 =	vmul.f32 v44, v23;
	v51 =	vld [tilespmem:s18+$0x40]  }
0x3fc: {  	v7 =	vand.u32 $0xFFFF0000, v63;
	v2 =	vmul.f32 v48, v27;
	v63 =	vld [tilespmem:s0+$0x0];
	[tilespmem:v1+s6+$0x0] =	vst.idx.msk $0xffff, v5;
	v5 =	vadd.f32 v35, v46  }
0x3fd: {  	v37 =	vor.u32 v55, v17;
	v53 =	vld [tilespmem:s0+$0x40];
	v1 =	vmul.f32 v45, v27;
	v0 =	vadd.f32 v0, v8  }
0x3fe: {  	v4 =	vor.u32 v56, v24;
	v35 =	vor.u32 v55, v24;
	v2 =	vadd.f32 v2, v5  }
0x3ff: {  	v0 =	vadd.f32 v1, v0;
	v1 =	vor.u32 v56, v17;
	v52 =	vshll.u32 v9, $0x10  }
0x400: {  	v47 =	vld [tilespmem:s17+$0xFFFFFF80];
	v9 =	vand.u32 $0xFFFF0000, v9;
	v58 =	vshll.u32 v50, $0x10;
	v36 =	vand.u32 $0xFFFF0000, v50  }
0x401: {  	v8 =	vld [tilespmem:s17+$0x0];
	v59 =	vshll.u32 v51, $0x10;
	v5 =	vand.u32 $0xFFFF0000, v51;
	v41 =	vand.u32 $0xFFFF0000, v63  }
0x402: {  	v61 =	vld [tilespmem:s18+$0xFFFFFF80];
	v43 =	vand.u32 $0xFFFF0000, v53;
	v42 =	vmul.f32 v52, v20;
	v9 =	vmul.f32 v9, v20  }
0x403: {  	v57 =	vld [tilespmem:s0+$0xFFFFFF80];
	v50 =	vor.u32 v55, v15;
	v45 =	vmul.f32 v58, v19;
	v46 =	vmul.f32 v59, v18  }
0x404: {  	v0 =	vsub.f32 v0, v49;
	v36 =	vmul.f32 v36, v19;
	v5 =	vmul.f32 v5, v18  }
0x405: {  	v58 =	vmul.f32 v41, v28;
	v43 =	vmul.f32 v43, v29;
	v49 =	vor.u32 v56, v15  }
0x406: {  	v60 =	vshll.u32 v47, $0x10;
	v6 =	vand.u32 $0xFFFF0000, v47;
	v62 =	vshll.u32 v8, $0x10  }
0x407: {  	v8 =	vand.u32 $0xFFFF0000, v8;
	v40 =	vand.u32 $0xFFFF0000, v61;
	v3 =	vmul.f32 v60, v25  }
0x408: {  	v44 =	vand.u32 $0xFFFF0000, v57;
	v39 =	vmul.f32 v62, v21;
	v8 =	vmul.f32 v8, v21  }
0x409: {  	v60 =	vshll.u32 v61, $0x10;
	v61 =	vshll.u32 v63, $0x10;
	v6 =	vmul.f32 v6, v25  }
0x40a: {  	v51 =	vld [tilespmem:s26+$0x14260];
	v62 =	vshll.u32 v53, $0x10;
	v40 =	vmul.f32 v40, v26;
	v44 =	vmul.f32 v44, v30  }
0x40b: {  	v63 =	vshll.u32 v57, $0x10;
	v47 =	vmul.f32 v60, v26;
	v53 =	vmul.f32 v61, v28  }
0x40c: {  	v5 =	vadd.f32 v5, v36;
	v59 =	vmul.f32 v62, v29;
	v60 =	vmul.f32 v63, v30  }
0x40d: {  	v52 =	vld [tilespmem:s31+$0x14260];
	[tilespmem:v1+s6+$0x0] =	vst.idx.msk $0xffff, v0;
	v39 =	vadd.f32 v42, v39;
	v8 =	vadd.f32 v9, v8  }
0x40e: {  	v57 =	vld [tilespmem:s8+$0x14260];
	v1 =	vor.u32 v10, v15;
	v9 =	vadd.f32 v46, v45;
	v6 =	vadd.f32 v40, v6  }
0x40f: {  	v61 =	vshll.u32 v51, $0x10;
	v5 =	vadd.f32 v43, v5;
	v46 =	vsub.f32 v2, v7  }
0x410: {  	v3 =	vadd.f32 v47, v3;
	v47 =	vor.u32 v55, v16;
	v39 =	vadd.f32 v53, v39  }
0x411: {  	v62 =	vand.u32 $0xFFFF0000, v51;
	v8 =	vadd.f32 v58, v8;
	v9 =	vadd.f32 v59, v9  }
0x412: {  	v63 =	vshll.u32 v52, $0x10;
	v6 =	vadd.f32 v44, v6;
	[tilespmem:v37+s6+$0x0] =	vst.idx.msk $0xffff, v46;
	v48 =	vsub.f32 v39, v61  }
0x413: {  	v3 =	vadd.f32 v60, v3;
	v44 =	vshll.u32 v57, $0x10;
	v51 =	vld [tilespmem:s17+$0xFFFFFFD0];
	v8 =	vsub.f32 v8, v62  }
0x414: {  	v36 =	vand.u32 $0xFFFF0000, v57;
	v0 =	vsub.f32 v9, v44;
	v9 =	vand.u32 $0xFFFF0000, v52;
	v52 =	vld [tilespmem:s18+$0xFFFFFFD0];
	[tilespmem:v38+s6+$0x0] =	vst.idx.msk $0xffff, v48  }
0x415: {  	v2 =	vor.u32 v10, v17;
	v5 =	vsub.f32 v5, v36;
	v38 =	vld [tilespmem:s0+$0xFFFFFFD0];
	[tilespmem:v47+s6+$0x0] =	vst.idx.msk $0xffff, v8  }
0x416: {  	v37 =	vor.u32 v13, v17;
	v3 =	vsub.f32 v3, v63;
	[tilespmem:v49+s6+$0x0] =	vst.idx.msk $0xffff, v0;
	v53 =	vld [tilespmem:s17+$0x10]  }
0x417: {  	v6 =	vsub.f32 v6, v9;
	v9 =	vor.u32 v13, v24;
	[tilespmem:v50+s6+$0x0] =	vst.idx.msk $0xffff, v5;
	v57 =	vld [tilespmem:s18+$0x10]  }
0x418: {  	v0 =	vor.u32 v10, v16;
	v8 =	vor.u32 v13, v16;
	v16 =	vor.u32 v13, v15;
	v5 =	vld [tilespmem:s17+$0x50]  }
0x419: {  	[tilespmem:v4+s6+$0x0] =	vst.idx.msk $0xffff, v3;
	v58 =	vshll.u32 v51, $0x10;
	v59 =	vand.u32 $0xFFFF0000, v51;
	v61 =	vld [tilespmem:s18+$0x50];
	v60 =	vshll.u32 v52, $0x10  }
0x41a: {  	[tilespmem:v35+s6+$0x0] =	vst.idx.msk $0xffff, v6;
	v63 =	vld [tilespmem:s0+$0x10];
	v7 =	vand.u32 $0xFFFF0000, v52;
	v3 =	vmul.f32 v58, v22;
	v6 =	vmul.f32 v60, v23  }
0x41b: {  	v49 =	vld [tilespmem:s0+$0x50];
	v4 =	vmul.f32 v59, v22;
	v7 =	vmul.f32 v7, v23;
	v36 =	vshll.u32 v38, $0x10  }
0x41c: {  	v38 =	vand.u32 $0xFFFF0000, v38;
	v3 =	vadd.f32 v6, v3;
	v36 =	vmul.f32 v36, v27  }
0x41d: {  	v35 =	vld [tilespmem:s17+$0xFFFFFF90];
	v4 =	vadd.f32 v7, v4;
	v23 =	vshll.u32 v53, $0x10;
	v17 =	vand.u32 $0xFFFF0000, v53  }
0x41e: {  	v22 =	vld [tilespmem:s18+$0xFFFFFF90];
	v62 =	vshll.u32 v57, $0x10;
	v39 =	vand.u32 $0xFFFF0000, v57;
	v48 =	vshll.u32 v5, $0x10  }
0x41f: {  	v51 =	vld [tilespmem:s0+$0xFFFFFF90];
	v5 =	vand.u32 $0xFFFF0000, v5;
	v15 =	vand.u32 $0xFFFF0000, v61;
	v57 =	vshll.u32 v63, $0x10  }
0x420: {  	v59 =	vand.u32 $0xFFFF0000, v63;
	v60 =	vand.u32 $0xFFFF0000, v49;
	v23 =	vmul.f32 v23, v21  }
0x421: {  	v40 =	vmul.f32 v62, v20;
	v17 =	vmul.f32 v17, v21;
	v21 =	vshll.u32 v61, $0x10  }
0x422: {  	v50 =	vshll.u32 v35, $0x10;
	v35 =	vand.u32 $0xFFFF0000, v35;
	v20 =	vmul.f32 v39, v20  }
0x423: {  	v52 =	vshll.u32 v22, $0x10;
	v22 =	vand.u32 $0xFFFF0000, v22;
	v42 =	vmul.f32 v48, v19  }
0x424: {  	v5 =	vmul.f32 v5, v19;
	v15 =	vmul.f32 v15, v18;
	v61 =	vshll.u32 v51, $0x10  }
0x425: {  	v39 =	vand.u32 $0xFFFF0000, v51;
	v21 =	vmul.f32 v21, v18;
	v53 =	vmul.f32 v50, v25  }
0x426: {  	v3 =	vadd.f32 v36, v3;
	v58 =	vmul.f32 v52, v26;
	v25 =	vmul.f32 v35, v25  }
0x427: {  	v62 =	vld [tilespmem:s2+$0x14270];
	v22 =	vmul.f32 v22, v26;
	v26 =	vshll.u32 v49, $0x10;
	v63 =	vadd.f32 v40, v23  }
0x428: {  	v23 =	vmul.f32 v38, v27;
	v17 =	vadd.f32 v20, v17;
	v38 =	vmul.f32 v57, v28  }
0x429: {  	v5 =	vadd.f32 v15, v5;
	v27 =	vmul.f32 v61, v30;
	v20 =	vadd.f32 v21, v42;
	v21 =	vld [tilespmem:s26+$0x14270]  }
0x42a: {  	v40 =	vadd.f32 v22, v25;
	v22 =	vmul.f32 v59, v28;
	v25 =	vmul.f32 v26, v29;
	v26 =	vld [tilespmem:s8+$0x14270]  }
0x42b: {  	v18 =	vadd.f32 v58, v53;
	v28 =	vmul.f32 v60, v29;
	v29 =	vmul.f32 v39, v30;
	v30 =	vld [tilespmem:s31+$0x14270]  }
0x42c: {  	v4 =	vadd.f32 v23, v4;
	v7 =	vadd.f32 v38, v63;
	v23 =	vshll.u32 v62, $0x10  }
0x42d: {  	[tilespmem:v32+s6+$0x0] =	vst.idx.msk $0xffff, v34;
	v6 =	vand.u32 $0xFFFF0000, v62;
	v17 =	vadd.f32 v22, v17;
	v3 =	vsub.f32 v3, v23  }
0x42e: {  	[tilespmem:v31+s6+$0x0] =	vst.idx.msk $0xffff, v33;
	v43 =	vadd.f32 v25, v20;
	v4 =	vsub.f32 v4, v6;
	v42 =	vshll.u32 v21, $0x10  }
0x42f: {  	v46 =	vadd.f32 v27, v18;
	[tilespmem:v37+s6+$0x0] =	vst.idx.msk $0xffff, v3;
	v45 =	vshll.u32 v26, $0x10;
	v7 =	vsub.f32 v7, v42  }
0x430: {  	v44 =	vadd.f32 v28, v5;
	v49 =	vshll.u32 v30, $0x10;
	[tilespmem:v2+s6+$0x0] =	vst.idx.msk $0xffff, v4;
	v5 =	vsub.f32 v43, v45  }
0x431: {  	v24 =	vor.u32 v10, v24;
	v20 =	vand.u32 $0xFFFF0000, v21;
	v2 =	vsub.f32 v46, v49;
	[tilespmem:v8+s6+$0x0] =	vst.idx.msk $0xffff, v7  }
0x432: {  	v48 =	vadd.f32 v29, v40;
	v47 =	vand.u32 $0xFFFF0000, v26;
	v17 =	vsub.f32 v17, v20;
	[tilespmem:v16+s6+$0x0] =	vst.idx.msk $0xffff, v5  }
0x433: {  	v50 =	vand.u32 $0xFFFF0000, v30;
	v3 =	vsub.f32 v44, v47;
	[tilespmem:v9+s6+$0x0] =	vst.idx.msk $0xffff, v2  }
0x434: {  	[tilespmem:v0+s6+$0x0] =	vst.idx.msk $0xffff, v17;
	v0 =	vsub.f32 v48, v50  }
0x435: {  	s11 =	sshll.u32 s25, $0x4;
	s25 =	rddreg [dreg:$0x1];
	[tilespmem:v1+s6+$0x0] =	vst.idx.msk $0xffff, v3  }
0x436: {  	s0 =	sadd.s32 s25, s11;
	s17 =	smul.u32 $0x68, s16;
	[tilespmem:v24+s6+$0x0] =	vst.idx.msk $0xffff, v0  }
0x437: {  	[hbm4b:s0+s3] =	stream.linear.scatter [tilespmem:s6], [sflag:$0x6], $0x3200, $0x38;
	[tilespmem:$0x1AA40] =	vst v63  }
0x438: {  	s18 =	sadd.s32 $0x3260, s17  }
0x439: {  	[tilespmem:s14], [sflag:$0x4] =	stream.indirect.gather [hbm4b:s4+s13], $0x40, s18, s13, $0xb8;
	[tilespmem:$0x1AA40] =	vst v63  }
0x43a: {  	s19 =	sadd.s32 $0x46B0, s17;
	s26 =	simm.s32 $0xC540;
	s31 =	smul.u32 $0x64, s16  }
0x43b: {  	[tilespmem:s26], [sflag:$0x4] =	stream.indirect.gather [hbm4b:s4+s13], $0x40, s19, s13, $0xb8;
	[tilespmem:$0x1AA40] =	vst v63  }
0x43c: {  	s26 =	rddreg [dreg:$0x4]  }
0x43d: {  	s5 =	simm.s32 $0xDE40;
	s29 =	sadd.s32 $0x5B00, s17;
	s8 =	sadd.s32 s26, s31  }
0x43e: {  	[tilespmem:s5], [sflag:$0x4] =	stream.indirect.gather [hbm4b:s4+s13], $0x40, s29, s13, $0xb8;
	[tilespmem:$0x1AA40] =	vst v63  }
0x43f: {  	s0 =	sshrl.u32 s8, $0x4  }
0x440: {  	s0 =	smin.u32 s0, $0x2708  }
0x441: {  	s0 =	sshll.u32 s0, $0x3  }
0x442: {  	s9 =	simm.s32 $0x14240;
	s11 =	simm.s32 $0x5;
	s0 =	sadd.s32 s4, s0  }
0x443: {  	[tilespmem:s9], [sflag:$0x4] =	stream.linear.gather [hbm4b:s0+s3], $0x200, $0x38;
	[tilespmem:$0x1AA40] =	vst v63  }
0x444: {  	_ =	swait.ge [sflag:s11], $0x1900  }
0x445: {  	[sflag:s11] =	ssyncset.done $0x0  }
0x446: {  	[sflag:s11] =	ssyncadd.s32 $0xFFFFE700  }
0x447: {  	_ =	swait.ge [sflag:s11], $0x1900  }
0x448: {  	[sflag:s11] =	ssyncset.done $0x0  }
0x449: {  	[sflag:s11] =	ssyncadd.s32 $0xFFFFE700  }
0x44a: {  	v51 =	vmov s24;
	_ =	swait.ge [sflag:s11], $0x1900  }
0x44b: {  	v0 =	vmul.u32 $0x68, v51;
	[sflag:s11] =	ssyncset.done $0x0  }
0x44c: {  	s16 =	simm.s32 $0x4;
	[sflag:s11] =	ssyncadd.s32 $0xFFFFE700  }
0x44d: {  	v52 =	vmov s16;
	v16 =	vbroadcast v0, $0x0;
	_ =	swait.ge [sflag:s11], $0x200  }
0x44e: {  	v53 =	vand.u32 $0xF8, v52;
	[sflag:s11] =	ssyncset.done $0x0  }
0x44f: {  	v57 =	vand.u32 $0x7, v52;
	v1 =	vadd.s32 v16, v53;
	s0 =	simm.s32 @!p0 $0x7;
	[sflag:s11] =	ssyncadd.s32 $0xFFFFFE00  }
0x450: {  	v1 =	vor.u32 v57, v1;
	_ =	swait.ge @!p0 [sflag:s0], $0x3200  }
0x451: {  	s17 =	simm.s32 $0x0;
	[sflag:s0] =	ssyncset.done @!p0 $0x0  }
0x452: {  	s2 =	simm.s32 $0xF7E0;
	v59 =	vmov s17;
	[sflag:s0] =	ssyncadd.s32 @!p0 $0xFFFFCE00  }
0x453: {  	v61 =	vand.u32 $0x78, v59;
	v62 =	vand.u32 $0x7, v59;
	v17 =	vshll.u32 v52, $0x7;
	s18 =	simm.s32 $0x1;
	s0 =	simm.s32 $0x110E0;
	v58 =	vld [tilespmem:s2+$0x60]  }
0x454: {  	s24 =	sadd.s32 $0x0, s21;
	v51 =	vor.u32 v11, v17;
	v63 =	vmov s18;
	v5 =	vadd.s32 v16, v61;
	v60 =	vld [tilespmem:s0+$0x60]  }
0x455: {  	s19 =	simm.s32 $0x2;
	v9 =	vand.u32 $0xF8, v63;
	v43 =	vand.u32 $0x7, v63;
	v35 =	vor.u32 v62, v5;
	s31 =	sadd.s32 $0x68, s24;
	v36 =	vld.idx.msk [tilespmem:v1+s30+$0x0], $0xffff  }
0x456: {  	s1 =	simm.s32 $0x129E0;
	v57 =	vshll.u32 v59, $0x7;
	v8 =	vmov s19;
	v9 =	vadd.s32 v16, v9;
	s11 =	sshrl.u32 s31, $0x4;
	v37 =	vld.idx.msk [tilespmem:v1+s10+$0x0], $0xffff  }
0x457: {  	v28 =	vor.u32 v54, v57;
	v40 =	vor.u32 v11, v57;
	v39 =	vor.u32 v12, v57;
	s29 =	simm.s32 $0x3;
	s8 =	ssub.s32 s11, s23;
	v44 =	vld [tilespmem:s1+$0x60]  }
0x458: {  	v45 =	vand.u32 $0xF8, v8;
	v5 =	vor.u32 v43, v9;
	v34 =	vmov s29;
	s8 =	sshll.u32 s8, $0x8;
	v38 =	vld.idx.msk [tilespmem:v1+s12+$0x0], $0xffff  }
0x459: {  	v47 =	vand.u32 $0x7, v8;
	v19 =	vadd.s32 v16, v45;
	v46 =	vand.u32 $0xF8, v34;
	s9 =	sshra.s32 s8, $0x2  }
0x45a: {  	v49 =	vld [tilespmem:s9+$0x14440];
	v48 =	vshll.u32 v58, $0x10;
	v2 =	vand.u32 $0xFFFF0000, v58;
	v9 =	vshll.u32 v60, $0x10  }
0x45b: {  	v22 =	vld [tilespmem:s0+$0xFFFFFF60];
	v4 =	vand.u32 $0xFFFF0000, v60;
	v0 =	vmul.f32 v48, v36;
	v9 =	vmul.f32 v9, v37  }
0x45c: {  	v23 =	vld [tilespmem:s2+$0xFFFFFFA0];
	v21 =	vshll.u32 v44, $0x10;
	v2 =	vmul.f32 v2, v36;
	v4 =	vmul.f32 v4, v37  }
0x45d: {  	v20 =	vld.idx.msk [tilespmem:v5+s30+$0x0], $0xffff;
	v18 =	vand.u32 $0xFFFF0000, v44;
	v0 =	vadd.f32 v9, v0;
	v9 =	vmul.f32 v21, v38  }
0x45e: {  	v1 =	vadd.s32 v16, v46;
	v52 =	vld [tilespmem:s0+$0xFFFFFFA0];
	v50 =	vmul.f32 v18, v38;
	v2 =	vadd.f32 v4, v2  }
0x45f: {  	v24 =	vshll.u32 v49, $0x10;
	v21 =	vld [tilespmem:s2+$0xFFFFFF60];
	v0 =	vadd.f32 v9, v0;
	v9 =	vor.u32 v12, v17  }
0x460: {  	v59 =	vld [tilespmem:s2+$0xFFFFFFE0];
	v53 =	vand.u32 $0xFFFF0000, v49;
	v32 =	vshll.u32 v22, $0x10;
	v2 =	vadd.f32 v50, v2  }
0x461: {  	v26 =	vld [tilespmem:s0+$0x20];
	v33 =	vand.u32 $0xFFFF0000, v22;
	v22 =	vshll.u32 v23, $0x10;
	v0 =	vsub.f32 v0, v24  }
0x462: {  	v60 =	vld [tilespmem:s2+$0x20];
	v27 =	vand.u32 $0xFFFF0000, v23;
	v24 =	vand.u32 $0x7, v34;
	v2 =	vsub.f32 v2, v53  }
0x463: {  	v25 =	vshll.u32 v52, $0x10;
	v4 =	vor.u32 v47, v19;
	v1 =	vor.u32 v24, v1;
	v24 =	vld [tilespmem:s0+$0xFFFFFFE0];
	[tilespmem:v51+s20+$0x0] =	vst.idx.msk $0xffff, v0  }
0x464: {  	v19 =	vshll.u32 v8, $0x7;
	v7 =	vshll.u32 v21, $0x10;
	v8 =	vand.u32 $0xFFFF0000, v21;
	v21 =	vld.idx.msk [tilespmem:v5+s10+$0x0], $0xffff;
	[tilespmem:v9+s20+$0x0] =	vst.idx.msk $0xffff, v2  }
0x465: {  	v6 =	vand.u32 $0xFFFF0000, v52;
	v31 =	vshll.u32 v59, $0x10;
	v18 =	vshll.u32 v63, $0x7;
	v2 =	vld [tilespmem:s2+$0x70]  }
0x466: {  	v3 =	vand.u32 $0xFFFF0000, v59;
	v49 =	vshll.u32 v26, $0x10;
	v30 =	vor.u32 v54, v18;
	v9 =	vld [tilespmem:s0+$0x70]  }
0x467: {  	v29 =	vor.u32 v14, v18;
	v41 =	vor.u32 v11, v18;
	v44 =	vshll.u32 v60, $0x10  }
0x468: {  	v50 =	vand.u32 $0xFFFF0000, v26;
	v53 =	vmul.f32 v27, v20;
	v34 =	vshll.u32 v34, $0x7;
	v23 =	vld [tilespmem:s1+$0x70]  }
0x469: {  	v0 =	vand.u32 $0xFFFF0000, v60;
	v60 =	vor.u32 v54, v17;
	v42 =	vshll.u32 v24, $0x10  }
0x46a: {  	v58 =	vld [tilespmem:s1+$0xFFFFFF60];
	v43 =	vand.u32 $0xFFFF0000, v24;
	v24 =	vmul.f32 v22, v20;
	v6 =	vmul.f32 v6, v21  }
0x46b: {  	v27 =	vld.idx.msk [tilespmem:v35+s30+$0x0], $0xffff;
	v22 =	vshll.u32 v2, $0x10;
	v61 =	vshll.u32 v9, $0x10;
	v2 =	vand.u32 $0xFFFF0000, v2  }
0x46c: {  	v46 =	vld [tilespmem:s9+$0x14450];
	v9 =	vand.u32 $0xFFFF0000, v9;
	v62 =	vmul.f32 v22, v36;
	v45 =	vmul.f32 v61, v37  }
0x46d: {  	v63 =	vshll.u32 v23, $0x10;
	v2 =	vmul.f32 v2, v36;
	v22 =	vld.idx.msk [tilespmem:v4+s30+$0x0], $0xffff;
	v9 =	vmul.f32 v9, v37  }
0x46e: {  	v59 =	vand.u32 $0xFFFF0000, v23;
	v23 =	vld.idx.msk [tilespmem:v4+s10+$0x0], $0xffff;
	v15 =	vmul.f32 v63, v38;
	v45 =	vadd.f32 v45, v62  }
0x46f: {  	v2 =	vadd.f32 v9, v2;
	v9 =	vmul.f32 v59, v38;
	v62 =	vmul.f32 v25, v21;
	v25 =	vld.idx.msk [tilespmem:v1+s30+$0x0], $0xffff  }
0x470: {  	v7 =	vmul.f32 v7, v27;
	v8 =	vmul.f32 v8, v27;
	v6 =	vadd.f32 v6, v53;
	v61 =	vld [tilespmem:s1+$0xFFFFFFA0]  }
0x471: {  	v45 =	vadd.f32 v15, v45;
	v2 =	vadd.f32 v9, v2;
	v9 =	vor.u32 v14, v17;
	v15 =	vld.idx.msk [tilespmem:v5+s12+$0x0], $0xffff  }
0x472: {  	v26 =	vshll.u32 v46, $0x10;
	v46 =	vand.u32 $0xFFFF0000, v46;
	v63 =	vmul.f32 v31, v22;
	v31 =	vld.idx.msk [tilespmem:v35+s10+$0x0], $0xffff  }
0x473: {  	v42 =	vmul.f32 v42, v23;
	v3 =	vmul.f32 v3, v22;
	v35 =	vld.idx.msk [tilespmem:v35+s12+$0x0], $0xffff;
	v45 =	vsub.f32 v45, v26  }
0x474: {  	v26 =	vld.idx.msk [tilespmem:v1+s10+$0x0], $0xffff;
	v2 =	vsub.f32 v2, v46;
	v46 =	vand.u32 $0xFFFF0000, v58;
	v59 =	vmul.f32 v44, v25  }
0x475: {  	v0 =	vmul.f32 v0, v25;
	v44 =	vld [tilespmem:s1+$0x20];
	[tilespmem:v60+s20+$0x0] =	vst.idx.msk $0xffff, v45;
	v45 =	vshll.u32 v58, $0x10;
	v58 =	vshll.u32 v61, $0x10  }
0x476: {  	v5 =	vand.u32 $0xFFFF0000, v61;
	[tilespmem:v9+s20+$0x0] =	vst.idx.msk $0xffff, v2;
	v2 =	vld [tilespmem:s1+$0xFFFFFFE0];
	v9 =	vmul.f32 v43, v23;
	v53 =	vmul.f32 v58, v15  }
0x477: {  	v42 =	vadd.f32 v42, v63;
	v5 =	vmul.f32 v5, v15;
	v61 =	vld [tilespmem:s2+$0x80];
	v63 =	vmul.f32 v32, v31  }
0x478: {  	v51 =	vadd.f32 v62, v24;
	v33 =	vmul.f32 v33, v31;
	v32 =	vld.idx.msk [tilespmem:v4+s12+$0x0], $0xffff;
	v45 =	vmul.f32 v45, v35  }
0x479: {  	v48 =	vld [tilespmem:s1+$0x80];
	v46 =	vmul.f32 v46, v35;
	v60 =	vmul.f32 v49, v26;
	v3 =	vadd.f32 v9, v3  }
0x47a: {  	v62 =	vmul.f32 v50, v26;
	v9 =	vld [tilespmem:s0+$0x80];
	v49 =	vadd.f32 v53, v51;
	v5 =	vadd.f32 v5, v6  }
0x47b: {  	v7 =	vadd.f32 v63, v7;
	v8 =	vadd.f32 v33, v8;
	v52 =	vshll.u32 v44, $0x10  }
0x47c: {  	v44 =	vand.u32 $0xFFFF0000, v44;
	v43 =	vadd.f32 v60, v59;
	v0 =	vadd.f32 v62, v0  }
0x47d: {  	v58 =	vshll.u32 v2, $0x10;
	v2 =	vand.u32 $0xFFFF0000, v2;
	v7 =	vadd.f32 v45, v7  }
0x47e: {  	s17 =	sadd.s32 $0x65, s24;
	s16 =	sadd.s32 $0x64, s24;
	v33 =	vld.idx.msk [tilespmem:v1+s12+$0x0], $0xffff;
	v45 =	vor.u32 v11, v19;
	v59 =	vshll.u32 v61, $0x10;
	v47 =	vand.u32 $0xFFFF0000, v61  }
0x47f: {  	s18 =	sadd.s32 $0x66, s24;
	s19 =	sadd.s32 $0x67, s24;
	s24 =	sshrl.u32 s17, $0x4;
	v4 =	vmul.f32 v58, v32;
	v58 =	vshll.u32 v48, $0x10;
	v60 =	vshll.u32 v9, $0x10  }
0x480: {  	s5 =	ssub.s32 s24, s23;
	s17 =	sshrl.u32 s19, $0x4;
	s29 =	sshrl.u32 s18, $0x4;
	v61 =	vand.u32 $0xFFFF0000, v9;
	v9 =	vmul.f32 v59, v36;
	v62 =	vmul.f32 v60, v37  }
0x481: {  	s17 =	ssub.s32 s17, s23;
	s31 =	sshll.u32 s5, $0x8;
	s11 =	ssub.s32 s29, s23;
	v53 =	vld [tilespmem:s9+$0x14460];
	v2 =	vmul.f32 v2, v32;
	v48 =	vand.u32 $0xFFFF0000, v48;
	v63 =	vmul.f32 v47, v36  }
0x482: {  	s11 =	sshll.u32 s11, $0x8;
	s8 =	sshrl.u32 s16, $0x4;
	s16 =	sshra.s32 s31, $0x2;
	v6 =	vmul.f32 v58, v38;
	v1 =	vmul.f32 v61, v37;
	v9 =	vadd.f32 v62, v9  }
0x483: {  	s18 =	sshra.s32 s11, $0x2;
	s31 =	sshll.u32 s17, $0x8;
	v48 =	vmul.f32 v48, v38;
	v59 =	vld [tilespmem:s16+$0x14440];
	v47 =	vmul.f32 v52, v33;
	v4 =	vadd.f32 v4, v42  }
0x484: {  	s11 =	sshra.s32 s31, $0x2;
	v61 =	vld [tilespmem:s18+$0x14440];
	v1 =	vadd.f32 v1, v63;
	v6 =	vadd.f32 v6, v9;
	v9 =	vor.u32 v56, v17  }
0x485: {  	v44 =	vmul.f32 v44, v33;
	v2 =	vadd.f32 v2, v3;
	v62 =	vor.u32 v55, v17;
	v63 =	vld [tilespmem:s11+$0x14440]  }
0x486: {  	v60 =	vshll.u32 v53, $0x10;
	v43 =	vadd.f32 v47, v43;
	v1 =	vadd.f32 v48, v1  }
0x487: {  	s8 =	ssub.s32 s8, s23;
	v50 =	vand.u32 $0xFFFF0000, v53;
	v0 =	vadd.f32 v44, v0;
	v6 =	vsub.f32 v6, v60  }
0x488: {  	s8 =	sshll.u32 s8, $0x8;
	v44 =	vor.u32 v12, v18;
	v1 =	vsub.f32 v1, v50;
	v60 =	vor.u32 v11, v34  }
0x489: {  	s5 =	sshra.s32 s8, $0x2;
	v51 =	vshll.u32 v59, $0x10;
	v3 =	vand.u32 $0xFFFF0000, v59;
	v52 =	vshll.u32 v61, $0x10;
	[tilespmem:v9+s20+$0x0] =	vst.idx.msk $0xffff, v6  }
0x48a: {  	v42 =	vld [tilespmem:s5+$0x14440];
	v47 =	vand.u32 $0xFFFF0000, v61;
	v4 =	vsub.f32 v4, v52;
	v53 =	vshll.u32 v63, $0x10;
	[tilespmem:v62+s20+$0x0] =	vst.idx.msk $0xffff, v1  }
0x48b: {  	v3 =	vsub.f32 v5, v3;
	v61 =	vor.u32 v12, v34;
	v5 =	vsub.f32 v43, v53;
	v48 =	vld [tilespmem:s2+$0x90]  }
0x48c: {  	[tilespmem:v45+s20+$0x0] =	vst.idx.msk $0xffff, v4;
	v6 =	vor.u32 v12, v19;
	v1 =	vsub.f32 v49, v51;
	v58 =	vld [tilespmem:s0+$0x90]  }
0x48d: {  	v8 =	vadd.f32 v46, v8;
	v2 =	vsub.f32 v2, v47;
	v59 =	vand.u32 $0xFFFF0000, v63;
	v63 =	vld [tilespmem:s1+$0x90];
	[tilespmem:v60+s20+$0x0] =	vst.idx.msk $0xffff, v5  }
0x48e: {  	v0 =	vsub.f32 v0, v59;
	v43 =	vor.u32 v54, v19;
	[tilespmem:v41+s20+$0x0] =	vst.idx.msk $0xffff, v1  }
0x48f: {  	v9 =	vshll.u32 v42, $0x10;
	v62 =	vand.u32 $0xFFFF0000, v42;
	v41 =	vor.u32 v54, v34;
	v54 =	vld [tilespmem:s9+$0x14470];
	[tilespmem:v44+s20+$0x0] =	vst.idx.msk $0xffff, v3  }
0x490: {  	v12 =	vsub.f32 v7, v9;
	v50 =	vsub.f32 v8, v62;
	[tilespmem:v61+s20+$0x0] =	vst.idx.msk $0xffff, v0;
	v8 =	vld [tilespmem:s2+$0xFFFFFFB0];
	v52 =	vshll.u32 v48, $0x10  }
0x491: {  	v51 =	vld [tilespmem:s0+$0xFFFFFFB0];
	[tilespmem:v6+s20+$0x0] =	vst.idx.msk $0xffff, v2;
	v53 =	vand.u32 $0xFFFF0000, v48;
	v9 =	vshll.u32 v58, $0x10;
	v58 =	vand.u32 $0xFFFF0000, v58  }
0x492: {  	[tilespmem:v40+s20+$0x0] =	vst.idx.msk $0xffff, v12;
	v45 =	vld [tilespmem:s2+$0xFFFFFFF0];
	v59 =	vshll.u32 v63, $0x10;
	v2 =	vmul.f32 v52, v36;
	v9 =	vmul.f32 v9, v37  }
0x493: {  	[tilespmem:v39+s20+$0x0] =	vst.idx.msk $0xffff, v50;
	v61 =	vld [tilespmem:s0+$0xFFFFFFF0];
	v62 =	vand.u32 $0xFFFF0000, v63;
	v60 =	vmul.f32 v53, v36;
	v5 =	vmul.f32 v58, v37  }
0x494: {  	v42 =	vor.u32 v14, v19;
	v12 =	vld [tilespmem:s2+$0xFFFFFF70];
	v0 =	vmul.f32 v59, v38;
	v3 =	vmul.f32 v62, v38  }
0x495: {  	v48 =	vshll.u32 v54, $0x10;
	v50 =	vand.u32 $0xFFFF0000, v54;
	v2 =	vadd.f32 v9, v2  }
0x496: {  	v4 =	vld [tilespmem:s0+$0xFFFFFF70];
	v1 =	vadd.f32 v5, v60;
	v63 =	vshll.u32 v8, $0x10;
	v8 =	vand.u32 $0xFFFF0000, v8  }
0x497: {  	v49 =	vshll.u32 v51, $0x10;
	v51 =	vand.u32 $0xFFFF0000, v51;
	v52 =	vshll.u32 v45, $0x10  }
0x498: {  	v59 =	vld [tilespmem:s1+$0xFFFFFFB0];
	v53 =	vand.u32 $0xFFFF0000, v45;
	v54 =	vshll.u32 v61, $0x10;
	v6 =	vand.u32 $0xFFFF0000, v61  }
0x499: {  	v62 =	vld [tilespmem:s1+$0xFFFFFFF0];
	v61 =	vshll.u32 v12, $0x10;
	v7 =	vmul.f32 v63, v20;
	v8 =	vmul.f32 v8, v20  }
0x49a: {  	v0 =	vadd.f32 v0, v2;
	v1 =	vadd.f32 v3, v1;
	v2 =	vand.u32 $0xFFFF0000, v12  }
0x49b: {  	v3 =	vmul.f32 v49, v21;
	v12 =	vshll.u32 v4, $0x10;
	v39 =	vmul.f32 v52, v22  }
0x49c: {  	v9 =	vld [tilespmem:s2+$0x30];
	v4 =	vand.u32 $0xFFFF0000, v4;
	v37 =	vmul.f32 v54, v23;
	v6 =	vmul.f32 v6, v23  }
0x49d: {  	v5 =	vld [tilespmem:s0+$0x30];
	v46 =	vmul.f32 v61, v27;
	v44 =	vand.u32 $0xFFFF0000, v59;
	v49 =	vmul.f32 v12, v31  }
0x49e: {  	v47 =	vand.u32 $0xFFFF0000, v62;
	v2 =	vmul.f32 v2, v27;
	v4 =	vmul.f32 v4, v31  }
0x49f: {  	v38 =	vsub.f32 v0, v48;
	v36 =	vsub.f32 v1, v50;
	v0 =	vmul.f32 v51, v21  }
0x4a0: {  	v63 =	vld [tilespmem:s1+$0x30];
	v3 =	vadd.f32 v3, v7;
	v1 =	vmul.f32 v53, v22;
	v37 =	vadd.f32 v37, v39  }
0x4a1: {  	v53 =	vshll.u32 v62, $0x10;
	v44 =	vmul.f32 v44, v15;
	v58 =	vshll.u32 v9, $0x10  }
0x4a2: {  	v52 =	vld [tilespmem:s1+$0xFFFFFF70];
	v9 =	vand.u32 $0xFFFF0000, v9;
	v60 =	vshll.u32 v5, $0x10;
	v5 =	vand.u32 $0xFFFF0000, v5  }
0x4a3: {  	v46 =	vadd.f32 v49, v46;
	v39 =	vmul.f32 v53, v32;
	v2 =	vadd.f32 v4, v2  }
0x4a4: {  	v0 =	vadd.f32 v0, v8;
	v8 =	vshll.u32 v59, $0x10;
	v40 =	vmul.f32 v58, v25  }
0x4a5: {  	v1 =	vadd.f32 v6, v1;
	v54 =	vshll.u32 v63, $0x10;
	v45 =	vmul.f32 v60, v26  }
0x4a6: {  	v9 =	vmul.f32 v9, v25;
	v48 =	vand.u32 $0xFFFF0000, v63;
	v5 =	vmul.f32 v5, v26;
	v59 =	vld [tilespmem:s16+$0x14450]  }
0x4a7: {  	v58 =	vshll.u32 v52, $0x10;
	v7 =	vand.u32 $0xFFFF0000, v52;
	v8 =	vmul.f32 v8, v15  }
0x4a8: {  	v60 =	vld [tilespmem:s18+$0x14450];
	v61 =	vmul.f32 v54, v33;
	v37 =	vadd.f32 v39, v37;
	v40 =	vadd.f32 v45, v40  }
0x4a9: {  	v5 =	vadd.f32 v5, v9;
	v9 =	vmul.f32 v47, v32;
	v62 =	vmul.f32 v58, v35  }
0x4aa: {  	v0 =	vadd.f32 v44, v0;
	v7 =	vmul.f32 v7, v35;
	v3 =	vadd.f32 v8, v3  }
0x4ab: {  	v12 =	vld [tilespmem:s5+$0x14450];
	v8 =	vmul.f32 v48, v33;
	v1 =	vadd.f32 v9, v1;
	v9 =	vshll.u32 v59, $0x10  }
0x4ac: {  	v63 =	vld [tilespmem:s11+$0x14450];
	v6 =	vadd.f32 v62, v46;
	v46 =	vand.u32 $0xFFFF0000, v59;
	v3 =	vsub.f32 v3, v9  }
0x4ad: {  	v2 =	vadd.f32 v7, v2;
	v48 =	vshll.u32 v60, $0x10;
	v0 =	vsub.f32 v0, v46  }
0x4ae: {  	s24 =	simm.s32 $0x7;
	v5 =	vadd.f32 v8, v5;
	v8 =	vand.u32 $0xFFFF0000, v60;
	v7 =	vsub.f32 v37, v48;
	[tilespmem:v30+s20+$0x0] =	vst.idx.msk $0xffff, v3  }
0x4af: {  	v24 =	vmov s24;
	v39 =	vor.u32 v56, v57;
	v1 =	vsub.f32 v1, v8;
	[tilespmem:v29+s20+$0x0] =	vst.idx.msk $0xffff, v0  }
0x4b0: {  	v49 =	vshll.u32 v12, $0x10;
	v4 =	vadd.f32 v61, v40;
	v8 =	vor.u32 v14, v57;
	[tilespmem:v43+s20+$0x0] =	vst.idx.msk $0xffff, v7;
	v51 =	vld [tilespmem:s2+$0xFFFFFFC0]  }
0x4b1: {  	v9 =	vor.u32 v14, v34;
	v30 =	vshll.u32 v63, $0x10;
	v3 =	vsub.f32 v6, v49;
	[tilespmem:v42+s20+$0x0] =	vst.idx.msk $0xffff, v1;
	v53 =	vld [tilespmem:s0+$0xFFFFFFC0]  }
0x4b2: {  	s19 =	simm.s32 $0x6;
	v52 =	vand.u32 $0xFFFF0000, v12;
	v40 =	vor.u32 v55, v57;
	v4 =	vsub.f32 v4, v30;
	v60 =	vld [tilespmem:s2+$0x0]  }
0x4b3: {  	s17 =	simm.s32 $0x5;
	v50 =	vand.u32 $0xFFFF0000, v63;
	v59 =	vmov s19;
	v54 =	vsub.f32 v2, v52;
	[tilespmem:v28+s20+$0x0] =	vst.idx.msk $0xffff, v3  }
0x4b4: {  	s29 =	simm.s32 $0x8;
	v43 =	vmov s17;
	v7 =	vor.u32 v56, v18;
	v0 =	vsub.f32 v5, v50;
	v62 =	vld [tilespmem:s0+$0x0];
	[tilespmem:v41+s20+$0x0] =	vst.idx.msk $0xffff, v4  }
0x4b5: {  	v61 =	vand.u32 $0x78, v43;
	v42 =	vmov s29;
	v4 =	vand.u32 $0x7, v43;
	[tilespmem:v8+s20+$0x0] =	vst.idx.msk $0xffff, v54  }
0x4b6: {  	[tilespmem:v9+s20+$0x0] =	vst.idx.msk $0xffff, v0;
	v0 =	vadd.s32 v16, v61;
	v14 =	vld [tilespmem:s2+$0xFFFFFF80];
	v8 =	vshll.u32 v51, $0x10;
	v28 =	vand.u32 $0xFFFF0000, v51  }
0x4b7: {  	v63 =	vld [tilespmem:s2+$0x40];
	v52 =	vshll.u32 v53, $0x10;
	v5 =	vand.u32 $0xFFFF0000, v53;
	v54 =	vshll.u32 v60, $0x10  }
0x4b8: {  	v12 =	vld [tilespmem:s0+$0x40];
	v2 =	vand.u32 $0xFFFF0000, v60;
	v8 =	vmul.f32 v8, v20;
	v41 =	vmul.f32 v52, v21  }
0x4b9: {  	v58 =	vshll.u32 v62, $0x10;
	v28 =	vmul.f32 v28, v20;
	v5 =	vmul.f32 v5, v21  }
0x4ba: {  	v6 =	vand.u32 $0xFFFF0000, v62;
	v45 =	vmul.f32 v54, v22;
	v46 =	vmul.f32 v58, v23  }
0x4bb: {  	v9 =	vor.u32 v55, v18;
	v2 =	vmul.f32 v2, v22;
	v6 =	vmul.f32 v6, v23  }
0x4bc: {  	v53 =	vld [tilespmem:s0+$0xFFFFFF80];
	v62 =	vshll.u32 v14, $0x10;
	v37 =	vand.u32 $0xFFFF0000, v14;
	v60 =	vshll.u32 v63, $0x10  }
0x4bd: {  	v52 =	vld [tilespmem:s1+$0xFFFFFF80];
	v3 =	vand.u32 $0xFFFF0000, v63;
	v61 =	vshll.u32 v12, $0x10;
	v8 =	vadd.f32 v41, v8  }
0x4be: {  	v58 =	vld [tilespmem:s16+$0x14460];
	v1 =	vand.u32 $0xFFFF0000, v12;
	v5 =	vadd.f32 v5, v28;
	v45 =	vadd.f32 v46, v45  }
0x4bf: {  	v14 =	vld [tilespmem:s1+$0x40];
	v49 =	vmul.f32 v62, v27;
	v2 =	vadd.f32 v6, v2;
	v37 =	vmul.f32 v37, v27  }
0x4c0: {  	v28 =	vld [tilespmem:s1+$0xFFFFFFC0];
	v62 =	vor.u32 v56, v19;
	v47 =	vmul.f32 v60, v25;
	v48 =	vmul.f32 v61, v26  }
0x4c1: {  	v12 =	vld [tilespmem:s1+$0x0];
	v3 =	vmul.f32 v3, v25;
	v1 =	vmul.f32 v1, v26;
	v63 =	vshll.u32 v53, $0x10  }
0x4c2: {  	v44 =	vand.u32 $0xFFFF0000, v53;
	v41 =	vmul.f32 v63, v31;
	v47 =	vadd.f32 v48, v47  }
0x4c3: {  	v44 =	vmul.f32 v44, v31;
	v1 =	vadd.f32 v1, v3;
	v48 =	vand.u32 $0xFFFF0000, v52  }
0x4c4: {  	v61 =	vld [tilespmem:s18+$0x14460];
	v60 =	vshll.u32 v14, $0x10;
	v6 =	vand.u32 $0xFFFF0000, v14;
	v48 =	vmul.f32 v48, v35  }
0x4c5: {  	v14 =	vshll.u32 v58, $0x10;
	v41 =	vadd.f32 v41, v49;
	v53 =	vshll.u32 v28, $0x10  }
0x4c6: {  	v28 =	vand.u32 $0xFFFF0000, v28;
	v54 =	vshll.u32 v12, $0x10;
	v46 =	vand.u32 $0xFFFF0000, v12  }
0x4c7: {  	v37 =	vadd.f32 v44, v37;
	v6 =	vmul.f32 v6, v33;
	v49 =	vmul.f32 v53, v15  }
0x4c8: {  	v63 =	vld [tilespmem:s11+$0x14460];
	v44 =	vand.u32 $0xFFFF0000, v58;
	v28 =	vmul.f32 v28, v15;
	v3 =	vmul.f32 v54, v32  }
0x4c9: {  	v46 =	vmul.f32 v46, v32;
	v53 =	vshll.u32 v61, $0x10;
	v1 =	vadd.f32 v6, v1  }
0x4ca: {  	v37 =	vadd.f32 v48, v37;
	v48 =	vand.u32 $0xF8, v59;
	v8 =	vadd.f32 v49, v8  }
0x4cb: {  	v5 =	vadd.f32 v28, v5;
	v28 =	vshll.u32 v52, $0x10;
	v3 =	vadd.f32 v3, v45  }
0x4cc: {  	v49 =	vmul.f32 v60, v33;
	v2 =	vadd.f32 v46, v2;
	v52 =	vor.u32 v55, v19  }
0x4cd: {  	v60 =	vand.u32 $0xFFFF0000, v63;
	v51 =	vadd.s32 v16, v48;
	v6 =	vsub.f32 v8, v14  }
0x4ce: {  	v12 =	vld [tilespmem:s5+$0x14460];
	v28 =	vmul.f32 v28, v35;
	v1 =	vsub.f32 v1, v60;
	v5 =	vsub.f32 v5, v44  }
0x4cf: {  	v54 =	vand.u32 $0xFFFF0000, v61;
	v47 =	vadd.f32 v49, v47;
	v3 =	vsub.f32 v3, v53;
	[tilespmem:v7+s20+$0x0] =	vst.idx.msk $0xffff, v6  }
0x4d0: {  	v58 =	vshll.u32 v63, $0x10;
	v8 =	vor.u32 v56, v34;
	v2 =	vsub.f32 v2, v54;
	[tilespmem:v9+s20+$0x0] =	vst.idx.msk $0xffff, v5  }
0x4d1: {  	v56 =	vor.u32 v55, v34;
	v49 =	vand.u32 $0xF8, v24;
	v44 =	vor.u32 v10, v18;
	[tilespmem:v62+s20+$0x0] =	vst.idx.msk $0xffff, v3;
	v63 =	vld [tilespmem:s2+$0xFFFFFFD0]  }
0x4d2: {  	v53 =	vand.u32 $0x7, v24;
	v28 =	vadd.f32 v28, v41;
	v54 =	vadd.s32 v16, v49;
	[tilespmem:v52+s20+$0x0] =	vst.idx.msk $0xffff, v2;
	v14 =	vld [tilespmem:s0+$0xFFFFFFD0]  }
0x4d3: {  	v61 =	vsub.f32 v47, v58;
	v62 =	vshll.u32 v12, $0x10;
	v9 =	vand.u32 $0xFFFF0000, v12;
	v50 =	vld [tilespmem:s2+$0x10]  }
0x4d4: {  	v5 =	vsub.f32 v28, v62;
	v28 =	vor.u32 v4, v0;
	v52 =	vand.u32 $0xF8, v42;
	v49 =	vld [tilespmem:s1+$0x10]  }
0x4d5: {  	v12 =	vand.u32 $0x7, v59;
	v9 =	vsub.f32 v37, v9;
	v4 =	vadd.s32 v16, v52;
	[tilespmem:v8+s20+$0x0] =	vst.idx.msk $0xffff, v61;
	v8 =	vld [tilespmem:s0+$0x10]  }
0x4d6: {  	v41 =	vor.u32 v12, v51;
	v37 =	vor.u32 v53, v54;
	[tilespmem:v56+s20+$0x0] =	vst.idx.msk $0xffff, v1;
	v56 =	vshll.u32 v63, $0x10  }
0x4d7: {  	[tilespmem:v39+s20+$0x0] =	vst.idx.msk $0xffff, v5;
	v55 =	vld [tilespmem:s2+$0x50];
	v58 =	vand.u32 $0xFFFF0000, v63;
	v61 =	vshll.u32 v14, $0x10;
	v2 =	vand.u32 $0xFFFF0000, v14  }
0x4d8: {  	[tilespmem:v40+s20+$0x0] =	vst.idx.msk $0xffff, v9;
	v60 =	vld [tilespmem:s0+$0x50];
	v62 =	vshll.u32 v50, $0x10;
	v3 =	vand.u32 $0xFFFF0000, v50;
	v0 =	vmul.f32 v56, v20  }
0x4d9: {  	v9 =	vld [tilespmem:s2+$0xFFFFFF90];
	v52 =	vshll.u32 v49, $0x10;
	v6 =	vmul.f32 v61, v21;
	v1 =	vmul.f32 v58, v20  }
0x4da: {  	v20 =	vshll.u32 v8, $0x10;
	v8 =	vand.u32 $0xFFFF0000, v8;
	v2 =	vmul.f32 v2, v21  }
0x4db: {  	v7 =	vmul.f32 v62, v22;
	v3 =	vmul.f32 v3, v22;
	v58 =	vor.u32 v13, v19  }
0x4dc: {  	v20 =	vmul.f32 v20, v23;
	v8 =	vmul.f32 v8, v23;
	v21 =	vshll.u32 v55, $0x10  }
0x4dd: {  	v39 =	vld [tilespmem:s0+$0xFFFFFF90];
	v63 =	vand.u32 $0xFFFF0000, v55;
	v22 =	vshll.u32 v60, $0x10;
	v5 =	vand.u32 $0xFFFF0000, v60  }
0x4de: {  	v12 =	vshll.u32 v9, $0x10;
	v9 =	vand.u32 $0xFFFF0000, v9;
	v0 =	vadd.f32 v6, v0  }
0x4df: {  	v1 =	vadd.f32 v2, v1;
	v21 =	vmul.f32 v21, v25;
	v25 =	vmul.f32 v63, v25  }
0x4e0: {  	v6 =	vand.u32 $0xFFFF0000, v49;
	v22 =	vmul.f32 v22, v26;
	v5 =	vmul.f32 v5, v26  }
0x4e1: {  	v26 =	vand.u32 $0x7, v42;
	v14 =	vmul.f32 v12, v27;
	v9 =	vmul.f32 v9, v27  }
0x4e2: {  	v23 =	vld [tilespmem:s1+$0xFFFFFFD0];
	v27 =	vshll.u32 v39, $0x10;
	v39 =	vand.u32 $0xFFFF0000, v39;
	v7 =	vadd.f32 v20, v7  }
0x4e3: {  	v3 =	vadd.f32 v8, v3;
	v8 =	vor.u32 v13, v57;
	v6 =	vmul.f32 v6, v32  }
0x4e4: {  	v20 =	vld [tilespmem:s1+$0x50];
	[tilespmem:$0x1FEF0] =	vst v57;
	v40 =	vor.u32 v26, v4;
	v48 =	vmul.f32 v27, v31;
	v26 =	vmul.f32 v39, v31  }
0x4e5: {  	v27 =	vor.u32 v13, v17;
	v31 =	vor.u32 v10, v17;
	[tilespmem:$0x1FF00] =	vst v8;
	v8 =	vadd.f32 v22, v21  }
0x4e6: {  	v51 =	vld [tilespmem:s1+$0xFFFFFF90];
	v21 =	vor.u32 v13, v18;
	v5 =	vadd.f32 v5, v25;
	v18 =	vmul.f32 v52, v32  }
0x4e7: {  	v53 =	vld [tilespmem:s18+$0x14470];
	v3 =	vadd.f32 v6, v3;
	v50 =	vshll.u32 v23, $0x10;
	v23 =	vand.u32 $0xFFFF0000, v23  }
0x4e8: {  	v12 =	vld [tilespmem:s11+$0x14470];
	v4 =	vadd.f32 v48, v14;
	v9 =	vadd.f32 v26, v9;
	v2 =	vmul.f32 v50, v15  }
0x4e9: {  	s31 =	simm.s32 $0x9;
	v26 =	vld [tilespmem:s16+$0x14470];
	v23 =	vmul.f32 v23, v15;
	v7 =	vadd.f32 v18, v7;
	v22 =	vshll.u32 v20, $0x10  }
0x4ea: {  	v14 =	vld [tilespmem:s5+$0x14470];
	v50 =	vmov s31;
	v20 =	vand.u32 $0xFFFF0000, v20;
	v22 =	vmul.f32 v22, v33  }
0x4eb: {  	v20 =	vmul.f32 v20, v33;
	v0 =	vadd.f32 v2, v0;
	v1 =	vadd.f32 v23, v1  }
0x4ec: {  	v25 =	vshll.u32 v51, $0x10;
	v17 =	vand.u32 $0xFFFF0000, v51;
	v2 =	vand.u32 $0xFFFF0000, v53  }
0x4ed: {  	v56 =	vshll.u32 v12, $0x10;
	v54 =	vmul.f32 v25, v35;
	v55 =	vmul.f32 v17, v35  }
0x4ee: {  	v60 =	vld.idx.msk [tilespmem:v28+s30+$0x0], $0xffff;
	v15 =	vadd.f32 v22, v8;
	v5 =	vadd.f32 v20, v5;
	v8 =	vand.u32 $0xF8, v50  }
0x4ef: {  	v25 =	vld.idx.msk [tilespmem:v41+s30+$0x0], $0xffff;
	[tilespmem:$0x1FF10] =	vst v16;
	v20 =	vshll.u32 v26, $0x10;
	v26 =	vand.u32 $0xFFFF0000, v26;
	v57 =	vshll.u32 v14, $0x10  }
0x4f0: {  	v35 =	vor.u32 v13, v34;
	v34 =	vor.u32 v10, v34;
	v8 =	vadd.s32 v16, v8;
	v23 =	vld.idx.msk [tilespmem:v41+s10+$0x0], $0xffff  }
0x4f1: {  	[tilespmem:v27+s20+$0x0] =	vst.idx.msk $0xffff, v38;
	v0 =	vsub.f32 v0, v20;
	v1 =	vsub.f32 v1, v26;
	v62 =	vld.idx.msk [tilespmem:v37+s30+$0x0], $0xffff  }
0x4f2: {  	s0 =	simm.s32 $0xF920;
	v27 =	vor.u32 v10, v19;
	v63 =	vld.idx.msk [tilespmem:v37+s10+$0x0], $0xffff;
	v38 =	vsub.f32 v3, v2;
	v4 =	vadd.f32 v54, v4  }
0x4f3: {  	v51 =	vld [tilespmem:s0+$0x60];
	v9 =	vadd.f32 v55, v9;
	v55 =	vand.u32 $0x7, v50;
	[tilespmem:v31+s20+$0x0] =	vst.idx.msk $0xffff, v36;
	v36 =	vsub.f32 v15, v56  }
0x4f4: {  	s16 =	simm.s32 $0x11220;
	v61 =	vand.u32 $0xFFFF0000, v14;
	v47 =	vor.u32 v55, v8;
	v8 =	vshll.u32 v53, $0x10;
	v53 =	vld.idx.msk [tilespmem:v40+s30+$0x0], $0xffff;
	[tilespmem:v21+s20+$0x0] =	vst.idx.msk $0xffff, v0  }
0x4f5: {  	v52 =	vld [tilespmem:s16+$0x60];
	v39 =	vsub.f32 v7, v8;
	v8 =	vand.u32 $0xFFFF0000, v12;
	v32 =	vsub.f32 v4, v57;
	[tilespmem:v44+s20+$0x0] =	vst.idx.msk $0xffff, v1  }
0x4f6: {  	s18 =	simm.s32 $0xA;
	v26 =	vshll.u32 v43, $0x7;
	v21 =	vld.idx.msk [tilespmem:v40+s10+$0x0], $0xffff;
	v31 =	vsub.f32 v9, v61;
	v33 =	vsub.f32 v5, v8;
	[tilespmem:$0x1FF20] =	vst v10  }
.LBB2_9:
0x4f7: {  	_ =	sdelay $0x1  }
0x4f8: {  	v17 =	vld [tilespmem:$0x1FF50]  }
0x4f9: {  	v44 =	vld.idx.msk [tilespmem:v47+s30+$0x0], $0xffff  }
0x4fa: {  	v57 =	vld [tilespmem:$0x1FEF0]  }
0x4fb: {  	v18 =	vld [tilespmem:$0x1FF40]  }
0x4fc: {  	v45 =	vld.idx.msk [tilespmem:v47+s10+$0x0], $0xffff  }
0x4fd: {  	v19 =	vld [tilespmem:$0x1FF30]  }
0x4fe: {  	v3 =	vld [tilespmem:$0x1FF00];
	[tilespmem:v58+s20+$0x0] =	vst.idx.msk $0xffff, v39  }
0x4ff: {  	v15 =	vld [tilespmem:$0x1FF60];
	[tilespmem:v35+s20+$0x0] =	vst.idx.msk $0xffff, v36  }
0x500: {  	s2 =	sadd.s32 s17, s21;
	v46 =	vld.idx.msk [tilespmem:v47+s12+$0x0], $0xffff;
	v36 =	vshll.u32 v42, $0x7;
	[tilespmem:v27+s20+$0x0] =	vst.idx.msk $0xffff, v38;
	v27 =	vshll.u32 v24, $0x7;
	v24 =	vshll.u32 v50, $0x7  }
0x501: {  	s1 =	sadd.s32 $0x140, s1;
	s9 =	sadd.s32 $0x68, s2;
	[tilespmem:v34+s20+$0x0] =	vst.idx.msk $0xffff, v33;
	v43 =	vmovc v21;
	v21 =	vshll.u32 v59, $0x7;
	v4 =	vshll.u32 v51, $0x10;
	v0 =	vor.u32 v17, v26  }
0x502: {  	v22 =	vmovc v26;
	v61 =	vld [tilespmem:s1+$0x60];
	s9 =	sshrl.u32 s9, $0x4;
	v5 =	vand.u32 $0xFFFF0000, v51;
	v6 =	vshll.u32 v52, $0x10;
	[tilespmem:$0x1FEE0] =	vst v0;
	v0 =	vor.u32 v10, v57  }
0x503: {  	v12 =	vld [tilespmem:s0+$0xFFFFFF60];
	s9 =	ssub.s32 s9, s23;
	v39 =	vor.u32 v18, v26;
	v38 =	vor.u32 v19, v22;
	v1 =	vor.u32 v17, v21  }
0x504: {  	v13 =	vld [tilespmem:s0+$0xFFFFFFA0];
	s9 =	sshll.u32 s9, $0x8;
	v2 =	vor.u32 v15, v21;
	v7 =	vor.u32 v17, v27;
	v49 =	vor.u32 v18, v21  }
0x505: {  	v16 =	vld [tilespmem:s0+$0xFFFFFFE0];
	v47 =	vor.u32 v19, v21;
	v48 =	vor.u32 v18, v27;
	v42 =	vor.u32 v19, v27;
	s24 =	sshra.s32 s9, $0x2;
	[tilespmem:$0x1FED0] =	vst v7  }
0x506: {  	v4 =	vmul.f32 v4, v44;
	v6 =	vmul.f32 v6, v45;
	v7 =	vand.u32 $0xFFFF0000, v52;
	v8 =	vld [tilespmem:s24+$0x14440];
	[tilespmem:v3+s20+$0x0] =	vst.idx.msk $0xffff, v32  }
0x507: {  	v5 =	vmul.f32 v5, v44;
	v7 =	vmul.f32 v7, v45;
	v3 =	vld [tilespmem:s16+$0xFFFFFF60];
	[tilespmem:v0+s20+$0x0] =	vst.idx.msk $0xffff, v31;
	v31 =	vshll.u32 v61, $0x10  }
0x508: {  	[tilespmem:$0x1FEB0] =	vst v1;
	v1 =	vand.u32 $0xFFFF0000, v61;
	v4 =	vadd.f32 v6, v4;
	v56 =	vmul.f32 v31, v46  }
0x509: {  	v33 =	vld [tilespmem:s0+$0x20];
	v57 =	vor.u32 v18, v24;
	v1 =	vmul.f32 v1, v46;
	v5 =	vadd.f32 v7, v5  }
0x50a: {  	v34 =	vshll.u32 v12, $0x10;
	v58 =	vor.u32 v19, v24;
	v52 =	vld [tilespmem:s1+$0xFFFFFFA0];
	v4 =	vadd.f32 v56, v4  }
0x50b: {  	v14 =	vshll.u32 v13, $0x10;
	v59 =	vshll.u32 v8, $0x10;
	v1 =	vadd.f32 v1, v5;
	v31 =	vld [tilespmem:s16+$0xFFFFFFE0]  }
0x50c: {  	v9 =	vld [tilespmem:s16+$0xFFFFFFA0];
	v26 =	vmovc v62;
	v7 =	vand.u32 $0xFFFF0000, v16;
	v8 =	vand.u32 $0xFFFF0000, v8;
	v4 =	vsub.f32 v4, v59  }
0x50d: {  	[tilespmem:$0x1FEC0] =	vst v2;
	v2 =	vand.u32 $0xFFFF0000, v12;
	v7 =	vmul.f32 v7, v26;
	v1 =	vsub.f32 v1, v8  }
0x50e: {  	v0 =	vand.u32 $0xFFFF0000, v13;
	v13 =	vshll.u32 v33, $0x10;
	v33 =	vand.u32 $0xFFFF0000, v33;
	v61 =	vld [tilespmem:s1+$0xFFFFFF60];
	[tilespmem:v57+s20+$0x0] =	vst.idx.msk $0xffff, v4  }
0x50f: {  	v35 =	vld [tilespmem:s16+$0x20];
	v10 =	vand.u32 $0xFFFF0000, v52;
	v0 =	vmul.f32 v0, v25;
	v6 =	vmul.f32 v13, v53;
	[tilespmem:v58+s20+$0x0] =	vst.idx.msk $0xffff, v1  }
0x510: {  	v12 =	vand.u32 $0xFFFF0000, v31;
	v4 =	vshll.u32 v16, $0x10;
	v16 =	vshll.u32 v31, $0x10;
	v31 =	vld [tilespmem:s0+$0x70]  }
0x511: {  	v8 =	vshll.u32 v9, $0x10;
	v9 =	vand.u32 $0xFFFF0000, v9;
	v56 =	vmul.f32 v14, v25;
	v14 =	vld [tilespmem:s16+$0x70]  }
0x512: {  	v5 =	vshll.u32 v3, $0x10;
	v8 =	vmul.f32 v8, v23;
	v9 =	vmul.f32 v9, v23  }
0x513: {  	v30 =	vmovc v25;
	v3 =	vand.u32 $0xFFFF0000, v3;
	v25 =	vmovc v60;
	v59 =	vshll.u32 v61, $0x10;
	v60 =	vand.u32 $0xFFFF0000, v61;
	v61 =	vld [tilespmem:s1+$0x70]  }
0x514: {  	v20 =	vmovc v63;
	v2 =	vmul.f32 v2, v25;
	v8 =	vadd.f32 v8, v56;
	v0 =	vadd.f32 v9, v0  }
0x515: {  	v57 =	vshll.u32 v35, $0x10;
	v63 =	vmul.f32 v16, v63;
	v1 =	vmul.f32 v12, v20  }
0x516: {  	v16 =	vshll.u32 v31, $0x10;
	v11 =	vand.u32 $0xFFFF0000, v31;
	v31 =	vshll.u32 v14, $0x10  }
0x517: {  	v12 =	vld [tilespmem:s24+$0x14450];
	v58 =	vand.u32 $0xFFFF0000, v14;
	v32 =	vmul.f32 v16, v44;
	v14 =	vmul.f32 v31, v45  }
0x518: {  	v13 =	vshll.u32 v61, $0x10;
	v11 =	vmul.f32 v11, v44;
	v58 =	vmul.f32 v58, v45  }
0x519: {  	v61 =	vand.u32 $0xFFFF0000, v61;
	v13 =	vmul.f32 v13, v46;
	v14 =	vadd.f32 v14, v32  }
0x51a: {  	v54 =	vld [tilespmem:s1+$0xFFFFFFE0];
	v11 =	vadd.f32 v58, v11;
	v58 =	vmul.f32 v61, v46;
	v61 =	vor.u32 v17, v24  }
0x51b: {  	v55 =	vld [tilespmem:s1+$0x20];
	v35 =	vand.u32 $0xFFFF0000, v35;
	v13 =	vadd.f32 v13, v14;
	v14 =	vor.u32 v15, v24  }
0x51c: {  	v4 =	vmul.f32 v4, v62;
	v31 =	vld.idx.msk [tilespmem:v28+s10+$0x0], $0xffff;
	v16 =	vshll.u32 v12, $0x10;
	v11 =	vadd.f32 v58, v11  }
0x51d: {  	v29 =	vmovc v53;
	v62 =	vshll.u32 v52, $0x10;
	v12 =	vand.u32 $0xFFFF0000, v12;
	v32 =	vld.idx.msk [tilespmem:v41+s12+$0x0], $0xffff;
	v13 =	vsub.f32 v13, v16  }
0x51e: {  	v41 =	vmul.f32 v57, v43;
	v57 =	vmul.f32 v33, v29;
	v33 =	vld.idx.msk [tilespmem:v37+s12+$0x0], $0xffff;
	v11 =	vsub.f32 v11, v12  }
0x51f: {  	v4 =	vadd.f32 v63, v4;
	v37 =	vmul.f32 v35, v43;
	v35 =	vld.idx.msk [tilespmem:v28+s12+$0x0], $0xffff;
	[tilespmem:v61+s20+$0x0] =	vst.idx.msk $0xffff, v13  }
0x520: {  	v1 =	vadd.f32 v1, v7;
	v16 =	vmul.f32 v34, v25;
	v34 =	vld.idx.msk [tilespmem:v40+s12+$0x0], $0xffff;
	[tilespmem:v14+s20+$0x0] =	vst.idx.msk $0xffff, v11  }
0x521: {  	s5 =	sadd.s32 $0x64, s2;
	v28 =	vshll.u32 v55, $0x10;
	v6 =	vadd.f32 v41, v6;
	v5 =	vmul.f32 v5, v31;
	v9 =	vld [tilespmem:s0+$0x80]  }
0x522: {  	s5 =	sshrl.u32 s5, $0x4;
	v3 =	vmul.f32 v3, v31;
	v12 =	vshll.u32 v54, $0x10;
	v10 =	vmul.f32 v10, v32;
	v58 =	vld [tilespmem:s16+$0x80]  }
0x523: {  	s5 =	ssub.s32 s5, s23;
	v54 =	vand.u32 $0xFFFF0000, v54;
	v12 =	vmul.f32 v12, v33;
	v11 =	vmul.f32 v62, v32;
	v61 =	vld [tilespmem:s1+$0x80]  }
0x524: {  	s5 =	sshll.u32 s5, $0x8;
	v2 =	vadd.f32 v3, v2;
	v3 =	vmul.f32 v54, v33;
	v5 =	vadd.f32 v5, v16  }
0x525: {  	s11 =	sadd.s32 $0x66, s2;
	s19 =	sshra.s32 s5, $0x2;
	v0 =	vadd.f32 v10, v0;
	v8 =	vadd.f32 v11, v8;
	v11 =	vmul.f32 v28, v34  }
0x526: {  	s11 =	sshrl.u32 s11, $0x4;
	v50 =	vld [tilespmem:s19+$0x14440];
	v28 =	vmul.f32 v59, v35;
	v10 =	vshll.u32 v9, $0x10;
	v9 =	vand.u32 $0xFFFF0000, v9  }
0x527: {  	s31 =	ssub.s32 s11, s23;
	v54 =	vld [tilespmem:$0x1FF70];
	v62 =	vshll.u32 v58, $0x10;
	v7 =	vand.u32 $0xFFFF0000, v58;
	v10 =	vmul.f32 v10, v44  }
0x528: {  	s8 =	sadd.s32 $0x65, s2;
	s9 =	sshll.u32 s31, $0x8;
	v63 =	vld [tilespmem:s24+$0x14460];
	v58 =	vshll.u32 v61, $0x10;
	v40 =	vmul.f32 v62, v45;
	v9 =	vmul.f32 v9, v44  }
0x529: {  	s8 =	sshrl.u32 s8, $0x4;
	s5 =	sshra.s32 s9, $0x2;
	v14 =	vadd.f32 v37, v57;
	v7 =	vmul.f32 v7, v45;
	v59 =	vmul.f32 v58, v46;
	v58 =	vld [tilespmem:$0x1FF80]  }
0x52a: {  	s8 =	ssub.s32 s8, s23;
	v52 =	vld [tilespmem:s5+$0x14440];
	v37 =	vmul.f32 v60, v35;
	v13 =	vand.u32 $0xFFFF0000, v61;
	v10 =	vadd.f32 v40, v10  }
0x52b: {  	s2 =	sadd.s32 $0x67, s2;
	s8 =	sshll.u32 s8, $0x8;
	v4 =	vadd.f32 v12, v4;
	v7 =	vadd.f32 v7, v9;
	v9 =	vmul.f32 v13, v46  }
0x52c: {  	s2 =	sshrl.u32 s2, $0x4;
	s8 =	sshra.s32 s8, $0x2;
	v1 =	vadd.f32 v3, v1;
	v60 =	vor.u32 v54, v24;
	v10 =	vadd.f32 v59, v10  }
0x52d: {  	s2 =	ssub.s32 s2, s23;
	v51 =	vld [tilespmem:s8+$0x14440];
	v62 =	vshll.u32 v63, $0x10;
	v7 =	vadd.f32 v9, v7;
	v9 =	vand.u32 $0xFFFF0000, v63  }
0x52e: {  	s2 =	sshll.u32 s2, $0x8;
	v61 =	vor.u32 v58, v24;
	v3 =	vsub.f32 v10, v62;
	v10 =	vshll.u32 v50, $0x10  }
0x52f: {  	s31 =	sshra.s32 s2, $0x2;
	v7 =	vsub.f32 v7, v9;
	v9 =	vand.u32 $0xFFFF0000, v50;
	v50 =	vshll.u32 v52, $0x10  }
0x530: {  	v53 =	vld [tilespmem:s31+$0x14440];
	v55 =	vand.u32 $0xFFFF0000, v55;
	v5 =	vadd.f32 v28, v5;
	v4 =	vsub.f32 v4, v50  }
0x531: {  	v16 =	vmul.f32 v55, v34;
	v2 =	vadd.f32 v37, v2;
	[tilespmem:v60+s20+$0x0] =	vst.idx.msk $0xffff, v3  }
0x532: {  	v37 =	vand.u32 $0xFFFF0000, v51;
	v63 =	vshll.u32 v51, $0x10;
	v5 =	vsub.f32 v5, v10;
	[tilespmem:v48+s20+$0x0] =	vst.idx.msk $0xffff, v4  }
0x533: {  	v6 =	vadd.f32 v11, v6;
	v51 =	vand.u32 $0xFFFF0000, v52;
	v3 =	vsub.f32 v8, v63;
	[tilespmem:v61+s20+$0x0] =	vst.idx.msk $0xffff, v7  }
0x534: {  	v11 =	vadd.f32 v16, v14;
	v1 =	vsub.f32 v1, v51;
	[tilespmem:v39+s20+$0x0] =	vst.idx.msk $0xffff, v5;
	v56 =	vld [tilespmem:s0+$0x90]  }
0x535: {  	v55 =	vand.u32 $0xFFFF0000, v53;
	v0 =	vsub.f32 v0, v37;
	v2 =	vsub.f32 v2, v9;
	[tilespmem:v49+s20+$0x0] =	vst.idx.msk $0xffff, v3;
	v57 =	vld [tilespmem:s16+$0x90]  }
0x536: {  	v59 =	vor.u32 v19, v36;
	v19 =	vsub.f32 v11, v55;
	[tilespmem:v42+s20+$0x0] =	vst.idx.msk $0xffff, v1;
	v11 =	vld [tilespmem:s1+$0x90]  }
0x537: {  	v52 =	vshll.u32 v53, $0x10;
	[tilespmem:v38+s20+$0x0] =	vst.idx.msk $0xffff, v2;
	v53 =	vld [tilespmem:s16+$0xFFFFFFF0]  }
0x538: {  	[tilespmem:v47+s20+$0x0] =	vst.idx.msk $0xffff, v0;
	v47 =	vld [tilespmem:s16+$0xFFFFFF70]  }
0x539: {  	v8 =	vor.u32 v18, v36  }
0x53a: {  	v28 =	vor.u32 v17, v36;
	v18 =	vsub.f32 v6, v52;
	v0 =	vld [tilespmem:s0+$0xFFFFFFB0]  }
0x53b: {  	v48 =	vshll.u32 v56, $0x10;
	v9 =	vand.u32 $0xFFFF0000, v56;
	v10 =	vshll.u32 v57, $0x10  }
0x53c: {  	v41 =	vld [tilespmem:s16+$0xFFFFFFB0];
	v49 =	vand.u32 $0xFFFF0000, v57;
	v51 =	vshll.u32 v11, $0x10;
	v5 =	vand.u32 $0xFFFF0000, v53  }
0x53d: {  	v50 =	vld [tilespmem:s0+$0xFFFFFFF0];
	v63 =	vshll.u32 v47, $0x10;
	v1 =	vmul.f32 v48, v44;
	v10 =	vmul.f32 v10, v45  }
0x53e: {  	[tilespmem:v8+s20+$0x0] =	vst.idx.msk $0xffff, v18;
	v8 =	vld [tilespmem:s24+$0x14470];
	v7 =	vand.u32 $0xFFFF0000, v47;
	v52 =	vmul.f32 v9, v44;
	v3 =	vmul.f32 v49, v45  }
0x53f: {  	[tilespmem:v59+s20+$0x0] =	vst.idx.msk $0xffff, v19;
	v57 =	vld [tilespmem:$0x1FF90];
	v9 =	vand.u32 $0xFFFF0000, v11;
	v6 =	vmul.f32 v51, v46;
	v59 =	vshll.u32 v0, $0x10  }
0x540: {  	v44 =	vld [tilespmem:$0x1FF20];
	v0 =	vand.u32 $0xFFFF0000, v0;
	v5 =	vmul.f32 v5, v20;
	v40 =	vmul.f32 v63, v31  }
0x541: {  	v45 =	vld [tilespmem:s0+$0xFFFFFF70];
	v48 =	vshll.u32 v41, $0x10;
	v7 =	vmul.f32 v7, v31;
	v55 =	vmul.f32 v9, v46  }
0x542: {  	v4 =	vand.u32 $0xFFFF0000, v41;
	v49 =	vld [tilespmem:s1+$0xFFFFFFB0];
	v2 =	vmul.f32 v59, v30;
	v16 =	vmul.f32 v48, v23  }
0x543: {  	v51 =	vld [tilespmem:s1+$0xFFFFFFF0];
	v46 =	vshll.u32 v8, $0x10;
	v0 =	vmul.f32 v0, v30;
	v4 =	vmul.f32 v4, v23  }
0x544: {  	v8 =	vand.u32 $0xFFFF0000, v8;
	v1 =	vadd.f32 v10, v1;
	v3 =	vadd.f32 v3, v52  }
0x545: {  	v2 =	vadd.f32 v16, v2;
	v0 =	vadd.f32 v4, v0;
	v9 =	vor.u32 v57, v24  }
0x546: {  	v10 =	vld [tilespmem:s0+$0x30];
	v1 =	vadd.f32 v6, v1;
	v3 =	vadd.f32 v55, v3;
	v6 =	vor.u32 v44, v24  }
0x547: {  	v11 =	vld [tilespmem:s16+$0x30];
	v24 =	vshll.u32 v50, $0x10;
	v62 =	vshll.u32 v45, $0x10;
	v14 =	vand.u32 $0xFFFF0000, v49  }
0x548: {  	v39 =	vld [tilespmem:s1+$0x30];
	v59 =	vshll.u32 v51, $0x10;
	v38 =	vand.u32 $0xFFFF0000, v51;
	v1 =	vsub.f32 v1, v46  }
0x549: {  	v3 =	vsub.f32 v3, v8;
	v8 =	vand.u32 $0xFFFF0000, v50;
	v50 =	vshll.u32 v53, $0x10  }
0x54a: {  	v53 =	vshll.u32 v49, $0x10;
	v24 =	vmul.f32 v24, v26;
	v12 =	vmul.f32 v50, v20  }
0x54b: {  	v60 =	vshll.u32 v10, $0x10;
	v8 =	vmul.f32 v8, v26;
	v63 =	vmul.f32 v53, v32  }
0x54c: {  	v13 =	vld [tilespmem:s1+$0xFFFFFF70];
	[tilespmem:v9+s20+$0x0] =	vst.idx.msk $0xffff, v1;
	v9 =	vand.u32 $0xFFFF0000, v10;
	v10 =	vshll.u32 v11, $0x10;
	v11 =	vand.u32 $0xFFFF0000, v11  }
0x54d: {  	v52 =	vld [tilespmem:s8+$0x14450];
	v1 =	vmul.f32 v60, v29;
	v60 =	vshll.u32 v39, $0x10;
	v39 =	vand.u32 $0xFFFF0000, v39  }
0x54e: {  	v42 =	vadd.f32 v12, v24;
	v5 =	vadd.f32 v5, v8;
	v8 =	vmul.f32 v59, v33  }
0x54f: {  	v2 =	vadd.f32 v63, v2;
	v10 =	vmul.f32 v10, v43;
	v9 =	vmul.f32 v9, v29  }
0x550: {  	[tilespmem:v6+s20+$0x0] =	vst.idx.msk $0xffff, v3;
	v6 =	vand.u32 $0xFFFF0000, v45;
	v3 =	vmul.f32 v62, v25;
	v11 =	vmul.f32 v11, v43  }
0x551: {  	v55 =	vld [tilespmem:s5+$0x14450];
	v62 =	vshll.u32 v13, $0x10;
	v13 =	vand.u32 $0xFFFF0000, v13;
	v51 =	vmul.f32 v39, v34  }
0x552: {  	v56 =	vld [tilespmem:s31+$0x14450];
	v6 =	vmul.f32 v6, v25;
	v4 =	vadd.f32 v8, v42;
	v8 =	vshll.u32 v52, $0x10  }
0x553: {  	v46 =	vld [tilespmem:s19+$0x14450];
	v1 =	vadd.f32 v10, v1;
	v3 =	vadd.f32 v40, v3;
	v10 =	vmul.f32 v60, v34  }
0x554: {  	v9 =	vadd.f32 v11, v9;
	v11 =	vmul.f32 v62, v35;
	v2 =	vsub.f32 v2, v8;
	v8 =	vld [tilespmem:$0x1FEB0]  }
0x555: {  	v49 =	vld [tilespmem:$0x1FEE0];
	v60 =	vor.u32 v15, v36;
	v6 =	vadd.f32 v7, v6;
	v1 =	vadd.f32 v10, v1  }
0x556: {  	v3 =	vadd.f32 v11, v3;
	v9 =	vadd.f32 v51, v9;
	v10 =	vshll.u32 v55, $0x10  }
0x557: {  	v11 =	vand.u32 $0xFFFF0000, v55;
	v55 =	vshll.u32 v56, $0x10;
	v56 =	vand.u32 $0xFFFF0000, v56  }
0x558: {  	v13 =	vmul.f32 v13, v35;
	v1 =	vsub.f32 v1, v55;
	v62 =	vsub.f32 v9, v56;
	v9 =	vld [tilespmem:$0x1FED0]  }
0x559: {  	v37 =	vor.u32 v15, v27;
	v41 =	vor.u32 v58, v21;
	v63 =	vor.u32 v15, v22  }
0x55a: {  	v50 =	vmul.f32 v38, v33;
	v53 =	vshll.u32 v46, $0x10;
	v6 =	vadd.f32 v13, v6;
	[tilespmem:v28+s20+$0x0] =	vst.idx.msk $0xffff, v1  }
0x55b: {  	v38 =	vor.u32 v58, v22;
	v59 =	vand.u32 $0xFFFF0000, v46;
	v15 =	vld [tilespmem:$0x1FF10];
	v3 =	vsub.f32 v3, v53;
	[tilespmem:v60+s20+$0x0] =	vst.idx.msk $0xffff, v62  }
0x55c: {  	v17 =	vmovc v43;
	v44 =	vmov s18;
	v43 =	vmul.f32 v14, v32;
	v6 =	vsub.f32 v6, v59;
	[tilespmem:v8+s20+$0x0] =	vst.idx.msk $0xffff, v2;
	v8 =	vld [tilespmem:$0x1FEC0]  }
0x55d: {  	v18 =	vand.u32 $0x78, v44;
	v45 =	vor.u32 v54, v21;
	v5 =	vadd.f32 v50, v5;
	[tilespmem:v49+s20+$0x0] =	vst.idx.msk $0xffff, v3;
	v50 =	vld [tilespmem:s0+$0x40]  }
0x55e: {  	v52 =	vand.u32 $0xFFFF0000, v52;
	v0 =	vadd.f32 v43, v0;
	v4 =	vsub.f32 v4, v10;
	[tilespmem:v63+s20+$0x0] =	vst.idx.msk $0xffff, v6;
	v53 =	vld [tilespmem:s16+$0x40]  }
0x55f: {  	v61 =	vmovc v36;
	s24 =	sadd.s32 $0x2, s18;
	v46 =	vor.u32 v54, v27;
	v36 =	vor.u32 v54, v22;
	v5 =	vsub.f32 v5, v11;
	v6 =	vld [tilespmem:s0+$0xFFFFFF80]  }
0x560: {  	s11 =	sadd.s32 $0x1, s18;
	v24 =	vmov s24;
	v40 =	vor.u32 v54, v61;
	v0 =	vsub.f32 v0, v52;
	[tilespmem:v9+s20+$0x0] =	vst.idx.msk $0xffff, v4  }
0x561: {  	v39 =	vadd.s32 v15, v18;
	v59 =	vmov s11;
	v28 =	vor.u32 v58, v27;
	v42 =	vld [tilespmem:s1+$0x40];
	[tilespmem:v37+s20+$0x0] =	vst.idx.msk $0xffff, v5  }
0x562: {  	v9 =	vor.u32 v57, v22;
	v37 =	vand.u32 $0x7, v44;
	v56 =	vshll.u32 v50, $0x10;
	v19 =	vld [tilespmem:s0+$0x0]  }
0x563: {  	v2 =	vand.u32 $0xFFFF0000, v50;
	v60 =	vshll.u32 v53, $0x10;
	v5 =	vand.u32 $0xFFFF0000, v53;
	v48 =	vld [tilespmem:s16+$0x0]  }
0x564: {  	v62 =	vshll.u32 v6, $0x10;
	v13 =	vld [tilespmem:s1+$0x0];
	v14 =	vmul.f32 v56, v29;
	v16 =	vmul.f32 v60, v17;
	[tilespmem:v8+s20+$0x0] =	vst.idx.msk $0xffff, v0  }
0x565: {  	v6 =	vand.u32 $0xFFFF0000, v6;
	v2 =	vmul.f32 v2, v29;
	v5 =	vmul.f32 v5, v17;
	v8 =	vld [tilespmem:s0+$0xFFFFFFC0]  }
0x566: {  	[tilespmem:$0x1FF00] =	vst v9;
	v43 =	vmul.f32 v62, v25;
	v6 =	vmul.f32 v6, v25;
	v62 =	vshll.u32 v42, $0x10;
	v9 =	vld [tilespmem:s16+$0xFFFFFFC0]  }
0x567: {  	v42 =	vand.u32 $0xFFFF0000, v42;
	v2 =	vadd.f32 v5, v2;
	v11 =	vld [tilespmem:s1+$0xFFFFFFC0];
	v10 =	vshll.u32 v19, $0x10  }
0x568: {  	v4 =	vand.u32 $0xFFFF0000, v19;
	v55 =	vshll.u32 v48, $0x10;
	v1 =	vand.u32 $0xFFFF0000, v48  }
0x569: {  	v60 =	vshll.u32 v13, $0x10;
	v13 =	vand.u32 $0xFFFF0000, v13;
	v10 =	vmul.f32 v10, v26  }
0x56a: {  	v19 =	vadd.f32 v16, v14;
	v12 =	vmul.f32 v55, v20;
	v4 =	vmul.f32 v4, v26  }
0x56b: {  	v1 =	vmul.f32 v1, v20;
	v51 =	vshll.u32 v8, $0x10;
	v52 =	vand.u32 $0xFFFF0000, v8  }
0x56c: {  	v54 =	vshll.u32 v9, $0x10;
	v8 =	vand.u32 $0xFFFF0000, v9;
	v9 =	vld [tilespmem:s16+$0xFFFFFF80];
	v50 =	vshll.u32 v11, $0x10  }
0x56d: {  	v47 =	vld [tilespmem:s1+$0xFFFFFF80];
	v11 =	vand.u32 $0xFFFF0000, v11;
	v0 =	vmul.f32 v51, v30;
	v7 =	vmul.f32 v54, v23  }
0x56e: {  	v49 =	vld [tilespmem:s8+$0x14460];
	v1 =	vadd.f32 v1, v4;
	v3 =	vmul.f32 v52, v30;
	v8 =	vmul.f32 v8, v23  }
0x56f: {  	v18 =	vmul.f32 v50, v32;
	v54 =	vmul.f32 v13, v33;
	v0 =	vadd.f32 v7, v0  }
0x570: {  	v3 =	vadd.f32 v8, v3;
	v8 =	vadd.f32 v12, v10;
	v10 =	vmul.f32 v11, v32  }
0x571: {  	v53 =	vld [tilespmem:s19+$0x14460];
	v1 =	vadd.f32 v54, v1;
	v54 =	vand.u32 $0xF8, v24;
	v63 =	vshll.u32 v9, $0x10  }
0x572: {  	v51 =	vld [tilespmem:s5+$0x14460];
	v9 =	vand.u32 $0xFFFF0000, v9;
	v0 =	vadd.f32 v18, v0;
	v3 =	vadd.f32 v10, v3  }
0x573: {  	v10 =	vshll.u32 v49, $0x10;
	v48 =	vmul.f32 v63, v31;
	v63 =	vshll.u32 v47, $0x10  }
0x574: {  	v9 =	vmul.f32 v9, v31;
	v47 =	vand.u32 $0xFFFF0000, v47;
	v56 =	vmul.f32 v63, v35  }
0x575: {  	v52 =	vld [tilespmem:s31+$0x14460];
	v0 =	vsub.f32 v0, v10;
	v11 =	vadd.f32 v48, v43;
	v48 =	vmul.f32 v60, v33  }
0x576: {  	v50 =	vadd.f32 v9, v6;
	v9 =	vmul.f32 v62, v34;
	v60 =	vmul.f32 v42, v34  }
0x577: {  	v62 =	vmul.f32 v47, v35;
	v43 =	vshll.u32 v51, $0x10;
	v47 =	vshll.u32 v53, $0x10;
	[tilespmem:v45+s20+$0x0] =	vst.idx.msk $0xffff, v0  }
0x578: {  	v45 =	vor.u32 v57, v21;
	v8 =	vadd.f32 v48, v8;
	v4 =	vadd.f32 v9, v19  }
0x579: {  	v63 =	vadd.f32 v56, v11;
	v9 =	vand.u32 $0xFFFF0000, v49;
	v2 =	vadd.f32 v60, v2  }
0x57a: {  	v10 =	vld [tilespmem:$0x1FF20];
	v5 =	vadd.f32 v62, v50;
	v11 =	vand.u32 $0xFFFF0000, v51;
	v48 =	vshll.u32 v52, $0x10  }
0x57b: {  	v55 =	vld [tilespmem:$0x1FF20];
	v50 =	vand.u32 $0xFFFF0000, v53;
	v53 =	vand.u32 $0xF8, v59;
	v3 =	vsub.f32 v3, v9  }
0x57c: {  	v1 =	vsub.f32 v1, v11;
	v56 =	vadd.s32 v15, v53;
	v7 =	vsub.f32 v8, v43  }
0x57d: {  	s29 =	sadd.s32 $0x3, s18;
	v49 =	vand.u32 $0xFFFF0000, v52;
	v8 =	vor.u32 v58, v61;
	v51 =	vsub.f32 v4, v48;
	[tilespmem:v41+s20+$0x0] =	vst.idx.msk $0xffff, v3  }
0x57e: {  	v42 =	vmov s29;
	v2 =	vsub.f32 v2, v49;
	v6 =	vsub.f32 v63, v47;
	v9 =	vld [tilespmem:s0+$0xFFFFFFD0];
	[tilespmem:v46+s20+$0x0] =	vst.idx.msk $0xffff, v7  }
0x57f: {  	v52 =	vand.u32 $0x7, v59;
	v5 =	vsub.f32 v5, v50;
	v43 =	vor.u32 v10, v21;
	v10 =	vld [tilespmem:s16+$0xFFFFFFD0];
	[tilespmem:v28+s20+$0x0] =	vst.idx.msk $0xffff, v1  }
0x580: {  	v60 =	vand.u32 $0xF8, v42;
	v58 =	vor.u32 v57, v27;
	v27 =	vor.u32 v55, v27;
	[tilespmem:v36+s20+$0x0] =	vst.idx.msk $0xffff, v6;
	v11 =	vld [tilespmem:s0+$0x10]  }
0x581: {  	v14 =	vand.u32 $0x7, v42;
	v3 =	vadd.s32 v15, v60;
	v41 =	vor.u32 v52, v56;
	[tilespmem:v38+s20+$0x0] =	vst.idx.msk $0xffff, v5;
	v63 =	vld [tilespmem:s16+$0x10]  }
0x582: {  	v62 =	vand.u32 $0x7, v24;
	[tilespmem:v40+s20+$0x0] =	vst.idx.msk $0xffff, v51;
	v7 =	vadd.s32 v15, v54;
	v40 =	vor.u32 v14, v3;
	v38 =	vld [tilespmem:s0+$0xFFFFFF90]  }
0x583: {  	v28 =	vor.u32 v37, v39;
	v37 =	vor.u32 v62, v7;
	v47 =	vld [tilespmem:s16+$0xFFFFFF90];
	v18 =	vshll.u32 v9, $0x10  }
0x584: {  	v19 =	vand.u32 $0xFFFF0000, v9;
	v39 =	vshll.u32 v10, $0x10;
	v0 =	vmul.f32 v18, v30  }
0x585: {  	v48 =	vld [tilespmem:s1+$0x10];
	[tilespmem:v8+s20+$0x0] =	vst.idx.msk $0xffff, v2;
	v46 =	vand.u32 $0xFFFF0000, v10;
	v5 =	vmul.f32 v39, v23;
	v2 =	vmul.f32 v19, v30  }
0x586: {  	v6 =	vmul.f32 v46, v23;
	v8 =	vshll.u32 v11, $0x10;
	v9 =	vand.u32 $0xFFFF0000, v11  }
0x587: {  	v16 =	vld [tilespmem:s0+$0x50];
	v11 =	vshll.u32 v63, $0x10;
	v12 =	vand.u32 $0xFFFF0000, v63;
	v23 =	vshll.u32 v38, $0x10  }
0x588: {  	v36 =	vld [tilespmem:s16+$0x50];
	v4 =	vand.u32 $0xFFFF0000, v38;
	v51 =	vshll.u32 v47, $0x10;
	v8 =	vmul.f32 v8, v26  }
0x589: {  	[tilespmem:$0x1FEF0] =	vst v22;
	v22 =	vld [tilespmem:s1+$0x50];
	v7 =	vand.u32 $0xFFFF0000, v47;
	v11 =	vmul.f32 v11, v20;
	v9 =	vmul.f32 v9, v26  }
0x58a: {  	v54 =	vld [tilespmem:s31+$0x14470];
	v55 =	vshll.u32 v48, $0x10;
	v12 =	vmul.f32 v12, v20;
	v23 =	vmul.f32 v23, v25  }
0x58b: {  	v10 =	vld [tilespmem:s1+$0xFFFFFFD0];
	v13 =	vand.u32 $0xFFFF0000, v48;
	v21 =	vmul.f32 v51, v31;
	v4 =	vmul.f32 v4, v25  }
0x58c: {  	v7 =	vmul.f32 v7, v31;
	v0 =	vadd.f32 v5, v0;
	v2 =	vadd.f32 v6, v2  }
0x58d: {  	v63 =	vmul.f32 v55, v33;
	v18 =	vmul.f32 v13, v33;
	v26 =	vshll.u32 v44, $0x7  }
0x58e: {  	v49 =	vshll.u32 v16, $0x10;
	v1 =	vand.u32 $0xFFFF0000, v16;
	v50 =	vshll.u32 v36, $0x10  }
0x58f: {  	v3 =	vand.u32 $0xFFFF0000, v36;
	v56 =	vshll.u32 v22, $0x10;
	v22 =	vand.u32 $0xFFFF0000, v22  }
0x590: {  	v46 =	vld [tilespmem:s5+$0x14470];
	v13 =	vshll.u32 v54, $0x10;
	v53 =	vshll.u32 v10, $0x10;
	v14 =	vmul.f32 v49, v29  }
0x591: {  	v10 =	vand.u32 $0xFFFF0000, v10;
	v16 =	vmul.f32 v50, v17;
	v1 =	vmul.f32 v1, v29  }
0x592: {  	v52 =	vld [tilespmem:s8+$0x14470];
	v3 =	vmul.f32 v3, v17;
	v62 =	vadd.f32 v11, v8;
	v9 =	vadd.f32 v12, v9  }
0x593: {  	s31 =	sadd.s32 $0x4, s18;
	v20 =	vld [tilespmem:s19+$0x14470];
	v11 =	vadd.f32 v21, v23;
	v38 =	vmul.f32 v22, v34;
	v60 =	vmul.f32 v53, v32  }
0x594: {  	v36 =	vld [tilespmem:s1+$0xFFFFFF90];
	v50 =	vmov s31;
	v8 =	vmul.f32 v10, v32;
	v32 =	vmul.f32 v56, v34  }
0x595: {  	v48 =	vshll.u32 v46, $0x10;
	v10 =	vadd.f32 v16, v14;
	v1 =	vadd.f32 v3, v1  }
0x596: {  	v25 =	vld.idx.msk [tilespmem:v41+s30+$0x0], $0xffff;
	v49 =	vand.u32 $0xFFFF0000, v46;
	v16 =	vadd.f32 v7, v4;
	v6 =	vadd.f32 v63, v62  }
0x597: {  	v23 =	vld.idx.msk [tilespmem:v41+s10+$0x0], $0xffff;
	v55 =	vand.u32 $0x7, v50;
	v4 =	vadd.f32 v18, v9;
	v0 =	vadd.f32 v60, v0  }
0x598: {  	v21 =	vld.idx.msk [tilespmem:v40+s10+$0x0], $0xffff;
	v2 =	vadd.f32 v8, v2;
	v8 =	vshll.u32 v52, $0x10;
	v56 =	vand.u32 $0xFFFF0000, v20  }
0x599: {  	v53 =	vld.idx.msk [tilespmem:v40+s30+$0x0], $0xffff;
	v31 =	vshll.u32 v36, $0x10;
	v36 =	vand.u32 $0xFFFF0000, v36;
	v7 =	vadd.f32 v32, v10  }
0x59a: {  	v62 =	vld.idx.msk [tilespmem:v37+s30+$0x0], $0xffff;
	v10 =	vand.u32 $0xFFFF0000, v52;
	v1 =	vadd.f32 v38, v1;
	v39 =	vsub.f32 v6, v48  }
0x59b: {  	p0 =	slt.u32 s18, $0x5F;
	v38 =	vsub.f32 v4, v49;
	v33 =	vmul.f32 v31, v35;
	v2 =	vsub.f32 v2, v10;
	v10 =	vld [tilespmem:$0x1FF20]  }
.Ltmp3:
0x59c: {  	v63 =	vld.idx.msk [tilespmem:v37+s10+$0x0], $0xffff;
	v47 =	vmul.f32 v36, v35;
	v0 =	vsub.f32 v0, v8;
	v35 =	vor.u32 v57, v61;
	(pc) =	sbr.rel @p0 .LBB2_9-.Ltmp3, $4  }
0x59d: {  	v60 =	vld.idx.msk [tilespmem:v28+s30+$0x0], $0xffff;
	v36 =	vsub.f32 v7, v13;
	v9 =	vadd.f32 v33, v11;
	v11 =	vand.u32 $0xF8, v50  }
0x59e: {  	s0 =	sadd.s32 $0x140, s0;
	v3 =	vadd.f32 v47, v16;
	v16 =	vand.u32 $0xFFFF0000, v54;
	[tilespmem:v45+s20+$0x0] =	vst.idx.msk $0xffff, v0;
	v11 =	vadd.s32 v15, v11  }
0x59f: {  	s16 =	sadd.s32 $0x140, s16;
	v51 =	vld [tilespmem:s0+$0x60];
	v33 =	vsub.f32 v1, v16;
	[tilespmem:v43+s20+$0x0] =	vst.idx.msk $0xffff, v2;
	v47 =	vor.u32 v55, v11;
	v11 =	vshll.u32 v20, $0x10  }
0x5a0: {  	s17 =	smov.u32 s18;
	s18 =	sadd.s32 $0x5, s18;
	v52 =	vld [tilespmem:s16+$0x60];
	v31 =	vsub.f32 v3, v56;
	v34 =	vor.u32 v10, v61;
	v32 =	vsub.f32 v9, v11  }
0x5a1: {  	_ =	sdelay $0x3  }
0x5a2: {  	v45 =	vld.idx.msk [tilespmem:v47+s30+$0x0], $0xffff;
	s8 =	sadd.s32 s17, s21  }
0x5a3: {  	v46 =	vld.idx.msk [tilespmem:v47+s10+$0x0], $0xffff;
	s1 =	sadd.s32 $0x140, s1;
	s2 =	sadd.s32 $0x68, s8  }
0x5a4: {  	v0 =	vld [tilespmem:s1+$0x60];
	s2 =	sshrl.u32 s2, $0x4  }
0x5a5: {  	v44 =	vld.idx.msk [tilespmem:v47+s12+$0x0], $0xffff;
	s2 =	ssub.s32 s2, s23  }
0x5a6: {  	v16 =	vshll.u32 v50, $0x7;
	v18 =	vld [tilespmem:$0x1FF40];
	s2 =	sshll.u32 s2, $0x8  }
0x5a7: {  	v19 =	vld [tilespmem:$0x1FF30];
	v1 =	vshll.u32 v51, $0x10;
	v2 =	vand.u32 $0xFFFF0000, v51;
	v3 =	vshll.u32 v52, $0x10;
	s2 =	sshra.s32 s2, $0x2  }
0x5a8: {  	v4 =	vand.u32 $0xFFFF0000, v52;
	v1 =	vmul.f32 v1, v45;
	v3 =	vmul.f32 v3, v46;
	v5 =	vld [tilespmem:s2+$0x14440]  }
0x5a9: {  	v2 =	vmul.f32 v2, v45;
	v4 =	vmul.f32 v4, v46;
	v6 =	vshll.u32 v0, $0x10  }
0x5aa: {  	v0 =	vand.u32 $0xFFFF0000, v0;
	v1 =	vadd.f32 v3, v1;
	v3 =	vmul.f32 v6, v44  }
0x5ab: {  	v52 =	vor.u32 v18, v16;
	v2 =	vadd.f32 v4, v2;
	v0 =	vmul.f32 v0, v44  }
0x5ac: {  	v1 =	vadd.f32 v3, v1;
	v3 =	vor.u32 v19, v16  }
0x5ad: {  	v0 =	vadd.f32 v0, v2;
	v9 =	vshll.u32 v5, $0x10  }
0x5ae: {  	v7 =	vld [tilespmem:s16+$0xFFFFFF60];
	v5 =	vand.u32 $0xFFFF0000, v5;
	v1 =	vsub.f32 v1, v9  }
0x5af: {  	v8 =	vld [tilespmem:s0+$0xFFFFFFA0];
	v0 =	vsub.f32 v0, v5  }
0x5b0: {  	v54 =	vld [tilespmem:s0+$0xFFFFFFE0];
	[tilespmem:v52+s20+$0x0] =	vst.idx.msk $0xffff, v1  }
0x5b1: {  	v55 =	vld [tilespmem:s16+$0xFFFFFFE0];
	[tilespmem:v3+s20+$0x0] =	vst.idx.msk $0xffff, v0  }
0x5b2: {  	v0 =	vld [tilespmem:s0+$0x70]  }
0x5b3: {  	v43 =	vshll.u32 v59, $0x7;
	v30 =	vshll.u32 v24, $0x7;
	v29 =	vshll.u32 v42, $0x7;
	v4 =	vld [tilespmem:s16+$0x70]  }
0x5b4: {  	v22 =	vld [tilespmem:s0+$0xFFFFFF60];
	v57 =	vmovc v10;
	v47 =	vor.u32 v18, v26;
	v49 =	vor.u32 v18, v43;
	v10 =	vshll.u32 v7, $0x10  }
0x5b5: {  	v7 =	vand.u32 $0xFFFF0000, v7;
	v11 =	vshll.u32 v8, $0x10;
	v8 =	vand.u32 $0xFFFF0000, v8;
	v13 =	vld [tilespmem:s1+$0x70]  }
0x5b6: {  	v14 =	vshll.u32 v54, $0x10;
	v50 =	vshll.u32 v55, $0x10;
	v11 =	vmul.f32 v11, v25  }
0x5b7: {  	v8 =	vmul.f32 v8, v25;
	v14 =	vmul.f32 v14, v62;
	v56 =	vshll.u32 v0, $0x10  }
0x5b8: {  	v0 =	vand.u32 $0xFFFF0000, v0;
	v59 =	vshll.u32 v4, $0x10;
	v4 =	vand.u32 $0xFFFF0000, v4  }
0x5b9: {  	v6 =	vand.u32 $0xFFFF0000, v22;
	v2 =	vld [tilespmem:s16+$0xFFFFFFA0];
	v0 =	vmul.f32 v0, v45;
	v4 =	vmul.f32 v4, v46  }
0x5ba: {  	v9 =	vand.u32 $0xFFFF0000, v54;
	v54 =	vshll.u32 v13, $0x10;
	v13 =	vand.u32 $0xFFFF0000, v13  }
0x5bb: {  	v20 =	vmovc v53;
	v3 =	vshll.u32 v22, $0x10;
	v53 =	vld [tilespmem:s2+$0x14450];
	v22 =	vmul.f32 v13, v44;
	v0 =	vadd.f32 v4, v0  }
0x5bc: {  	v5 =	vand.u32 $0xFFFF0000, v55;
	v17 =	vld [tilespmem:$0x1FF50];
	v42 =	vmul.f32 v56, v45;
	v52 =	vmul.f32 v59, v46  }
0x5bd: {  	v9 =	vmul.f32 v9, v62;
	v5 =	vmul.f32 v5, v63;
	v0 =	vadd.f32 v22, v0;
	v22 =	vld [tilespmem:$0x1FF60]  }
0x5be: {  	v1 =	vld [tilespmem:s0+$0x20];
	v12 =	vshll.u32 v2, $0x10;
	v61 =	vmul.f32 v54, v44;
	v42 =	vadd.f32 v52, v42  }
0x5bf: {  	v6 =	vmul.f32 v6, v60;
	v55 =	vld [tilespmem:s16+$0x20];
	v2 =	vand.u32 $0xFFFF0000, v2;
	v12 =	vmul.f32 v12, v23  }
0x5c0: {  	v2 =	vmul.f32 v2, v23;
	v5 =	vadd.f32 v5, v9;
	v54 =	vld [tilespmem:s1+$0xFFFFFF60];
	v42 =	vadd.f32 v61, v42  }
0x5c1: {  	v3 =	vmul.f32 v3, v60;
	v24 =	vor.u32 v17, v16;
	v56 =	vshll.u32 v53, $0x10;
	v52 =	vld [tilespmem:s1+$0xFFFFFFA0]  }
0x5c2: {  	v41 =	vld.idx.msk [tilespmem:v41+s12+$0x0], $0xffff;
	v11 =	vadd.f32 v12, v11;
	v4 =	vsub.f32 v42, v56;
	v56 =	vor.u32 v22, v16  }
0x5c3: {  	v2 =	vadd.f32 v2, v8;
	v51 =	vshll.u32 v1, $0x10;
	v1 =	vand.u32 $0xFFFF0000, v1;
	v42 =	vld.idx.msk [tilespmem:v28+s10+$0x0], $0xffff  }
0x5c4: {  	v51 =	vmul.f32 v51, v20;
	v1 =	vmul.f32 v1, v20;
	v59 =	vand.u32 $0xFFFF0000, v53  }
0x5c5: {  	v61 =	vshll.u32 v55, $0x10;
	v13 =	vshll.u32 v54, $0x10;
	v0 =	vsub.f32 v0, v59;
	v28 =	vld.idx.msk [tilespmem:v28+s12+$0x0], $0xffff  }
0x5c6: {  	v8 =	vshll.u32 v52, $0x10;
	v59 =	vand.u32 $0xFFFF0000, v52;
	v52 =	vld [tilespmem:s1+$0x20];
	[tilespmem:v24+s20+$0x0] =	vst.idx.msk $0xffff, v4;
	v24 =	vmul.f32 v50, v63  }
0x5c7: {  	v61 =	vmul.f32 v61, v21;
	v4 =	vand.u32 $0xFFFF0000, v55;
	v8 =	vmul.f32 v8, v41;
	[tilespmem:v56+s20+$0x0] =	vst.idx.msk $0xffff, v0;
	v0 =	vld [tilespmem:s1+$0xFFFFFFE0]  }
0x5c8: {  	v59 =	vmul.f32 v59, v41;
	v12 =	vadd.f32 v24, v14;
	v10 =	vmul.f32 v10, v42;
	v24 =	vld [tilespmem:s0+$0x80]  }
0x5c9: {  	v51 =	vadd.f32 v61, v51;
	v4 =	vmul.f32 v4, v21;
	v7 =	vmul.f32 v7, v42;
	v56 =	vld [tilespmem:s16+$0x80]  }
0x5ca: {  	v37 =	vld.idx.msk [tilespmem:v37+s12+$0x0], $0xffff;
	v8 =	vadd.f32 v8, v11;
	v13 =	vmul.f32 v13, v28;
	v3 =	vadd.f32 v10, v3  }
0x5cb: {  	v48 =	vor.u32 v19, v43;
	v2 =	vadd.f32 v59, v2;
	v6 =	vadd.f32 v7, v6;
	v7 =	vld [tilespmem:s1+$0x80]  }
0x5cc: {  	v1 =	vadd.f32 v4, v1;
	v3 =	vadd.f32 v13, v3;
	v4 =	vshll.u32 v0, $0x10  }
0x5cd: {  	v40 =	vld.idx.msk [tilespmem:v40+s12+$0x0], $0xffff;
	v0 =	vand.u32 $0xFFFF0000, v0;
	v61 =	vshll.u32 v24, $0x10;
	v14 =	vand.u32 $0xFFFF0000, v24  }
0x5ce: {  	s9 =	sadd.s32 $0x66, s8;
	v53 =	vld [tilespmem:$0x1FF70];
	v15 =	vshll.u32 v56, $0x10;
	v9 =	vand.u32 $0xFFFF0000, v56;
	v56 =	vshll.u32 v52, $0x10  }
0x5cf: {  	s5 =	sadd.s32 $0x65, s8;
	s9 =	sshrl.u32 s9, $0x4;
	v52 =	vand.u32 $0xFFFF0000, v52;
	v11 =	vmul.f32 v61, v45;
	v50 =	vmul.f32 v15, v46  }
0x5d0: {  	s5 =	sshrl.u32 s5, $0x4;
	s9 =	ssub.s32 s9, s23;
	v4 =	vmul.f32 v4, v37;
	v59 =	vshll.u32 v7, $0x10;
	v0 =	vmul.f32 v0, v37;
	v15 =	vld [tilespmem:$0x1FF80]  }
0x5d1: {  	s5 =	ssub.s32 s5, s23;
	s9 =	sshll.u32 s9, $0x8;
	v24 =	vmul.f32 v14, v45;
	v9 =	vmul.f32 v9, v46;
	v11 =	vadd.f32 v50, v11;
	v50 =	vld [tilespmem:s2+$0x14460]  }
0x5d2: {  	s5 =	sshll.u32 s5, $0x8;
	s19 =	sshra.s32 s9, $0x2;
	v7 =	vand.u32 $0xFFFF0000, v7;
	v10 =	vmul.f32 v59, v44;
	v14 =	vmul.f32 v56, v40  }
0x5d3: {  	s11 =	sadd.s32 $0x67, s8;
	s5 =	sshra.s32 s5, $0x2;
	v7 =	vmul.f32 v7, v44;
	v61 =	vor.u32 v53, v16;
	v56 =	vld [tilespmem:s19+$0x14440];
	v52 =	vmul.f32 v52, v40  }
0x5d4: {  	s11 =	sshrl.u32 s11, $0x4;
	v59 =	vand.u32 $0xFFFF0000, v54;
	v4 =	vadd.f32 v4, v12;
	v12 =	vld [tilespmem:s5+$0x14440];
	v9 =	vadd.f32 v9, v24  }
0x5d5: {  	s17 =	sadd.s32 $0x64, s8;
	s11 =	ssub.s32 s11, s23;
	v0 =	vadd.f32 v0, v5;
	v10 =	vadd.f32 v10, v11;
	v5 =	vor.u32 v15, v16  }
0x5d6: {  	s24 =	sshrl.u32 s17, $0x4;
	s11 =	sshll.u32 s11, $0x8;
	v54 =	vor.u32 v18, v29;
	v7 =	vadd.f32 v7, v9;
	v24 =	vshll.u32 v50, $0x10  }
0x5d7: {  	s9 =	ssub.s32 s24, s23;
	s29 =	sshra.s32 s11, $0x2;
	v14 =	vadd.f32 v14, v51;
	v50 =	vand.u32 $0xFFFF0000, v50;
	v9 =	vsub.f32 v10, v24  }
0x5d8: {  	s9 =	sshll.u32 s9, $0x8;
	v1 =	vadd.f32 v52, v1;
	v10 =	vor.u32 v18, v30;
	v7 =	vsub.f32 v7, v50;
	v50 =	vld [tilespmem:s29+$0x14440]  }
0x5d9: {  	s18 =	sshra.s32 s9, $0x2;
	v52 =	vor.u32 v19, v30;
	v55 =	vand.u32 $0xFFFF0000, v56;
	[tilespmem:v61+s20+$0x0] =	vst.idx.msk $0xffff, v9;
	v61 =	vshll.u32 v12, $0x10  }
0x5da: {  	v13 =	vand.u32 $0xFFFF0000, v12;
	v24 =	vshll.u32 v56, $0x10;
	[tilespmem:v5+s20+$0x0] =	vst.idx.msk $0xffff, v7;
	v5 =	vld [tilespmem:s18+$0x14440];
	v8 =	vsub.f32 v8, v61  }
0x5db: {  	v0 =	vsub.f32 v0, v55;
	v4 =	vsub.f32 v4, v24;
	v7 =	vmul.f32 v59, v28;
	v9 =	vld [tilespmem:s0+$0x90]  }
0x5dc: {  	v2 =	vsub.f32 v2, v13;
	v59 =	vor.u32 v19, v29;
	v56 =	vld [tilespmem:s16+$0x90];
	[tilespmem:v49+s20+$0x0] =	vst.idx.msk $0xffff, v8  }
0x5dd: {  	v61 =	vshll.u32 v50, $0x10;
	v6 =	vadd.f32 v7, v6;
	[tilespmem:v10+s20+$0x0] =	vst.idx.msk $0xffff, v4;
	v10 =	vor.u32 v17, v43  }
0x5de: {  	v18 =	vand.u32 $0xFFFF0000, v50;
	[tilespmem:v48+s20+$0x0] =	vst.idx.msk $0xffff, v2;
	v2 =	vor.u32 v19, v26;
	v8 =	vsub.f32 v14, v61  }
0x5df: {  	v1 =	vsub.f32 v1, v18;
	v24 =	vshll.u32 v5, $0x10;
	v5 =	vand.u32 $0xFFFF0000, v5  }
0x5e0: {  	[tilespmem:v52+s20+$0x0] =	vst.idx.msk $0xffff, v0;
	v19 =	vld [tilespmem:s0+$0xFFFFFFB0];
	v0 =	vsub.f32 v3, v24;
	v3 =	vsub.f32 v6, v5  }
0x5e1: {  	v48 =	vld [tilespmem:s16+$0xFFFFFFB0];
	[tilespmem:v54+s20+$0x0] =	vst.idx.msk $0xffff, v8;
	v50 =	vshll.u32 v9, $0x10;
	v51 =	vand.u32 $0xFFFF0000, v9;
	v52 =	vshll.u32 v56, $0x10  }
0x5e2: {  	v49 =	vld [tilespmem:s0+$0xFFFFFFF0];
	[tilespmem:v59+s20+$0x0] =	vst.idx.msk $0xffff, v1;
	v54 =	vand.u32 $0xFFFF0000, v56;
	v5 =	vmul.f32 v50, v45;
	v8 =	vmul.f32 v52, v46  }
0x5e3: {  	v6 =	vmul.f32 v51, v45;
	v9 =	vmul.f32 v54, v46;
	[tilespmem:v47+s20+$0x0] =	vst.idx.msk $0xffff, v0  }
0x5e4: {  	v1 =	vld [tilespmem:s16+$0xFFFFFFF0];
	v51 =	vor.u32 v22, v29;
	[tilespmem:v2+s20+$0x0] =	vst.idx.msk $0xffff, v3;
	v3 =	vor.u32 v17, v26  }
0x5e5: {  	v5 =	vadd.f32 v8, v5;
	v6 =	vadd.f32 v9, v6;
	v55 =	vshll.u32 v19, $0x10  }
0x5e6: {  	v0 =	vld [tilespmem:s0+$0x30];
	v56 =	vand.u32 $0xFFFF0000, v19;
	v61 =	vshll.u32 v48, $0x10;
	v7 =	vand.u32 $0xFFFF0000, v48  }
0x5e7: {  	v2 =	vld [tilespmem:s16+$0x30];
	v18 =	vshll.u32 v49, $0x10;
	v9 =	vmul.f32 v55, v25;
	v13 =	vmul.f32 v61, v23  }
0x5e8: {  	v4 =	vand.u32 $0xFFFF0000, v49;
	v49 =	vld [tilespmem:s1+$0xFFFFFFB0];
	v11 =	vmul.f32 v56, v25;
	v7 =	vmul.f32 v7, v23  }
0x5e9: {  	v8 =	vld [tilespmem:s0+$0xFFFFFF70];
	v14 =	vmul.f32 v18, v62;
	v4 =	vmul.f32 v4, v62;
	v19 =	vshll.u32 v1, $0x10  }
0x5ea: {  	v59 =	vld [tilespmem:s16+$0xFFFFFF70];
	v1 =	vand.u32 $0xFFFF0000, v1;
	v9 =	vadd.f32 v13, v9;
	v45 =	vmul.f32 v19, v63  }
0x5eb: {  	v7 =	vadd.f32 v7, v11;
	v1 =	vmul.f32 v1, v63;
	v24 =	vshll.u32 v0, $0x10  }
0x5ec: {  	v56 =	vld [tilespmem:s1+$0xFFFFFFF0];
	v0 =	vand.u32 $0xFFFF0000, v0;
	v52 =	vshll.u32 v2, $0x10;
	v2 =	vand.u32 $0xFFFF0000, v2  }
0x5ed: {  	v46 =	vmul.f32 v24, v20;
	v14 =	vadd.f32 v45, v14;
	v1 =	vadd.f32 v1, v4  }
0x5ee: {  	v61 =	vshll.u32 v49, $0x10;
	v49 =	vand.u32 $0xFFFF0000, v49;
	v0 =	vmul.f32 v0, v20  }
0x5ef: {  	v54 =	vshll.u32 v8, $0x10;
	v8 =	vand.u32 $0xFFFF0000, v8;
	v55 =	vshll.u32 v59, $0x10  }
0x5f0: {  	v12 =	vand.u32 $0xFFFF0000, v59;
	v47 =	vmul.f32 v52, v21;
	v2 =	vmul.f32 v2, v21  }
0x5f1: {  	v19 =	vld [tilespmem:s5+$0x14450];
	v18 =	vshll.u32 v56, $0x10;
	v4 =	vmul.f32 v61, v41;
	v49 =	vmul.f32 v49, v41  }
0x5f2: {  	v24 =	vld [tilespmem:s19+$0x14450];
	v11 =	vand.u32 $0xFFFF0000, v56;
	v48 =	vmul.f32 v54, v60;
	v13 =	vmul.f32 v55, v42  }
0x5f3: {  	v59 =	vld [tilespmem:s1+$0x30];
	v8 =	vmul.f32 v8, v60;
	v12 =	vmul.f32 v12, v42;
	v46 =	vadd.f32 v47, v46  }
0x5f4: {  	v11 =	vmul.f32 v11, v37;
	v0 =	vadd.f32 v2, v0;
	v4 =	vadd.f32 v4, v9  }
0x5f5: {  	v54 =	vor.u32 v22, v43;
	v7 =	vadd.f32 v49, v7;
	v13 =	vadd.f32 v13, v48  }
0x5f6: {  	v55 =	vld [tilespmem:s29+$0x14450];
	v8 =	vadd.f32 v12, v8;
	v48 =	vmul.f32 v18, v37;
	v12 =	vand.u32 $0xFFFF0000, v19  }
0x5f7: {  	v47 =	vld [tilespmem:s1+$0xFFFFFF70];
	v1 =	vadd.f32 v11, v1;
	v61 =	vshll.u32 v24, $0x10;
	v7 =	vsub.f32 v7, v12  }
0x5f8: {  	v12 =	vor.u32 v22, v30;
	v9 =	vand.u32 $0xFFFF0000, v24;
	v2 =	vshll.u32 v59, $0x10  }
0x5f9: {  	v56 =	vld [tilespmem:s1+$0x90];
	v45 =	vand.u32 $0xFFFF0000, v59;
	v14 =	vadd.f32 v48, v14;
	v59 =	vshll.u32 v19, $0x10  }
0x5fa: {  	v19 =	vor.u32 v17, v29;
	v2 =	vmul.f32 v2, v40;
	v45 =	vmul.f32 v45, v40  }
0x5fb: {  	v18 =	vld [tilespmem:s18+$0x14450];
	v4 =	vsub.f32 v4, v59;
	v24 =	vshll.u32 v55, $0x10;
	v11 =	vand.u32 $0xFFFF0000, v55  }
0x5fc: {  	v52 =	vshll.u32 v47, $0x10;
	v2 =	vadd.f32 v2, v46;
	v46 =	vor.u32 v17, v30  }
0x5fd: {  	v14 =	vsub.f32 v14, v61;
	v47 =	vand.u32 $0xFFFF0000, v47;
	v49 =	vmul.f32 v52, v28;
	[tilespmem:v10+s20+$0x0] =	vst.idx.msk $0xffff, v4  }
0x5fe: {  	v0 =	vadd.f32 v45, v0;
	v52 =	vshll.u32 v56, $0x10;
	[tilespmem:v54+s20+$0x0] =	vst.idx.msk $0xffff, v7;
	v2 =	vsub.f32 v2, v24  }
0x5ff: {  	[tilespmem:v58+s20+$0x0] =	vst.idx.msk $0xffff, v39;
	v4 =	vmul.f32 v47, v28;
	v54 =	vand.u32 $0xFFFF0000, v56;
	v13 =	vadd.f32 v49, v13;
	v56 =	vld [tilespmem:s0+$0xFFFFFFC0]  }
0x600: {  	v55 =	vor.u32 v22, v26;
	v59 =	vshll.u32 v18, $0x10;
	v0 =	vsub.f32 v0, v11;
	v61 =	vld [tilespmem:s16+$0xFFFFFFC0];
	[tilespmem:v19+s20+$0x0] =	vst.idx.msk $0xffff, v2  }
0x601: {  	v4 =	vadd.f32 v4, v8;
	v8 =	vsub.f32 v13, v59;
	[tilespmem:v46+s20+$0x0] =	vst.idx.msk $0xffff, v14  }
0x602: {  	v1 =	vsub.f32 v1, v9;
	v17 =	vand.u32 $0xFFFF0000, v18;
	v7 =	vmul.f32 v52, v44;
	[tilespmem:v51+s20+$0x0] =	vst.idx.msk $0xffff, v0  }
0x603: {  	v58 =	vor.u32 v57, v29;
	v2 =	vsub.f32 v4, v17;
	[tilespmem:v3+s20+$0x0] =	vst.idx.msk $0xffff, v8;
	v3 =	vld [tilespmem:s0+$0x40]  }
0x604: {  	v0 =	vadd.f32 v7, v5;
	[tilespmem:v12+s20+$0x0] =	vst.idx.msk $0xffff, v1;
	v1 =	vmul.f32 v54, v44;
	v19 =	vld [tilespmem:s16+$0x40]  }
0x605: {  	v12 =	vld [tilespmem:s0+$0x0];
	[tilespmem:v55+s20+$0x0] =	vst.idx.msk $0xffff, v2;
	v2 =	vshll.u32 v56, $0x10;
	v22 =	vand.u32 $0xFFFF0000, v56;
	v51 =	vshll.u32 v61, $0x10  }
0x606: {  	v18 =	vld [tilespmem:s16+$0x0];
	v11 =	vand.u32 $0xFFFF0000, v61;
	v2 =	vmul.f32 v2, v25;
	v10 =	vmul.f32 v51, v23  }
0x607: {  	v5 =	vor.u32 v53, v43;
	v8 =	vmul.f32 v22, v25;
	v11 =	vmul.f32 v11, v23  }
0x608: {  	v61 =	vld [tilespmem:s1+$0xFFFFFFC0];
	v1 =	vadd.f32 v1, v6;
	v6 =	vor.u32 v15, v43;
	v2 =	vadd.f32 v10, v2  }
0x609: {  	v8 =	vadd.f32 v11, v8;
	v56 =	vshll.u32 v3, $0x10;
	v3 =	vand.u32 $0xFFFF0000, v3  }
0x60a: {  	v24 =	vld [tilespmem:s0+$0xFFFFFF80];
	v59 =	vshll.u32 v19, $0x10;
	v7 =	vand.u32 $0xFFFF0000, v19;
	v54 =	vshll.u32 v12, $0x10  }
0x60b: {  	v52 =	vld [tilespmem:s16+$0xFFFFFF80];
	v12 =	vand.u32 $0xFFFF0000, v12;
	v55 =	vshll.u32 v18, $0x10;
	v45 =	vmul.f32 v56, v20  }
0x60c: {  	v4 =	vand.u32 $0xFFFF0000, v18;
	v46 =	vmul.f32 v59, v21;
	v3 =	vmul.f32 v3, v20  }
0x60d: {  	v22 =	vshll.u32 v61, $0x10;
	v47 =	vand.u32 $0xFFFF0000, v61;
	v7 =	vmul.f32 v7, v21  }
0x60e: {  	v56 =	vor.u32 v53, v30;
	v59 =	vor.u32 v15, v30;
	v14 =	vmul.f32 v54, v62  }
0x60f: {  	v17 =	vshll.u32 v24, $0x10;
	v9 =	vand.u32 $0xFFFF0000, v24;
	v44 =	vmul.f32 v55, v63  }
0x610: {  	v19 =	vld [tilespmem:s1+$0x0];
	v18 =	vshll.u32 v52, $0x10;
	v12 =	vmul.f32 v12, v62;
	v4 =	vmul.f32 v4, v63  }
0x611: {  	v61 =	vld [tilespmem:s1+$0xFFFFFF80];
	v13 =	vand.u32 $0xFFFF0000, v52;
	v47 =	vmul.f32 v47, v41;
	v48 =	vmul.f32 v17, v60  }
0x612: {  	v24 =	vld [tilespmem:s5+$0x14460];
	v10 =	vmul.f32 v18, v42;
	v9 =	vmul.f32 v9, v60;
	v45 =	vadd.f32 v46, v45  }
0x613: {  	v54 =	vld [tilespmem:s19+$0x14460];
	v13 =	vmul.f32 v13, v42;
	v3 =	vadd.f32 v7, v3;
	v14 =	vadd.f32 v44, v14  }
0x614: {  	v4 =	vadd.f32 v4, v12;
	v12 =	vmul.f32 v22, v41;
	v8 =	vadd.f32 v47, v8  }
0x615: {  	v44 =	vld [tilespmem:s1+$0x40];
	v22 =	vor.u32 v53, v29;
	v10 =	vadd.f32 v10, v48;
	v52 =	vshll.u32 v19, $0x10  }
0x616: {  	v11 =	vand.u32 $0xFFFF0000, v19;
	v9 =	vadd.f32 v13, v9;
	v48 =	vmul.f32 v52, v37  }
0x617: {  	v2 =	vadd.f32 v12, v2;
	v11 =	vmul.f32 v11, v37;
	v49 =	vand.u32 $0xFFFF0000, v61  }
0x618: {  	v17 =	vld [tilespmem:s29+$0x14460];
	v18 =	vshll.u32 v24, $0x10;
	v46 =	vand.u32 $0xFFFF0000, v24;
	v19 =	vshll.u32 v54, $0x10  }
0x619: {  	v12 =	vmul.f32 v49, v28;
	v14 =	vadd.f32 v48, v14;
	v4 =	vadd.f32 v11, v4  }
0x61a: {  	v2 =	vsub.f32 v2, v18;
	v8 =	vsub.f32 v8, v46;
	v55 =	vshll.u32 v44, $0x10  }
0x61b: {  	v46 =	vor.u32 v15, v29;
	v44 =	vand.u32 $0xFFFF0000, v44;
	v13 =	vmul.f32 v55, v40  }
0x61c: {  	v7 =	vand.u32 $0xFFFF0000, v54;
	v24 =	vld [tilespmem:s18+$0x14460];
	v14 =	vsub.f32 v14, v19;
	[tilespmem:v5+s20+$0x0] =	vst.idx.msk $0xffff, v2;
	v44 =	vmul.f32 v44, v40  }
0x61d: {  	v50 =	vshll.u32 v17, $0x10;
	v52 =	vand.u32 $0xFFFF0000, v17;
	v2 =	vld [tilespmem:s2+$0x14470];
	[tilespmem:v6+s20+$0x0] =	vst.idx.msk $0xffff, v8;
	v13 =	vadd.f32 v13, v45  }
0x61e: {  	v4 =	vsub.f32 v4, v7;
	v45 =	vshll.u32 v61, $0x10;
	[tilespmem:v56+s20+$0x0] =	vst.idx.msk $0xffff, v14;
	v3 =	vadd.f32 v44, v3;
	v55 =	vld [tilespmem:s0+$0xFFFFFFD0]  }
0x61f: {  	v56 =	vor.u32 v53, v26;
	v53 =	vld [tilespmem:s1+$0xFFFFFFD0];
	v51 =	vmul.f32 v45, v28;
	v54 =	vsub.f32 v13, v50  }
0x620: {  	v17 =	vor.u32 v15, v26;
	[tilespmem:v59+s20+$0x0] =	vst.idx.msk $0xffff, v4;
	v59 =	vld [tilespmem:s16+$0xFFFFFFD0];
	v3 =	vsub.f32 v3, v52  }
0x621: {  	v19 =	vadd.f32 v12, v9;
	v18 =	vld [tilespmem:s0+$0x10];
	v4 =	vadd.f32 v51, v10;
	[tilespmem:v22+s20+$0x0] =	vst.idx.msk $0xffff, v54  }
0x622: {  	v6 =	vand.u32 $0xFFFF0000, v24;
	v61 =	vshll.u32 v2, $0x10;
	[tilespmem:v46+s20+$0x0] =	vst.idx.msk $0xffff, v3;
	v3 =	vshll.u32 v24, $0x10  }
0x623: {  	v2 =	vand.u32 $0xFFFF0000, v2;
	v0 =	vsub.f32 v0, v61;
	v22 =	vld [tilespmem:s16+$0x10];
	v3 =	vsub.f32 v4, v3  }
0x624: {  	[tilespmem:v27+s20+$0x0] =	vst.idx.msk $0xffff, v38;
	v1 =	vsub.f32 v1, v2;
	v2 =	vsub.f32 v19, v6;
	v44 =	vshll.u32 v55, $0x10;
	v45 =	vld [tilespmem:s16+$0x50]  }
0x625: {  	v61 =	vshll.u32 v53, $0x10;
	v46 =	vshll.u32 v59, $0x10;
	v8 =	vand.u32 $0xFFFF0000, v59;
	[tilespmem:v56+s20+$0x0] =	vst.idx.msk $0xffff, v3  }
0x626: {  	v24 =	vld [tilespmem:s0+$0x50];
	v47 =	vmul.f32 v46, v23;
	v48 =	vshll.u32 v18, $0x10;
	v10 =	vand.u32 $0xFFFF0000, v18;
	[tilespmem:v17+s20+$0x0] =	vst.idx.msk $0xffff, v2  }
0x627: {  	v8 =	vmul.f32 v8, v23;
	v23 =	vand.u32 $0xFFFF0000, v53;
	v9 =	vmul.f32 v48, v62;
	v39 =	vld [tilespmem:$0x1FEF0];
	[tilespmem:v35+s20+$0x0] =	vst.idx.msk $0xffff, v36  }
0x628: {  	v3 =	vand.u32 $0xFFFF0000, v55;
	v10 =	vmul.f32 v10, v62;
	v2 =	vmul.f32 v44, v25;
	[tilespmem:v34+s20+$0x0] =	vst.idx.msk $0xffff, v33  }
0x629: {  	v49 =	vshll.u32 v22, $0x10;
	v52 =	vshll.u32 v45, $0x10;
	v6 =	vand.u32 $0xFFFF0000, v45;
	v45 =	vld [tilespmem:$0x1FF00]  }
0x62a: {  	v56 =	vld [tilespmem:s1+$0x10];
	v3 =	vmul.f32 v3, v25;
	v7 =	vand.u32 $0xFFFF0000, v22;
	v12 =	vmul.f32 v49, v63  }
0x62b: {  	v11 =	vld [tilespmem:s0+$0xFFFFFF90];
	v7 =	vmul.f32 v7, v63;
	v51 =	vshll.u32 v24, $0x10;
	v4 =	vand.u32 $0xFFFF0000, v24  }
0x62c: {  	v50 =	vld [tilespmem:s16+$0xFFFFFF90];
	v2 =	vadd.f32 v47, v2;
	v14 =	vmul.f32 v51, v20;
	v4 =	vmul.f32 v4, v20  }
0x62d: {  	v63 =	vld [tilespmem:s1+$0xFFFFFF90];
	v3 =	vadd.f32 v8, v3;
	v18 =	vmul.f32 v52, v21;
	v6 =	vmul.f32 v6, v21  }
0x62e: {  	v59 =	vadd.f32 v12, v9;
	v7 =	vadd.f32 v7, v10;
	v9 =	vmul.f32 v61, v41  }
0x62f: {  	v27 =	vshll.u32 v56, $0x10;
	v38 =	vand.u32 $0xFFFF0000, v56;
	v62 =	vadd.f32 v18, v14  }
0x630: {  	v14 =	vmul.f32 v23, v41;
	v4 =	vadd.f32 v6, v4;
	v2 =	vadd.f32 v9, v2  }
0x631: {  	v54 =	vshll.u32 v11, $0x10;
	v11 =	vand.u32 $0xFFFF0000, v11;
	v55 =	vshll.u32 v50, $0x10;
	[tilespmem:v45+s20+$0x0] =	vst.idx.msk $0xffff, v32  }
0x632: {  	v13 =	vand.u32 $0xFFFF0000, v50;
	v15 =	vor.u32 v57, v39;
	v44 =	vshll.u32 v63, $0x10;
	v46 =	vld [tilespmem:$0x1FF90]  }
0x633: {  	v12 =	vand.u32 $0xFFFF0000, v63;
	v11 =	vmul.f32 v11, v60;
	v13 =	vmul.f32 v13, v42  }
0x634: {  	v50 =	vor.u32 v57, v43;
	v20 =	vmul.f32 v54, v60;
	v21 =	vmul.f32 v55, v42;
	v60 =	vld [tilespmem:s1+$0x50]  }
0x635: {  	v42 =	vld [tilespmem:s5+$0x14470];
	v19 =	vmul.f32 v44, v28;
	v25 =	vadd.f32 v13, v11;
	v11 =	vmul.f32 v27, v37  }
0x636: {  	v12 =	vmul.f32 v12, v28;
	v24 =	vadd.f32 v21, v20;
	v13 =	vmul.f32 v38, v37  }
0x637: {  	v3 =	vadd.f32 v14, v3;
	v5 =	vadd.f32 v11, v59;
	v47 =	vor.u32 v46, v16  }
0x638: {  	v48 =	vld [tilespmem:s19+$0x14470];
	v7 =	vadd.f32 v13, v7;
	v51 =	vadd.f32 v19, v24;
	v16 =	vor.u32 v57, v16  }
0x639: {  	v41 =	vshll.u32 v60, $0x10;
	v8 =	vand.u32 $0xFFFF0000, v60;
	v49 =	vor.u32 v46, v43  }
0x63a: {  	v52 =	vld [tilespmem:s29+$0x14470];
	[tilespmem:v15+s20+$0x0] =	vst.idx.msk $0xffff, v31;
	v54 =	vshll.u32 v42, $0x10;
	v17 =	vand.u32 $0xFFFF0000, v42;
	v9 =	vmul.f32 v41, v40  }
0x63b: {  	v8 =	vmul.f32 v8, v40;
	v2 =	vsub.f32 v2, v54;
	v53 =	vor.u32 v46, v30  }
0x63c: {  	v55 =	vld [tilespmem:s18+$0x14470];
	v3 =	vsub.f32 v3, v17;
	[tilespmem:v47+s20+$0x0] =	vst.idx.msk $0xffff, v0;
	v0 =	vor.u32 v57, v30  }
0x63d: {  	v9 =	vadd.f32 v9, v62;
	v56 =	vor.u32 v46, v29;
	[tilespmem:v16+s20+$0x0] =	vst.idx.msk $0xffff, v1;
	v1 =	vshll.u32 v48, $0x10  }
0x63e: {  	v4 =	vadd.f32 v8, v4;
	[tilespmem:v49+s20+$0x0] =	vst.idx.msk $0xffff, v2;
	v2 =	vand.u32 $0xFFFF0000, v48;
	v1 =	vsub.f32 v5, v1  }
0x63f: {  	v59 =	vshll.u32 v52, $0x10;
	[tilespmem:v50+s20+$0x0] =	vst.idx.msk $0xffff, v3;
	v3 =	vor.u32 v46, v26;
	v2 =	vsub.f32 v7, v2  }
0x640: {  	s22 =	sadd.s32 $0x1, s22;
	v61 =	vand.u32 $0xFFFF0000, v52;
	v60 =	vor.u32 v57, v26;
	[tilespmem:v53+s20+$0x0] =	vst.idx.msk $0xffff, v1;
	v1 =	vsub.f32 v9, v59  }
0x641: {  	p0 =	sne.s32 s22, $0x19;
	v62 =	vshll.u32 v55, $0x10;
	[tilespmem:v0+s20+$0x0] =	vst.idx.msk $0xffff, v2;
	v0 =	vadd.f32 v12, v25;
	v2 =	vsub.f32 v4, v61  }
.Ltmp4:
0x642: {  	v63 =	vand.u32 $0xFFFF0000, v55;
	[tilespmem:v56+s20+$0x0] =	vst.idx.msk $0xffff, v1;
	v1 =	vsub.f32 v51, v62;
	(pc) =	sbr.rel @p0 .LBB2_6-.Ltmp4, $4  }
0x643: {  	s31 =	sshll.u32 s28, $0x4;
	[tilespmem:v58+s20+$0x0] =	vst.idx.msk $0xffff, v2;
	v0 =	vsub.f32 v0, v63  }
0x644: {  	s0 =	sand.u32 $0x1FFFFFC0, s31;
	[tilespmem:v3+s20+$0x0] =	vst.idx.msk $0xffff, v1  }
0x645: {  	s21 =	sadd.s32 $0xC8, s21;
	s0 =	sadd.s32 s25, s0;
	[tilespmem:v60+s20+$0x0] =	vst.idx.msk $0xffff, v0  }
0x646: {  	v0 =	vlaneseq.u32;
	[hbm4b:s0+s3] =	stream.linear.scatter [tilespmem:s20], [sflag:$0x7], $0x3200, $0x38;
	[tilespmem:$0x1AA40] =	vst v63  }
0x647: {  	s0 =	simm.s32 $0x4  }
0x648: {  	_ =	swait.ge [sflag:s0], $0x1900  }
0x649: {  	[sflag:s0] =	ssyncset.done $0x0  }
0x64a: {  	[sflag:s0] =	ssyncadd.s32 $0xFFFFE700  }
0x64b: {  	_ =	swait.ge [sflag:s0], $0x1900  }
0x64c: {  	[sflag:s0] =	ssyncset.done $0x0  }
0x64d: {  	[sflag:s0] =	ssyncadd.s32 $0xFFFFE700  }
0x64e: {  	_ =	swait.ge [sflag:s0], $0x1900  }
0x64f: {  	[sflag:s0] =	ssyncset.done $0x0  }
0x650: {  	[sflag:s0] =	ssyncadd.s32 $0xFFFFE700  }
0x651: {  	_ =	swait.ge [sflag:s0], $0x200  }
0x652: {  	[sflag:s0] =	ssyncset.done $0x0  }
0x653: {  	s28 =	simm.s32 $0x6;
	[sflag:s0] =	ssyncadd.s32 $0xFFFFFE00  }
0x654: {  	_ =	swait.ge [sflag:s28], $0x3200  }
0x655: {  	[sflag:s28] =	ssyncset.done $0x0  }
0x656: {  	s1 =	simm.s32 $0x7;
	[sflag:s28] =	ssyncadd.s32 $0xFFFFCE00  }
0x657: {  	_ =	swait.ge [sflag:s1], $0x3200  }
0x658: {  	s2 =	rddreg [dreg:$0xc]  }
0x659: {  	s31 =	rddreg [dreg:$0x8];
	s2 =	sadd.s32 $0x1, s2  }
0x65a: {  	s17 =	simm.s32 $0x28A0;
	v1 =	vld [tilespmem:$0x1FFA0];
	p0 =	sne.s32 s2, s31  }
.Ltmp5:
0x65b: {  	s18 =	simm.s32 $0x2B10;
	s19 =	simm.s32 $0x2908;
	v2 =	vld [tilespmem:$0x1FFB0];
	(pc) =	sbr.rel @p0 .LBB2_1-.Ltmp5, $4  }
0x65c: {  	s21 =	simm.s32 $0x2B78;
	s22 =	simm.s32 $0x2970;
	s23 =	simm.s32 $0x2BE0;
	v3 =	vld [tilespmem:$0x1FFC0]  }
0x65d: {  	s24 =	simm.s32 $0x2D80;
	s25 =	simm.s32 $0x2FF0;
	s29 =	simm.s32 $0x2DE8;
	v4 =	vld [tilespmem:$0x1FFD0]  }
0x65e: {  	s14 =	simm.s32 $0x1450;
	[sflag:s1] =	ssyncset.done $0x0;
	s15 =	rddreg [dreg:$0x3];
	v5 =	vld [tilespmem:$0x1FFE0]  }
0x65f: {  	s11 =	simm.s32 $0x1;
	s16 =	rddreg [dreg:$0x5];
	v6 =	vld [tilespmem:$0x1FFF0];
	[sflag:s1] =	ssyncadd.s32 $0xFFFFCE00  }
0x660: {  	_ =	sfence.sel $0x180000  }
0x661: {  	[bflag:$0x0] =	sbarrier.arrive $0xFFFF  }
0x662: {  	_ =	strace $0x90000047  }
0x663: {  	s0 =	stileid.u32;
	[bflag:$0x2] =	sbarrier.arrive $0xFFFF  }
0x664: {  	p0 =	sne.s32 s0, $0x0;
	s0 =	rddreg [dreg:$0x2]  }
0x665: {  	s0 =	sadd.s32 @!p0 $0x100000, s0  }
0x666: {  	[sflag:s0] =	ssyncadd.tile.s32 @!p0 $0x1;
	_ =	shalt  }
.Lfunc_end2:
_tile_overlayer_lowered:
.L_overlay_start_2:
0x667: {  	(tag) =	ssettag $0x2  }
0x668: {  	s0 =	rddreg [dreg:$0x0];
	s2 =	stileid.u32  }
0x669: {  	s1 =	rddreg [dreg:$0x1];
	p0 =	sne.s32 s2, $0x0  }
0x66a: {  	s3 =	rddreg [dreg:$0x2];
	[bflag:$0x3] =	sbarrier.arrive $0xFFFF;
	s2 =	simm.s32 @!p0 $0x1C08  }
0x66b: {  	[timem:s3], [sflag:s2] =	dma.local @!p0 [hbm:s0], s1  }
0x66c: {  	s0 =	simm.s32 @!p0 $0x8  }
0x66d: {  	_ =	swait.ge @!p0 [sflag:s0], s1  }
0x66e: {  	s1 =	ssub.s32 @!p0 $0x0, s1;
	[sflag:s0] =	ssyncset.done @!p0 $0x0  }
0x66f: {  	[sflag:s0] =	ssyncadd.s32 @!p0 s1  }
0x670: {  	[bflag:$0x3] =	sbarrier.arrive $0xFFFF  }
0x671: {  	_ =	shalt  }

</sc_bundles>
